<compile_context>
chip_gen: v7x
topology: tpu7x:2x2x1
jax: 0.10.2.dev20260603
libtpu: 0.0.44.dev20260713+nightly
codegen_flags: <defaults>
</compile_context>

<pallas_src>
import jax
import jax.numpy as jnp
from jax import lax
from jax.experimental import pallas as pl
from jax.experimental.pallas import tpu as pltpu
from jax.experimental.pallas import tpu_sc as plsc

B = 1024
N = 50000
NPAD = 50176
DIN = 128
D = 256
DB = 512
CTX = 96
KE = 4
EPS = 1e-5
RB = 1024
NBLK = NPAD // RB
QB = 16
BANKW = D + DIN
IMAX = 2147483647
PADORD = 0x7F000000

NW = 32
RPW = B // NW
NV = NPAD // 16
CAP = 8192
MMPREC = lax.Precision.DEFAULT


def _ln(x, g, b):
    mu = jnp.mean(x, axis=-1, keepdims=True)
    var = jnp.mean((x - mu) ** 2, axis=-1, keepdims=True)
    return (x - mu) / jnp.sqrt(var + EPS) * g + b


def _mm(a, b):
    return lax.dot_general(a, b, (((1,), (0,)), ((), ())),
                           preferred_element_type=jnp.float32,
                           precision=MMPREC)


def _encode(cx, Wl, bl, W1, b1, W2, b2, g, bm, WK, bK):
    x = _mm(cx, Wl) + bl
    h = _mm(jax.nn.relu(_mm(x, W1) + b1), W2) + b2
    x = x + h
    k = _mm(_ln(x, g, bm), WK) + bK
    return x, k


def _bank_body(cx_ref, y_ref, Wl, bl, W1, b1, W2, b2, g, bm, WK, bK, out_ref):
    _, ck = _encode(cx_ref[...], Wl[...], bl[...], W1[...], b1[...],
                    W2[...], b2[...], g[...], bm[...], WK[...], bK[...])
    out_ref[:, :D] = ck
    out_ref[:, D:] = y_ref[...]


def _query_body(x_ref, Wl, bl, W1, b1, W2, b2, g, bm, WK, bK, x_out, k_out):
    x, k = _encode(x_ref[...], Wl[...], bl[...], W1[...], b1[...],
                   W2[...], b2[...], g[...], bm[...], WK[...], bK[...])
    x_out[...] = x
    k_out[...] = k


def _dist_body(k_ref, bank_ref, o_ref):
    j = pl.program_id(0)
    ck = bank_ref[:, :D]
    kq = k_ref[...]
    dot = lax.dot_general(kq, ck, (((1,), (1,)), ((), ())),
                          preferred_element_type=jnp.float32,
                          precision=MMPREC)
    cn = lax.dot_general(jnp.ones((1, D), jnp.float32), ck * ck,
                         (((1,), (1,)), ((), ())),
                         preferred_element_type=jnp.float32,
                         precision=lax.Precision.HIGHEST)
    kn = jnp.sum(kq * kq, axis=1, keepdims=True)
    s = (kn - 2.0 * dot) + cn
    bits = lax.bitcast_convert_type(s, jnp.int32)
    o = jnp.where(bits < 0, bits ^ 0x7FFFFFFF, bits)
    col = j * RB + lax.broadcasted_iota(jnp.int32, (1, RB), 1)
    o_ref[...] = jnp.where(col >= N, PADORD, o)


def _make_sc_body(rpw):
    def _sc_body(ord_hbm, bank_hbm, ctx_hbm, srow, cord, cidx, oidx, ctxbuf,
                 sem, sem2, sem3):
        return _sc_rows(rpw, ord_hbm, bank_hbm, ctx_hbm, srow, cord, cidx,
                        oidx, ctxbuf, sem, sem2, sem3)
    return _sc_body


def _sc_rows(RPW, ord_hbm, bank_hbm, ctx_hbm, srow, cord, cidx, oidx, ctxbuf,
             sem, sem2, sem3):
    wid = lax.axis_index("s") * 2 + lax.axis_index("c")
    iota = lax.iota(jnp.int32, 16)
    zeros16 = jnp.zeros((16,), jnp.int32)
    imaxv = jnp.full((16,), IMAX, jnp.int32)
    INTMIN = jnp.int32(-IMAX - 1)

    def _scal(v):
        return v[0]

    def row_body(rr, carry):
        r = wid * RPW + rr
        pltpu.make_async_copy(ord_hbm.at[r], srow, sem3).wait()

        def ga(g, accs):
            base = g * 96
            return tuple(jnp.minimum(accs[j], srow[pl.ds(base + j * 16, 16)])
                         for j in range(6))
        accs = lax.fori_loop(0, 522, ga, (imaxv,) * 6)
        for j in range(4):
            v = srow[pl.ds(522 * 96 + j * 16, 16)]
            accs = tuple(jnp.minimum(accs[i], v) if i == j else accs[i]
                         for i in range(6))
        m = accs[0]
        mn = accs[0]
        for j in range(1, 6):
            m = jnp.maximum(m, accs[j])
            mn = jnp.minimum(mn, accs[j])
        U = m[0]
        LO = mn[0]
        for l in range(1, 16):
            U = jnp.maximum(U, m[l])
            LO = jnp.minimum(LO, mn[l])

        def gb(i, c):
            base = i * 64
            vs = [srow[pl.ds(base + u * 16, 16)] for u in range(4)]
            msks = [v <= U for v in vs]
            incls = [plsc.cumsum(jnp.where(mk, 1, 0)) for mk in msks]
            cm1 = jnp.minimum(c, CAP - 65) - 1
            for u in range(4):
                pos = cm1 + incls[u]
                plsc.store_scatter(cord, [pos], vs[u], mask=msks[u])
                plsc.store_scatter(cidx, [pos], base + u * 16 + iota,
                                   mask=msks[u])
                cm1 = cm1 + plsc.all_reduce_population_count(msks[u])
            return cm1 + 1
        c = lax.fori_loop(0, NV // 4, gb, zeros16)

        @pl.when(rr < RPW - 1)
        def _prefetch_next():
            pltpu.async_copy(ord_hbm.at[r + 1], srow, sem3)

        cnt = jnp.minimum(_scal(c), CAP)
        plsc.store_scatter(cord, [jnp.minimum(cnt + iota, CAP - 1)], imaxv,
                           mask=cnt + iota < CAP)
        plsc.store_scatter(cord, [jnp.minimum(cnt + 16 + iota, CAP - 1)],
                           imaxv, mask=cnt + 16 + iota < CAP)
        nv2 = lax.shift_right_arithmetic(cnt + 31, 5)

        def count_le(t):
            def cb(j2, a):
                a = a + plsc.all_reduce_population_count(
                    cord[pl.ds(j2 * 32, 16)] <= t)
                return a + plsc.all_reduce_population_count(
                    cord[pl.ds(j2 * 32 + 16, 16)] <= t)
            return _scal(lax.fori_loop(0, nv2, cb, zeros16))

        def bs(lh):
            lo, hi = lh
            mid = lo + lax.shift_right_arithmetic(hi - lo, 1)
            ok = count_le(mid) >= CTX
            return (jnp.where(ok, lo, mid + 1), jnp.where(ok, mid, hi))
        _, K = lax.while_loop(lambda lh: lh[0] < lh[1], bs, (LO, U))
        c_lt = jnp.where(K == INTMIN, 0, count_le(K - 1))
        R = CTX - c_lt

        def count_eq_lt(t):
            def cb(j2, a):
                o = cord[pl.ds(j2 * 32, 16)]
                o2 = cord[pl.ds(j2 * 32 + 16, 16)]
                idv = cidx[pl.ds(j2 * 32, 16)]
                idv2 = cidx[pl.ds(j2 * 32 + 16, 16)]
                a = a + plsc.all_reduce_population_count((o == K) & (idv < t))
                return a + plsc.all_reduce_population_count(
                    (o2 == K) & (idv2 < t))
            return _scal(lax.fori_loop(0, nv2, cb, zeros16))

        def bsi(lh):
            lo, hi = lh
            mid = lo + lax.shift_right_arithmetic(hi - lo, 1)
            ok = count_eq_lt(mid) >= R
            return (jnp.where(ok, lo, mid + 1), jnp.where(ok, mid, hi))
        _, I = lax.while_loop(lambda lh: lh[0] < lh[1], bsi,
                              (jnp.int32(0), jnp.int32(NPAD)))
        nv = lax.shift_right_arithmetic(cnt + 15, 4)

        def ge(j2, c2):
            o = cord[pl.ds(j2 * 16, 16)]
            idv = cidx[pl.ds(j2 * 16, 16)]
            take = (o < K) | ((o == K) & (idv < I))
            mi = take.astype(jnp.int32)
            excl = plsc.cumsum(mi) - mi
            pos = jnp.minimum(c2 + excl, CTX - 1)
            plsc.store_scatter(oidx, [pos], idv, mask=take)
            return c2 + plsc.all_reduce_population_count(take)
        lax.fori_loop(0, nv, ge, zeros16)

        @pl.when(rr > 0)
        def _drain_prev():
            pltpu.make_async_copy(ctxbuf, ctx_hbm.at[r - 1], sem2).wait()

        pltpu.async_copy(bank_hbm.at[oidx], ctxbuf, sem).wait()
        pltpu.async_copy(ctxbuf, ctx_hbm.at[r], sem2)
        return carry

    pltpu.async_copy(ord_hbm.at[wid * RPW], srow, sem3)
    lax.fori_loop(0, RPW, row_body, 0)
    pltpu.make_async_copy(ctxbuf, ctx_hbm.at[wid * RPW + RPW - 1], sem2).wait()


def _ctx_body(x_ref, k_ref, ctx_ref, wlab, blab, Wt1, bt1, Wt2,
              plw, plb, Wp1, bp1, Wp2, bp2, gh, bh, Wh, bhd, out_ref):
    ck = ctx_ref[:, :, :D]
    yc = ctx_ref[:, :, D:D + 1]
    kq = k_ref[...]
    sim = 2.0 * jnp.sum(kq[:, None, :] * ck, axis=-1) - jnp.sum(ck * ck, axis=-1)
    m = jnp.max(sim, axis=-1, keepdims=True)
    p = jnp.exp(sim - m)
    p = p / jnp.sum(p, axis=-1, keepdims=True)

    diff = (kq[:, None, :] - ck).reshape(QB * CTX, D)
    t = _mm(jax.nn.relu(_mm(diff, Wt1[...]) + bt1[...]), Wt2[...])
    vals = yc * wlab[...][None] + blab[...][None] + t.reshape(QB, CTX, D)
    ctx_x = jnp.sum(p[:, :, None] * vals, axis=1)

    x2 = x_ref[...] + ctx_x
    X = jnp.broadcast_to(x2[:, None, :], (QB, KE, D))
    mu = jnp.mean(X, axis=-1, keepdims=True)
    var = jnp.mean((X - mu) ** 2, axis=-1, keepdims=True)
    h = (X - mu) / jnp.sqrt(var + EPS) * plw[...][None] + plb[...][None]
    h2 = h.reshape(QB * KE, D)
    h2 = _mm(jax.nn.relu(_mm(h2, Wp1[...]) + bp1[...]), Wp2[...]) + bp2[...]
    X = X + h2.reshape(QB, KE, D)
    o = _ln(X, gh[...][None], bh[...][None])
    o = jax.nn.relu(o).reshape(QB * KE, D)
    out_ref[...] = _mm(o, Wh[...]) + bhd[...]


def _full(shape):
    nd = len(shape)
    return pl.BlockSpec(shape, lambda *_: (0,) * nd)


def kernel(x_num, candidate_x_num, candidate_y, W_lin, b_lin, W_e1, b_e1,
           W_e2, b_e2, g_mix, b_mix, W_K, b_K, w_label, b_label, W_t1, b_t1,
           W_t2, pln_w, pln_b, W_p1, b_p1, W_p2, b_p2, g_hln, b_hln, W_head,
           b_head, is_train):
    f32 = jnp.float32
    cxp = jnp.zeros((NPAD, DIN), f32).at[:N].set(candidate_x_num)
    y128 = jnp.broadcast_to(
        jnp.zeros((NPAD,), f32).at[:N].set(candidate_y)[:, None], (NPAD, DIN))
    bl = b_lin.reshape(1, D)
    b1 = b_e1.reshape(1, DB)
    b2 = b_e2.reshape(1, D)
    g = g_mix.reshape(1, D)
    bm = b_mix.reshape(1, D)
    bK = b_K.reshape(1, D)

    wspecs = [_full(W_lin.shape), _full((1, D)), _full(W_e1.shape),
              _full((1, DB)), _full(W_e2.shape), _full((1, D)),
              _full((1, D)), _full((1, D)), _full(W_K.shape), _full((1, D))]
    wargs = (W_lin, bl, W_e1, b1, W_e2, b2, g, bm, W_K, bK)

    bank = pl.pallas_call(
        _bank_body,
        grid=(NBLK,),
        in_specs=[pl.BlockSpec((RB, DIN), lambda j: (j, 0)),
                  pl.BlockSpec((RB, DIN), lambda j: (j, 0))] + wspecs,
        out_specs=pl.BlockSpec((RB, BANKW), lambda j: (j, 0)),
        out_shape=jax.ShapeDtypeStruct((NPAD, BANKW), f32),
    )(cxp, y128, *wargs)

    xq, kq = pl.pallas_call(
        _query_body,
        in_specs=[_full((B, DIN))] + wspecs,
        out_specs=[_full((B, D)), _full((B, D))],
        out_shape=[jax.ShapeDtypeStruct((B, D), f32),
                   jax.ShapeDtypeStruct((B, D), f32)],
    )(x_num, *wargs)

    NS = 4
    HB = B // NS
    outs = []
    for h in range(NS):
        kq_h = kq[h * HB:(h + 1) * HB]
        xq_h = xq[h * HB:(h + 1) * HB]
        ordm = pl.pallas_call(
            _dist_body,
            grid=(NBLK,),
            in_specs=[_full((HB, D)),
                      pl.BlockSpec((RB, BANKW), lambda j: (j, 0))],
            out_specs=pl.BlockSpec((HB, RB), lambda j: (0, j)),
            out_shape=jax.ShapeDtypeStruct((HB, NPAD), jnp.int32),
        )(kq_h, bank)

        ctx = pl.kernel(
            _make_sc_body(HB // NW),
            out_type=jax.ShapeDtypeStruct((HB, CTX, BANKW), f32),
            mesh=plsc.VectorSubcoreMesh(core_axis_name="c",
                                        subcore_axis_name="s"),
            compiler_params=pltpu.CompilerParams(needs_layout_passes=False),
            scratch_types=[
                pltpu.VMEM((NPAD,), jnp.int32),
                pltpu.VMEM((CAP,), jnp.int32),
                pltpu.VMEM((CAP,), jnp.int32),
                pltpu.VMEM((CTX,), jnp.int32),
                pltpu.VMEM((CTX, BANKW), f32),
                pltpu.SemaphoreType.DMA,
                pltpu.SemaphoreType.DMA,
                pltpu.SemaphoreType.DMA,
            ],
        )(ordm, bank)

        out_h = pl.pallas_call(
            _ctx_body,
            grid=(HB // QB,),
            in_specs=[pl.BlockSpec((QB, D), lambda j: (j, 0)),
                      pl.BlockSpec((QB, D), lambda j: (j, 0)),
                      pl.BlockSpec((QB, CTX, BANKW), lambda j: (j, 0, 0)),
                      _full((1, D)), _full((1, D)), _full(W_t1.shape),
                      _full((1, DB)), _full(W_t2.shape), _full(pln_w.shape),
                      _full(pln_b.shape), _full(W_p1.shape), _full((1, DB)),
                      _full(W_p2.shape), _full((1, D)), _full((1, D)),
                      _full((1, D)), _full(W_head.shape), _full((1, 1))],
            out_specs=pl.BlockSpec((QB * KE, 1), lambda j: (j, 0)),
            out_shape=jax.ShapeDtypeStruct((HB * KE, 1), f32),
        )(xq_h, kq_h, ctx, w_label.reshape(1, D), b_label.reshape(1, D), W_t1,
          b_t1.reshape(1, DB), W_t2, pln_w, pln_b, W_p1, b_p1.reshape(1, DB),
          W_p2, b_p2.reshape(1, D), g_hln.reshape(1, D), b_hln.reshape(1, D),
          W_head, b_head.reshape(1, 1))
        outs.append(out_h.reshape(HB, KE, 1))

    return jnp.concatenate(outs, axis=0)

# --- scband reference (transcript-rebuilt; emitter-appended) ---
"""Pipeline reference for scband-model-21242908246643 (READ-ONLY COPY).

The authoritative reference and input builder live on the scoring server;
editing this copy changes nothing except your own understanding.
"""

import jax, jax.numpy as jnp
import numpy as np

B = 1024
N_CAND = 50000
D_IN = 128
D_MAIN = 256
D_BLOCK = 512
K_ENS = 4
CTX = 96
EPS = 1e-5


def _ln(x, g, b):
    mu = jnp.mean(x, axis=-1, keepdims=True)
    var = jnp.mean((x - mu) ** 2, axis=-1, keepdims=True)
    return (x - mu) / jnp.sqrt(var + EPS) * g + b


def setup_inputs(seed: int = 0):
    key = jax.random.key(seed)
    ks = jax.random.split(key, 40)

    def w(i, shape, scale):
        return jax.random.normal(ks[i], shape, dtype=jnp.float32) * scale

    inp = {}
    inp["x_num"] = jax.random.normal(ks[0], (B, D_IN), dtype=jnp.float32)
    inp["candidate_x_num"] = jax.random.normal(ks[1], (N_CAND, D_IN), dtype=jnp.float32)
    inp["candidate_y"] = jax.random.normal(ks[2], (N_CAND,), dtype=jnp.float32)
    inp["W_lin"] = w(3, (D_IN, D_MAIN), D_IN ** -0.5)
    inp["b_lin"] = jnp.zeros((D_MAIN,), jnp.float32)
    inp["W_e1"] = w(4, (D_MAIN, D_BLOCK), D_MAIN ** -0.5)
    inp["b_e1"] = jnp.zeros((D_BLOCK,), jnp.float32)
    inp["W_e2"] = w(5, (D_BLOCK, D_MAIN), D_BLOCK ** -0.5)
    inp["b_e2"] = jnp.zeros((D_MAIN,), jnp.float32)
    inp["g_mix"] = jnp.ones((D_MAIN,), jnp.float32)
    inp["b_mix"] = jnp.zeros((D_MAIN,), jnp.float32)
    inp["W_K"] = w(6, (D_MAIN, D_MAIN), D_MAIN ** -0.5)
    inp["b_K"] = jnp.zeros((D_MAIN,), jnp.float32)
    bound = 1.0 / (2.0 ** 0.5)
    inp["w_label"] = jax.random.uniform(ks[7], (D_MAIN,), jnp.float32, -bound, bound)
    inp["b_label"] = jax.random.uniform(ks[8], (D_MAIN,), jnp.float32, -bound, bound)
    inp["W_t1"] = w(9, (D_MAIN, D_BLOCK), D_MAIN ** -0.5)
    inp["b_t1"] = jnp.zeros((D_BLOCK,), jnp.float32)
    inp["W_t2"] = w(10, (D_BLOCK, D_MAIN), D_BLOCK ** -0.5)
    inp["pln_w"] = 1.0 + w(11, (K_ENS, D_MAIN), D_MAIN ** -0.5)
    inp["pln_b"] = w(12, (K_ENS, D_MAIN), D_MAIN ** -0.5)
    inp["W_p1"] = w(13, (D_MAIN, D_BLOCK), D_MAIN ** -0.5)
    inp["b_p1"] = jnp.zeros((D_BLOCK,), jnp.float32)
    inp["W_p2"] = w(14, (D_BLOCK, D_MAIN), D_BLOCK ** -0.5)
    inp["b_p2"] = jnp.zeros((D_MAIN,), jnp.float32)
    inp["g_hln"] = jnp.ones((D_MAIN,), jnp.float32)
    inp["b_hln"] = jnp.zeros((D_MAIN,), jnp.float32)
    inp["W_head"] = w(15, (D_MAIN, 1), D_MAIN ** -0.5)
    inp["b_head"] = jnp.zeros((1,), jnp.float32)
    inp["is_train"] = 0
    return inp


def _encode(x, W_lin, b_lin, W_e1, b_e1, W_e2, b_e2, g_mix, b_mix, W_K, b_K):
    x = x @ W_lin + b_lin
    h = jax.nn.relu(x @ W_e1 + b_e1) @ W_e2 + b_e2
    x = x + h
    k = _ln(x, g_mix, b_mix) @ W_K + b_K
    return x, k


def _forward(x_num, candidate_x_num, candidate_y, W_lin, b_lin, W_e1, b_e1, W_e2, b_e2, g_mix, b_mix, W_K, b_K, w_label, b_label, W_t1, b_t1, W_t2, pln_w, pln_b, W_p1, b_p1, W_p2, b_p2, g_hln, b_hln, W_head, b_head):
    enc = lambda z: _encode(z, W_lin, b_lin, W_e1, b_e1, W_e2, b_e2, g_mix, b_mix, W_K, b_K)
    candidate_k = enc(candidate_x_num)[1]
    x, k = enc(x_num)
    # faiss IndexFlatL2 search runs under no_grad in the original -> stop_gradient here
    ksg = jax.lax.stop_gradient(k)
    cksg = jax.lax.stop_gradient(candidate_k)
    d2 = (jnp.sum(ksg ** 2, axis=-1, keepdims=True)
          - 2.0 * (ksg @ cksg.T)
          + jnp.sum(cksg ** 2, axis=-1)[None, :])
    _, context_idx = jax.lax.top_k(-d2, CTX)
    context_k = candidate_k[context_idx]
    similarities = (-jnp.sum(k ** 2, axis=-1, keepdims=True)
                    + 2.0 * jnp.einsum('bd,bcd->bc', k, context_k)
                    - jnp.sum(context_k ** 2, axis=-1))
    probs = jax.nn.softmax(similarities, axis=-1)
    # label_encoder = Linear(1, d_main) applied to candidate_y[context_idx][..., None]
    context_y_emb = candidate_y[context_idx][..., None] * w_label + b_label
    t = jax.nn.relu((k[:, None, :] - context_k) @ W_t1 + b_t1) @ W_t2
    values = context_y_emb + t
    context_x = jnp.einsum('bc,bcd->bd', probs, values)
    x = x + context_x
    # k-ensemble predictor with ParallelLayerNorm
    X = jnp.broadcast_to(x[:, None, :], (x.shape[0], K_ENS, D_MAIN))
    mu = jnp.mean(X, axis=-1, keepdims=True)
    var = jnp.mean((X - mu) ** 2, axis=-1, keepdims=True)
    h = (X - mu) / jnp.sqrt(var + EPS)
    h = h * pln_w[None] + pln_b[None]
    h = jax.nn.relu(h @ W_p1 + b_p1) @ W_p2 + b_p2
    X = X + h
    out = _ln(X, g_hln, b_hln)
    out = jax.nn.relu(out) @ W_head + b_head
    return out


def reference(x_num, candidate_x_num, candidate_y, W_lin, b_lin, W_e1, b_e1, W_e2, b_e2, g_mix, b_mix, W_K, b_K, w_label, b_label, W_t1, b_t1, W_t2, pln_w, pln_b, W_p1, b_p1, W_p2, b_p2, g_hln, b_hln, W_head, b_head, is_train):
    out = _forward(x_num, candidate_x_num, candidate_y, W_lin, b_lin, W_e1, b_e1, W_e2, b_e2, g_mix, b_mix, W_K, b_K, w_label, b_label, W_t1, b_t1, W_t2, pln_w, pln_b, W_p1, b_p1, W_p2, b_p2, g_hln, b_hln, W_head, b_head)
    return out + jnp.asarray(is_train, out.dtype) * 0.0

if __name__ == "__main__":
    import jax
    _d = setup_inputs()
    print(jax.jit(kernel)(*tuple(_d.values())))

</pallas_src>

<mosaic_0001>
#map = affine_map<(d0, d1) -> (0, 0)>
#map1 = affine_map<(d0, d1) -> (0, 0, 0)>
module attributes {stable_mosaic.version = 14 : i64} {
  func.func @_sc_body(%arg0: i32, %arg1: i32, %arg2: memref<256x50176xi32, #tpu.memory_space<hbm>>, %arg3: memref<50176x384xf32, #tpu.memory_space<hbm>>, %arg4: memref<256x96x384xf32, #tpu.memory_space<hbm>>, %arg5: memref<50176xi32, #tpu.memory_space<vmem>>, %arg6: memref<8192xi32, #tpu.memory_space<vmem>>, %arg7: memref<8192xi32, #tpu.memory_space<vmem>>, %arg8: memref<96xi32, #tpu.memory_space<vmem>>, %arg9: memref<96x384xf32, #tpu.memory_space<vmem>>, %arg10: memref<!tpu.dma_semaphore, #tpu.memory_space<semaphore_mem>>, %arg11: memref<!tpu.dma_semaphore, #tpu.memory_space<semaphore_mem>>, %arg12: memref<!tpu.dma_semaphore, #tpu.memory_space<semaphore_mem>>) attributes {dimension_semantics = [#tpu.dimension_semantics<core_parallel>, #tpu.dimension_semantics<subcore_parallel>], iteration_bounds = array<i64: 2, 16>, scalar_prefetch = 0 : i64, scratch_operands = 8 : i64, tpu.core_type = #tpu.core_type<sc_vector_subcore>, window_params = [{transform_indices = #map}, {transform_indices = #map}, {transform_indices = #map1}]} {
    %mul3A = arith.constant 2 : i32
    %mul3A_0 = arith.muli %arg1, %mul3A : i32
    %add3A = arith.addi %mul3A_0, %arg0 : i32
    %iota3A = tpu.iota {dimensions = array<i32: 0>} : vector<16xi32>
    %broadcast_in_dim3A = arith.constant 0 : i32
    %broadcast_in_dim3A_1 = vector.broadcast %broadcast_in_dim3A : i32 to vector<16xi32>
    %broadcast_in_dim3A_2 = arith.constant 2147483647 : i32
    %broadcast_in_dim3A_3 = vector.broadcast %broadcast_in_dim3A_2 : i32 to vector<16xi32>
    %mul3A_4 = arith.constant 8 : i32
    %mul3A_5 = arith.muli %add3A, %mul3A_4 : i32
    %dma_start3A = arith.constant 0 : i32
    %dma_start3A_6 = tpu.memref_slice %arg2[%mul3A_5, %dma_start3A] : memref<256x50176xi32, #tpu.memory_space<hbm>> -> memref<1x50176xi32, #tpu.memory_space<hbm>>
    %dma_start3A_7 = tpu.memref_squeeze %dma_start3A_6 : memref<1x50176xi32, #tpu.memory_space<hbm>> -> memref<50176xi32, #tpu.memory_space<hbm>>
    %dma_start3A_8 = arith.constant 0 : i32
    %dma_start3A_9 = tpu.memref_slice %arg2[%mul3A_5, %dma_start3A_8] : memref<256x50176xi32, #tpu.memory_space<hbm>> -> memref<1x50176xi32, #tpu.memory_space<hbm>>
    %dma_start3A_10 = tpu.memref_squeeze %dma_start3A_9 : memref<1x50176xi32, #tpu.memory_space<hbm>> -> memref<50176xi32, #tpu.memory_space<hbm>>
    tpu.enqueue_dma source(%dma_start3A_10 : memref<50176xi32, #tpu.memory_space<hbm>>) target(%arg5 : memref<50176xi32, #tpu.memory_space<vmem>>) target_semaphore(%arg12 : memref<!tpu.dma_semaphore, #tpu.memory_space<semaphore_mem>>)
    %scan3A = arith.constant 0 : i32
    %scan3A_11 = arith.constant -2147483648 : i32
    %scan3A_12 = arith.constant 0 : i32
    %scan3A_13 = arith.constant 8 : i32
    %scan3A_14 = arith.addi %scan3A_12, %scan3A_13 : i32
    %scan3A_15 = arith.constant 1 : i32
    scf.for %scan3A_29 = %scan3A_12 to %scan3A_14 step %scan3A_15  : i32 {
      %mul3A_30 = arith.constant 8 : i32
      %mul3A_31 = arith.muli %add3A, %mul3A_30 : i32
      %add3A_32 = arith.addi %mul3A_31, %scan3A_29 : i32
      %dma_wait3A_33 = arith.constant 0 : i32
      %dma_wait3A_34 = tpu.memref_slice %arg2[%add3A_32, %dma_wait3A_33] : memref<256x50176xi32, #tpu.memory_space<hbm>> -> memref<1x50176xi32, #tpu.memory_space<hbm>>
      %dma_wait3A_35 = tpu.memref_squeeze %dma_wait3A_34 : memref<1x50176xi32, #tpu.memory_space<hbm>> -> memref<50176xi32, #tpu.memory_space<hbm>>
      %dma_wait3A_36 = arith.constant 0 : i32
      %dma_wait3A_37 = tpu.memref_slice %arg2[%add3A_32, %dma_wait3A_36] : memref<256x50176xi32, #tpu.memory_space<hbm>> -> memref<1x50176xi32, #tpu.memory_space<hbm>>
      %dma_wait3A_38 = tpu.memref_squeeze %dma_wait3A_37 : memref<1x50176xi32, #tpu.memory_space<hbm>> -> memref<50176xi32, #tpu.memory_space<hbm>>
      tpu.wait_dma2 semaphore(%arg12 : memref<!tpu.dma_semaphore, #tpu.memory_space<semaphore_mem>>) src(%dma_wait3A_38 : memref<50176xi32, #tpu.memory_space<hbm>>) dst(%arg5 : memref<50176xi32, #tpu.memory_space<vmem>>)
      %scan3A_39 = arith.constant 0 : i32
      %scan3A_40 = arith.constant 522 : i32
      %scan3A_41 = arith.addi %scan3A_39, %scan3A_40 : i32
      %scan3A_42 = arith.constant 1 : i32
      %scan3A_43:6 = scf.for %scan3A_248 = %scan3A_39 to %scan3A_41 step %scan3A_42 iter_args(%scan3A_249 = %broadcast_in_dim3A_3, %scan3A_250 = %broadcast_in_dim3A_3, %scan3A_251 = %broadcast_in_dim3A_3, %scan3A_252 = %broadcast_in_dim3A_3, %scan3A_253 = %broadcast_in_dim3A_3, %scan3A_254 = %broadcast_in_dim3A_3) -> (vector<16xi32>, vector<16xi32>, vector<16xi32>, vector<16xi32>, vector<16xi32>, vector<16xi32>)  : i32 {
        %mul3A_255 = arith.constant 96 : i32
        %mul3A_256 = arith.muli %scan3A_248, %mul3A_255 : i32
        %add3A_257 = arith.constant 0 : i32
        %add3A_258 = arith.addi %mul3A_256, %add3A_257 : i32
        %get3A_259 = arith.index_cast %add3A_258 : i32 to index
        %get3A_260 = tpu.vector_load %arg5[%get3A_259] {strides = array<i32>} : memref<50176xi32, #tpu.memory_space<vmem>>, vector<16xi32>,
        %min3A_261 = arith.minsi %scan3A_249, %get3A_260 : vector<16xi32>
        %add3A_262 = arith.constant 16 : i32
        %add3A_263 = arith.addi %mul3A_256, %add3A_262 : i32
        %get3A_264 = arith.index_cast %add3A_263 : i32 to index
        %get3A_265 = tpu.vector_load %arg5[%get3A_264] {strides = array<i32>} : memref<50176xi32, #tpu.memory_space<vmem>>, vector<16xi32>,
        %min3A_266 = arith.minsi %scan3A_250, %get3A_265 : vector<16xi32>
        %add3A_267 = arith.constant 32 : i32
        %add3A_268 = arith.addi %mul3A_256, %add3A_267 : i32
        %get3A_269 = arith.index_cast %add3A_268 : i32 to index
        %get3A_270 = tpu.vector_load %arg5[%get3A_269] {strides = array<i32>} : memref<50176xi32, #tpu.memory_space<vmem>>, vector<16xi32>,
        %min3A_271 = arith.minsi %scan3A_251, %get3A_270 : vector<16xi32>
        %add3A_272 = arith.constant 48 : i32
        %add3A_273 = arith.addi %mul3A_256, %add3A_272 : i32
        %get3A_274 = arith.index_cast %add3A_273 : i32 to index
        %get3A_275 = tpu.vector_load %arg5[%get3A_274] {strides = array<i32>} : memref<50176xi32, #tpu.memory_space<vmem>>, vector<16xi32>,
        %min3A_276 = arith.minsi %scan3A_252, %get3A_275 : vector<16xi32>
        %add3A_277 = arith.constant 64 : i32
        %add3A_278 = arith.addi %mul3A_256, %add3A_277 : i32
        %get3A_279 = arith.index_cast %add3A_278 : i32 to index
        %get3A_280 = tpu.vector_load %arg5[%get3A_279] {strides = array<i32>} : memref<50176xi32, #tpu.memory_space<vmem>>, vector<16xi32>,
        %min3A_281 = arith.minsi %scan3A_253, %get3A_280 : vector<16xi32>
        %add3A_282 = arith.constant 80 : i32
        %add3A_283 = arith.addi %mul3A_256, %add3A_282 : i32
        %get3A_284 = arith.index_cast %add3A_283 : i32 to index
        %get3A_285 = tpu.vector_load %arg5[%get3A_284] {strides = array<i32>} : memref<50176xi32, #tpu.memory_space<vmem>>, vector<16xi32>,
        %min3A_286 = arith.minsi %scan3A_254, %get3A_285 : vector<16xi32>
        scf.yield %min3A_261, %min3A_266, %min3A_271, %min3A_276, %min3A_281, %min3A_286 : vector<16xi32>, vector<16xi32>, vector<16xi32>, vector<16xi32>, vector<16xi32>, vector<16xi32>
      }
      %scan3A_44 = arith.constant 522 : i32
      %get3A = arith.constant 50112 : index
      %get3A_45 = tpu.vector_load %arg5[%get3A] {strides = array<i32>} : memref<50176xi32, #tpu.memory_space<vmem>>, vector<16xi32>,
      %min3A = arith.minsi %scan3A_43#0, %get3A_45 : vector<16xi32>
      %get3A_46 = arith.constant 50128 : index
      %get3A_47 = tpu.vector_load %arg5[%get3A_46] {strides = array<i32>} : memref<50176xi32, #tpu.memory_space<vmem>>, vector<16xi32>,
      %min3A_48 = arith.minsi %scan3A_43#1, %get3A_47 : vector<16xi32>
      %get3A_49 = arith.constant 50144 : index
      %get3A_50 = tpu.vector_load %arg5[%get3A_49] {strides = array<i32>} : memref<50176xi32, #tpu.memory_space<vmem>>, vector<16xi32>,
      %min3A_51 = arith.minsi %scan3A_43#2, %get3A_50 : vector<16xi32>
      %get3A_52 = arith.constant 50160 : index
      %get3A_53 = tpu.vector_load %arg5[%get3A_52] {strides = array<i32>} : memref<50176xi32, #tpu.memory_space<vmem>>, vector<16xi32>,
      %min3A_54 = arith.minsi %scan3A_43#3, %get3A_53 : vector<16xi32>
      %max3A = arith.maxsi %min3A, %min3A_48 : vector<16xi32>
      %min3A_55 = arith.minsi %min3A, %min3A_48 : vector<16xi32>
      %max3A_56 = arith.maxsi %max3A, %min3A_51 : vector<16xi32>
      %min3A_57 = arith.minsi %min3A_55, %min3A_51 : vector<16xi32>
      %max3A_58 = arith.maxsi %max3A_56, %min3A_54 : vector<16xi32>
      %min3A_59 = arith.minsi %min3A_57, %min3A_54 : vector<16xi32>
      %max3A_60 = arith.maxsi %max3A_58, %scan3A_43#4 : vector<16xi32>
      %min3A_61 = arith.minsi %min3A_59, %scan3A_43#4 : vector<16xi32>
      %max3A_62 = arith.maxsi %max3A_60, %scan3A_43#5 : vector<16xi32>
      %min3A_63 = arith.minsi %min3A_61, %scan3A_43#5 : vector<16xi32>
      %slice3A = vector.extract_strided_slice %max3A_62 {offsets = [0], sizes = [1], strides = [1]} : vector<16xi32> to vector<1xi32>
      %squeeze3A = vector.extract %slice3A[0] : i32 from vector<1xi32>
      %slice3A_64 = vector.extract_strided_slice %min3A_63 {offsets = [0], sizes = [1], strides = [1]} : vector<16xi32> to vector<1xi32>
      %squeeze3A_65 = vector.extract %slice3A_64[0] : i32 from vector<1xi32>
      %slice3A_66 = vector.extract_strided_slice %max3A_62 {offsets = [1], sizes = [1], strides = [1]} : vector<16xi32> to vector<1xi32>
      %squeeze3A_67 = vector.extract %slice3A_66[0] : i32 from vector<1xi32>
      %max3A_68 = arith.maxsi %squeeze3A, %squeeze3A_67 : i32
      %slice3A_69 = vector.extract_strided_slice %min3A_63 {offsets = [1], sizes = [1], strides = [1]} : vector<16xi32> to vector<1xi32>
      %squeeze3A_70 = vector.extract %slice3A_69[0] : i32 from vector<1xi32>
      %min3A_71 = arith.minsi %squeeze3A_65, %squeeze3A_70 : i32
      %slice3A_72 = vector.extract_strided_slice %max3A_62 {offsets = [2], sizes = [1], strides = [1]} : vector<16xi32> to vector<1xi32>
      %squeeze3A_73 = vector.extract %slice3A_72[0] : i32 from vector<1xi32>
      %max3A_74 = arith.maxsi %max3A_68, %squeeze3A_73 : i32
      %slice3A_75 = vector.extract_strided_slice %min3A_63 {offsets = [2], sizes = [1], strides = [1]} : vector<16xi32> to vector<1xi32>
      %squeeze3A_76 = vector.extract %slice3A_75[0] : i32 from vector<1xi32>
      %min3A_77 = arith.minsi %min3A_71, %squeeze3A_76 : i32
      %slice3A_78 = vector.extract_strided_slice %max3A_62 {offsets = [3], sizes = [1], strides = [1]} : vector<16xi32> to vector<1xi32>
      %squeeze3A_79 = vector.extract %slice3A_78[0] : i32 from vector<1xi32>
      %max3A_80 = arith.maxsi %max3A_74, %squeeze3A_79 : i32
      %slice3A_81 = vector.extract_strided_slice %min3A_63 {offsets = [3], sizes = [1], strides = [1]} : vector<16xi32> to vector<1xi32>
      %squeeze3A_82 = vector.extract %slice3A_81[0] : i32 from vector<1xi32>
      %min3A_83 = arith.minsi %min3A_77, %squeeze3A_82 : i32
      %slice3A_84 = vector.extract_strided_slice %max3A_62 {offsets = [4], sizes = [1], strides = [1]} : vector<16xi32> to vector<1xi32>
      %squeeze3A_85 = vector.extract %slice3A_84[0] : i32 from vector<1xi32>
      %max3A_86 = arith.maxsi %max3A_80, %squeeze3A_85 : i32
      %slice3A_87 = vector.extract_strided_slice %min3A_63 {offsets = [4], sizes = [1], strides = [1]} : vector<16xi32> to vector<1xi32>
      %squeeze3A_88 = vector.extract %slice3A_87[0] : i32 from vector<1xi32>
      %min3A_89 = arith.minsi %min3A_83, %squeeze3A_88 : i32
      %slice3A_90 = vector.extract_strided_slice %max3A_62 {offsets = [5], sizes = [1], strides = [1]} : vector<16xi32> to vector<1xi32>
      %squeeze3A_91 = vector.extract %slice3A_90[0] : i32 from vector<1xi32>
      %max3A_92 = arith.maxsi %max3A_86, %squeeze3A_91 : i32
      %slice3A_93 = vector.extract_strided_slice %min3A_63 {offsets = [5], sizes = [1], strides = [1]} : vector<16xi32> to vector<1xi32>
      %squeeze3A_94 = vector.extract %slice3A_93[0] : i32 from vector<1xi32>
      %min3A_95 = arith.minsi %min3A_89, %squeeze3A_94 : i32
      %slice3A_96 = vector.extract_strided_slice %max3A_62 {offsets = [6], sizes = [1], strides = [1]} : vector<16xi32> to vector<1xi32>
      %squeeze3A_97 = vector.extract %slice3A_96[0] : i32 from vector<1xi32>
      %max3A_98 = arith.maxsi %max3A_92, %squeeze3A_97 : i32
      %slice3A_99 = vector.extract_strided_slice %min3A_63 {offsets = [6], sizes = [1], strides = [1]} : vector<16xi32> to vector<1xi32>
      %squeeze3A_100 = vector.extract %slice3A_99[0] : i32 from vector<1xi32>
      %min3A_101 = arith.minsi %min3A_95, %squeeze3A_100 : i32
      %slice3A_102 = vector.extract_strided_slice %max3A_62 {offsets = [7], sizes = [1], strides = [1]} : vector<16xi32> to vector<1xi32>
      %squeeze3A_103 = vector.extract %slice3A_102[0] : i32 from vector<1xi32>
      %max3A_104 = arith.maxsi %max3A_98, %squeeze3A_103 : i32
      %slice3A_105 = vector.extract_strided_slice %min3A_63 {offsets = [7], sizes = [1], strides = [1]} : vector<16xi32> to vector<1xi32>
      %squeeze3A_106 = vector.extract %slice3A_105[0] : i32 from vector<1xi32>
      %min3A_107 = arith.minsi %min3A_101, %squeeze3A_106 : i32
      %slice3A_108 = vector.extract_strided_slice %max3A_62 {offsets = [8], sizes = [1], strides = [1]} : vector<16xi32> to vector<1xi32>
      %squeeze3A_109 = vector.extract %slice3A_108[0] : i32 from vector<1xi32>
      %max3A_110 = arith.maxsi %max3A_104, %squeeze3A_109 : i32
      %slice3A_111 = vector.extract_strided_slice %min3A_63 {offsets = [8], sizes = [1], strides = [1]} : vector<16xi32> to vector<1xi32>
      %squeeze3A_112 = vector.extract %slice3A_111[0] : i32 from vector<1xi32>
      %min3A_113 = arith.minsi %min3A_107, %squeeze3A_112 : i32
      %slice3A_114 = vector.extract_strided_slice %max3A_62 {offsets = [9], sizes = [1], strides = [1]} : vector<16xi32> to vector<1xi32>
      %squeeze3A_115 = vector.extract %slice3A_114[0] : i32 from vector<1xi32>
      %max3A_116 = arith.maxsi %max3A_110, %squeeze3A_115 : i32
      %slice3A_117 = vector.extract_strided_slice %min3A_63 {offsets = [9], sizes = [1], strides = [1]} : vector<16xi32> to vector<1xi32>
      %squeeze3A_118 = vector.extract %slice3A_117[0] : i32 from vector<1xi32>
      %min3A_119 = arith.minsi %min3A_113, %squeeze3A_118 : i32
      %slice3A_120 = vector.extract_strided_slice %max3A_62 {offsets = [10], sizes = [1], strides = [1]} : vector<16xi32> to vector<1xi32>
      %squeeze3A_121 = vector.extract %slice3A_120[0] : i32 from vector<1xi32>
      %max3A_122 = arith.maxsi %max3A_116, %squeeze3A_121 : i32
      %slice3A_123 = vector.extract_strided_slice %min3A_63 {offsets = [10], sizes = [1], strides = [1]} : vector<16xi32> to vector<1xi32>
      %squeeze3A_124 = vector.extract %slice3A_123[0] : i32 from vector<1xi32>
      %min3A_125 = arith.minsi %min3A_119, %squeeze3A_124 : i32
      %slice3A_126 = vector.extract_strided_slice %max3A_62 {offsets = [11], sizes = [1], strides = [1]} : vector<16xi32> to vector<1xi32>
      %squeeze3A_127 = vector.extract %slice3A_126[0] : i32 from vector<1xi32>
      %max3A_128 = arith.maxsi %max3A_122, %squeeze3A_127 : i32
      %slice3A_129 = vector.extract_strided_slice %min3A_63 {offsets = [11], sizes = [1], strides = [1]} : vector<16xi32> to vector<1xi32>
      %squeeze3A_130 = vector.extract %slice3A_129[0] : i32 from vector<1xi32>
      %min3A_131 = arith.minsi %min3A_125, %squeeze3A_130 : i32
      %slice3A_132 = vector.extract_strided_slice %max3A_62 {offsets = [12], sizes = [1], strides = [1]} : vector<16xi32> to vector<1xi32>
      %squeeze3A_133 = vector.extract %slice3A_132[0] : i32 from vector<1xi32>
      %max3A_134 = arith.maxsi %max3A_128, %squeeze3A_133 : i32
      %slice3A_135 = vector.extract_strided_slice %min3A_63 {offsets = [12], sizes = [1], strides = [1]} : vector<16xi32> to vector<1xi32>
      %squeeze3A_136 = vector.extract %slice3A_135[0] : i32 from vector<1xi32>
      %min3A_137 = arith.minsi %min3A_131, %squeeze3A_136 : i32
      %slice3A_138 = vector.extract_strided_slice %max3A_62 {offsets = [13], sizes = [1], strides = [1]} : vector<16xi32> to vector<1xi32>
      %squeeze3A_139 = vector.extract %slice3A_138[0] : i32 from vector<1xi32>
      %max3A_140 = arith.maxsi %max3A_134, %squeeze3A_139 : i32
      %slice3A_141 = vector.extract_strided_slice %min3A_63 {offsets = [13], sizes = [1], strides = [1]} : vector<16xi32> to vector<1xi32>
      %squeeze3A_142 = vector.extract %slice3A_141[0] : i32 from vector<1xi32>
      %min3A_143 = arith.minsi %min3A_137, %squeeze3A_142 : i32
      %slice3A_144 = vector.extract_strided_slice %max3A_62 {offsets = [14], sizes = [1], strides = [1]} : vector<16xi32> to vector<1xi32>
      %squeeze3A_145 = vector.extract %slice3A_144[0] : i32 from vector<1xi32>
      %max3A_146 = arith.maxsi %max3A_140, %squeeze3A_145 : i32
      %slice3A_147 = vector.extract_strided_slice %min3A_63 {offsets = [14], sizes = [1], strides = [1]} : vector<16xi32> to vector<1xi32>
      %squeeze3A_148 = vector.extract %slice3A_147[0] : i32 from vector<1xi32>
      %min3A_149 = arith.minsi %min3A_143, %squeeze3A_148 : i32
      %slice3A_150 = vector.extract_strided_slice %max3A_62 {offsets = [15], sizes = [1], strides = [1]} : vector<16xi32> to vector<1xi32>
      %squeeze3A_151 = vector.extract %slice3A_150[0] : i32 from vector<1xi32>
      %max3A_152 = arith.maxsi %max3A_146, %squeeze3A_151 : i32
      %slice3A_153 = vector.extract_strided_slice %min3A_63 {offsets = [15], sizes = [1], strides = [1]} : vector<16xi32> to vector<1xi32>
      %squeeze3A_154 = vector.extract %slice3A_153[0] : i32 from vector<1xi32>
      %min3A_155 = arith.minsi %min3A_149, %squeeze3A_154 : i32
      %scan3A_156 = arith.constant 0 : i32
      %scan3A_157 = arith.constant 784 : i32
      %scan3A_158 = arith.addi %scan3A_156, %scan3A_157 : i32
      %scan3A_159 = arith.constant 1 : i32
      %scan3A_160 = scf.for %scan3A_248 = %scan3A_156 to %scan3A_158 step %scan3A_159 iter_args(%scan3A_249 = %broadcast_in_dim3A_1) -> (vector<16xi32>)  : i32 {
        %mul3A_250 = arith.constant 64 : i32
        %mul3A_251 = arith.muli %scan3A_248, %mul3A_250 : i32
        %add3A_252 = arith.constant 0 : i32
        %add3A_253 = arith.addi %mul3A_251, %add3A_252 : i32
        %get3A_254 = arith.index_cast %add3A_253 : i32 to index
        %get3A_255 = tpu.vector_load %arg5[%get3A_254] {strides = array<i32>} : memref<50176xi32, #tpu.memory_space<vmem>>, vector<16xi32>,
        %add3A_256 = arith.constant 16 : i32
        %add3A_257 = arith.addi %mul3A_251, %add3A_256 : i32
        %get3A_258 = arith.index_cast %add3A_257 : i32 to index
        %get3A_259 = tpu.vector_load %arg5[%get3A_258] {strides = array<i32>} : memref<50176xi32, #tpu.memory_space<vmem>>, vector<16xi32>,
        %add3A_260 = arith.constant 32 : i32
        %add3A_261 = arith.addi %mul3A_251, %add3A_260 : i32
        %get3A_262 = arith.index_cast %add3A_261 : i32 to index
        %get3A_263 = tpu.vector_load %arg5[%get3A_262] {strides = array<i32>} : memref<50176xi32, #tpu.memory_space<vmem>>, vector<16xi32>,
        %add3A_264 = arith.constant 48 : i32
        %add3A_265 = arith.addi %mul3A_251, %add3A_264 : i32
        %get3A_266 = arith.index_cast %add3A_265 : i32 to index
        %get3A_267 = tpu.vector_load %arg5[%get3A_266] {strides = array<i32>} : memref<50176xi32, #tpu.memory_space<vmem>>, vector<16xi32>,
        %le3A = vector.broadcast %max3A_152 : i32 to vector<16xi32>
        %le3A_268 = arith.cmpi sle, %get3A_255, %le3A : vector<16xi32>
        %le3A_269 = vector.broadcast %max3A_152 : i32 to vector<16xi32>
        %le3A_270 = arith.cmpi sle, %get3A_259, %le3A_269 : vector<16xi32>
        %le3A_271 = vector.broadcast %max3A_152 : i32 to vector<16xi32>
        %le3A_272 = arith.cmpi sle, %get3A_263, %le3A_271 : vector<16xi32>
        %le3A_273 = vector.broadcast %max3A_152 : i32 to vector<16xi32>
        %le3A_274 = arith.cmpi sle, %get3A_267, %le3A_273 : vector<16xi32>
        %jit3A_275 = arith.constant 1 : i32
        %jit3A_276 = arith.constant 0 : i32
        %broadcast_in_dim3A_277 = vector.broadcast %jit3A_275 : i32 to vector<16xi32>
        %broadcast_in_dim3A_278 = vector.broadcast %jit3A_276 : i32 to vector<16xi32>
        %select_n3A_279 = arith.select %le3A_268, %broadcast_in_dim3A_277, %broadcast_in_dim3A_278 : vector<16xi1>, vector<16xi32>
        %broadcast_in_dim3A_280 = arith.constant true
        %broadcast_in_dim3A_281 = vector.broadcast %broadcast_in_dim3A_280 : i1 to vector<16xi1>
        %masked_cumsum3A = tpu.scan <sum>, %select_n3A_279 masked %broadcast_in_dim3A_281 : vector<16xi32>, vector<16xi1> -> vector<16xi32>
        %jit3A_282 = arith.constant 1 : i32
        %jit3A_283 = arith.constant 0 : i32
        %broadcast_in_dim3A_284 = vector.broadcast %jit3A_282 : i32 to vector<16xi32>
        %broadcast_in_dim3A_285 = vector.broadcast %jit3A_283 : i32 to vector<16xi32>
        %select_n3A_286 = arith.select %le3A_270, %broadcast_in_dim3A_284, %broadcast_in_dim3A_285 : vector<16xi1>, vector<16xi32>
        %broadcast_in_dim3A_287 = arith.constant true
        %broadcast_in_dim3A_288 = vector.broadcast %broadcast_in_dim3A_287 : i1 to vector<16xi1>
        %masked_cumsum3A_289 = tpu.scan <sum>, %select_n3A_286 masked %broadcast_in_dim3A_288 : vector<16xi32>, vector<16xi1> -> vector<16xi32>
        %jit3A_290 = arith.constant 1 : i32
        %jit3A_291 = arith.constant 0 : i32
        %broadcast_in_dim3A_292 = vector.broadcast %jit3A_290 : i32 to vector<16xi32>
        %broadcast_in_dim3A_293 = vector.broadcast %jit3A_291 : i32 to vector<16xi32>
        %select_n3A_294 = arith.select %le3A_272, %broadcast_in_dim3A_292, %broadcast_in_dim3A_293 : vector<16xi1>, vector<16xi32>
        %broadcast_in_dim3A_295 = arith.constant true
        %broadcast_in_dim3A_296 = vector.broadcast %broadcast_in_dim3A_295 : i1 to vector<16xi1>
        %masked_cumsum3A_297 = tpu.scan <sum>, %select_n3A_294 masked %broadcast_in_dim3A_296 : vector<16xi32>, vector<16xi1> -> vector<16xi32>
        %jit3A_298 = arith.constant 1 : i32
        %jit3A_299 = arith.constant 0 : i32
        %broadcast_in_dim3A_300 = vector.broadcast %jit3A_298 : i32 to vector<16xi32>
        %broadcast_in_dim3A_301 = vector.broadcast %jit3A_299 : i32 to vector<16xi32>
        %select_n3A_302 = arith.select %le3A_274, %broadcast_in_dim3A_300, %broadcast_in_dim3A_301 : vector<16xi1>, vector<16xi32>
        %broadcast_in_dim3A_303 = arith.constant true
        %broadcast_in_dim3A_304 = vector.broadcast %broadcast_in_dim3A_303 : i1 to vector<16xi1>
        %masked_cumsum3A_305 = tpu.scan <sum>, %select_n3A_302 masked %broadcast_in_dim3A_304 : vector<16xi32>, vector<16xi1> -> vector<16xi32>
        %min3A_306 = arith.constant 8127 : i32
        %min3A_307 = vector.broadcast %min3A_306 : i32 to vector<16xi32>
        %min3A_308 = arith.minsi %scan3A_249, %min3A_307 : vector<16xi32>
        %sub3A_309 = arith.constant 1 : i32
        %sub3A_310 = vector.broadcast %sub3A_309 : i32 to vector<16xi32>
        %sub3A_311 = arith.subi %min3A_308, %sub3A_310 : vector<16xi32>
        %add3A_312 = arith.addi %sub3A_311, %masked_cumsum3A : vector<16xi32>
        tpu.vector_store_idx %arg6[%add3A_312], %get3A_255 masked %le3A_268 : memref<8192xi32, #tpu.memory_space<vmem>>[vector<16xi32>], vector<16xi32>, vector<16xi1>
        %add3A_313 = arith.constant 0 : i32
        %add3A_314 = arith.addi %mul3A_251, %add3A_313 : i32
        %add3A_315 = vector.broadcast %add3A_314 : i32 to vector<16xi32>
        %add3A_316 = arith.addi %add3A_315, %iota3A : vector<16xi32>
        tpu.vector_store_idx %arg7[%add3A_312], %add3A_316 masked %le3A_268 : memref<8192xi32, #tpu.memory_space<vmem>>[vector<16xi32>], vector<16xi32>, vector<16xi1>
        %all_reduce_population_count3A = tpu.all_reduce %le3A_268 {dim = 0 : i64, kind = #tpu.reduction_kind<sum>} : vector<16xi1> -> vector<16xi32>
        %add3A_317 = arith.addi %sub3A_311, %all_reduce_population_count3A : vector<16xi32>
        %add3A_318 = arith.addi %add3A_317, %masked_cumsum3A_289 : vector<16xi32>
        tpu.vector_store_idx %arg6[%add3A_318], %get3A_259 masked %le3A_270 : memref<8192xi32, #tpu.memory_space<vmem>>[vector<16xi32>], vector<16xi32>, vector<16xi1>
        %add3A_319 = arith.constant 16 : i32
        %add3A_320 = arith.addi %mul3A_251, %add3A_319 : i32
        %add3A_321 = vector.broadcast %add3A_320 : i32 to vector<16xi32>
        %add3A_322 = arith.addi %add3A_321, %iota3A : vector<16xi32>
        tpu.vector_store_idx %arg7[%add3A_318], %add3A_322 masked %le3A_270 : memref<8192xi32, #tpu.memory_space<vmem>>[vector<16xi32>], vector<16xi32>, vector<16xi1>
        %all_reduce_population_count3A_323 = tpu.all_reduce %le3A_270 {dim = 0 : i64, kind = #tpu.reduction_kind<sum>} : vector<16xi1> -> vector<16xi32>
        %add3A_324 = arith.addi %add3A_317, %all_reduce_population_count3A_323 : vector<16xi32>
        %add3A_325 = arith.addi %add3A_324, %masked_cumsum3A_297 : vector<16xi32>
        tpu.vector_store_idx %arg6[%add3A_325], %get3A_263 masked %le3A_272 : memref<8192xi32, #tpu.memory_space<vmem>>[vector<16xi32>], vector<16xi32>, vector<16xi1>
        %add3A_326 = arith.constant 32 : i32
        %add3A_327 = arith.addi %mul3A_251, %add3A_326 : i32
        %add3A_328 = vector.broadcast %add3A_327 : i32 to vector<16xi32>
        %add3A_329 = arith.addi %add3A_328, %iota3A : vector<16xi32>
        tpu.vector_store_idx %arg7[%add3A_325], %add3A_329 masked %le3A_272 : memref<8192xi32, #tpu.memory_space<vmem>>[vector<16xi32>], vector<16xi32>, vector<16xi1>
        %all_reduce_population_count3A_330 = tpu.all_reduce %le3A_272 {dim = 0 : i64, kind = #tpu.reduction_kind<sum>} : vector<16xi1> -> vector<16xi32>
        %add3A_331 = arith.addi %add3A_324, %all_reduce_population_count3A_330 : vector<16xi32>
        %add3A_332 = arith.addi %add3A_331, %masked_cumsum3A_305 : vector<16xi32>
        tpu.vector_store_idx %arg6[%add3A_332], %get3A_267 masked %le3A_274 : memref<8192xi32, #tpu.memory_space<vmem>>[vector<16xi32>], vector<16xi32>, vector<16xi1>
        %add3A_333 = arith.constant 48 : i32
        %add3A_334 = arith.addi %mul3A_251, %add3A_333 : i32
        %add3A_335 = vector.broadcast %add3A_334 : i32 to vector<16xi32>
        %add3A_336 = arith.addi %add3A_335, %iota3A : vector<16xi32>
        tpu.vector_store_idx %arg7[%add3A_332], %add3A_336 masked %le3A_274 : memref<8192xi32, #tpu.memory_space<vmem>>[vector<16xi32>], vector<16xi32>, vector<16xi1>
        %all_reduce_population_count3A_337 = tpu.all_reduce %le3A_274 {dim = 0 : i64, kind = #tpu.reduction_kind<sum>} : vector<16xi1> -> vector<16xi32>
        %add3A_338 = arith.addi %add3A_331, %all_reduce_population_count3A_337 : vector<16xi32>
        %add3A_339 = arith.constant 1 : i32
        %add3A_340 = vector.broadcast %add3A_339 : i32 to vector<16xi32>
        %add3A_341 = arith.addi %add3A_338, %add3A_340 : vector<16xi32>
        scf.yield %add3A_341 : vector<16xi32>
      }
      %scan3A_161 = arith.constant 784 : i32
      %lt3A = arith.constant 7 : i32
      %lt3A_162 = arith.cmpi slt, %scan3A_29, %lt3A : i32
      %convert_element_type3A = arith.extui %lt3A_162 : i1 to i32
      %cond3A = arith.constant 0 : i32
      %cond3A_163 = arith.cmpi ne, %convert_element_type3A, %cond3A : i32
      scf.if %cond3A_163 {
        %add3A_248 = arith.constant 1 : i32
        %add3A_249 = arith.addi %add3A_32, %add3A_248 : i32
        %dma_start3A_250 = arith.constant 0 : i32
        %dma_start3A_251 = tpu.memref_slice %arg2[%add3A_249, %dma_start3A_250] : memref<256x50176xi32, #tpu.memory_space<hbm>> -> memref<1x50176xi32, #tpu.memory_space<hbm>>
        %dma_start3A_252 = tpu.memref_squeeze %dma_start3A_251 : memref<1x50176xi32, #tpu.memory_space<hbm>> -> memref<50176xi32, #tpu.memory_space<hbm>>
        %dma_start3A_253 = arith.constant 0 : i32
        %dma_start3A_254 = tpu.memref_slice %arg2[%add3A_249, %dma_start3A_253] : memref<256x50176xi32, #tpu.memory_space<hbm>> -> memref<1x50176xi32, #tpu.memory_space<hbm>>
        %dma_start3A_255 = tpu.memref_squeeze %dma_start3A_254 : memref<1x50176xi32, #tpu.memory_space<hbm>> -> memref<50176xi32, #tpu.memory_space<hbm>>
        tpu.enqueue_dma source(%dma_start3A_255 : memref<50176xi32, #tpu.memory_space<hbm>>) target(%arg5 : memref<50176xi32, #tpu.memory_space<vmem>>) target_semaphore(%arg12 : memref<!tpu.dma_semaphore, #tpu.memory_space<semaphore_mem>>)
      } else {
      }
      %slice3A_164 = vector.extract_strided_slice %scan3A_160 {offsets = [0], sizes = [1], strides = [1]} : vector<16xi32> to vector<1xi32>
      %squeeze3A_165 = vector.extract %slice3A_164[0] : i32 from vector<1xi32>
      %min3A_166 = arith.constant 8192 : i32
      %min3A_167 = arith.minsi %squeeze3A_165, %min3A_166 : i32
      %add3A_168 = vector.broadcast %min3A_167 : i32 to vector<16xi32>
      %add3A_169 = arith.addi %add3A_168, %iota3A : vector<16xi32>
      %min3A_170 = arith.constant 8191 : i32
      %min3A_171 = vector.broadcast %min3A_170 : i32 to vector<16xi32>
      %min3A_172 = arith.minsi %add3A_169, %min3A_171 : vector<16xi32>
      %add3A_173 = vector.broadcast %min3A_167 : i32 to vector<16xi32>
      %add3A_174 = arith.addi %add3A_173, %iota3A : vector<16xi32>
      %lt3A_175 = arith.constant 8192 : i32
      %lt3A_176 = vector.broadcast %lt3A_175 : i32 to vector<16xi32>
      %lt3A_177 = arith.cmpi slt, %add3A_174, %lt3A_176 : vector<16xi32>
      tpu.vector_store_idx %arg6[%min3A_172], %broadcast_in_dim3A_3 masked %lt3A_177 : memref<8192xi32, #tpu.memory_space<vmem>>[vector<16xi32>], vector<16xi32>, vector<16xi1>
      %add3A_178 = arith.constant 16 : i32
      %add3A_179 = arith.addi %min3A_167, %add3A_178 : i32
      %add3A_180 = vector.broadcast %add3A_179 : i32 to vector<16xi32>
      %add3A_181 = arith.addi %add3A_180, %iota3A : vector<16xi32>
      %min3A_182 = arith.constant 8191 : i32
      %min3A_183 = vector.broadcast %min3A_182 : i32 to vector<16xi32>
      %min3A_184 = arith.minsi %add3A_181, %min3A_183 : vector<16xi32>
      %add3A_185 = arith.constant 16 : i32
      %add3A_186 = arith.addi %min3A_167, %add3A_185 : i32
      %add3A_187 = vector.broadcast %add3A_186 : i32 to vector<16xi32>
      %add3A_188 = arith.addi %add3A_187, %iota3A : vector<16xi32>
      %lt3A_189 = arith.constant 8192 : i32
      %lt3A_190 = vector.broadcast %lt3A_189 : i32 to vector<16xi32>
      %lt3A_191 = arith.cmpi slt, %add3A_188, %lt3A_190 : vector<16xi32>
      tpu.vector_store_idx %arg6[%min3A_184], %broadcast_in_dim3A_3 masked %lt3A_191 : memref<8192xi32, #tpu.memory_space<vmem>>[vector<16xi32>], vector<16xi32>, vector<16xi1>
      %add3A_192 = arith.constant 31 : i32
      %add3A_193 = arith.addi %min3A_167, %add3A_192 : i32
      %shift_right_arithmetic3A = arith.constant 5 : i32
      %shift_right_arithmetic3A_194 = arith.shrsi %add3A_193, %shift_right_arithmetic3A : i32
      %while3A:2 = scf.while (%while3A_248 = %min3A_155, %while3A_249 = %max3A_152) : (i32, i32) -> (i32, i32) {
        %lt3A_250 = arith.cmpi slt, %while3A_248, %while3A_249 : i32
        scf.condition(%lt3A_250) %while3A_248, %while3A_249 : i32, i32
      } do {
      ^bb0(%while3A_248: i32, %while3A_249: i32):
        %sub3A_250 = arith.subi %while3A_249, %while3A_248 : i32
        %shift_right_arithmetic3A_251 = arith.constant 1 : i32
        %shift_right_arithmetic3A_252 = arith.shrsi %sub3A_250, %shift_right_arithmetic3A_251 : i32
        %add3A_253 = arith.addi %while3A_248, %shift_right_arithmetic3A_252 : i32
        %while3A_254 = arith.constant 0 : i32
        %while3A_255 = arith.subi %shift_right_arithmetic3A_194, %while3A_254 : i32
        %while3A_256 = arith.addi %while3A_254, %while3A_255 : i32
        %while3A_257 = arith.constant 1 : i32
        %while3A_258 = arith.divsi %while3A_255, %while3A_257 : i32
        %while3A_259 = arith.muli %while3A_258, %while3A_257 : i32
        %while3A_260 = arith.addi %while3A_254, %while3A_259 : i32
        %while3A_261 = arith.constant 1 : i32
        %while3A_262 = scf.for %while3A_272 = %while3A_254 to %while3A_260 step %while3A_261 iter_args(%while3A_273 = %broadcast_in_dim3A_1) -> (vector<16xi32>)  : i32 {
          %mul3A_274 = arith.constant 32 : i32
          %mul3A_275 = arith.muli %while3A_272, %mul3A_274 : i32
          %get3A_276 = arith.index_cast %mul3A_275 : i32 to index
          %get3A_277 = tpu.vector_load %arg6[%get3A_276] {strides = array<i32>} : memref<8192xi32, #tpu.memory_space<vmem>>, vector<16xi32>,
          %le3A = vector.broadcast %add3A_253 : i32 to vector<16xi32>
          %le3A_278 = arith.cmpi sle, %get3A_277, %le3A : vector<16xi32>
          %all_reduce_population_count3A = tpu.all_reduce %le3A_278 {dim = 0 : i64, kind = #tpu.reduction_kind<sum>} : vector<16xi1> -> vector<16xi32>
          %add3A_279 = arith.addi %while3A_273, %all_reduce_population_count3A : vector<16xi32>
          %mul3A_280 = arith.constant 32 : i32
          %mul3A_281 = arith.muli %while3A_272, %mul3A_280 : i32
          %add3A_282 = arith.constant 16 : i32
          %add3A_283 = arith.addi %mul3A_281, %add3A_282 : i32
          %get3A_284 = arith.index_cast %add3A_283 : i32 to index
          %get3A_285 = tpu.vector_load %arg6[%get3A_284] {strides = array<i32>} : memref<8192xi32, #tpu.memory_space<vmem>>, vector<16xi32>,
          %le3A_286 = vector.broadcast %add3A_253 : i32 to vector<16xi32>
          %le3A_287 = arith.cmpi sle, %get3A_285, %le3A_286 : vector<16xi32>
          %all_reduce_population_count3A_288 = tpu.all_reduce %le3A_287 {dim = 0 : i64, kind = #tpu.reduction_kind<sum>} : vector<16xi1> -> vector<16xi32>
          %add3A_289 = arith.addi %add3A_279, %all_reduce_population_count3A_288 : vector<16xi32>
          scf.yield %add3A_289 : vector<16xi32>
        }
        %while3A_263 = arith.constant 1 : i32
        %while3A_264 = scf.for %while3A_272 = %while3A_260 to %while3A_256 step %while3A_263 iter_args(%while3A_273 = %while3A_262) -> (vector<16xi32>)  : i32 {
          %mul3A_274 = arith.constant 32 : i32
          %mul3A_275 = arith.muli %while3A_272, %mul3A_274 : i32
          %get3A_276 = arith.index_cast %mul3A_275 : i32 to index
          %get3A_277 = tpu.vector_load %arg6[%get3A_276] {strides = array<i32>} : memref<8192xi32, #tpu.memory_space<vmem>>, vector<16xi32>,
          %le3A = vector.broadcast %add3A_253 : i32 to vector<16xi32>
          %le3A_278 = arith.cmpi sle, %get3A_277, %le3A : vector<16xi32>
          %all_reduce_population_count3A = tpu.all_reduce %le3A_278 {dim = 0 : i64, kind = #tpu.reduction_kind<sum>} : vector<16xi1> -> vector<16xi32>
          %add3A_279 = arith.addi %while3A_273, %all_reduce_population_count3A : vector<16xi32>
          %mul3A_280 = arith.constant 32 : i32
          %mul3A_281 = arith.muli %while3A_272, %mul3A_280 : i32
          %add3A_282 = arith.constant 16 : i32
          %add3A_283 = arith.addi %mul3A_281, %add3A_282 : i32
          %get3A_284 = arith.index_cast %add3A_283 : i32 to index
          %get3A_285 = tpu.vector_load %arg6[%get3A_284] {strides = array<i32>} : memref<8192xi32, #tpu.memory_space<vmem>>, vector<16xi32>,
          %le3A_286 = vector.broadcast %add3A_253 : i32 to vector<16xi32>
          %le3A_287 = arith.cmpi sle, %get3A_285, %le3A_286 : vector<16xi32>
          %all_reduce_population_count3A_288 = tpu.all_reduce %le3A_287 {dim = 0 : i64, kind = #tpu.reduction_kind<sum>} : vector<16xi1> -> vector<16xi32>
          %add3A_289 = arith.addi %add3A_279, %all_reduce_population_count3A_288 : vector<16xi32>
          scf.yield %add3A_289 : vector<16xi32>
        }
        %slice3A_265 = vector.extract_strided_slice %while3A_264 {offsets = [0], sizes = [1], strides = [1]} : vector<16xi32> to vector<1xi32>
        %squeeze3A_266 = vector.extract %slice3A_265[0] : i32 from vector<1xi32>
        %ge3A = arith.constant 96 : i32
        %ge3A_267 = arith.cmpi sge, %squeeze3A_266, %ge3A : i32
        %add3A_268 = arith.constant 1 : i32
        %add3A_269 = arith.addi %add3A_253, %add3A_268 : i32
        %select_n3A_270 = arith.select %ge3A_267, %while3A_248, %add3A_269 : i32
        %select_n3A_271 = arith.select %ge3A_267, %add3A_253, %while3A_249 : i32
        scf.yield %select_n3A_270, %select_n3A_271 : i32, i32
      }
      %eq3A = arith.cmpi eq, %while3A#1, %scan3A_11 : i32
      %sub3A_195 = arith.constant 1 : i32
      %sub3A_196 = arith.subi %while3A#1, %sub3A_195 : i32
      %while3A_197 = arith.constant 0 : i32
      %while3A_198 = arith.subi %shift_right_arithmetic3A_194, %while3A_197 : i32
      %while3A_199 = arith.addi %while3A_197, %while3A_198 : i32
      %while3A_200 = arith.constant 1 : i32
      %while3A_201 = arith.divsi %while3A_198, %while3A_200 : i32
      %while3A_202 = arith.muli %while3A_201, %while3A_200 : i32
      %while3A_203 = arith.addi %while3A_197, %while3A_202 : i32
      %while3A_204 = arith.constant 1 : i32
      %while3A_205 = scf.for %while3A_248 = %while3A_197 to %while3A_203 step %while3A_204 iter_args(%while3A_249 = %broadcast_in_dim3A_1) -> (vector<16xi32>)  : i32 {
        %mul3A_250 = arith.constant 32 : i32
        %mul3A_251 = arith.muli %while3A_248, %mul3A_250 : i32
        %get3A_252 = arith.index_cast %mul3A_251 : i32 to index
        %get3A_253 = tpu.vector_load %arg6[%get3A_252] {strides = array<i32>} : memref<8192xi32, #tpu.memory_space<vmem>>, vector<16xi32>,
        %le3A = vector.broadcast %sub3A_196 : i32 to vector<16xi32>
        %le3A_254 = arith.cmpi sle, %get3A_253, %le3A : vector<16xi32>
        %all_reduce_population_count3A = tpu.all_reduce %le3A_254 {dim = 0 : i64, kind = #tpu.reduction_kind<sum>} : vector<16xi1> -> vector<16xi32>
        %add3A_255 = arith.addi %while3A_249, %all_reduce_population_count3A : vector<16xi32>
        %mul3A_256 = arith.constant 32 : i32
        %mul3A_257 = arith.muli %while3A_248, %mul3A_256 : i32
        %add3A_258 = arith.constant 16 : i32
        %add3A_259 = arith.addi %mul3A_257, %add3A_258 : i32
        %get3A_260 = arith.index_cast %add3A_259 : i32 to index
        %get3A_261 = tpu.vector_load %arg6[%get3A_260] {strides = array<i32>} : memref<8192xi32, #tpu.memory_space<vmem>>, vector<16xi32>,
        %le3A_262 = vector.broadcast %sub3A_196 : i32 to vector<16xi32>
        %le3A_263 = arith.cmpi sle, %get3A_261, %le3A_262 : vector<16xi32>
        %all_reduce_population_count3A_264 = tpu.all_reduce %le3A_263 {dim = 0 : i64, kind = #tpu.reduction_kind<sum>} : vector<16xi1> -> vector<16xi32>
        %add3A_265 = arith.addi %add3A_255, %all_reduce_population_count3A_264 : vector<16xi32>
        scf.yield %add3A_265 : vector<16xi32>
      }
      %while3A_206 = arith.constant 1 : i32
      %while3A_207 = scf.for %while3A_248 = %while3A_203 to %while3A_199 step %while3A_206 iter_args(%while3A_249 = %while3A_205) -> (vector<16xi32>)  : i32 {
        %mul3A_250 = arith.constant 32 : i32
        %mul3A_251 = arith.muli %while3A_248, %mul3A_250 : i32
        %get3A_252 = arith.index_cast %mul3A_251 : i32 to index
        %get3A_253 = tpu.vector_load %arg6[%get3A_252] {strides = array<i32>} : memref<8192xi32, #tpu.memory_space<vmem>>, vector<16xi32>,
        %le3A = vector.broadcast %sub3A_196 : i32 to vector<16xi32>
        %le3A_254 = arith.cmpi sle, %get3A_253, %le3A : vector<16xi32>
        %all_reduce_population_count3A = tpu.all_reduce %le3A_254 {dim = 0 : i64, kind = #tpu.reduction_kind<sum>} : vector<16xi1> -> vector<16xi32>
        %add3A_255 = arith.addi %while3A_249, %all_reduce_population_count3A : vector<16xi32>
        %mul3A_256 = arith.constant 32 : i32
        %mul3A_257 = arith.muli %while3A_248, %mul3A_256 : i32
        %add3A_258 = arith.constant 16 : i32
        %add3A_259 = arith.addi %mul3A_257, %add3A_258 : i32
        %get3A_260 = arith.index_cast %add3A_259 : i32 to index
        %get3A_261 = tpu.vector_load %arg6[%get3A_260] {strides = array<i32>} : memref<8192xi32, #tpu.memory_space<vmem>>, vector<16xi32>,
        %le3A_262 = vector.broadcast %sub3A_196 : i32 to vector<16xi32>
        %le3A_263 = arith.cmpi sle, %get3A_261, %le3A_262 : vector<16xi32>
        %all_reduce_population_count3A_264 = tpu.all_reduce %le3A_263 {dim = 0 : i64, kind = #tpu.reduction_kind<sum>} : vector<16xi1> -> vector<16xi32>
        %add3A_265 = arith.addi %add3A_255, %all_reduce_population_count3A_264 : vector<16xi32>
        scf.yield %add3A_265 : vector<16xi32>
      }
      %slice3A_208 = vector.extract_strided_slice %while3A_207 {offsets = [0], sizes = [1], strides = [1]} : vector<16xi32> to vector<1xi32>
      %squeeze3A_209 = vector.extract %slice3A_208[0] : i32 from vector<1xi32>
      %jit3A = arith.constant 0 : i32
      %select_n3A = arith.select %eq3A, %jit3A, %squeeze3A_209 : i32
      %sub3A_210 = arith.constant 96 : i32
      %sub3A_211 = arith.subi %sub3A_210, %select_n3A : i32
      %while3A_212 = arith.constant 0 : i32
      %while3A_213 = arith.constant 50176 : i32
      %while3A_214:2 = scf.while (%while3A_248 = %while3A_212, %while3A_249 = %while3A_213) : (i32, i32) -> (i32, i32) {
        %lt3A_250 = arith.cmpi slt, %while3A_248, %while3A_249 : i32
        scf.condition(%lt3A_250) %while3A_248, %while3A_249 : i32, i32
      } do {
      ^bb0(%while3A_248: i32, %while3A_249: i32):
        %sub3A_250 = arith.subi %while3A_249, %while3A_248 : i32
        %shift_right_arithmetic3A_251 = arith.constant 1 : i32
        %shift_right_arithmetic3A_252 = arith.shrsi %sub3A_250, %shift_right_arithmetic3A_251 : i32
        %add3A_253 = arith.addi %while3A_248, %shift_right_arithmetic3A_252 : i32
        %while3A_254 = arith.constant 0 : i32
        %while3A_255 = arith.subi %shift_right_arithmetic3A_194, %while3A_254 : i32
        %while3A_256 = arith.addi %while3A_254, %while3A_255 : i32
        %while3A_257 = arith.constant 1 : i32
        %while3A_258 = arith.divsi %while3A_255, %while3A_257 : i32
        %while3A_259 = arith.muli %while3A_258, %while3A_257 : i32
        %while3A_260 = arith.addi %while3A_254, %while3A_259 : i32
        %while3A_261 = arith.constant 1 : i32
        %while3A_262 = scf.for %while3A_271 = %while3A_254 to %while3A_260 step %while3A_261 iter_args(%while3A_272 = %broadcast_in_dim3A_1) -> (vector<16xi32>)  : i32 {
          %mul3A_273 = arith.constant 32 : i32
          %mul3A_274 = arith.muli %while3A_271, %mul3A_273 : i32
          %get3A_275 = arith.index_cast %mul3A_274 : i32 to index
          %get3A_276 = tpu.vector_load %arg6[%get3A_275] {strides = array<i32>} : memref<8192xi32, #tpu.memory_space<vmem>>, vector<16xi32>,
          %mul3A_277 = arith.constant 32 : i32
          %mul3A_278 = arith.muli %while3A_271, %mul3A_277 : i32
          %add3A_279 = arith.constant 16 : i32
          %add3A_280 = arith.addi %mul3A_278, %add3A_279 : i32
          %get3A_281 = arith.index_cast %add3A_280 : i32 to index
          %get3A_282 = tpu.vector_load %arg6[%get3A_281] {strides = array<i32>} : memref<8192xi32, #tpu.memory_space<vmem>>, vector<16xi32>,
          %mul3A_283 = arith.constant 32 : i32
          %mul3A_284 = arith.muli %while3A_271, %mul3A_283 : i32
          %get3A_285 = arith.index_cast %mul3A_284 : i32 to index
          %get3A_286 = tpu.vector_load %arg7[%get3A_285] {strides = array<i32>} : memref<8192xi32, #tpu.memory_space<vmem>>, vector<16xi32>,
          %mul3A_287 = arith.constant 32 : i32
          %mul3A_288 = arith.muli %while3A_271, %mul3A_287 : i32
          %add3A_289 = arith.constant 16 : i32
          %add3A_290 = arith.addi %mul3A_288, %add3A_289 : i32
          %get3A_291 = arith.index_cast %add3A_290 : i32 to index
          %get3A_292 = tpu.vector_load %arg7[%get3A_291] {strides = array<i32>} : memref<8192xi32, #tpu.memory_space<vmem>>, vector<16xi32>,
          %eq3A_293 = vector.broadcast %while3A#1 : i32 to vector<16xi32>
          %eq3A_294 = arith.cmpi eq, %get3A_276, %eq3A_293 : vector<16xi32>
          %lt3A_295 = vector.broadcast %add3A_253 : i32 to vector<16xi32>
          %lt3A_296 = arith.cmpi slt, %get3A_286, %lt3A_295 : vector<16xi32>
          %and3A = arith.andi %eq3A_294, %lt3A_296 : vector<16xi1>
          %all_reduce_population_count3A = tpu.all_reduce %and3A {dim = 0 : i64, kind = #tpu.reduction_kind<sum>} : vector<16xi1> -> vector<16xi32>
          %add3A_297 = arith.addi %while3A_272, %all_reduce_population_count3A : vector<16xi32>
          %eq3A_298 = vector.broadcast %while3A#1 : i32 to vector<16xi32>
          %eq3A_299 = arith.cmpi eq, %get3A_282, %eq3A_298 : vector<16xi32>
          %lt3A_300 = vector.broadcast %add3A_253 : i32 to vector<16xi32>
          %lt3A_301 = arith.cmpi slt, %get3A_292, %lt3A_300 : vector<16xi32>
          %and3A_302 = arith.andi %eq3A_299, %lt3A_301 : vector<16xi1>
          %all_reduce_population_count3A_303 = tpu.all_reduce %and3A_302 {dim = 0 : i64, kind = #tpu.reduction_kind<sum>} : vector<16xi1> -> vector<16xi32>
          %add3A_304 = arith.addi %add3A_297, %all_reduce_population_count3A_303 : vector<16xi32>
          scf.yield %add3A_304 : vector<16xi32>
        }
        %while3A_263 = arith.constant 1 : i32
        %while3A_264 = scf.for %while3A_271 = %while3A_260 to %while3A_256 step %while3A_263 iter_args(%while3A_272 = %while3A_262) -> (vector<16xi32>)  : i32 {
          %mul3A_273 = arith.constant 32 : i32
          %mul3A_274 = arith.muli %while3A_271, %mul3A_273 : i32
          %get3A_275 = arith.index_cast %mul3A_274 : i32 to index
          %get3A_276 = tpu.vector_load %arg6[%get3A_275] {strides = array<i32>} : memref<8192xi32, #tpu.memory_space<vmem>>, vector<16xi32>,
          %mul3A_277 = arith.constant 32 : i32
          %mul3A_278 = arith.muli %while3A_271, %mul3A_277 : i32
          %add3A_279 = arith.constant 16 : i32
          %add3A_280 = arith.addi %mul3A_278, %add3A_279 : i32
          %get3A_281 = arith.index_cast %add3A_280 : i32 to index
          %get3A_282 = tpu.vector_load %arg6[%get3A_281] {strides = array<i32>} : memref<8192xi32, #tpu.memory_space<vmem>>, vector<16xi32>,
          %mul3A_283 = arith.constant 32 : i32
          %mul3A_284 = arith.muli %while3A_271, %mul3A_283 : i32
          %get3A_285 = arith.index_cast %mul3A_284 : i32 to index
          %get3A_286 = tpu.vector_load %arg7[%get3A_285] {strides = array<i32>} : memref<8192xi32, #tpu.memory_space<vmem>>, vector<16xi32>,
          %mul3A_287 = arith.constant 32 : i32
          %mul3A_288 = arith.muli %while3A_271, %mul3A_287 : i32
          %add3A_289 = arith.constant 16 : i32
          %add3A_290 = arith.addi %mul3A_288, %add3A_289 : i32
          %get3A_291 = arith.index_cast %add3A_290 : i32 to index
          %get3A_292 = tpu.vector_load %arg7[%get3A_291] {strides = array<i32>} : memref<8192xi32, #tpu.memory_space<vmem>>, vector<16xi32>,
          %eq3A_293 = vector.broadcast %while3A#1 : i32 to vector<16xi32>
          %eq3A_294 = arith.cmpi eq, %get3A_276, %eq3A_293 : vector<16xi32>
          %lt3A_295 = vector.broadcast %add3A_253 : i32 to vector<16xi32>
          %lt3A_296 = arith.cmpi slt, %get3A_286, %lt3A_295 : vector<16xi32>
          %and3A = arith.andi %eq3A_294, %lt3A_296 : vector<16xi1>
          %all_reduce_population_count3A = tpu.all_reduce %and3A {dim = 0 : i64, kind = #tpu.reduction_kind<sum>} : vector<16xi1> -> vector<16xi32>
          %add3A_297 = arith.addi %while3A_272, %all_reduce_population_count3A : vector<16xi32>
          %eq3A_298 = vector.broadcast %while3A#1 : i32 to vector<16xi32>
          %eq3A_299 = arith.cmpi eq, %get3A_282, %eq3A_298 : vector<16xi32>
          %lt3A_300 = vector.broadcast %add3A_253 : i32 to vector<16xi32>
          %lt3A_301 = arith.cmpi slt, %get3A_292, %lt3A_300 : vector<16xi32>
          %and3A_302 = arith.andi %eq3A_299, %lt3A_301 : vector<16xi1>
          %all_reduce_population_count3A_303 = tpu.all_reduce %and3A_302 {dim = 0 : i64, kind = #tpu.reduction_kind<sum>} : vector<16xi1> -> vector<16xi32>
          %add3A_304 = arith.addi %add3A_297, %all_reduce_population_count3A_303 : vector<16xi32>
          scf.yield %add3A_304 : vector<16xi32>
        }
        %slice3A_265 = vector.extract_strided_slice %while3A_264 {offsets = [0], sizes = [1], strides = [1]} : vector<16xi32> to vector<1xi32>
        %squeeze3A_266 = vector.extract %slice3A_265[0] : i32 from vector<1xi32>
        %ge3A = arith.cmpi sge, %squeeze3A_266, %sub3A_211 : i32
        %add3A_267 = arith.constant 1 : i32
        %add3A_268 = arith.addi %add3A_253, %add3A_267 : i32
        %select_n3A_269 = arith.select %ge3A, %while3A_248, %add3A_268 : i32
        %select_n3A_270 = arith.select %ge3A, %add3A_253, %while3A_249 : i32
        scf.yield %select_n3A_269, %select_n3A_270 : i32, i32
      }
      %add3A_215 = arith.constant 15 : i32
      %add3A_216 = arith.addi %min3A_167, %add3A_215 : i32
      %shift_right_arithmetic3A_217 = arith.constant 4 : i32
      %shift_right_arithmetic3A_218 = arith.shrsi %add3A_216, %shift_right_arithmetic3A_217 : i32
      %while3A_219 = arith.constant 0 : i32
      %while3A_220 = arith.subi %shift_right_arithmetic3A_218, %while3A_219 : i32
      %while3A_221 = arith.addi %while3A_219, %while3A_220 : i32
      %while3A_222 = arith.constant 1 : i32
      %while3A_223 = arith.divsi %while3A_220, %while3A_222 : i32
      %while3A_224 = arith.muli %while3A_223, %while3A_222 : i32
      %while3A_225 = arith.addi %while3A_219, %while3A_224 : i32
      %while3A_226 = arith.constant 1 : i32
      %while3A_227 = scf.for %while3A_248 = %while3A_219 to %while3A_225 step %while3A_226 iter_args(%while3A_249 = %broadcast_in_dim3A_1) -> (vector<16xi32>)  : i32 {
        %mul3A_250 = arith.constant 16 : i32
        %mul3A_251 = arith.muli %while3A_248, %mul3A_250 : i32
        %get3A_252 = arith.index_cast %mul3A_251 : i32 to index
        %get3A_253 = tpu.vector_load %arg6[%get3A_252] {strides = array<i32>} : memref<8192xi32, #tpu.memory_space<vmem>>, vector<16xi32>,
        %mul3A_254 = arith.constant 16 : i32
        %mul3A_255 = arith.muli %while3A_248, %mul3A_254 : i32
        %get3A_256 = arith.index_cast %mul3A_255 : i32 to index
        %get3A_257 = tpu.vector_load %arg7[%get3A_256] {strides = array<i32>} : memref<8192xi32, #tpu.memory_space<vmem>>, vector<16xi32>,
        %lt3A_258 = vector.broadcast %while3A#1 : i32 to vector<16xi32>
        %lt3A_259 = arith.cmpi slt, %get3A_253, %lt3A_258 : vector<16xi32>
        %eq3A_260 = vector.broadcast %while3A#1 : i32 to vector<16xi32>
        %eq3A_261 = arith.cmpi eq, %get3A_253, %eq3A_260 : vector<16xi32>
        %lt3A_262 = vector.broadcast %while3A_214#1 : i32 to vector<16xi32>
        %lt3A_263 = arith.cmpi slt, %get3A_257, %lt3A_262 : vector<16xi32>
        %and3A = arith.andi %eq3A_261, %lt3A_263 : vector<16xi1>
        %or3A = arith.ori %lt3A_259, %and3A : vector<16xi1>
        %convert_element_type3A_264 = arith.extui %or3A : vector<16xi1> to vector<16xi32>
        %broadcast_in_dim3A_265 = arith.constant true
        %broadcast_in_dim3A_266 = vector.broadcast %broadcast_in_dim3A_265 : i1 to vector<16xi1>
        %masked_cumsum3A = tpu.scan <sum>, %convert_element_type3A_264 masked %broadcast_in_dim3A_266 : vector<16xi32>, vector<16xi1> -> vector<16xi32>
        %sub3A_267 = arith.subi %masked_cumsum3A, %convert_element_type3A_264 : vector<16xi32>
        %add3A_268 = arith.addi %while3A_249, %sub3A_267 : vector<16xi32>
        %min3A_269 = arith.constant 95 : i32
        %min3A_270 = vector.broadcast %min3A_269 : i32 to vector<16xi32>
        %min3A_271 = arith.minsi %add3A_268, %min3A_270 : vector<16xi32>
        tpu.vector_store_idx %arg8[%min3A_271], %get3A_257 masked %or3A : memref<96xi32, #tpu.memory_space<vmem>>[vector<16xi32>], vector<16xi32>, vector<16xi1>
        %all_reduce_population_count3A = tpu.all_reduce %or3A {dim = 0 : i64, kind = #tpu.reduction_kind<sum>} : vector<16xi1> -> vector<16xi32>
        %add3A_272 = arith.addi %while3A_249, %all_reduce_population_count3A : vector<16xi32>
        scf.yield %add3A_272 : vector<16xi32>
      }
      %while3A_228 = arith.constant 1 : i32
      %while3A_229 = scf.for %while3A_248 = %while3A_225 to %while3A_221 step %while3A_228 iter_args(%while3A_249 = %while3A_227) -> (vector<16xi32>)  : i32 {
        %mul3A_250 = arith.constant 16 : i32
        %mul3A_251 = arith.muli %while3A_248, %mul3A_250 : i32
        %get3A_252 = arith.index_cast %mul3A_251 : i32 to index
        %get3A_253 = tpu.vector_load %arg6[%get3A_252] {strides = array<i32>} : memref<8192xi32, #tpu.memory_space<vmem>>, vector<16xi32>,
        %mul3A_254 = arith.constant 16 : i32
        %mul3A_255 = arith.muli %while3A_248, %mul3A_254 : i32
        %get3A_256 = arith.index_cast %mul3A_255 : i32 to index
        %get3A_257 = tpu.vector_load %arg7[%get3A_256] {strides = array<i32>} : memref<8192xi32, #tpu.memory_space<vmem>>, vector<16xi32>,
        %lt3A_258 = vector.broadcast %while3A#1 : i32 to vector<16xi32>
        %lt3A_259 = arith.cmpi slt, %get3A_253, %lt3A_258 : vector<16xi32>
        %eq3A_260 = vector.broadcast %while3A#1 : i32 to vector<16xi32>
        %eq3A_261 = arith.cmpi eq, %get3A_253, %eq3A_260 : vector<16xi32>
        %lt3A_262 = vector.broadcast %while3A_214#1 : i32 to vector<16xi32>
        %lt3A_263 = arith.cmpi slt, %get3A_257, %lt3A_262 : vector<16xi32>
        %and3A = arith.andi %eq3A_261, %lt3A_263 : vector<16xi1>
        %or3A = arith.ori %lt3A_259, %and3A : vector<16xi1>
        %convert_element_type3A_264 = arith.extui %or3A : vector<16xi1> to vector<16xi32>
        %broadcast_in_dim3A_265 = arith.constant true
        %broadcast_in_dim3A_266 = vector.broadcast %broadcast_in_dim3A_265 : i1 to vector<16xi1>
        %masked_cumsum3A = tpu.scan <sum>, %convert_element_type3A_264 masked %broadcast_in_dim3A_266 : vector<16xi32>, vector<16xi1> -> vector<16xi32>
        %sub3A_267 = arith.subi %masked_cumsum3A, %convert_element_type3A_264 : vector<16xi32>
        %add3A_268 = arith.addi %while3A_249, %sub3A_267 : vector<16xi32>
        %min3A_269 = arith.constant 95 : i32
        %min3A_270 = vector.broadcast %min3A_269 : i32 to vector<16xi32>
        %min3A_271 = arith.minsi %add3A_268, %min3A_270 : vector<16xi32>
        tpu.vector_store_idx %arg8[%min3A_271], %get3A_257 masked %or3A : memref<96xi32, #tpu.memory_space<vmem>>[vector<16xi32>], vector<16xi32>, vector<16xi1>
        %all_reduce_population_count3A = tpu.all_reduce %or3A {dim = 0 : i64, kind = #tpu.reduction_kind<sum>} : vector<16xi1> -> vector<16xi32>
        %add3A_272 = arith.addi %while3A_249, %all_reduce_population_count3A : vector<16xi32>
        scf.yield %add3A_272 : vector<16xi32>
      }
      %gt3A = arith.constant 0 : i32
      %gt3A_230 = arith.cmpi sgt, %scan3A_29, %gt3A : i32
      %convert_element_type3A_231 = arith.extui %gt3A_230 : i1 to i32
      %cond3A_232 = arith.constant 0 : i32
      %cond3A_233 = arith.cmpi ne, %convert_element_type3A_231, %cond3A_232 : i32
      scf.if %cond3A_233 {
        %sub3A_248 = arith.constant 1 : i32
        %sub3A_249 = arith.subi %add3A_32, %sub3A_248 : i32
        %dma_wait3A_250 = arith.constant 0 : i32
        %dma_wait3A_251 = arith.constant 0 : i32
        %dma_wait3A_252 = tpu.memref_slice %arg4[%sub3A_249, %dma_wait3A_250, %dma_wait3A_251] : memref<256x96x384xf32, #tpu.memory_space<hbm>> -> memref<1x96x384xf32, #tpu.memory_space<hbm>>
        %dma_wait3A_253 = tpu.memref_squeeze %dma_wait3A_252 : memref<1x96x384xf32, #tpu.memory_space<hbm>> -> memref<96x384xf32, #tpu.memory_space<hbm>>
        %dma_wait3A_254 = arith.constant 0 : i32
        %dma_wait3A_255 = arith.constant 0 : i32
        %dma_wait3A_256 = tpu.memref_slice %arg4[%sub3A_249, %dma_wait3A_254, %dma_wait3A_255] : memref<256x96x384xf32, #tpu.memory_space<hbm>> -> memref<1x96x384xf32, #tpu.memory_space<hbm>>
        %dma_wait3A_257 = tpu.memref_squeeze %dma_wait3A_256 : memref<1x96x384xf32, #tpu.memory_space<hbm>> -> memref<96x384xf32, #tpu.memory_space<hbm>>
        tpu.wait_dma2 semaphore(%arg11 : memref<!tpu.dma_semaphore, #tpu.memory_space<semaphore_mem>>) src(%arg9 : memref<96x384xf32, #tpu.memory_space<vmem>>) dst(%dma_wait3A_257 : memref<96x384xf32, #tpu.memory_space<hbm>>)
      } else {
      }
      %dma_start3A_234 = arith.constant 0 : i32
      %dma_start3A_235 = arith.constant 0 : i32
      %dma_start3A_236 = tpu.memref_slice %arg3[%dma_start3A_234, %dma_start3A_235] : memref<50176x384xf32, #tpu.memory_space<hbm>> -> memref<50176x384xf32, #tpu.memory_space<hbm>>
      tpu.enqueue_indirect_dma source(%dma_start3A_236 : memref<50176x384xf32, #tpu.memory_space<hbm>>) target(%arg9 : memref<96x384xf32, #tpu.memory_space<vmem>>) offsets(%arg8 : memref<96xi32, #tpu.memory_space<vmem>>) semaphore(%arg10 : memref<!tpu.dma_semaphore, #tpu.memory_space<semaphore_mem>>)
      %dma_wait3A_237 = arith.constant 0 : i32
      %dma_wait3A_238 = arith.constant 0 : i32
      %dma_wait3A_239 = tpu.memref_slice %arg3[%dma_wait3A_237, %dma_wait3A_238] : memref<50176x384xf32, #tpu.memory_space<hbm>> -> memref<50176x384xf32, #tpu.memory_space<hbm>>
      tpu.wait_indirect_dma semaphore(%arg10 : memref<!tpu.dma_semaphore, #tpu.memory_space<semaphore_mem>>) src(%dma_wait3A_239 : memref<50176x384xf32, #tpu.memory_space<hbm>>) dst(%arg9 : memref<96x384xf32, #tpu.memory_space<vmem>>)
      %dma_start3A_240 = arith.constant 0 : i32
      %dma_start3A_241 = arith.constant 0 : i32
      %dma_start3A_242 = tpu.memref_slice %arg4[%add3A_32, %dma_start3A_240, %dma_start3A_241] : memref<256x96x384xf32, #tpu.memory_space<hbm>> -> memref<1x96x384xf32, #tpu.memory_space<hbm>>
      %dma_start3A_243 = tpu.memref_squeeze %dma_start3A_242 : memref<1x96x384xf32, #tpu.memory_space<hbm>> -> memref<96x384xf32, #tpu.memory_space<hbm>>
      %dma_start3A_244 = arith.constant 0 : i32
      %dma_start3A_245 = arith.constant 0 : i32
      %dma_start3A_246 = tpu.memref_slice %arg4[%add3A_32, %dma_start3A_244, %dma_start3A_245] : memref<256x96x384xf32, #tpu.memory_space<hbm>> -> memref<1x96x384xf32, #tpu.memory_space<hbm>>
      %dma_start3A_247 = tpu.memref_squeeze %dma_start3A_246 : memref<1x96x384xf32, #tpu.memory_space<hbm>> -> memref<96x384xf32, #tpu.memory_space<hbm>>
      tpu.enqueue_dma source(%arg9 : memref<96x384xf32, #tpu.memory_space<vmem>>) target(%dma_start3A_247 : memref<96x384xf32, #tpu.memory_space<hbm>>) target_semaphore(%arg11 : memref<!tpu.dma_semaphore, #tpu.memory_space<semaphore_mem>>)
    }
    %scan3A_16 = arith.constant 8 : i32
    %mul3A_17 = arith.constant 8 : i32
    %mul3A_18 = arith.muli %add3A, %mul3A_17 : i32
    %add3A_19 = arith.constant 8 : i32
    %add3A_20 = arith.addi %mul3A_18, %add3A_19 : i32
    %sub3A = arith.constant 1 : i32
    %sub3A_21 = arith.subi %add3A_20, %sub3A : i32
    %dma_wait3A = arith.constant 0 : i32
    %dma_wait3A_22 = arith.constant 0 : i32
    %dma_wait3A_23 = tpu.memref_slice %arg4[%sub3A_21, %dma_wait3A, %dma_wait3A_22] : memref<256x96x384xf32, #tpu.memory_space<hbm>> -> memref<1x96x384xf32, #tpu.memory_space<hbm>>
    %dma_wait3A_24 = tpu.memref_squeeze %dma_wait3A_23 : memref<1x96x384xf32, #tpu.memory_space<hbm>> -> memref<96x384xf32, #tpu.memory_space<hbm>>
    %dma_wait3A_25 = arith.constant 0 : i32
    %dma_wait3A_26 = arith.constant 0 : i32
    %dma_wait3A_27 = tpu.memref_slice %arg4[%sub3A_21, %dma_wait3A_25, %dma_wait3A_26] : memref<256x96x384xf32, #tpu.memory_space<hbm>> -> memref<1x96x384xf32, #tpu.memory_space<hbm>>
    %dma_wait3A_28 = tpu.memref_squeeze %dma_wait3A_27 : memref<1x96x384xf32, #tpu.memory_space<hbm>> -> memref<96x384xf32, #tpu.memory_space<hbm>>
    tpu.wait_dma2 semaphore(%arg11 : memref<!tpu.dma_semaphore, #tpu.memory_space<semaphore_mem>>) src(%arg9 : memref<96x384xf32, #tpu.memory_space<vmem>>) dst(%dma_wait3A_28 : memref<96x384xf32, #tpu.memory_space<hbm>>)
    return
  }
}

#map = affine_map<(d0, d1) -> (0, 0)>
#map1 = affine_map<(d0, d1) -> (0, 0, 0)>
module attributes {stable_mosaic.version = 14 : i64} {
  func.func @_sc_body(%arg0: i32, %arg1: i32, %arg2: memref<256x50176xi32, #tpu.memory_space<hbm>>, %arg3: memref<50176x384xf32, #tpu.memory_space<hbm>>, %arg4: memref<256x96x384xf32, #tpu.memory_space<hbm>>, %arg5: memref<50176xi32, #tpu.memory_space<vmem>>, %arg6: memref<8192xi32, #tpu.memory_space<vmem>>, %arg7: memref<8192xi32, #tpu.memory_space<vmem>>, %arg8: memref<96xi32, #tpu.memory_space<vmem>>, %arg9: memref<96x384xf32, #tpu.memory_space<vmem>>, %arg10: memref<!tpu.dma_semaphore, #tpu.memory_space<semaphore_mem>>, %arg11: memref<!tpu.dma_semaphore, #tpu.memory_space<semaphore_mem>>, %arg12: memref<!tpu.dma_semaphore, #tpu.memory_space<semaphore_mem>>) attributes {dimension_semantics = [#tpu.dimension_semantics<core_parallel>, #tpu.dimension_semantics<subcore_parallel>], iteration_bounds = array<i64: 2, 16>, scalar_prefetch = 0 : i64, scratch_operands = 8 : i64, tpu.core_type = #tpu.core_type<sc_vector_subcore>, window_params = [{transform_indices = #map}, {transform_indices = #map}, {transform_indices = #map1}]} {
    %mul3A = arith.constant 2 : i32
    %mul3A_0 = arith.muli %arg1, %mul3A : i32
    %add3A = arith.addi %mul3A_0, %arg0 : i32
    %iota3A = tpu.iota {dimensions = array<i32: 0>} : vector<16xi32>
    %broadcast_in_dim3A = arith.constant 0 : i32
    %broadcast_in_dim3A_1 = vector.broadcast %broadcast_in_dim3A : i32 to vector<16xi32>
    %broadcast_in_dim3A_2 = arith.constant 2147483647 : i32
    %broadcast_in_dim3A_3 = vector.broadcast %broadcast_in_dim3A_2 : i32 to vector<16xi32>
    %mul3A_4 = arith.constant 8 : i32
    %mul3A_5 = arith.muli %add3A, %mul3A_4 : i32
    %dma_start3A = arith.constant 0 : i32
    %dma_start3A_6 = tpu.memref_slice %arg2[%mul3A_5, %dma_start3A] : memref<256x50176xi32, #tpu.memory_space<hbm>> -> memref<1x50176xi32, #tpu.memory_space<hbm>>
    %dma_start3A_7 = tpu.memref_squeeze %dma_start3A_6 : memref<1x50176xi32, #tpu.memory_space<hbm>> -> memref<50176xi32, #tpu.memory_space<hbm>>
    %dma_start3A_8 = arith.constant 0 : i32
    %dma_start3A_9 = tpu.memref_slice %arg2[%mul3A_5, %dma_start3A_8] : memref<256x50176xi32, #tpu.memory_space<hbm>> -> memref<1x50176xi32, #tpu.memory_space<hbm>>
    %dma_start3A_10 = tpu.memref_squeeze %dma_start3A_9 : memref<1x50176xi32, #tpu.memory_space<hbm>> -> memref<50176xi32, #tpu.memory_space<hbm>>
    tpu.enqueue_dma source(%dma_start3A_10 : memref<50176xi32, #tpu.memory_space<hbm>>) target(%arg5 : memref<50176xi32, #tpu.memory_space<vmem>>) target_semaphore(%arg12 : memref<!tpu.dma_semaphore, #tpu.memory_space<semaphore_mem>>)
    %scan3A = arith.constant 0 : i32
    %scan3A_11 = arith.constant -2147483648 : i32
    %scan3A_12 = arith.constant 0 : i32
    %scan3A_13 = arith.constant 8 : i32
    %scan3A_14 = arith.addi %scan3A_12, %scan3A_13 : i32
    %scan3A_15 = arith.constant 1 : i32
    scf.for %scan3A_29 = %scan3A_12 to %scan3A_14 step %scan3A_15  : i32 {
      %mul3A_30 = arith.constant 8 : i32
      %mul3A_31 = arith.muli %add3A, %mul3A_30 : i32
      %add3A_32 = arith.addi %mul3A_31, %scan3A_29 : i32
      %dma_wait3A_33 = arith.constant 0 : i32
      %dma_wait3A_34 = tpu.memref_slice %arg2[%add3A_32, %dma_wait3A_33] : memref<256x50176xi32, #tpu.memory_space<hbm>> -> memref<1x50176xi32, #tpu.memory_space<hbm>>
      %dma_wait3A_35 = tpu.memref_squeeze %dma_wait3A_34 : memref<1x50176xi32, #tpu.memory_space<hbm>> -> memref<50176xi32, #tpu.memory_space<hbm>>
      %dma_wait3A_36 = arith.constant 0 : i32
      %dma_wait3A_37 = tpu.memref_slice %arg2[%add3A_32, %dma_wait3A_36] : memref<256x50176xi32, #tpu.memory_space<hbm>> -> memref<1x50176xi32, #tpu.memory_space<hbm>>
      %dma_wait3A_38 = tpu.memref_squeeze %dma_wait3A_37 : memref<1x50176xi32, #tpu.memory_space<hbm>> -> memref<50176xi32, #tpu.memory_space<hbm>>
      tpu.wait_dma2 semaphore(%arg12 : memref<!tpu.dma_semaphore, #tpu.memory_space<semaphore_mem>>) src(%dma_wait3A_38 : memref<50176xi32, #tpu.memory_space<hbm>>) dst(%arg5 : memref<50176xi32, #tpu.memory_space<vmem>>)
      %scan3A_39 = arith.constant 0 : i32
      %scan3A_40 = arith.constant 522 : i32
      %scan3A_41 = arith.addi %scan3A_39, %scan3A_40 : i32
      %scan3A_42 = arith.constant 1 : i32
      %scan3A_43:6 = scf.for %scan3A_248 = %scan3A_39 to %scan3A_41 step %scan3A_42 iter_args(%scan3A_249 = %broadcast_in_dim3A_3, %scan3A_250 = %broadcast_in_dim3A_3, %scan3A_251 = %broadcast_in_dim3A_3, %scan3A_252 = %broadcast_in_dim3A_3, %scan3A_253 = %broadcast_in_dim3A_3, %scan3A_254 = %broadcast_in_dim3A_3) -> (vector<16xi32>, vector<16xi32>, vector<16xi32>, vector<16xi32>, vector<16xi32>, vector<16xi32>)  : i32 {
        %mul3A_255 = arith.constant 96 : i32
        %mul3A_256 = arith.muli %scan3A_248, %mul3A_255 : i32
        %add3A_257 = arith.constant 0 : i32
        %add3A_258 = arith.addi %mul3A_256, %add3A_257 : i32
        %get3A_259 = arith.index_cast %add3A_258 : i32 to index
        %get3A_260 = tpu.vector_load %arg5[%get3A_259] {strides = array<i32>} : memref<50176xi32, #tpu.memory_space<vmem>>, vector<16xi32>,
        %min3A_261 = arith.minsi %scan3A_249, %get3A_260 : vector<16xi32>
        %add3A_262 = arith.constant 16 : i32
        %add3A_263 = arith.addi %mul3A_256, %add3A_262 : i32
        %get3A_264 = arith.index_cast %add3A_263 : i32 to index
        %get3A_265 = tpu.vector_load %arg5[%get3A_264] {strides = array<i32>} : memref<50176xi32, #tpu.memory_space<vmem>>, vector<16xi32>,
        %min3A_266 = arith.minsi %scan3A_250, %get3A_265 : vector<16xi32>
        %add3A_267 = arith.constant 32 : i32
        %add3A_268 = arith.addi %mul3A_256, %add3A_267 : i32
        %get3A_269 = arith.index_cast %add3A_268 : i32 to index
        %get3A_270 = tpu.vector_load %arg5[%get3A_269] {strides = array<i32>} : memref<50176xi32, #tpu.memory_space<vmem>>, vector<16xi32>,
        %min3A_271 = arith.minsi %scan3A_251, %get3A_270 : vector<16xi32>
        %add3A_272 = arith.constant 48 : i32
        %add3A_273 = arith.addi %mul3A_256, %add3A_272 : i32
        %get3A_274 = arith.index_cast %add3A_273 : i32 to index
        %get3A_275 = tpu.vector_load %arg5[%get3A_274] {strides = array<i32>} : memref<50176xi32, #tpu.memory_space<vmem>>, vector<16xi32>,
        %min3A_276 = arith.minsi %scan3A_252, %get3A_275 : vector<16xi32>
        %add3A_277 = arith.constant 64 : i32
        %add3A_278 = arith.addi %mul3A_256, %add3A_277 : i32
        %get3A_279 = arith.index_cast %add3A_278 : i32 to index
        %get3A_280 = tpu.vector_load %arg5[%get3A_279] {strides = array<i32>} : memref<50176xi32, #tpu.memory_space<vmem>>, vector<16xi32>,
        %min3A_281 = arith.minsi %scan3A_253, %get3A_280 : vector<16xi32>
        %add3A_282 = arith.constant 80 : i32
        %add3A_283 = arith.addi %mul3A_256, %add3A_282 : i32
        %get3A_284 = arith.index_cast %add3A_283 : i32 to index
        %get3A_285 = tpu.vector_load %arg5[%get3A_284] {strides = array<i32>} : memref<50176xi32, #tpu.memory_space<vmem>>, vector<16xi32>,
        %min3A_286 = arith.minsi %scan3A_254, %get3A_285 : vector<16xi32>
        scf.yield %min3A_261, %min3A_266, %min3A_271, %min3A_276, %min3A_281, %min3A_286 : vector<16xi32>, vector<16xi32>, vector<16xi32>, vector<16xi32>, vector<16xi32>, vector<16xi32>
      }
      %scan3A_44 = arith.constant 522 : i32
      %get3A = arith.constant 50112 : index
      %get3A_45 = tpu.vector_load %arg5[%get3A] {strides = array<i32>} : memref<50176xi32, #tpu.memory_space<vmem>>, vector<16xi32>,
      %min3A = arith.minsi %scan3A_43#0, %get3A_45 : vector<16xi32>
      %get3A_46 = arith.constant 50128 : index
      %get3A_47 = tpu.vector_load %arg5[%get3A_46] {strides = array<i32>} : memref<50176xi32, #tpu.memory_space<vmem>>, vector<16xi32>,
      %min3A_48 = arith.minsi %scan3A_43#1, %get3A_47 : vector<16xi32>
      %get3A_49 = arith.constant 50144 : index
      %get3A_50 = tpu.vector_load %arg5[%get3A_49] {strides = array<i32>} : memref<50176xi32, #tpu.memory_space<vmem>>, vector<16xi32>,
      %min3A_51 = arith.minsi %scan3A_43#2, %get3A_50 : vector<16xi32>
      %get3A_52 = arith.constant 50160 : index
      %get3A_53 = tpu.vector_load %arg5[%get3A_52] {strides = array<i32>} : memref<50176xi32, #tpu.memory_space<vmem>>, vector<16xi32>,
      %min3A_54 = arith.minsi %scan3A_43#3, %get3A_53 : vector<16xi32>
      %max3A = arith.maxsi %min3A, %min3A_48 : vector<16xi32>
      %min3A_55 = arith.minsi %min3A, %min3A_48 : vector<16xi32>
      %max3A_56 = arith.maxsi %max3A, %min3A_51 : vector<16xi32>
      %min3A_57 = arith.minsi %min3A_55, %min3A_51 : vector<16xi32>
      %max3A_58 = arith.maxsi %max3A_56, %min3A_54 : vector<16xi32>
      %min3A_59 = arith.minsi %min3A_57, %min3A_54 : vector<16xi32>
      %max3A_60 = arith.maxsi %max3A_58, %scan3A_43#4 : vector<16xi32>
      %min3A_61 = arith.minsi %min3A_59, %scan3A_43#4 : vector<16xi32>
      %max3A_62 = arith.maxsi %max3A_60, %scan3A_43#5 : vector<16xi32>
      %min3A_63 = arith.minsi %min3A_61, %scan3A_43#5 : vector<16xi32>
      %slice3A = vector.extract_strided_slice %max3A_62 {offsets = [0], sizes = [1], strides = [1]} : vector<16xi32> to vector<1xi32>
      %squeeze3A = vector.extract %slice3A[0] : i32 from vector<1xi32>
      %slice3A_64 = vector.extract_strided_slice %min3A_63 {offsets = [0], sizes = [1], strides = [1]} : vector<16xi32> to vector<1xi32>
      %squeeze3A_65 = vector.extract %slice3A_64[0] : i32 from vector<1xi32>
      %slice3A_66 = vector.extract_strided_slice %max3A_62 {offsets = [1], sizes = [1], strides = [1]} : vector<16xi32> to vector<1xi32>
      %squeeze3A_67 = vector.extract %slice3A_66[0] : i32 from vector<1xi32>
      %max3A_68 = arith.maxsi %squeeze3A, %squeeze3A_67 : i32
      %slice3A_69 = vector.extract_strided_slice %min3A_63 {offsets = [1], sizes = [1], strides = [1]} : vector<16xi32> to vector<1xi32>
      %squeeze3A_70 = vector.extract %slice3A_69[0] : i32 from vector<1xi32>
      %min3A_71 = arith.minsi %squeeze3A_65, %squeeze3A_70 : i32
      %slice3A_72 = vector.extract_strided_slice %max3A_62 {offsets = [2], sizes = [1], strides = [1]} : vector<16xi32> to vector<1xi32>
      %squeeze3A_73 = vector.extract %slice3A_72[0] : i32 from vector<1xi32>
      %max3A_74 = arith.maxsi %max3A_68, %squeeze3A_73 : i32
      %slice3A_75 = vector.extract_strided_slice %min3A_63 {offsets = [2], sizes = [1], strides = [1]} : vector<16xi32> to vector<1xi32>
      %squeeze3A_76 = vector.extract %slice3A_75[0] : i32 from vector<1xi32>
      %min3A_77 = arith.minsi %min3A_71, %squeeze3A_76 : i32
      %slice3A_78 = vector.extract_strided_slice %max3A_62 {offsets = [3], sizes = [1], strides = [1]} : vector<16xi32> to vector<1xi32>
      %squeeze3A_79 = vector.extract %slice3A_78[0] : i32 from vector<1xi32>
      %max3A_80 = arith.maxsi %max3A_74, %squeeze3A_79 : i32
      %slice3A_81 = vector.extract_strided_slice %min3A_63 {offsets = [3], sizes = [1], strides = [1]} : vector<16xi32> to vector<1xi32>
      %squeeze3A_82 = vector.extract %slice3A_81[0] : i32 from vector<1xi32>
      %min3A_83 = arith.minsi %min3A_77, %squeeze3A_82 : i32
      %slice3A_84 = vector.extract_strided_slice %max3A_62 {offsets = [4], sizes = [1], strides = [1]} : vector<16xi32> to vector<1xi32>
      %squeeze3A_85 = vector.extract %slice3A_84[0] : i32 from vector<1xi32>
      %max3A_86 = arith.maxsi %max3A_80, %squeeze3A_85 : i32
      %slice3A_87 = vector.extract_strided_slice %min3A_63 {offsets = [4], sizes = [1], strides = [1]} : vector<16xi32> to vector<1xi32>
      %squeeze3A_88 = vector.extract %slice3A_87[0] : i32 from vector<1xi32>
      %min3A_89 = arith.minsi %min3A_83, %squeeze3A_88 : i32
      %slice3A_90 = vector.extract_strided_slice %max3A_62 {offsets = [5], sizes = [1], strides = [1]} : vector<16xi32> to vector<1xi32>
      %squeeze3A_91 = vector.extract %slice3A_90[0] : i32 from vector<1xi32>
      %max3A_92 = arith.maxsi %max3A_86, %squeeze3A_91 : i32
      %slice3A_93 = vector.extract_strided_slice %min3A_63 {offsets = [5], sizes = [1], strides = [1]} : vector<16xi32> to vector<1xi32>
      %squeeze3A_94 = vector.extract %slice3A_93[0] : i32 from vector<1xi32>
      %min3A_95 = arith.minsi %min3A_89, %squeeze3A_94 : i32
      %slice3A_96 = vector.extract_strided_slice %max3A_62 {offsets = [6], sizes = [1], strides = [1]} : vector<16xi32> to vector<1xi32>
      %squeeze3A_97 = vector.extract %slice3A_96[0] : i32 from vector<1xi32>
      %max3A_98 = arith.maxsi %max3A_92, %squeeze3A_97 : i32
      %slice3A_99 = vector.extract_strided_slice %min3A_63 {offsets = [6], sizes = [1], strides = [1]} : vector<16xi32> to vector<1xi32>
      %squeeze3A_100 = vector.extract %slice3A_99[0] : i32 from vector<1xi32>
      %min3A_101 = arith.minsi %min3A_95, %squeeze3A_100 : i32
      %slice3A_102 = vector.extract_strided_slice %max3A_62 {offsets = [7], sizes = [1], strides = [1]} : vector<16xi32> to vector<1xi32>
      %squeeze3A_103 = vector.extract %slice3A_102[0] : i32 from vector<1xi32>
      %max3A_104 = arith.maxsi %max3A_98, %squeeze3A_103 : i32
      %slice3A_105 = vector.extract_strided_slice %min3A_63 {offsets = [7], sizes = [1], strides = [1]} : vector<16xi32> to vector<1xi32>
      %squeeze3A_106 = vector.extract %slice3A_105[0] : i32 from vector<1xi32>
      %min3A_107 = arith.minsi %min3A_101, %squeeze3A_106 : i32
      %slice3A_108 = vector.extract_strided_slice %max3A_62 {offsets = [8], sizes = [1], strides = [1]} : vector<16xi32> to vector<1xi32>
      %squeeze3A_109 = vector.extract %slice3A_108[0] : i32 from vector<1xi32>
      %max3A_110 = arith.maxsi %max3A_104, %squeeze3A_109 : i32
      %slice3A_111 = vector.extract_strided_slice %min3A_63 {offsets = [8], sizes = [1], strides = [1]} : vector<16xi32> to vector<1xi32>
      %squeeze3A_112 = vector.extract %slice3A_111[0] : i32 from vector<1xi32>
      %min3A_113 = arith.minsi %min3A_107, %squeeze3A_112 : i32
      %slice3A_114 = vector.extract_strided_slice %max3A_62 {offsets = [9], sizes = [1], strides = [1]} : vector<16xi32> to vector<1xi32>
      %squeeze3A_115 = vector.extract %slice3A_114[0] : i32 from vector<1xi32>
      %max3A_116 = arith.maxsi %max3A_110, %squeeze3A_115 : i32
      %slice3A_117 = vector.extract_strided_slice %min3A_63 {offsets = [9], sizes = [1], strides = [1]} : vector<16xi32> to vector<1xi32>
      %squeeze3A_118 = vector.extract %slice3A_117[0] : i32 from vector<1xi32>
      %min3A_119 = arith.minsi %min3A_113, %squeeze3A_118 : i32
      %slice3A_120 = vector.extract_strided_slice %max3A_62 {offsets = [10], sizes = [1], strides = [1]} : vector<16xi32> to vector<1xi32>
      %squeeze3A_121 = vector.extract %slice3A_120[0] : i32 from vector<1xi32>
      %max3A_122 = arith.maxsi %max3A_116, %squeeze3A_121 : i32
      %slice3A_123 = vector.extract_strided_slice %min3A_63 {offsets = [10], sizes = [1], strides = [1]} : vector<16xi32> to vector<1xi32>
      %squeeze3A_124 = vector.extract %slice3A_123[0] : i32 from vector<1xi32>
      %min3A_125 = arith.minsi %min3A_119, %squeeze3A_124 : i32
      %slice3A_126 = vector.extract_strided_slice %max3A_62 {offsets = [11], sizes = [1], strides = [1]} : vector<16xi32> to vector<1xi32>
      %squeeze3A_127 = vector.extract %slice3A_126[0] : i32 from vector<1xi32>
      %max3A_128 = arith.maxsi %max3A_122, %squeeze3A_127 : i32
      %slice3A_129 = vector.extract_strided_slice %min3A_63 {offsets = [11], sizes = [1], strides = [1]} : vector<16xi32> to vector<1xi32>
      %squeeze3A_130 = vector.extract %slice3A_129[0] : i32 from vector<1xi32>
      %min3A_131 = arith.minsi %min3A_125, %squeeze3A_130 : i32
      %slice3A_132 = vector.extract_strided_slice %max3A_62 {offsets = [12], sizes = [1], strides = [1]} : vector<16xi32> to vector<1xi32>
      %squeeze3A_133 = vector.extract %slice3A_132[0] : i32 from vector<1xi32>
      %max3A_134 = arith.maxsi %max3A_128, %squeeze3A_133 : i32
      %slice3A_135 = vector.extract_strided_slice %min3A_63 {offsets = [12], sizes = [1], strides = [1]} : vector<16xi32> to vector<1xi32>
      %squeeze3A_136 = vector.extract %slice3A_135[0] : i32 from vector<1xi32>
      %min3A_137 = arith.minsi %min3A_131, %squeeze3A_136 : i32
      %slice3A_138 = vector.extract_strided_slice %max3A_62 {offsets = [13], sizes = [1], strides = [1]} : vector<16xi32> to vector<1xi32>
      %squeeze3A_139 = vector.extract %slice3A_138[0] : i32 from vector<1xi32>
      %max3A_140 = arith.maxsi %max3A_134, %squeeze3A_139 : i32
      %slice3A_141 = vector.extract_strided_slice %min3A_63 {offsets = [13], sizes = [1], strides = [1]} : vector<16xi32> to vector<1xi32>
      %squeeze3A_142 = vector.extract %slice3A_141[0] : i32 from vector<1xi32>
      %min3A_143 = arith.minsi %min3A_137, %squeeze3A_142 : i32
      %slice3A_144 = vector.extract_strided_slice %max3A_62 {offsets = [14], sizes = [1], strides = [1]} : vector<16xi32> to vector<1xi32>
      %squeeze3A_145 = vector.extract %slice3A_144[0] : i32 from vector<1xi32>
      %max3A_146 = arith.maxsi %max3A_140, %squeeze3A_145 : i32
      %slice3A_147 = vector.extract_strided_slice %min3A_63 {offsets = [14], sizes = [1], strides = [1]} : vector<16xi32> to vector<1xi32>
      %squeeze3A_148 = vector.extract %slice3A_147[0] : i32 from vector<1xi32>
      %min3A_149 = arith.minsi %min3A_143, %squeeze3A_148 : i32
      %slice3A_150 = vector.extract_strided_slice %max3A_62 {offsets = [15], sizes = [1], strides = [1]} : vector<16xi32> to vector<1xi32>
      %squeeze3A_151 = vector.extract %slice3A_150[0] : i32 from vector<1xi32>
      %max3A_152 = arith.maxsi %max3A_146, %squeeze3A_151 : i32
      %slice3A_153 = vector.extract_strided_slice %min3A_63 {offsets = [15], sizes = [1], strides = [1]} : vector<16xi32> to vector<1xi32>
      %squeeze3A_154 = vector.extract %slice3A_153[0] : i32 from vector<1xi32>
      %min3A_155 = arith.minsi %min3A_149, %squeeze3A_154 : i32
      %scan3A_156 = arith.constant 0 : i32
      %scan3A_157 = arith.constant 784 : i32
      %scan3A_158 = arith.addi %scan3A_156, %scan3A_157 : i32
      %scan3A_159 = arith.constant 1 : i32
      %scan3A_160 = scf.for %scan3A_248 = %scan3A_156 to %scan3A_158 step %scan3A_159 iter_args(%scan3A_249 = %broadcast_in_dim3A_1) -> (vector<16xi32>)  : i32 {
        %mul3A_250 = arith.constant 64 : i32
        %mul3A_251 = arith.muli %scan3A_248, %mul3A_250 : i32
        %add3A_252 = arith.constant 0 : i32
        %add3A_253 = arith.addi %mul3A_251, %add3A_252 : i32
        %get3A_254 = arith.index_cast %add3A_253 : i32 to index
        %get3A_255 = tpu.vector_load %arg5[%get3A_254] {strides = array<i32>} : memref<50176xi32, #tpu.memory_space<vmem>>, vector<16xi32>,
        %add3A_256 = arith.constant 16 : i32
        %add3A_257 = arith.addi %mul3A_251, %add3A_256 : i32
        %get3A_258 = arith.index_cast %add3A_257 : i32 to index
        %get3A_259 = tpu.vector_load %arg5[%get3A_258] {strides = array<i32>} : memref<50176xi32, #tpu.memory_space<vmem>>, vector<16xi32>,
        %add3A_260 = arith.constant 32 : i32
        %add3A_261 = arith.addi %mul3A_251, %add3A_260 : i32
        %get3A_262 = arith.index_cast %add3A_261 : i32 to index
        %get3A_263 = tpu.vector_load %arg5[%get3A_262] {strides = array<i32>} : memref<50176xi32, #tpu.memory_space<vmem>>, vector<16xi32>,
        %add3A_264 = arith.constant 48 : i32
        %add3A_265 = arith.addi %mul3A_251, %add3A_264 : i32
        %get3A_266 = arith.index_cast %add3A_265 : i32 to index
        %get3A_267 = tpu.vector_load %arg5[%get3A_266] {strides = array<i32>} : memref<50176xi32, #tpu.memory_space<vmem>>, vector<16xi32>,
        %le3A = vector.broadcast %max3A_152 : i32 to vector<16xi32>
        %le3A_268 = arith.cmpi sle, %get3A_255, %le3A : vector<16xi32>
        %le3A_269 = vector.broadcast %max3A_152 : i32 to vector<16xi32>
        %le3A_270 = arith.cmpi sle, %get3A_259, %le3A_269 : vector<16xi32>
        %le3A_271 = vector.broadcast %max3A_152 : i32 to vector<16xi32>
        %le3A_272 = arith.cmpi sle, %get3A_263, %le3A_271 : vector<16xi32>
        %le3A_273 = vector.broadcast %max3A_152 : i32 to vector<16xi32>
        %le3A_274 = arith.cmpi sle, %get3A_267, %le3A_273 : vector<16xi32>
        %jit3A_275 = arith.constant 1 : i32
        %jit3A_276 = arith.constant 0 : i32
        %broadcast_in_dim3A_277 = vector.broadcast %jit3A_275 : i32 to vector<16xi32>
        %broadcast_in_dim3A_278 = vector.broadcast %jit3A_276 : i32 to vector<16xi32>
        %select_n3A_279 = arith.select %le3A_268, %broadcast_in_dim3A_277, %broadcast_in_dim3A_278 : vector<16xi1>, vector<16xi32>
        %broadcast_in_dim3A_280 = arith.constant true
        %broadcast_in_dim3A_281 = vector.broadcast %broadcast_in_dim3A_280 : i1 to vector<16xi1>
        %masked_cumsum3A = tpu.scan <sum>, %select_n3A_279 masked %broadcast_in_dim3A_281 : vector<16xi32>, vector<16xi1> -> vector<16xi32>
        %jit3A_282 = arith.constant 1 : i32
        %jit3A_283 = arith.constant 0 : i32
        %broadcast_in_dim3A_284 = vector.broadcast %jit3A_282 : i32 to vector<16xi32>
        %broadcast_in_dim3A_285 = vector.broadcast %jit3A_283 : i32 to vector<16xi32>
        %select_n3A_286 = arith.select %le3A_270, %broadcast_in_dim3A_284, %broadcast_in_dim3A_285 : vector<16xi1>, vector<16xi32>
        %broadcast_in_dim3A_287 = arith.constant true
        %broadcast_in_dim3A_288 = vector.broadcast %broadcast_in_dim3A_287 : i1 to vector<16xi1>
        %masked_cumsum3A_289 = tpu.scan <sum>, %select_n3A_286 masked %broadcast_in_dim3A_288 : vector<16xi32>, vector<16xi1> -> vector<16xi32>
        %jit3A_290 = arith.constant 1 : i32
        %jit3A_291 = arith.constant 0 : i32
        %broadcast_in_dim3A_292 = vector.broadcast %jit3A_290 : i32 to vector<16xi32>
        %broadcast_in_dim3A_293 = vector.broadcast %jit3A_291 : i32 to vector<16xi32>
        %select_n3A_294 = arith.select %le3A_272, %broadcast_in_dim3A_292, %broadcast_in_dim3A_293 : vector<16xi1>, vector<16xi32>
        %broadcast_in_dim3A_295 = arith.constant true
        %broadcast_in_dim3A_296 = vector.broadcast %broadcast_in_dim3A_295 : i1 to vector<16xi1>
        %masked_cumsum3A_297 = tpu.scan <sum>, %select_n3A_294 masked %broadcast_in_dim3A_296 : vector<16xi32>, vector<16xi1> -> vector<16xi32>
        %jit3A_298 = arith.constant 1 : i32
        %jit3A_299 = arith.constant 0 : i32
        %broadcast_in_dim3A_300 = vector.broadcast %jit3A_298 : i32 to vector<16xi32>
        %broadcast_in_dim3A_301 = vector.broadcast %jit3A_299 : i32 to vector<16xi32>
        %select_n3A_302 = arith.select %le3A_274, %broadcast_in_dim3A_300, %broadcast_in_dim3A_301 : vector<16xi1>, vector<16xi32>
        %broadcast_in_dim3A_303 = arith.constant true
        %broadcast_in_dim3A_304 = vector.broadcast %broadcast_in_dim3A_303 : i1 to vector<16xi1>
        %masked_cumsum3A_305 = tpu.scan <sum>, %select_n3A_302 masked %broadcast_in_dim3A_304 : vector<16xi32>, vector<16xi1> -> vector<16xi32>
        %min3A_306 = arith.constant 8127 : i32
        %min3A_307 = vector.broadcast %min3A_306 : i32 to vector<16xi32>
        %min3A_308 = arith.minsi %scan3A_249, %min3A_307 : vector<16xi32>
        %sub3A_309 = arith.constant 1 : i32
        %sub3A_310 = vector.broadcast %sub3A_309 : i32 to vector<16xi32>
        %sub3A_311 = arith.subi %min3A_308, %sub3A_310 : vector<16xi32>
        %add3A_312 = arith.addi %sub3A_311, %masked_cumsum3A : vector<16xi32>
        tpu.vector_store_idx %arg6[%add3A_312], %get3A_255 masked %le3A_268 : memref<8192xi32, #tpu.memory_space<vmem>>[vector<16xi32>], vector<16xi32>, vector<16xi1>
        %add3A_313 = arith.constant 0 : i32
        %add3A_314 = arith.addi %mul3A_251, %add3A_313 : i32
        %add3A_315 = vector.broadcast %add3A_314 : i32 to vector<16xi32>
        %add3A_316 = arith.addi %add3A_315, %iota3A : vector<16xi32>
        tpu.vector_store_idx %arg7[%add3A_312], %add3A_316 masked %le3A_268 : memref<8192xi32, #tpu.memory_space<vmem>>[vector<16xi32>], vector<16xi32>, vector<16xi1>
        %all_reduce_population_count3A = tpu.all_reduce %le3A_268 {dim = 0 : i64, kind = #tpu.reduction_kind<sum>} : vector<16xi1> -> vector<16xi32>
        %add3A_317 = arith.addi %sub3A_311, %all_reduce_population_count3A : vector<16xi32>
        %add3A_318 = arith.addi %add3A_317, %masked_cumsum3A_289 : vector<16xi32>
        tpu.vector_store_idx %arg6[%add3A_318], %get3A_259 masked %le3A_270 : memref<8192xi32, #tpu.memory_space<vmem>>[vector<16xi32>], vector<16xi32>, vector<16xi1>
        %add3A_319 = arith.constant 16 : i32
        %add3A_320 = arith.addi %mul3A_251, %add3A_319 : i32
        %add3A_321 = vector.broadcast %add3A_320 : i32 to vector<16xi32>
        %add3A_322 = arith.addi %add3A_321, %iota3A : vector<16xi32>
        tpu.vector_store_idx %arg7[%add3A_318], %add3A_322 masked %le3A_270 : memref<8192xi32, #tpu.memory_space<vmem>>[vector<16xi32>], vector<16xi32>, vector<16xi1>
        %all_reduce_population_count3A_323 = tpu.all_reduce %le3A_270 {dim = 0 : i64, kind = #tpu.reduction_kind<sum>} : vector<16xi1> -> vector<16xi32>
        %add3A_324 = arith.addi %add3A_317, %all_reduce_population_count3A_323 : vector<16xi32>
        %add3A_325 = arith.addi %add3A_324, %masked_cumsum3A_297 : vector<16xi32>
        tpu.vector_store_idx %arg6[%add3A_325], %get3A_263 masked %le3A_272 : memref<8192xi32, #tpu.memory_space<vmem>>[vector<16xi32>], vector<16xi32>, vector<16xi1>
        %add3A_326 = arith.constant 32 : i32
        %add3A_327 = arith.addi %mul3A_251, %add3A_326 : i32
        %add3A_328 = vector.broadcast %add3A_327 : i32 to vector<16xi32>
        %add3A_329 = arith.addi %add3A_328, %iota3A : vector<16xi32>
        tpu.vector_store_idx %arg7[%add3A_325], %add3A_329 masked %le3A_272 : memref<8192xi32, #tpu.memory_space<vmem>>[vector<16xi32>], vector<16xi32>, vector<16xi1>
        %all_reduce_population_count3A_330 = tpu.all_reduce %le3A_272 {dim = 0 : i64, kind = #tpu.reduction_kind<sum>} : vector<16xi1> -> vector<16xi32>
        %add3A_331 = arith.addi %add3A_324, %all_reduce_population_count3A_330 : vector<16xi32>
        %add3A_332 = arith.addi %add3A_331, %masked_cumsum3A_305 : vector<16xi32>
        tpu.vector_store_idx %arg6[%add3A_332], %get3A_267 masked %le3A_274 : memref<8192xi32, #tpu.memory_space<vmem>>[vector<16xi32>], vector<16xi32>, vector<16xi1>
        %add3A_333 = arith.constant 48 : i32
        %add3A_334 = arith.addi %mul3A_251, %add3A_333 : i32
        %add3A_335 = vector.broadcast %add3A_334 : i32 to vector<16xi32>
        %add3A_336 = arith.addi %add3A_335, %iota3A : vector<16xi32>
        tpu.vector_store_idx %arg7[%add3A_332], %add3A_336 masked %le3A_274 : memref<8192xi32, #tpu.memory_space<vmem>>[vector<16xi32>], vector<16xi32>, vector<16xi1>
        %all_reduce_population_count3A_337 = tpu.all_reduce %le3A_274 {dim = 0 : i64, kind = #tpu.reduction_kind<sum>} : vector<16xi1> -> vector<16xi32>
        %add3A_338 = arith.addi %add3A_331, %all_reduce_population_count3A_337 : vector<16xi32>
        %add3A_339 = arith.constant 1 : i32
        %add3A_340 = vector.broadcast %add3A_339 : i32 to vector<16xi32>
        %add3A_341 = arith.addi %add3A_338, %add3A_340 : vector<16xi32>
        scf.yield %add3A_341 : vector<16xi32>
      }
      %scan3A_161 = arith.constant 784 : i32
      %lt3A = arith.constant 7 : i32
      %lt3A_162 = arith.cmpi slt, %scan3A_29, %lt3A : i32
      %convert_element_type3A = arith.extui %lt3A_162 : i1 to i32
      %cond3A = arith.constant 0 : i32
      %cond3A_163 = arith.cmpi ne, %convert_element_type3A, %cond3A : i32
      scf.if %cond3A_163 {
        %add3A_248 = arith.constant 1 : i32
        %add3A_249 = arith.addi %add3A_32, %add3A_248 : i32
        %dma_start3A_250 = arith.constant 0 : i32
        %dma_start3A_251 = tpu.memref_slice %arg2[%add3A_249, %dma_start3A_250] : memref<256x50176xi32, #tpu.memory_space<hbm>> -> memref<1x50176xi32, #tpu.memory_space<hbm>>
        %dma_start3A_252 = tpu.memref_squeeze %dma_start3A_251 : memref<1x50176xi32, #tpu.memory_space<hbm>> -> memref<50176xi32, #tpu.memory_space<hbm>>
        %dma_start3A_253 = arith.constant 0 : i32
        %dma_start3A_254 = tpu.memref_slice %arg2[%add3A_249, %dma_start3A_253] : memref<256x50176xi32, #tpu.memory_space<hbm>> -> memref<1x50176xi32, #tpu.memory_space<hbm>>
        %dma_start3A_255 = tpu.memref_squeeze %dma_start3A_254 : memref<1x50176xi32, #tpu.memory_space<hbm>> -> memref<50176xi32, #tpu.memory_space<hbm>>
        tpu.enqueue_dma source(%dma_start3A_255 : memref<50176xi32, #tpu.memory_space<hbm>>) target(%arg5 : memref<50176xi32, #tpu.memory_space<vmem>>) target_semaphore(%arg12 : memref<!tpu.dma_semaphore, #tpu.memory_space<semaphore_mem>>)
      } else {
      }
      %slice3A_164 = vector.extract_strided_slice %scan3A_160 {offsets = [0], sizes = [1], strides = [1]} : vector<16xi32> to vector<1xi32>
      %squeeze3A_165 = vector.extract %slice3A_164[0] : i32 from vector<1xi32>
      %min3A_166 = arith.constant 8192 : i32
      %min3A_167 = arith.minsi %squeeze3A_165, %min3A_166 : i32
      %add3A_168 = vector.broadcast %min3A_167 : i32 to vector<16xi32>
      %add3A_169 = arith.addi %add3A_168, %iota3A : vector<16xi32>
      %min3A_170 = arith.constant 8191 : i32
      %min3A_171 = vector.broadcast %min3A_170 : i32 to vector<16xi32>
      %min3A_172 = arith.minsi %add3A_169, %min3A_171 : vector<16xi32>
      %add3A_173 = vector.broadcast %min3A_167 : i32 to vector<16xi32>
      %add3A_174 = arith.addi %add3A_173, %iota3A : vector<16xi32>
      %lt3A_175 = arith.constant 8192 : i32
      %lt3A_176 = vector.broadcast %lt3A_175 : i32 to vector<16xi32>
      %lt3A_177 = arith.cmpi slt, %add3A_174, %lt3A_176 : vector<16xi32>
      tpu.vector_store_idx %arg6[%min3A_172], %broadcast_in_dim3A_3 masked %lt3A_177 : memref<8192xi32, #tpu.memory_space<vmem>>[vector<16xi32>], vector<16xi32>, vector<16xi1>
      %add3A_178 = arith.constant 16 : i32
      %add3A_179 = arith.addi %min3A_167, %add3A_178 : i32
      %add3A_180 = vector.broadcast %add3A_179 : i32 to vector<16xi32>
      %add3A_181 = arith.addi %add3A_180, %iota3A : vector<16xi32>
      %min3A_182 = arith.constant 8191 : i32
      %min3A_183 = vector.broadcast %min3A_182 : i32 to vector<16xi32>
      %min3A_184 = arith.minsi %add3A_181, %min3A_183 : vector<16xi32>
      %add3A_185 = arith.constant 16 : i32
      %add3A_186 = arith.addi %min3A_167, %add3A_185 : i32
      %add3A_187 = vector.broadcast %add3A_186 : i32 to vector<16xi32>
      %add3A_188 = arith.addi %add3A_187, %iota3A : vector<16xi32>
      %lt3A_189 = arith.constant 8192 : i32
      %lt3A_190 = vector.broadcast %lt3A_189 : i32 to vector<16xi32>
      %lt3A_191 = arith.cmpi slt, %add3A_188, %lt3A_190 : vector<16xi32>
      tpu.vector_store_idx %arg6[%min3A_184], %broadcast_in_dim3A_3 masked %lt3A_191 : memref<8192xi32, #tpu.memory_space<vmem>>[vector<16xi32>], vector<16xi32>, vector<16xi1>
      %add3A_192 = arith.constant 31 : i32
      %add3A_193 = arith.addi %min3A_167, %add3A_192 : i32
      %shift_right_arithmetic3A = arith.constant 5 : i32
      %shift_right_arithmetic3A_194 = arith.shrsi %add3A_193, %shift_right_arithmetic3A : i32
      %while3A:2 = scf.while (%while3A_248 = %min3A_155, %while3A_249 = %max3A_152) : (i32, i32) -> (i32, i32) {
        %lt3A_250 = arith.cmpi slt, %while3A_248, %while3A_249 : i32
        scf.condition(%lt3A_250) %while3A_248, %while3A_249 : i32, i32
      } do {
      ^bb0(%while3A_248: i32, %while3A_249: i32):
        %sub3A_250 = arith.subi %while3A_249, %while3A_248 : i32
        %shift_right_arithmetic3A_251 = arith.constant 1 : i32
        %shift_right_arithmetic3A_252 = arith.shrsi %sub3A_250, %shift_right_arithmetic3A_251 : i32
        %add3A_253 = arith.addi %while3A_248, %shift_right_arithmetic3A_252 : i32
        %while3A_254 = arith.constant 0 : i32
        %while3A_255 = arith.subi %shift_right_arithmetic3A_194, %while3A_254 : i32
        %while3A_256 = arith.addi %while3A_254, %while3A_255 : i32
        %while3A_257 = arith.constant 1 : i32
        %while3A_258 = arith.divsi %while3A_255, %while3A_257 : i32
        %while3A_259 = arith.muli %while3A_258, %while3A_257 : i32
        %while3A_260 = arith.addi %while3A_254, %while3A_259 : i32
        %while3A_261 = arith.constant 1 : i32
        %while3A_262 = scf.for %while3A_272 = %while3A_254 to %while3A_260 step %while3A_261 iter_args(%while3A_273 = %broadcast_in_dim3A_1) -> (vector<16xi32>)  : i32 {
          %mul3A_274 = arith.constant 32 : i32
          %mul3A_275 = arith.muli %while3A_272, %mul3A_274 : i32
          %get3A_276 = arith.index_cast %mul3A_275 : i32 to index
          %get3A_277 = tpu.vector_load %arg6[%get3A_276] {strides = array<i32>} : memref<8192xi32, #tpu.memory_space<vmem>>, vector<16xi32>,
          %le3A = vector.broadcast %add3A_253 : i32 to vector<16xi32>
          %le3A_278 = arith.cmpi sle, %get3A_277, %le3A : vector<16xi32>
          %all_reduce_population_count3A = tpu.all_reduce %le3A_278 {dim = 0 : i64, kind = #tpu.reduction_kind<sum>} : vector<16xi1> -> vector<16xi32>
          %add3A_279 = arith.addi %while3A_273, %all_reduce_population_count3A : vector<16xi32>
          %mul3A_280 = arith.constant 32 : i32
          %mul3A_281 = arith.muli %while3A_272, %mul3A_280 : i32
          %add3A_282 = arith.constant 16 : i32
          %add3A_283 = arith.addi %mul3A_281, %add3A_282 : i32
          %get3A_284 = arith.index_cast %add3A_283 : i32 to index
          %get3A_285 = tpu.vector_load %arg6[%get3A_284] {strides = array<i32>} : memref<8192xi32, #tpu.memory_space<vmem>>, vector<16xi32>,
          %le3A_286 = vector.broadcast %add3A_253 : i32 to vector<16xi32>
          %le3A_287 = arith.cmpi sle, %get3A_285, %le3A_286 : vector<16xi32>
          %all_reduce_population_count3A_288 = tpu.all_reduce %le3A_287 {dim = 0 : i64, kind = #tpu.reduction_kind<sum>} : vector<16xi1> -> vector<16xi32>
          %add3A_289 = arith.addi %add3A_279, %all_reduce_population_count3A_288 : vector<16xi32>
          scf.yield %add3A_289 : vector<16xi32>
        }
        %while3A_263 = arith.constant 1 : i32
        %while3A_264 = scf.for %while3A_272 = %while3A_260 to %while3A_256 step %while3A_263 iter_args(%while3A_273 = %while3A_262) -> (vector<16xi32>)  : i32 {
          %mul3A_274 = arith.constant 32 : i32
          %mul3A_275 = arith.muli %while3A_272, %mul3A_274 : i32
          %get3A_276 = arith.index_cast %mul3A_275 : i32 to index
          %get3A_277 = tpu.vector_load %arg6[%get3A_276] {strides = array<i32>} : memref<8192xi32, #tpu.memory_space<vmem>>, vector<16xi32>,
          %le3A = vector.broadcast %add3A_253 : i32 to vector<16xi32>
          %le3A_278 = arith.cmpi sle, %get3A_277, %le3A : vector<16xi32>
          %all_reduce_population_count3A = tpu.all_reduce %le3A_278 {dim = 0 : i64, kind = #tpu.reduction_kind<sum>} : vector<16xi1> -> vector<16xi32>
          %add3A_279 = arith.addi %while3A_273, %all_reduce_population_count3A : vector<16xi32>
          %mul3A_280 = arith.constant 32 : i32
          %mul3A_281 = arith.muli %while3A_272, %mul3A_280 : i32
          %add3A_282 = arith.constant 16 : i32
          %add3A_283 = arith.addi %mul3A_281, %add3A_282 : i32
          %get3A_284 = arith.index_cast %add3A_283 : i32 to index
          %get3A_285 = tpu.vector_load %arg6[%get3A_284] {strides = array<i32>} : memref<8192xi32, #tpu.memory_space<vmem>>, vector<16xi32>,
          %le3A_286 = vector.broadcast %add3A_253 : i32 to vector<16xi32>
          %le3A_287 = arith.cmpi sle, %get3A_285, %le3A_286 : vector<16xi32>
          %all_reduce_population_count3A_288 = tpu.all_reduce %le3A_287 {dim = 0 : i64, kind = #tpu.reduction_kind<sum>} : vector<16xi1> -> vector<16xi32>
          %add3A_289 = arith.addi %add3A_279, %all_reduce_population_count3A_288 : vector<16xi32>
          scf.yield %add3A_289 : vector<16xi32>
        }
        %slice3A_265 = vector.extract_strided_slice %while3A_264 {offsets = [0], sizes = [1], strides = [1]} : vector<16xi32> to vector<1xi32>
        %squeeze3A_266 = vector.extract %slice3A_265[0] : i32 from vector<1xi32>
        %ge3A = arith.constant 96 : i32
        %ge3A_267 = arith.cmpi sge, %squeeze3A_266, %ge3A : i32
        %add3A_268 = arith.constant 1 : i32
        %add3A_269 = arith.addi %add3A_253, %add3A_268 : i32
        %select_n3A_270 = arith.select %ge3A_267, %while3A_248, %add3A_269 : i32
        %select_n3A_271 = arith.select %ge3A_267, %add3A_253, %while3A_249 : i32
        scf.yield %select_n3A_270, %select_n3A_271 : i32, i32
      }
      %eq3A = arith.cmpi eq, %while3A#1, %scan3A_11 : i32
      %sub3A_195 = arith.constant 1 : i32
      %sub3A_196 = arith.subi %while3A#1, %sub3A_195 : i32
      %while3A_197 = arith.constant 0 : i32
      %while3A_198 = arith.subi %shift_right_arithmetic3A_194, %while3A_197 : i32
      %while3A_199 = arith.addi %while3A_197, %while3A_198 : i32
      %while3A_200 = arith.constant 1 : i32
      %while3A_201 = arith.divsi %while3A_198, %while3A_200 : i32
      %while3A_202 = arith.muli %while3A_201, %while3A_200 : i32
      %while3A_203 = arith.addi %while3A_197, %while3A_202 : i32
      %while3A_204 = arith.constant 1 : i32
      %while3A_205 = scf.for %while3A_248 = %while3A_197 to %while3A_203 step %while3A_204 iter_args(%while3A_249 = %broadcast_in_dim3A_1) -> (vector<16xi32>)  : i32 {
        %mul3A_250 = arith.constant 32 : i32
        %mul3A_251 = arith.muli %while3A_248, %mul3A_250 : i32
        %get3A_252 = arith.index_cast %mul3A_251 : i32 to index
        %get3A_253 = tpu.vector_load %arg6[%get3A_252] {strides = array<i32>} : memref<8192xi32, #tpu.memory_space<vmem>>, vector<16xi32>,
        %le3A = vector.broadcast %sub3A_196 : i32 to vector<16xi32>
        %le3A_254 = arith.cmpi sle, %get3A_253, %le3A : vector<16xi32>
        %all_reduce_population_count3A = tpu.all_reduce %le3A_254 {dim = 0 : i64, kind = #tpu.reduction_kind<sum>} : vector<16xi1> -> vector<16xi32>
        %add3A_255 = arith.addi %while3A_249, %all_reduce_population_count3A : vector<16xi32>
        %mul3A_256 = arith.constant 32 : i32
        %mul3A_257 = arith.muli %while3A_248, %mul3A_256 : i32
        %add3A_258 = arith.constant 16 : i32
        %add3A_259 = arith.addi %mul3A_257, %add3A_258 : i32
        %get3A_260 = arith.index_cast %add3A_259 : i32 to index
        %get3A_261 = tpu.vector_load %arg6[%get3A_260] {strides = array<i32>} : memref<8192xi32, #tpu.memory_space<vmem>>, vector<16xi32>,
        %le3A_262 = vector.broadcast %sub3A_196 : i32 to vector<16xi32>
        %le3A_263 = arith.cmpi sle, %get3A_261, %le3A_262 : vector<16xi32>
        %all_reduce_population_count3A_264 = tpu.all_reduce %le3A_263 {dim = 0 : i64, kind = #tpu.reduction_kind<sum>} : vector<16xi1> -> vector<16xi32>
        %add3A_265 = arith.addi %add3A_255, %all_reduce_population_count3A_264 : vector<16xi32>
        scf.yield %add3A_265 : vector<16xi32>
      }
      %while3A_206 = arith.constant 1 : i32
      %while3A_207 = scf.for %while3A_248 = %while3A_203 to %while3A_199 step %while3A_206 iter_args(%while3A_249 = %while3A_205) -> (vector<16xi32>)  : i32 {
        %mul3A_250 = arith.constant 32 : i32
        %mul3A_251 = arith.muli %while3A_248, %mul3A_250 : i32
        %get3A_252 = arith.index_cast %mul3A_251 : i32 to index
        %get3A_253 = tpu.vector_load %arg6[%get3A_252] {strides = array<i32>} : memref<8192xi32, #tpu.memory_space<vmem>>, vector<16xi32>,
        %le3A = vector.broadcast %sub3A_196 : i32 to vector<16xi32>
        %le3A_254 = arith.cmpi sle, %get3A_253, %le3A : vector<16xi32>
        %all_reduce_population_count3A = tpu.all_reduce %le3A_254 {dim = 0 : i64, kind = #tpu.reduction_kind<sum>} : vector<16xi1> -> vector<16xi32>
        %add3A_255 = arith.addi %while3A_249, %all_reduce_population_count3A : vector<16xi32>
        %mul3A_256 = arith.constant 32 : i32
        %mul3A_257 = arith.muli %while3A_248, %mul3A_256 : i32
        %add3A_258 = arith.constant 16 : i32
        %add3A_259 = arith.addi %mul3A_257, %add3A_258 : i32
        %get3A_260 = arith.index_cast %add3A_259 : i32 to index
        %get3A_261 = tpu.vector_load %arg6[%get3A_260] {strides = array<i32>} : memref<8192xi32, #tpu.memory_space<vmem>>, vector<16xi32>,
        %le3A_262 = vector.broadcast %sub3A_196 : i32 to vector<16xi32>
        %le3A_263 = arith.cmpi sle, %get3A_261, %le3A_262 : vector<16xi32>
        %all_reduce_population_count3A_264 = tpu.all_reduce %le3A_263 {dim = 0 : i64, kind = #tpu.reduction_kind<sum>} : vector<16xi1> -> vector<16xi32>
        %add3A_265 = arith.addi %add3A_255, %all_reduce_population_count3A_264 : vector<16xi32>
        scf.yield %add3A_265 : vector<16xi32>
      }
      %slice3A_208 = vector.extract_strided_slice %while3A_207 {offsets = [0], sizes = [1], strides = [1]} : vector<16xi32> to vector<1xi32>
      %squeeze3A_209 = vector.extract %slice3A_208[0] : i32 from vector<1xi32>
      %jit3A = arith.constant 0 : i32
      %select_n3A = arith.select %eq3A, %jit3A, %squeeze3A_209 : i32
      %sub3A_210 = arith.constant 96 : i32
      %sub3A_211 = arith.subi %sub3A_210, %select_n3A : i32
      %while3A_212 = arith.constant 0 : i32
      %while3A_213 = arith.constant 50176 : i32
      %while3A_214:2 = scf.while (%while3A_248 = %while3A_212, %while3A_249 = %while3A_213) : (i32, i32) -> (i32, i32) {
        %lt3A_250 = arith.cmpi slt, %while3A_248, %while3A_249 : i32
        scf.condition(%lt3A_250) %while3A_248, %while3A_249 : i32, i32
      } do {
      ^bb0(%while3A_248: i32, %while3A_249: i32):
        %sub3A_250 = arith.subi %while3A_249, %while3A_248 : i32
        %shift_right_arithmetic3A_251 = arith.constant 1 : i32
        %shift_right_arithmetic3A_252 = arith.shrsi %sub3A_250, %shift_right_arithmetic3A_251 : i32
        %add3A_253 = arith.addi %while3A_248, %shift_right_arithmetic3A_252 : i32
        %while3A_254 = arith.constant 0 : i32
        %while3A_255 = arith.subi %shift_right_arithmetic3A_194, %while3A_254 : i32
        %while3A_256 = arith.addi %while3A_254, %while3A_255 : i32
        %while3A_257 = arith.constant 1 : i32
        %while3A_258 = arith.divsi %while3A_255, %while3A_257 : i32
        %while3A_259 = arith.muli %while3A_258, %while3A_257 : i32
        %while3A_260 = arith.addi %while3A_254, %while3A_259 : i32
        %while3A_261 = arith.constant 1 : i32
        %while3A_262 = scf.for %while3A_271 = %while3A_254 to %while3A_260 step %while3A_261 iter_args(%while3A_272 = %broadcast_in_dim3A_1) -> (vector<16xi32>)  : i32 {
          %mul3A_273 = arith.constant 32 : i32
          %mul3A_274 = arith.muli %while3A_271, %mul3A_273 : i32
          %get3A_275 = arith.index_cast %mul3A_274 : i32 to index
          %get3A_276 = tpu.vector_load %arg6[%get3A_275] {strides = array<i32>} : memref<8192xi32, #tpu.memory_space<vmem>>, vector<16xi32>,
          %mul3A_277 = arith.constant 32 : i32
          %mul3A_278 = arith.muli %while3A_271, %mul3A_277 : i32
          %add3A_279 = arith.constant 16 : i32
          %add3A_280 = arith.addi %mul3A_278, %add3A_279 : i32
          %get3A_281 = arith.index_cast %add3A_280 : i32 to index
          %get3A_282 = tpu.vector_load %arg6[%get3A_281] {strides = array<i32>} : memref<8192xi32, #tpu.memory_space<vmem>>, vector<16xi32>,
          %mul3A_283 = arith.constant 32 : i32
          %mul3A_284 = arith.muli %while3A_271, %mul3A_283 : i32
          %get3A_285 = arith.index_cast %mul3A_284 : i32 to index
          %get3A_286 = tpu.vector_load %arg7[%get3A_285] {strides = array<i32>} : memref<8192xi32, #tpu.memory_space<vmem>>, vector<16xi32>,
          %mul3A_287 = arith.constant 32 : i32
          %mul3A_288 = arith.muli %while3A_271, %mul3A_287 : i32
          %add3A_289 = arith.constant 16 : i32
          %add3A_290 = arith.addi %mul3A_288, %add3A_289 : i32
          %get3A_291 = arith.index_cast %add3A_290 : i32 to index
          %get3A_292 = tpu.vector_load %arg7[%get3A_291] {strides = array<i32>} : memref<8192xi32, #tpu.memory_space<vmem>>, vector<16xi32>,
          %eq3A_293 = vector.broadcast %while3A#1 : i32 to vector<16xi32>
          %eq3A_294 = arith.cmpi eq, %get3A_276, %eq3A_293 : vector<16xi32>
          %lt3A_295 = vector.broadcast %add3A_253 : i32 to vector<16xi32>
          %lt3A_296 = arith.cmpi slt, %get3A_286, %lt3A_295 : vector<16xi32>
          %and3A = arith.andi %eq3A_294, %lt3A_296 : vector<16xi1>
          %all_reduce_population_count3A = tpu.all_reduce %and3A {dim = 0 : i64, kind = #tpu.reduction_kind<sum>} : vector<16xi1> -> vector<16xi32>
          %add3A_297 = arith.addi %while3A_272, %all_reduce_population_count3A : vector<16xi32>
          %eq3A_298 = vector.broadcast %while3A#1 : i32 to vector<16xi32>
          %eq3A_299 = arith.cmpi eq, %get3A_282, %eq3A_298 : vector<16xi32>
          %lt3A_300 = vector.broadcast %add3A_253 : i32 to vector<16xi32>
          %lt3A_301 = arith.cmpi slt, %get3A_292, %lt3A_300 : vector<16xi32>
          %and3A_302 = arith.andi %eq3A_299, %lt3A_301 : vector<16xi1>
          %all_reduce_population_count3A_303 = tpu.all_reduce %and3A_302 {dim = 0 : i64, kind = #tpu.reduction_kind<sum>} : vector<16xi1> -> vector<16xi32>
          %add3A_304 = arith.addi %add3A_297, %all_reduce_population_count3A_303 : vector<16xi32>
          scf.yield %add3A_304 : vector<16xi32>
        }
        %while3A_263 = arith.constant 1 : i32
        %while3A_264 = scf.for %while3A_271 = %while3A_260 to %while3A_256 step %while3A_263 iter_args(%while3A_272 = %while3A_262) -> (vector<16xi32>)  : i32 {
          %mul3A_273 = arith.constant 32 : i32
          %mul3A_274 = arith.muli %while3A_271, %mul3A_273 : i32
          %get3A_275 = arith.index_cast %mul3A_274 : i32 to index
          %get3A_276 = tpu.vector_load %arg6[%get3A_275] {strides = array<i32>} : memref<8192xi32, #tpu.memory_space<vmem>>, vector<16xi32>,
          %mul3A_277 = arith.constant 32 : i32
          %mul3A_278 = arith.muli %while3A_271, %mul3A_277 : i32
          %add3A_279 = arith.constant 16 : i32
          %add3A_280 = arith.addi %mul3A_278, %add3A_279 : i32
          %get3A_281 = arith.index_cast %add3A_280 : i32 to index
          %get3A_282 = tpu.vector_load %arg6[%get3A_281] {strides = array<i32>} : memref<8192xi32, #tpu.memory_space<vmem>>, vector<16xi32>,
          %mul3A_283 = arith.constant 32 : i32
          %mul3A_284 = arith.muli %while3A_271, %mul3A_283 : i32
          %get3A_285 = arith.index_cast %mul3A_284 : i32 to index
          %get3A_286 = tpu.vector_load %arg7[%get3A_285] {strides = array<i32>} : memref<8192xi32, #tpu.memory_space<vmem>>, vector<16xi32>,
          %mul3A_287 = arith.constant 32 : i32
          %mul3A_288 = arith.muli %while3A_271, %mul3A_287 : i32
          %add3A_289 = arith.constant 16 : i32
          %add3A_290 = arith.addi %mul3A_288, %add3A_289 : i32
          %get3A_291 = arith.index_cast %add3A_290 : i32 to index
          %get3A_292 = tpu.vector_load %arg7[%get3A_291] {strides = array<i32>} : memref<8192xi32, #tpu.memory_space<vmem>>, vector<16xi32>,
          %eq3A_293 = vector.broadcast %while3A#1 : i32 to vector<16xi32>
          %eq3A_294 = arith.cmpi eq, %get3A_276, %eq3A_293 : vector<16xi32>
          %lt3A_295 = vector.broadcast %add3A_253 : i32 to vector<16xi32>
          %lt3A_296 = arith.cmpi slt, %get3A_286, %lt3A_295 : vector<16xi32>
          %and3A = arith.andi %eq3A_294, %lt3A_296 : vector<16xi1>
          %all_reduce_population_count3A = tpu.all_reduce %and3A {dim = 0 : i64, kind = #tpu.reduction_kind<sum>} : vector<16xi1> -> vector<16xi32>
          %add3A_297 = arith.addi %while3A_272, %all_reduce_population_count3A : vector<16xi32>
          %eq3A_298 = vector.broadcast %while3A#1 : i32 to vector<16xi32>
          %eq3A_299 = arith.cmpi eq, %get3A_282, %eq3A_298 : vector<16xi32>
          %lt3A_300 = vector.broadcast %add3A_253 : i32 to vector<16xi32>
          %lt3A_301 = arith.cmpi slt, %get3A_292, %lt3A_300 : vector<16xi32>
          %and3A_302 = arith.andi %eq3A_299, %lt3A_301 : vector<16xi1>
          %all_reduce_population_count3A_303 = tpu.all_reduce %and3A_302 {dim = 0 : i64, kind = #tpu.reduction_kind<sum>} : vector<16xi1> -> vector<16xi32>
          %add3A_304 = arith.addi %add3A_297, %all_reduce_population_count3A_303 : vector<16xi32>
          scf.yield %add3A_304 : vector<16xi32>
        }
        %slice3A_265 = vector.extract_strided_slice %while3A_264 {offsets = [0], sizes = [1], strides = [1]} : vector<16xi32> to vector<1xi32>
        %squeeze3A_266 = vector.extract %slice3A_265[0] : i32 from vector<1xi32>
        %ge3A = arith.cmpi sge, %squeeze3A_266, %sub3A_211 : i32
        %add3A_267 = arith.constant 1 : i32
        %add3A_268 = arith.addi %add3A_253, %add3A_267 : i32
        %select_n3A_269 = arith.select %ge3A, %while3A_248, %add3A_268 : i32
        %select_n3A_270 = arith.select %ge3A, %add3A_253, %while3A_249 : i32
        scf.yield %select_n3A_269, %select_n3A_270 : i32, i32
      }
      %add3A_215 = arith.constant 15 : i32
      %add3A_216 = arith.addi %min3A_167, %add3A_215 : i32
      %shift_right_arithmetic3A_217 = arith.constant 4 : i32
      %shift_right_arithmetic3A_218 = arith.shrsi %add3A_216, %shift_right_arithmetic3A_217 : i32
      %while3A_219 = arith.constant 0 : i32
      %while3A_220 = arith.subi %shift_right_arithmetic3A_218, %while3A_219 : i32
      %while3A_221 = arith.addi %while3A_219, %while3A_220 : i32
      %while3A_222 = arith.constant 1 : i32
      %while3A_223 = arith.divsi %while3A_220, %while3A_222 : i32
      %while3A_224 = arith.muli %while3A_223, %while3A_222 : i32
      %while3A_225 = arith.addi %while3A_219, %while3A_224 : i32
      %while3A_226 = arith.constant 1 : i32
      %while3A_227 = scf.for %while3A_248 = %while3A_219 to %while3A_225 step %while3A_226 iter_args(%while3A_249 = %broadcast_in_dim3A_1) -> (vector<16xi32>)  : i32 {
        %mul3A_250 = arith.constant 16 : i32
        %mul3A_251 = arith.muli %while3A_248, %mul3A_250 : i32
        %get3A_252 = arith.index_cast %mul3A_251 : i32 to index
        %get3A_253 = tpu.vector_load %arg6[%get3A_252] {strides = array<i32>} : memref<8192xi32, #tpu.memory_space<vmem>>, vector<16xi32>,
        %mul3A_254 = arith.constant 16 : i32
        %mul3A_255 = arith.muli %while3A_248, %mul3A_254 : i32
        %get3A_256 = arith.index_cast %mul3A_255 : i32 to index
        %get3A_257 = tpu.vector_load %arg7[%get3A_256] {strides = array<i32>} : memref<8192xi32, #tpu.memory_space<vmem>>, vector<16xi32>,
        %lt3A_258 = vector.broadcast %while3A#1 : i32 to vector<16xi32>
        %lt3A_259 = arith.cmpi slt, %get3A_253, %lt3A_258 : vector<16xi32>
        %eq3A_260 = vector.broadcast %while3A#1 : i32 to vector<16xi32>
        %eq3A_261 = arith.cmpi eq, %get3A_253, %eq3A_260 : vector<16xi32>
        %lt3A_262 = vector.broadcast %while3A_214#1 : i32 to vector<16xi32>
        %lt3A_263 = arith.cmpi slt, %get3A_257, %lt3A_262 : vector<16xi32>
        %and3A = arith.andi %eq3A_261, %lt3A_263 : vector<16xi1>
        %or3A = arith.ori %lt3A_259, %and3A : vector<16xi1>
        %convert_element_type3A_264 = arith.extui %or3A : vector<16xi1> to vector<16xi32>
        %broadcast_in_dim3A_265 = arith.constant true
        %broadcast_in_dim3A_266 = vector.broadcast %broadcast_in_dim3A_265 : i1 to vector<16xi1>
        %masked_cumsum3A = tpu.scan <sum>, %convert_element_type3A_264 masked %broadcast_in_dim3A_266 : vector<16xi32>, vector<16xi1> -> vector<16xi32>
        %sub3A_267 = arith.subi %masked_cumsum3A, %convert_element_type3A_264 : vector<16xi32>
        %add3A_268 = arith.addi %while3A_249, %sub3A_267 : vector<16xi32>
        %min3A_269 = arith.constant 95 : i32
        %min3A_270 = vector.broadcast %min3A_269 : i32 to vector<16xi32>
        %min3A_271 = arith.minsi %add3A_268, %min3A_270 : vector<16xi32>
        tpu.vector_store_idx %arg8[%min3A_271], %get3A_257 masked %or3A : memref<96xi32, #tpu.memory_space<vmem>>[vector<16xi32>], vector<16xi32>, vector<16xi1>
        %all_reduce_population_count3A = tpu.all_reduce %or3A {dim = 0 : i64, kind = #tpu.reduction_kind<sum>} : vector<16xi1> -> vector<16xi32>
        %add3A_272 = arith.addi %while3A_249, %all_reduce_population_count3A : vector<16xi32>
        scf.yield %add3A_272 : vector<16xi32>
      }
      %while3A_228 = arith.constant 1 : i32
      %while3A_229 = scf.for %while3A_248 = %while3A_225 to %while3A_221 step %while3A_228 iter_args(%while3A_249 = %while3A_227) -> (vector<16xi32>)  : i32 {
        %mul3A_250 = arith.constant 16 : i32
        %mul3A_251 = arith.muli %while3A_248, %mul3A_250 : i32
        %get3A_252 = arith.index_cast %mul3A_251 : i32 to index
        %get3A_253 = tpu.vector_load %arg6[%get3A_252] {strides = array<i32>} : memref<8192xi32, #tpu.memory_space<vmem>>, vector<16xi32>,
        %mul3A_254 = arith.constant 16 : i32
        %mul3A_255 = arith.muli %while3A_248, %mul3A_254 : i32
        %get3A_256 = arith.index_cast %mul3A_255 : i32 to index
        %get3A_257 = tpu.vector_load %arg7[%get3A_256] {strides = array<i32>} : memref<8192xi32, #tpu.memory_space<vmem>>, vector<16xi32>,
        %lt3A_258 = vector.broadcast %while3A#1 : i32 to vector<16xi32>
        %lt3A_259 = arith.cmpi slt, %get3A_253, %lt3A_258 : vector<16xi32>
        %eq3A_260 = vector.broadcast %while3A#1 : i32 to vector<16xi32>
        %eq3A_261 = arith.cmpi eq, %get3A_253, %eq3A_260 : vector<16xi32>
        %lt3A_262 = vector.broadcast %while3A_214#1 : i32 to vector<16xi32>
        %lt3A_263 = arith.cmpi slt, %get3A_257, %lt3A_262 : vector<16xi32>
        %and3A = arith.andi %eq3A_261, %lt3A_263 : vector<16xi1>
        %or3A = arith.ori %lt3A_259, %and3A : vector<16xi1>
        %convert_element_type3A_264 = arith.extui %or3A : vector<16xi1> to vector<16xi32>
        %broadcast_in_dim3A_265 = arith.constant true
        %broadcast_in_dim3A_266 = vector.broadcast %broadcast_in_dim3A_265 : i1 to vector<16xi1>
        %masked_cumsum3A = tpu.scan <sum>, %convert_element_type3A_264 masked %broadcast_in_dim3A_266 : vector<16xi32>, vector<16xi1> -> vector<16xi32>
        %sub3A_267 = arith.subi %masked_cumsum3A, %convert_element_type3A_264 : vector<16xi32>
        %add3A_268 = arith.addi %while3A_249, %sub3A_267 : vector<16xi32>
        %min3A_269 = arith.constant 95 : i32
        %min3A_270 = vector.broadcast %min3A_269 : i32 to vector<16xi32>
        %min3A_271 = arith.minsi %add3A_268, %min3A_270 : vector<16xi32>
        tpu.vector_store_idx %arg8[%min3A_271], %get3A_257 masked %or3A : memref<96xi32, #tpu.memory_space<vmem>>[vector<16xi32>], vector<16xi32>, vector<16xi1>
        %all_reduce_population_count3A = tpu.all_reduce %or3A {dim = 0 : i64, kind = #tpu.reduction_kind<sum>} : vector<16xi1> -> vector<16xi32>
        %add3A_272 = arith.addi %while3A_249, %all_reduce_population_count3A : vector<16xi32>
        scf.yield %add3A_272 : vector<16xi32>
      }
      %gt3A = arith.constant 0 : i32
      %gt3A_230 = arith.cmpi sgt, %scan3A_29, %gt3A : i32
      %convert_element_type3A_231 = arith.extui %gt3A_230 : i1 to i32
      %cond3A_232 = arith.constant 0 : i32
      %cond3A_233 = arith.cmpi ne, %convert_element_type3A_231, %cond3A_232 : i32
      scf.if %cond3A_233 {
        %sub3A_248 = arith.constant 1 : i32
        %sub3A_249 = arith.subi %add3A_32, %sub3A_248 : i32
        %dma_wait3A_250 = arith.constant 0 : i32
        %dma_wait3A_251 = arith.constant 0 : i32
        %dma_wait3A_252 = tpu.memref_slice %arg4[%sub3A_249, %dma_wait3A_250, %dma_wait3A_251] : memref<256x96x384xf32, #tpu.memory_space<hbm>> -> memref<1x96x384xf32, #tpu.memory_space<hbm>>
        %dma_wait3A_253 = tpu.memref_squeeze %dma_wait3A_252 : memref<1x96x384xf32, #tpu.memory_space<hbm>> -> memref<96x384xf32, #tpu.memory_space<hbm>>
        %dma_wait3A_254 = arith.constant 0 : i32
        %dma_wait3A_255 = arith.constant 0 : i32
        %dma_wait3A_256 = tpu.memref_slice %arg4[%sub3A_249, %dma_wait3A_254, %dma_wait3A_255] : memref<256x96x384xf32, #tpu.memory_space<hbm>> -> memref<1x96x384xf32, #tpu.memory_space<hbm>>
        %dma_wait3A_257 = tpu.memref_squeeze %dma_wait3A_256 : memref<1x96x384xf32, #tpu.memory_space<hbm>> -> memref<96x384xf32, #tpu.memory_space<hbm>>
        tpu.wait_dma2 semaphore(%arg11 : memref<!tpu.dma_semaphore, #tpu.memory_space<semaphore_mem>>) src(%arg9 : memref<96x384xf32, #tpu.memory_space<vmem>>) dst(%dma_wait3A_257 : memref<96x384xf32, #tpu.memory_space<hbm>>)
      } else {
      }
      %dma_start3A_234 = arith.constant 0 : i32
      %dma_start3A_235 = arith.constant 0 : i32
      %dma_start3A_236 = tpu.memref_slice %arg3[%dma_start3A_234, %dma_start3A_235] : memref<50176x384xf32, #tpu.memory_space<hbm>> -> memref<50176x384xf32, #tpu.memory_space<hbm>>
      tpu.enqueue_indirect_dma source(%dma_start3A_236 : memref<50176x384xf32, #tpu.memory_space<hbm>>) target(%arg9 : memref<96x384xf32, #tpu.memory_space<vmem>>) offsets(%arg8 : memref<96xi32, #tpu.memory_space<vmem>>) semaphore(%arg10 : memref<!tpu.dma_semaphore, #tpu.memory_space<semaphore_mem>>)
      %dma_wait3A_237 = arith.constant 0 : i32
      %dma_wait3A_238 = arith.constant 0 : i32
      %dma_wait3A_239 = tpu.memref_slice %arg3[%dma_wait3A_237, %dma_wait3A_238] : memref<50176x384xf32, #tpu.memory_space<hbm>> -> memref<50176x384xf32, #tpu.memory_space<hbm>>
      tpu.wait_indirect_dma semaphore(%arg10 : memref<!tpu.dma_semaphore, #tpu.memory_space<semaphore_mem>>) src(%dma_wait3A_239 : memref<50176x384xf32, #tpu.memory_space<hbm>>) dst(%arg9 : memref<96x384xf32, #tpu.memory_space<vmem>>)
      %dma_start3A_240 = arith.constant 0 : i32
      %dma_start3A_241 = arith.constant 0 : i32
      %dma_start3A_242 = tpu.memref_slice %arg4[%add3A_32, %dma_start3A_240, %dma_start3A_241] : memref<256x96x384xf32, #tpu.memory_space<hbm>> -> memref<1x96x384xf32, #tpu.memory_space<hbm>>
      %dma_start3A_243 = tpu.memref_squeeze %dma_start3A_242 : memref<1x96x384xf32, #tpu.memory_space<hbm>> -> memref<96x384xf32, #tpu.memory_space<hbm>>
      %dma_start3A_244 = arith.constant 0 : i32
      %dma_start3A_245 = arith.constant 0 : i32
      %dma_start3A_246 = tpu.memref_slice %arg4[%add3A_32, %dma_start3A_244, %dma_start3A_245] : memref<256x96x384xf32, #tpu.memory_space<hbm>> -> memref<1x96x384xf32, #tpu.memory_space<hbm>>
      %dma_start3A_247 = tpu.memref_squeeze %dma_start3A_246 : memref<1x96x384xf32, #tpu.memory_space<hbm>> -> memref<96x384xf32, #tpu.memory_space<hbm>>
      tpu.enqueue_dma source(%arg9 : memref<96x384xf32, #tpu.memory_space<vmem>>) target(%dma_start3A_247 : memref<96x384xf32, #tpu.memory_space<hbm>>) target_semaphore(%arg11 : memref<!tpu.dma_semaphore, #tpu.memory_space<semaphore_mem>>)
    }
    %scan3A_16 = arith.constant 8 : i32
    %mul3A_17 = arith.constant 8 : i32
    %mul3A_18 = arith.muli %add3A, %mul3A_17 : i32
    %add3A_19 = arith.constant 8 : i32
    %add3A_20 = arith.addi %mul3A_18, %add3A_19 : i32
    %sub3A = arith.constant 1 : i32
    %sub3A_21 = arith.subi %add3A_20, %sub3A : i32
    %dma_wait3A = arith.constant 0 : i32
    %dma_wait3A_22 = arith.constant 0 : i32
    %dma_wait3A_23 = tpu.memref_slice %arg4[%sub3A_21, %dma_wait3A, %dma_wait3A_22] : memref<256x96x384xf32, #tpu.memory_space<hbm>> -> memref<1x96x384xf32, #tpu.memory_space<hbm>>
    %dma_wait3A_24 = tpu.memref_squeeze %dma_wait3A_23 : memref<1x96x384xf32, #tpu.memory_space<hbm>> -> memref<96x384xf32, #tpu.memory_space<hbm>>
    %dma_wait3A_25 = arith.constant 0 : i32
    %dma_wait3A_26 = arith.constant 0 : i32
    %dma_wait3A_27 = tpu.memref_slice %arg4[%sub3A_21, %dma_wait3A_25, %dma_wait3A_26] : memref<256x96x384xf32, #tpu.memory_space<hbm>> -> memref<1x96x384xf32, #tpu.memory_space<hbm>>
    %dma_wait3A_28 = tpu.memref_squeeze %dma_wait3A_27 : memref<1x96x384xf32, #tpu.memory_space<hbm>> -> memref<96x384xf32, #tpu.memory_space<hbm>>
    tpu.wait_dma2 semaphore(%arg11 : memref<!tpu.dma_semaphore, #tpu.memory_space<semaphore_mem>>) src(%arg9 : memref<96x384xf32, #tpu.memory_space<vmem>>) dst(%dma_wait3A_28 : memref<96x384xf32, #tpu.memory_space<hbm>>)
    return
  }
}

#map = affine_map<(d0, d1) -> (0, 0)>
#map1 = affine_map<(d0, d1) -> (0, 0, 0)>
module attributes {stable_mosaic.version = 14 : i64} {
  func.func @_sc_body(%arg0: i32, %arg1: i32, %arg2: memref<256x50176xi32, #tpu.memory_space<hbm>>, %arg3: memref<50176x384xf32, #tpu.memory_space<hbm>>, %arg4: memref<256x96x384xf32, #tpu.memory_space<hbm>>, %arg5: memref<50176xi32, #tpu.memory_space<vmem>>, %arg6: memref<8192xi32, #tpu.memory_space<vmem>>, %arg7: memref<8192xi32, #tpu.memory_space<vmem>>, %arg8: memref<96xi32, #tpu.memory_space<vmem>>, %arg9: memref<96x384xf32, #tpu.memory_space<vmem>>, %arg10: memref<!tpu.dma_semaphore, #tpu.memory_space<semaphore_mem>>, %arg11: memref<!tpu.dma_semaphore, #tpu.memory_space<semaphore_mem>>, %arg12: memref<!tpu.dma_semaphore, #tpu.memory_space<semaphore_mem>>) attributes {dimension_semantics = [#tpu.dimension_semantics<core_parallel>, #tpu.dimension_semantics<subcore_parallel>], iteration_bounds = array<i64: 2, 16>, scalar_prefetch = 0 : i64, scratch_operands = 8 : i64, tpu.core_type = #tpu.core_type<sc_vector_subcore>, window_params = [{transform_indices = #map}, {transform_indices = #map}, {transform_indices = #map1}]} {
    %mul3A = arith.constant 2 : i32
    %mul3A_0 = arith.muli %arg1, %mul3A : i32
    %add3A = arith.addi %mul3A_0, %arg0 : i32
    %iota3A = tpu.iota {dimensions = array<i32: 0>} : vector<16xi32>
    %broadcast_in_dim3A = arith.constant 0 : i32
    %broadcast_in_dim3A_1 = vector.broadcast %broadcast_in_dim3A : i32 to vector<16xi32>
    %broadcast_in_dim3A_2 = arith.constant 2147483647 : i32
    %broadcast_in_dim3A_3 = vector.broadcast %broadcast_in_dim3A_2 : i32 to vector<16xi32>
    %mul3A_4 = arith.constant 8 : i32
    %mul3A_5 = arith.muli %add3A, %mul3A_4 : i32
    %dma_start3A = arith.constant 0 : i32
    %dma_start3A_6 = tpu.memref_slice %arg2[%mul3A_5, %dma_start3A] : memref<256x50176xi32, #tpu.memory_space<hbm>> -> memref<1x50176xi32, #tpu.memory_space<hbm>>
    %dma_start3A_7 = tpu.memref_squeeze %dma_start3A_6 : memref<1x50176xi32, #tpu.memory_space<hbm>> -> memref<50176xi32, #tpu.memory_space<hbm>>
    %dma_start3A_8 = arith.constant 0 : i32
    %dma_start3A_9 = tpu.memref_slice %arg2[%mul3A_5, %dma_start3A_8] : memref<256x50176xi32, #tpu.memory_space<hbm>> -> memref<1x50176xi32, #tpu.memory_space<hbm>>
    %dma_start3A_10 = tpu.memref_squeeze %dma_start3A_9 : memref<1x50176xi32, #tpu.memory_space<hbm>> -> memref<50176xi32, #tpu.memory_space<hbm>>
    tpu.enqueue_dma source(%dma_start3A_10 : memref<50176xi32, #tpu.memory_space<hbm>>) target(%arg5 : memref<50176xi32, #tpu.memory_space<vmem>>) target_semaphore(%arg12 : memref<!tpu.dma_semaphore, #tpu.memory_space<semaphore_mem>>)
    %scan3A = arith.constant 0 : i32
    %scan3A_11 = arith.constant -2147483648 : i32
    %scan3A_12 = arith.constant 0 : i32
    %scan3A_13 = arith.constant 8 : i32
    %scan3A_14 = arith.addi %scan3A_12, %scan3A_13 : i32
    %scan3A_15 = arith.constant 1 : i32
    scf.for %scan3A_29 = %scan3A_12 to %scan3A_14 step %scan3A_15  : i32 {
      %mul3A_30 = arith.constant 8 : i32
      %mul3A_31 = arith.muli %add3A, %mul3A_30 : i32
      %add3A_32 = arith.addi %mul3A_31, %scan3A_29 : i32
      %dma_wait3A_33 = arith.constant 0 : i32
      %dma_wait3A_34 = tpu.memref_slice %arg2[%add3A_32, %dma_wait3A_33] : memref<256x50176xi32, #tpu.memory_space<hbm>> -> memref<1x50176xi32, #tpu.memory_space<hbm>>
      %dma_wait3A_35 = tpu.memref_squeeze %dma_wait3A_34 : memref<1x50176xi32, #tpu.memory_space<hbm>> -> memref<50176xi32, #tpu.memory_space<hbm>>
      %dma_wait3A_36 = arith.constant 0 : i32
      %dma_wait3A_37 = tpu.memref_slice %arg2[%add3A_32, %dma_wait3A_36] : memref<256x50176xi32, #tpu.memory_space<hbm>> -> memref<1x50176xi32, #tpu.memory_space<hbm>>
      %dma_wait3A_38 = tpu.memref_squeeze %dma_wait3A_37 : memref<1x50176xi32, #tpu.memory_space<hbm>> -> memref<50176xi32, #tpu.memory_space<hbm>>
      tpu.wait_dma2 semaphore(%arg12 : memref<!tpu.dma_semaphore, #tpu.memory_space<semaphore_mem>>) src(%dma_wait3A_38 : memref<50176xi32, #tpu.memory_space<hbm>>) dst(%arg5 : memref<50176xi32, #tpu.memory_space<vmem>>)
      %scan3A_39 = arith.constant 0 : i32
      %scan3A_40 = arith.constant 522 : i32
      %scan3A_41 = arith.addi %scan3A_39, %scan3A_40 : i32
      %scan3A_42 = arith.constant 1 : i32
      %scan3A_43:6 = scf.for %scan3A_248 = %scan3A_39 to %scan3A_41 step %scan3A_42 iter_args(%scan3A_249 = %broadcast_in_dim3A_3, %scan3A_250 = %broadcast_in_dim3A_3, %scan3A_251 = %broadcast_in_dim3A_3, %scan3A_252 = %broadcast_in_dim3A_3, %scan3A_253 = %broadcast_in_dim3A_3, %scan3A_254 = %broadcast_in_dim3A_3) -> (vector<16xi32>, vector<16xi32>, vector<16xi32>, vector<16xi32>, vector<16xi32>, vector<16xi32>)  : i32 {
        %mul3A_255 = arith.constant 96 : i32
        %mul3A_256 = arith.muli %scan3A_248, %mul3A_255 : i32
        %add3A_257 = arith.constant 0 : i32
        %add3A_258 = arith.addi %mul3A_256, %add3A_257 : i32
        %get3A_259 = arith.index_cast %add3A_258 : i32 to index
        %get3A_260 = tpu.vector_load %arg5[%get3A_259] {strides = array<i32>} : memref<50176xi32, #tpu.memory_space<vmem>>, vector<16xi32>,
        %min3A_261 = arith.minsi %scan3A_249, %get3A_260 : vector<16xi32>
        %add3A_262 = arith.constant 16 : i32
        %add3A_263 = arith.addi %mul3A_256, %add3A_262 : i32
        %get3A_264 = arith.index_cast %add3A_263 : i32 to index
        %get3A_265 = tpu.vector_load %arg5[%get3A_264] {strides = array<i32>} : memref<50176xi32, #tpu.memory_space<vmem>>, vector<16xi32>,
        %min3A_266 = arith.minsi %scan3A_250, %get3A_265 : vector<16xi32>
        %add3A_267 = arith.constant 32 : i32
        %add3A_268 = arith.addi %mul3A_256, %add3A_267 : i32
        %get3A_269 = arith.index_cast %add3A_268 : i32 to index
        %get3A_270 = tpu.vector_load %arg5[%get3A_269] {strides = array<i32>} : memref<50176xi32, #tpu.memory_space<vmem>>, vector<16xi32>,
        %min3A_271 = arith.minsi %scan3A_251, %get3A_270 : vector<16xi32>
        %add3A_272 = arith.constant 48 : i32
        %add3A_273 = arith.addi %mul3A_256, %add3A_272 : i32
        %get3A_274 = arith.index_cast %add3A_273 : i32 to index
        %get3A_275 = tpu.vector_load %arg5[%get3A_274] {strides = array<i32>} : memref<50176xi32, #tpu.memory_space<vmem>>, vector<16xi32>,
        %min3A_276 = arith.minsi %scan3A_252, %get3A_275 : vector<16xi32>
        %add3A_277 = arith.constant 64 : i32
        %add3A_278 = arith.addi %mul3A_256, %add3A_277 : i32
        %get3A_279 = arith.index_cast %add3A_278 : i32 to index
        %get3A_280 = tpu.vector_load %arg5[%get3A_279] {strides = array<i32>} : memref<50176xi32, #tpu.memory_space<vmem>>, vector<16xi32>,
        %min3A_281 = arith.minsi %scan3A_253, %get3A_280 : vector<16xi32>
        %add3A_282 = arith.constant 80 : i32
        %add3A_283 = arith.addi %mul3A_256, %add3A_282 : i32
        %get3A_284 = arith.index_cast %add3A_283 : i32 to index
        %get3A_285 = tpu.vector_load %arg5[%get3A_284] {strides = array<i32>} : memref<50176xi32, #tpu.memory_space<vmem>>, vector<16xi32>,
        %min3A_286 = arith.minsi %scan3A_254, %get3A_285 : vector<16xi32>
        scf.yield %min3A_261, %min3A_266, %min3A_271, %min3A_276, %min3A_281, %min3A_286 : vector<16xi32>, vector<16xi32>, vector<16xi32>, vector<16xi32>, vector<16xi32>, vector<16xi32>
      }
      %scan3A_44 = arith.constant 522 : i32
      %get3A = arith.constant 50112 : index
      %get3A_45 = tpu.vector_load %arg5[%get3A] {strides = array<i32>} : memref<50176xi32, #tpu.memory_space<vmem>>, vector<16xi32>,
      %min3A = arith.minsi %scan3A_43#0, %get3A_45 : vector<16xi32>
      %get3A_46 = arith.constant 50128 : index
      %get3A_47 = tpu.vector_load %arg5[%get3A_46] {strides = array<i32>} : memref<50176xi32, #tpu.memory_space<vmem>>, vector<16xi32>,
      %min3A_48 = arith.minsi %scan3A_43#1, %get3A_47 : vector<16xi32>
      %get3A_49 = arith.constant 50144 : index
      %get3A_50 = tpu.vector_load %arg5[%get3A_49] {strides = array<i32>} : memref<50176xi32, #tpu.memory_space<vmem>>, vector<16xi32>,
      %min3A_51 = arith.minsi %scan3A_43#2, %get3A_50 : vector<16xi32>
      %get3A_52 = arith.constant 50160 : index
      %get3A_53 = tpu.vector_load %arg5[%get3A_52] {strides = array<i32>} : memref<50176xi32, #tpu.memory_space<vmem>>, vector<16xi32>,
      %min3A_54 = arith.minsi %scan3A_43#3, %get3A_53 : vector<16xi32>
      %max3A = arith.maxsi %min3A, %min3A_48 : vector<16xi32>
      %min3A_55 = arith.minsi %min3A, %min3A_48 : vector<16xi32>
      %max3A_56 = arith.maxsi %max3A, %min3A_51 : vector<16xi32>
      %min3A_57 = arith.minsi %min3A_55, %min3A_51 : vector<16xi32>
      %max3A_58 = arith.maxsi %max3A_56, %min3A_54 : vector<16xi32>
      %min3A_59 = arith.minsi %min3A_57, %min3A_54 : vector<16xi32>
      %max3A_60 = arith.maxsi %max3A_58, %scan3A_43#4 : vector<16xi32>
      %min3A_61 = arith.minsi %min3A_59, %scan3A_43#4 : vector<16xi32>
      %max3A_62 = arith.maxsi %max3A_60, %scan3A_43#5 : vector<16xi32>
      %min3A_63 = arith.minsi %min3A_61, %scan3A_43#5 : vector<16xi32>
      %slice3A = vector.extract_strided_slice %max3A_62 {offsets = [0], sizes = [1], strides = [1]} : vector<16xi32> to vector<1xi32>
      %squeeze3A = vector.extract %slice3A[0] : i32 from vector<1xi32>
      %slice3A_64 = vector.extract_strided_slice %min3A_63 {offsets = [0], sizes = [1], strides = [1]} : vector<16xi32> to vector<1xi32>
      %squeeze3A_65 = vector.extract %slice3A_64[0] : i32 from vector<1xi32>
      %slice3A_66 = vector.extract_strided_slice %max3A_62 {offsets = [1], sizes = [1], strides = [1]} : vector<16xi32> to vector<1xi32>
      %squeeze3A_67 = vector.extract %slice3A_66[0] : i32 from vector<1xi32>
      %max3A_68 = arith.maxsi %squeeze3A, %squeeze3A_67 : i32
      %slice3A_69 = vector.extract_strided_slice %min3A_63 {offsets = [1], sizes = [1], strides = [1]} : vector<16xi32> to vector<1xi32>
      %squeeze3A_70 = vector.extract %slice3A_69[0] : i32 from vector<1xi32>
      %min3A_71 = arith.minsi %squeeze3A_65, %squeeze3A_70 : i32
      %slice3A_72 = vector.extract_strided_slice %max3A_62 {offsets = [2], sizes = [1], strides = [1]} : vector<16xi32> to vector<1xi32>
      %squeeze3A_73 = vector.extract %slice3A_72[0] : i32 from vector<1xi32>
      %max3A_74 = arith.maxsi %max3A_68, %squeeze3A_73 : i32
      %slice3A_75 = vector.extract_strided_slice %min3A_63 {offsets = [2], sizes = [1], strides = [1]} : vector<16xi32> to vector<1xi32>
      %squeeze3A_76 = vector.extract %slice3A_75[0] : i32 from vector<1xi32>
      %min3A_77 = arith.minsi %min3A_71, %squeeze3A_76 : i32
      %slice3A_78 = vector.extract_strided_slice %max3A_62 {offsets = [3], sizes = [1], strides = [1]} : vector<16xi32> to vector<1xi32>
      %squeeze3A_79 = vector.extract %slice3A_78[0] : i32 from vector<1xi32>
      %max3A_80 = arith.maxsi %max3A_74, %squeeze3A_79 : i32
      %slice3A_81 = vector.extract_strided_slice %min3A_63 {offsets = [3], sizes = [1], strides = [1]} : vector<16xi32> to vector<1xi32>
      %squeeze3A_82 = vector.extract %slice3A_81[0] : i32 from vector<1xi32>
      %min3A_83 = arith.minsi %min3A_77, %squeeze3A_82 : i32
      %slice3A_84 = vector.extract_strided_slice %max3A_62 {offsets = [4], sizes = [1], strides = [1]} : vector<16xi32> to vector<1xi32>
      %squeeze3A_85 = vector.extract %slice3A_84[0] : i32 from vector<1xi32>
      %max3A_86 = arith.maxsi %max3A_80, %squeeze3A_85 : i32
      %slice3A_87 = vector.extract_strided_slice %min3A_63 {offsets = [4], sizes = [1], strides = [1]} : vector<16xi32> to vector<1xi32>
      %squeeze3A_88 = vector.extract %slice3A_87[0] : i32 from vector<1xi32>
      %min3A_89 = arith.minsi %min3A_83, %squeeze3A_88 : i32
      %slice3A_90 = vector.extract_strided_slice %max3A_62 {offsets = [5], sizes = [1], strides = [1]} : vector<16xi32> to vector<1xi32>
      %squeeze3A_91 = vector.extract %slice3A_90[0] : i32 from vector<1xi32>
      %max3A_92 = arith.maxsi %max3A_86, %squeeze3A_91 : i32
      %slice3A_93 = vector.extract_strided_slice %min3A_63 {offsets = [5], sizes = [1], strides = [1]} : vector<16xi32> to vector<1xi32>
      %squeeze3A_94 = vector.extract %slice3A_93[0] : i32 from vector<1xi32>
      %min3A_95 = arith.minsi %min3A_89, %squeeze3A_94 : i32
      %slice3A_96 = vector.extract_strided_slice %max3A_62 {offsets = [6], sizes = [1], strides = [1]} : vector<16xi32> to vector<1xi32>
      %squeeze3A_97 = vector.extract %slice3A_96[0] : i32 from vector<1xi32>
      %max3A_98 = arith.maxsi %max3A_92, %squeeze3A_97 : i32
      %slice3A_99 = vector.extract_strided_slice %min3A_63 {offsets = [6], sizes = [1], strides = [1]} : vector<16xi32> to vector<1xi32>
      %squeeze3A_100 = vector.extract %slice3A_99[0] : i32 from vector<1xi32>
      %min3A_101 = arith.minsi %min3A_95, %squeeze3A_100 : i32
      %slice3A_102 = vector.extract_strided_slice %max3A_62 {offsets = [7], sizes = [1], strides = [1]} : vector<16xi32> to vector<1xi32>
      %squeeze3A_103 = vector.extract %slice3A_102[0] : i32 from vector<1xi32>
      %max3A_104 = arith.maxsi %max3A_98, %squeeze3A_103 : i32
      %slice3A_105 = vector.extract_strided_slice %min3A_63 {offsets = [7], sizes = [1], strides = [1]} : vector<16xi32> to vector<1xi32>
      %squeeze3A_106 = vector.extract %slice3A_105[0] : i32 from vector<1xi32>
      %min3A_107 = arith.minsi %min3A_101, %squeeze3A_106 : i32
      %slice3A_108 = vector.extract_strided_slice %max3A_62 {offsets = [8], sizes = [1], strides = [1]} : vector<16xi32> to vector<1xi32>
      %squeeze3A_109 = vector.extract %slice3A_108[0] : i32 from vector<1xi32>
      %max3A_110 = arith.maxsi %max3A_104, %squeeze3A_109 : i32
      %slice3A_111 = vector.extract_strided_slice %min3A_63 {offsets = [8], sizes = [1], strides = [1]} : vector<16xi32> to vector<1xi32>
      %squeeze3A_112 = vector.extract %slice3A_111[0] : i32 from vector<1xi32>
      %min3A_113 = arith.minsi %min3A_107, %squeeze3A_112 : i32
      %slice3A_114 = vector.extract_strided_slice %max3A_62 {offsets = [9], sizes = [1], strides = [1]} : vector<16xi32> to vector<1xi32>
      %squeeze3A_115 = vector.extract %slice3A_114[0] : i32 from vector<1xi32>
      %max3A_116 = arith.maxsi %max3A_110, %squeeze3A_115 : i32
      %slice3A_117 = vector.extract_strided_slice %min3A_63 {offsets = [9], sizes = [1], strides = [1]} : vector<16xi32> to vector<1xi32>
      %squeeze3A_118 = vector.extract %slice3A_117[0] : i32 from vector<1xi32>
      %min3A_119 = arith.minsi %min3A_113, %squeeze3A_118 : i32
      %slice3A_120 = vector.extract_strided_slice %max3A_62 {offsets = [10], sizes = [1], strides = [1]} : vector<16xi32> to vector<1xi32>
      %squeeze3A_121 = vector.extract %slice3A_120[0] : i32 from vector<1xi32>
      %max3A_122 = arith.maxsi %max3A_116, %squeeze3A_121 : i32
      %slice3A_123 = vector.extract_strided_slice %min3A_63 {offsets = [10], sizes = [1], strides = [1]} : vector<16xi32> to vector<1xi32>
      %squeeze3A_124 = vector.extract %slice3A_123[0] : i32 from vector<1xi32>
      %min3A_125 = arith.minsi %min3A_119, %squeeze3A_124 : i32
      %slice3A_126 = vector.extract_strided_slice %max3A_62 {offsets = [11], sizes = [1], strides = [1]} : vector<16xi32> to vector<1xi32>
      %squeeze3A_127 = vector.extract %slice3A_126[0] : i32 from vector<1xi32>
      %max3A_128 = arith.maxsi %max3A_122, %squeeze3A_127 : i32
      %slice3A_129 = vector.extract_strided_slice %min3A_63 {offsets = [11], sizes = [1], strides = [1]} : vector<16xi32> to vector<1xi32>
      %squeeze3A_130 = vector.extract %slice3A_129[0] : i32 from vector<1xi32>
      %min3A_131 = arith.minsi %min3A_125, %squeeze3A_130 : i32
      %slice3A_132 = vector.extract_strided_slice %max3A_62 {offsets = [12], sizes = [1], strides = [1]} : vector<16xi32> to vector<1xi32>
      %squeeze3A_133 = vector.extract %slice3A_132[0] : i32 from vector<1xi32>
      %max3A_134 = arith.maxsi %max3A_128, %squeeze3A_133 : i32
      %slice3A_135 = vector.extract_strided_slice %min3A_63 {offsets = [12], sizes = [1], strides = [1]} : vector<16xi32> to vector<1xi32>
      %squeeze3A_136 = vector.extract %slice3A_135[0] : i32 from vector<1xi32>
      %min3A_137 = arith.minsi %min3A_131, %squeeze3A_136 : i32
      %slice3A_138 = vector.extract_strided_slice %max3A_62 {offsets = [13], sizes = [1], strides = [1]} : vector<16xi32> to vector<1xi32>
      %squeeze3A_139 = vector.extract %slice3A_138[0] : i32 from vector<1xi32>
      %max3A_140 = arith.maxsi %max3A_134, %squeeze3A_139 : i32
      %slice3A_141 = vector.extract_strided_slice %min3A_63 {offsets = [13], sizes = [1], strides = [1]} : vector<16xi32> to vector<1xi32>
      %squeeze3A_142 = vector.extract %slice3A_141[0] : i32 from vector<1xi32>
      %min3A_143 = arith.minsi %min3A_137, %squeeze3A_142 : i32
      %slice3A_144 = vector.extract_strided_slice %max3A_62 {offsets = [14], sizes = [1], strides = [1]} : vector<16xi32> to vector<1xi32>
      %squeeze3A_145 = vector.extract %slice3A_144[0] : i32 from vector<1xi32>
      %max3A_146 = arith.maxsi %max3A_140, %squeeze3A_145 : i32
      %slice3A_147 = vector.extract_strided_slice %min3A_63 {offsets = [14], sizes = [1], strides = [1]} : vector<16xi32> to vector<1xi32>
      %squeeze3A_148 = vector.extract %slice3A_147[0] : i32 from vector<1xi32>
      %min3A_149 = arith.minsi %min3A_143, %squeeze3A_148 : i32
      %slice3A_150 = vector.extract_strided_slice %max3A_62 {offsets = [15], sizes = [1], strides = [1]} : vector<16xi32> to vector<1xi32>
      %squeeze3A_151 = vector.extract %slice3A_150[0] : i32 from vector<1xi32>
      %max3A_152 = arith.maxsi %max3A_146, %squeeze3A_151 : i32
      %slice3A_153 = vector.extract_strided_slice %min3A_63 {offsets = [15], sizes = [1], strides = [1]} : vector<16xi32> to vector<1xi32>
      %squeeze3A_154 = vector.extract %slice3A_153[0] : i32 from vector<1xi32>
      %min3A_155 = arith.minsi %min3A_149, %squeeze3A_154 : i32
      %scan3A_156 = arith.constant 0 : i32
      %scan3A_157 = arith.constant 784 : i32
      %scan3A_158 = arith.addi %scan3A_156, %scan3A_157 : i32
      %scan3A_159 = arith.constant 1 : i32
      %scan3A_160 = scf.for %scan3A_248 = %scan3A_156 to %scan3A_158 step %scan3A_159 iter_args(%scan3A_249 = %broadcast_in_dim3A_1) -> (vector<16xi32>)  : i32 {
        %mul3A_250 = arith.constant 64 : i32
        %mul3A_251 = arith.muli %scan3A_248, %mul3A_250 : i32
        %add3A_252 = arith.constant 0 : i32
        %add3A_253 = arith.addi %mul3A_251, %add3A_252 : i32
        %get3A_254 = arith.index_cast %add3A_253 : i32 to index
        %get3A_255 = tpu.vector_load %arg5[%get3A_254] {strides = array<i32>} : memref<50176xi32, #tpu.memory_space<vmem>>, vector<16xi32>,
        %add3A_256 = arith.constant 16 : i32
        %add3A_257 = arith.addi %mul3A_251, %add3A_256 : i32
        %get3A_258 = arith.index_cast %add3A_257 : i32 to index
        %get3A_259 = tpu.vector_load %arg5[%get3A_258] {strides = array<i32>} : memref<50176xi32, #tpu.memory_space<vmem>>, vector<16xi32>,
        %add3A_260 = arith.constant 32 : i32
        %add3A_261 = arith.addi %mul3A_251, %add3A_260 : i32
        %get3A_262 = arith.index_cast %add3A_261 : i32 to index
        %get3A_263 = tpu.vector_load %arg5[%get3A_262] {strides = array<i32>} : memref<50176xi32, #tpu.memory_space<vmem>>, vector<16xi32>,
        %add3A_264 = arith.constant 48 : i32
        %add3A_265 = arith.addi %mul3A_251, %add3A_264 : i32
        %get3A_266 = arith.index_cast %add3A_265 : i32 to index
        %get3A_267 = tpu.vector_load %arg5[%get3A_266] {strides = array<i32>} : memref<50176xi32, #tpu.memory_space<vmem>>, vector<16xi32>,
        %le3A = vector.broadcast %max3A_152 : i32 to vector<16xi32>
        %le3A_268 = arith.cmpi sle, %get3A_255, %le3A : vector<16xi32>
        %le3A_269 = vector.broadcast %max3A_152 : i32 to vector<16xi32>
        %le3A_270 = arith.cmpi sle, %get3A_259, %le3A_269 : vector<16xi32>
        %le3A_271 = vector.broadcast %max3A_152 : i32 to vector<16xi32>
        %le3A_272 = arith.cmpi sle, %get3A_263, %le3A_271 : vector<16xi32>
        %le3A_273 = vector.broadcast %max3A_152 : i32 to vector<16xi32>
        %le3A_274 = arith.cmpi sle, %get3A_267, %le3A_273 : vector<16xi32>
        %jit3A_275 = arith.constant 1 : i32
        %jit3A_276 = arith.constant 0 : i32
        %broadcast_in_dim3A_277 = vector.broadcast %jit3A_275 : i32 to vector<16xi32>
        %broadcast_in_dim3A_278 = vector.broadcast %jit3A_276 : i32 to vector<16xi32>
        %select_n3A_279 = arith.select %le3A_268, %broadcast_in_dim3A_277, %broadcast_in_dim3A_278 : vector<16xi1>, vector<16xi32>
        %broadcast_in_dim3A_280 = arith.constant true
        %broadcast_in_dim3A_281 = vector.broadcast %broadcast_in_dim3A_280 : i1 to vector<16xi1>
        %masked_cumsum3A = tpu.scan <sum>, %select_n3A_279 masked %broadcast_in_dim3A_281 : vector<16xi32>, vector<16xi1> -> vector<16xi32>
        %jit3A_282 = arith.constant 1 : i32
        %jit3A_283 = arith.constant 0 : i32
        %broadcast_in_dim3A_284 = vector.broadcast %jit3A_282 : i32 to vector<16xi32>
        %broadcast_in_dim3A_285 = vector.broadcast %jit3A_283 : i32 to vector<16xi32>
        %select_n3A_286 = arith.select %le3A_270, %broadcast_in_dim3A_284, %broadcast_in_dim3A_285 : vector<16xi1>, vector<16xi32>
        %broadcast_in_dim3A_287 = arith.constant true
        %broadcast_in_dim3A_288 = vector.broadcast %broadcast_in_dim3A_287 : i1 to vector<16xi1>
        %masked_cumsum3A_289 = tpu.scan <sum>, %select_n3A_286 masked %broadcast_in_dim3A_288 : vector<16xi32>, vector<16xi1> -> vector<16xi32>
        %jit3A_290 = arith.constant 1 : i32
        %jit3A_291 = arith.constant 0 : i32
        %broadcast_in_dim3A_292 = vector.broadcast %jit3A_290 : i32 to vector<16xi32>
        %broadcast_in_dim3A_293 = vector.broadcast %jit3A_291 : i32 to vector<16xi32>
        %select_n3A_294 = arith.select %le3A_272, %broadcast_in_dim3A_292, %broadcast_in_dim3A_293 : vector<16xi1>, vector<16xi32>
        %broadcast_in_dim3A_295 = arith.constant true
        %broadcast_in_dim3A_296 = vector.broadcast %broadcast_in_dim3A_295 : i1 to vector<16xi1>
        %masked_cumsum3A_297 = tpu.scan <sum>, %select_n3A_294 masked %broadcast_in_dim3A_296 : vector<16xi32>, vector<16xi1> -> vector<16xi32>
        %jit3A_298 = arith.constant 1 : i32
        %jit3A_299 = arith.constant 0 : i32
        %broadcast_in_dim3A_300 = vector.broadcast %jit3A_298 : i32 to vector<16xi32>
        %broadcast_in_dim3A_301 = vector.broadcast %jit3A_299 : i32 to vector<16xi32>
        %select_n3A_302 = arith.select %le3A_274, %broadcast_in_dim3A_300, %broadcast_in_dim3A_301 : vector<16xi1>, vector<16xi32>
        %broadcast_in_dim3A_303 = arith.constant true
        %broadcast_in_dim3A_304 = vector.broadcast %broadcast_in_dim3A_303 : i1 to vector<16xi1>
        %masked_cumsum3A_305 = tpu.scan <sum>, %select_n3A_302 masked %broadcast_in_dim3A_304 : vector<16xi32>, vector<16xi1> -> vector<16xi32>
        %min3A_306 = arith.constant 8127 : i32
        %min3A_307 = vector.broadcast %min3A_306 : i32 to vector<16xi32>
        %min3A_308 = arith.minsi %scan3A_249, %min3A_307 : vector<16xi32>
        %sub3A_309 = arith.constant 1 : i32
        %sub3A_310 = vector.broadcast %sub3A_309 : i32 to vector<16xi32>
        %sub3A_311 = arith.subi %min3A_308, %sub3A_310 : vector<16xi32>
        %add3A_312 = arith.addi %sub3A_311, %masked_cumsum3A : vector<16xi32>
        tpu.vector_store_idx %arg6[%add3A_312], %get3A_255 masked %le3A_268 : memref<8192xi32, #tpu.memory_space<vmem>>[vector<16xi32>], vector<16xi32>, vector<16xi1>
        %add3A_313 = arith.constant 0 : i32
        %add3A_314 = arith.addi %mul3A_251, %add3A_313 : i32
        %add3A_315 = vector.broadcast %add3A_314 : i32 to vector<16xi32>
        %add3A_316 = arith.addi %add3A_315, %iota3A : vector<16xi32>
        tpu.vector_store_idx %arg7[%add3A_312], %add3A_316 masked %le3A_268 : memref<8192xi32, #tpu.memory_space<vmem>>[vector<16xi32>], vector<16xi32>, vector<16xi1>
        %all_reduce_population_count3A = tpu.all_reduce %le3A_268 {dim = 0 : i64, kind = #tpu.reduction_kind<sum>} : vector<16xi1> -> vector<16xi32>
        %add3A_317 = arith.addi %sub3A_311, %all_reduce_population_count3A : vector<16xi32>
        %add3A_318 = arith.addi %add3A_317, %masked_cumsum3A_289 : vector<16xi32>
        tpu.vector_store_idx %arg6[%add3A_318], %get3A_259 masked %le3A_270 : memref<8192xi32, #tpu.memory_space<vmem>>[vector<16xi32>], vector<16xi32>, vector<16xi1>
        %add3A_319 = arith.constant 16 : i32
        %add3A_320 = arith.addi %mul3A_251, %add3A_319 : i32
        %add3A_321 = vector.broadcast %add3A_320 : i32 to vector<16xi32>
        %add3A_322 = arith.addi %add3A_321, %iota3A : vector<16xi32>
        tpu.vector_store_idx %arg7[%add3A_318], %add3A_322 masked %le3A_270 : memref<8192xi32, #tpu.memory_space<vmem>>[vector<16xi32>], vector<16xi32>, vector<16xi1>
        %all_reduce_population_count3A_323 = tpu.all_reduce %le3A_270 {dim = 0 : i64, kind = #tpu.reduction_kind<sum>} : vector<16xi1> -> vector<16xi32>
        %add3A_324 = arith.addi %add3A_317, %all_reduce_population_count3A_323 : vector<16xi32>
        %add3A_325 = arith.addi %add3A_324, %masked_cumsum3A_297 : vector<16xi32>
        tpu.vector_store_idx %arg6[%add3A_325], %get3A_263 masked %le3A_272 : memref<8192xi32, #tpu.memory_space<vmem>>[vector<16xi32>], vector<16xi32>, vector<16xi1>
        %add3A_326 = arith.constant 32 : i32
        %add3A_327 = arith.addi %mul3A_251, %add3A_326 : i32
        %add3A_328 = vector.broadcast %add3A_327 : i32 to vector<16xi32>
        %add3A_329 = arith.addi %add3A_328, %iota3A : vector<16xi32>
        tpu.vector_store_idx %arg7[%add3A_325], %add3A_329 masked %le3A_272 : memref<8192xi32, #tpu.memory_space<vmem>>[vector<16xi32>], vector<16xi32>, vector<16xi1>
        %all_reduce_population_count3A_330 = tpu.all_reduce %le3A_272 {dim = 0 : i64, kind = #tpu.reduction_kind<sum>} : vector<16xi1> -> vector<16xi32>
        %add3A_331 = arith.addi %add3A_324, %all_reduce_population_count3A_330 : vector<16xi32>
        %add3A_332 = arith.addi %add3A_331, %masked_cumsum3A_305 : vector<16xi32>
        tpu.vector_store_idx %arg6[%add3A_332], %get3A_267 masked %le3A_274 : memref<8192xi32, #tpu.memory_space<vmem>>[vector<16xi32>], vector<16xi32>, vector<16xi1>
        %add3A_333 = arith.constant 48 : i32
        %add3A_334 = arith.addi %mul3A_251, %add3A_333 : i32
        %add3A_335 = vector.broadcast %add3A_334 : i32 to vector<16xi32>
        %add3A_336 = arith.addi %add3A_335, %iota3A : vector<16xi32>
        tpu.vector_store_idx %arg7[%add3A_332], %add3A_336 masked %le3A_274 : memref<8192xi32, #tpu.memory_space<vmem>>[vector<16xi32>], vector<16xi32>, vector<16xi1>
        %all_reduce_population_count3A_337 = tpu.all_reduce %le3A_274 {dim = 0 : i64, kind = #tpu.reduction_kind<sum>} : vector<16xi1> -> vector<16xi32>
        %add3A_338 = arith.addi %add3A_331, %all_reduce_population_count3A_337 : vector<16xi32>
        %add3A_339 = arith.constant 1 : i32
        %add3A_340 = vector.broadcast %add3A_339 : i32 to vector<16xi32>
        %add3A_341 = arith.addi %add3A_338, %add3A_340 : vector<16xi32>
        scf.yield %add3A_341 : vector<16xi32>
      }
      %scan3A_161 = arith.constant 784 : i32
      %lt3A = arith.constant 7 : i32
      %lt3A_162 = arith.cmpi slt, %scan3A_29, %lt3A : i32
      %convert_element_type3A = arith.extui %lt3A_162 : i1 to i32
      %cond3A = arith.constant 0 : i32
      %cond3A_163 = arith.cmpi ne, %convert_element_type3A, %cond3A : i32
      scf.if %cond3A_163 {
        %add3A_248 = arith.constant 1 : i32
        %add3A_249 = arith.addi %add3A_32, %add3A_248 : i32
        %dma_start3A_250 = arith.constant 0 : i32
        %dma_start3A_251 = tpu.memref_slice %arg2[%add3A_249, %dma_start3A_250] : memref<256x50176xi32, #tpu.memory_space<hbm>> -> memref<1x50176xi32, #tpu.memory_space<hbm>>
        %dma_start3A_252 = tpu.memref_squeeze %dma_start3A_251 : memref<1x50176xi32, #tpu.memory_space<hbm>> -> memref<50176xi32, #tpu.memory_space<hbm>>
        %dma_start3A_253 = arith.constant 0 : i32
        %dma_start3A_254 = tpu.memref_slice %arg2[%add3A_249, %dma_start3A_253] : memref<256x50176xi32, #tpu.memory_space<hbm>> -> memref<1x50176xi32, #tpu.memory_space<hbm>>
        %dma_start3A_255 = tpu.memref_squeeze %dma_start3A_254 : memref<1x50176xi32, #tpu.memory_space<hbm>> -> memref<50176xi32, #tpu.memory_space<hbm>>
        tpu.enqueue_dma source(%dma_start3A_255 : memref<50176xi32, #tpu.memory_space<hbm>>) target(%arg5 : memref<50176xi32, #tpu.memory_space<vmem>>) target_semaphore(%arg12 : memref<!tpu.dma_semaphore, #tpu.memory_space<semaphore_mem>>)
      } else {
      }
      %slice3A_164 = vector.extract_strided_slice %scan3A_160 {offsets = [0], sizes = [1], strides = [1]} : vector<16xi32> to vector<1xi32>
      %squeeze3A_165 = vector.extract %slice3A_164[0] : i32 from vector<1xi32>
      %min3A_166 = arith.constant 8192 : i32
      %min3A_167 = arith.minsi %squeeze3A_165, %min3A_166 : i32
      %add3A_168 = vector.broadcast %min3A_167 : i32 to vector<16xi32>
      %add3A_169 = arith.addi %add3A_168, %iota3A : vector<16xi32>
      %min3A_170 = arith.constant 8191 : i32
      %min3A_171 = vector.broadcast %min3A_170 : i32 to vector<16xi32>
      %min3A_172 = arith.minsi %add3A_169, %min3A_171 : vector<16xi32>
      %add3A_173 = vector.broadcast %min3A_167 : i32 to vector<16xi32>
      %add3A_174 = arith.addi %add3A_173, %iota3A : vector<16xi32>
      %lt3A_175 = arith.constant 8192 : i32
      %lt3A_176 = vector.broadcast %lt3A_175 : i32 to vector<16xi32>
      %lt3A_177 = arith.cmpi slt, %add3A_174, %lt3A_176 : vector<16xi32>
      tpu.vector_store_idx %arg6[%min3A_172], %broadcast_in_dim3A_3 masked %lt3A_177 : memref<8192xi32, #tpu.memory_space<vmem>>[vector<16xi32>], vector<16xi32>, vector<16xi1>
      %add3A_178 = arith.constant 16 : i32
      %add3A_179 = arith.addi %min3A_167, %add3A_178 : i32
      %add3A_180 = vector.broadcast %add3A_179 : i32 to vector<16xi32>
      %add3A_181 = arith.addi %add3A_180, %iota3A : vector<16xi32>
      %min3A_182 = arith.constant 8191 : i32
      %min3A_183 = vector.broadcast %min3A_182 : i32 to vector<16xi32>
      %min3A_184 = arith.minsi %add3A_181, %min3A_183 : vector<16xi32>
      %add3A_185 = arith.constant 16 : i32
      %add3A_186 = arith.addi %min3A_167, %add3A_185 : i32
      %add3A_187 = vector.broadcast %add3A_186 : i32 to vector<16xi32>
      %add3A_188 = arith.addi %add3A_187, %iota3A : vector<16xi32>
      %lt3A_189 = arith.constant 8192 : i32
      %lt3A_190 = vector.broadcast %lt3A_189 : i32 to vector<16xi32>
      %lt3A_191 = arith.cmpi slt, %add3A_188, %lt3A_190 : vector<16xi32>
      tpu.vector_store_idx %arg6[%min3A_184], %broadcast_in_dim3A_3 masked %lt3A_191 : memref<8192xi32, #tpu.memory_space<vmem>>[vector<16xi32>], vector<16xi32>, vector<16xi1>
      %add3A_192 = arith.constant 31 : i32
      %add3A_193 = arith.addi %min3A_167, %add3A_192 : i32
      %shift_right_arithmetic3A = arith.constant 5 : i32
      %shift_right_arithmetic3A_194 = arith.shrsi %add3A_193, %shift_right_arithmetic3A : i32
      %while3A:2 = scf.while (%while3A_248 = %min3A_155, %while3A_249 = %max3A_152) : (i32, i32) -> (i32, i32) {
        %lt3A_250 = arith.cmpi slt, %while3A_248, %while3A_249 : i32
        scf.condition(%lt3A_250) %while3A_248, %while3A_249 : i32, i32
      } do {
      ^bb0(%while3A_248: i32, %while3A_249: i32):
        %sub3A_250 = arith.subi %while3A_249, %while3A_248 : i32
        %shift_right_arithmetic3A_251 = arith.constant 1 : i32
        %shift_right_arithmetic3A_252 = arith.shrsi %sub3A_250, %shift_right_arithmetic3A_251 : i32
        %add3A_253 = arith.addi %while3A_248, %shift_right_arithmetic3A_252 : i32
        %while3A_254 = arith.constant 0 : i32
        %while3A_255 = arith.subi %shift_right_arithmetic3A_194, %while3A_254 : i32
        %while3A_256 = arith.addi %while3A_254, %while3A_255 : i32
        %while3A_257 = arith.constant 1 : i32
        %while3A_258 = arith.divsi %while3A_255, %while3A_257 : i32
        %while3A_259 = arith.muli %while3A_258, %while3A_257 : i32
        %while3A_260 = arith.addi %while3A_254, %while3A_259 : i32
        %while3A_261 = arith.constant 1 : i32
        %while3A_262 = scf.for %while3A_272 = %while3A_254 to %while3A_260 step %while3A_261 iter_args(%while3A_273 = %broadcast_in_dim3A_1) -> (vector<16xi32>)  : i32 {
          %mul3A_274 = arith.constant 32 : i32
          %mul3A_275 = arith.muli %while3A_272, %mul3A_274 : i32
          %get3A_276 = arith.index_cast %mul3A_275 : i32 to index
          %get3A_277 = tpu.vector_load %arg6[%get3A_276] {strides = array<i32>} : memref<8192xi32, #tpu.memory_space<vmem>>, vector<16xi32>,
          %le3A = vector.broadcast %add3A_253 : i32 to vector<16xi32>
          %le3A_278 = arith.cmpi sle, %get3A_277, %le3A : vector<16xi32>
          %all_reduce_population_count3A = tpu.all_reduce %le3A_278 {dim = 0 : i64, kind = #tpu.reduction_kind<sum>} : vector<16xi1> -> vector<16xi32>
          %add3A_279 = arith.addi %while3A_273, %all_reduce_population_count3A : vector<16xi32>
          %mul3A_280 = arith.constant 32 : i32
          %mul3A_281 = arith.muli %while3A_272, %mul3A_280 : i32
          %add3A_282 = arith.constant 16 : i32
          %add3A_283 = arith.addi %mul3A_281, %add3A_282 : i32
          %get3A_284 = arith.index_cast %add3A_283 : i32 to index
          %get3A_285 = tpu.vector_load %arg6[%get3A_284] {strides = array<i32>} : memref<8192xi32, #tpu.memory_space<vmem>>, vector<16xi32>,
          %le3A_286 = vector.broadcast %add3A_253 : i32 to vector<16xi32>
          %le3A_287 = arith.cmpi sle, %get3A_285, %le3A_286 : vector<16xi32>
          %all_reduce_population_count3A_288 = tpu.all_reduce %le3A_287 {dim = 0 : i64, kind = #tpu.reduction_kind<sum>} : vector<16xi1> -> vector<16xi32>
          %add3A_289 = arith.addi %add3A_279, %all_reduce_population_count3A_288 : vector<16xi32>
          scf.yield %add3A_289 : vector<16xi32>
        }
        %while3A_263 = arith.constant 1 : i32
        %while3A_264 = scf.for %while3A_272 = %while3A_260 to %while3A_256 step %while3A_263 iter_args(%while3A_273 = %while3A_262) -> (vector<16xi32>)  : i32 {
          %mul3A_274 = arith.constant 32 : i32
          %mul3A_275 = arith.muli %while3A_272, %mul3A_274 : i32
          %get3A_276 = arith.index_cast %mul3A_275 : i32 to index
          %get3A_277 = tpu.vector_load %arg6[%get3A_276] {strides = array<i32>} : memref<8192xi32, #tpu.memory_space<vmem>>, vector<16xi32>,
          %le3A = vector.broadcast %add3A_253 : i32 to vector<16xi32>
          %le3A_278 = arith.cmpi sle, %get3A_277, %le3A : vector<16xi32>
          %all_reduce_population_count3A = tpu.all_reduce %le3A_278 {dim = 0 : i64, kind = #tpu.reduction_kind<sum>} : vector<16xi1> -> vector<16xi32>
          %add3A_279 = arith.addi %while3A_273, %all_reduce_population_count3A : vector<16xi32>
          %mul3A_280 = arith.constant 32 : i32
          %mul3A_281 = arith.muli %while3A_272, %mul3A_280 : i32
          %add3A_282 = arith.constant 16 : i32
          %add3A_283 = arith.addi %mul3A_281, %add3A_282 : i32
          %get3A_284 = arith.index_cast %add3A_283 : i32 to index
          %get3A_285 = tpu.vector_load %arg6[%get3A_284] {strides = array<i32>} : memref<8192xi32, #tpu.memory_space<vmem>>, vector<16xi32>,
          %le3A_286 = vector.broadcast %add3A_253 : i32 to vector<16xi32>
          %le3A_287 = arith.cmpi sle, %get3A_285, %le3A_286 : vector<16xi32>
          %all_reduce_population_count3A_288 = tpu.all_reduce %le3A_287 {dim = 0 : i64, kind = #tpu.reduction_kind<sum>} : vector<16xi1> -> vector<16xi32>
          %add3A_289 = arith.addi %add3A_279, %all_reduce_population_count3A_288 : vector<16xi32>
          scf.yield %add3A_289 : vector<16xi32>
        }
        %slice3A_265 = vector.extract_strided_slice %while3A_264 {offsets = [0], sizes = [1], strides = [1]} : vector<16xi32> to vector<1xi32>
        %squeeze3A_266 = vector.extract %slice3A_265[0] : i32 from vector<1xi32>
        %ge3A = arith.constant 96 : i32
        %ge3A_267 = arith.cmpi sge, %squeeze3A_266, %ge3A : i32
        %add3A_268 = arith.constant 1 : i32
        %add3A_269 = arith.addi %add3A_253, %add3A_268 : i32
        %select_n3A_270 = arith.select %ge3A_267, %while3A_248, %add3A_269 : i32
        %select_n3A_271 = arith.select %ge3A_267, %add3A_253, %while3A_249 : i32
        scf.yield %select_n3A_270, %select_n3A_271 : i32, i32
      }
      %eq3A = arith.cmpi eq, %while3A#1, %scan3A_11 : i32
      %sub3A_195 = arith.constant 1 : i32
      %sub3A_196 = arith.subi %while3A#1, %sub3A_195 : i32
      %while3A_197 = arith.constant 0 : i32
      %while3A_198 = arith.subi %shift_right_arithmetic3A_194, %while3A_197 : i32
      %while3A_199 = arith.addi %while3A_197, %while3A_198 : i32
      %while3A_200 = arith.constant 1 : i32
      %while3A_201 = arith.divsi %while3A_198, %while3A_200 : i32
      %while3A_202 = arith.muli %while3A_201, %while3A_200 : i32
      %while3A_203 = arith.addi %while3A_197, %while3A_202 : i32
      %while3A_204 = arith.constant 1 : i32
      %while3A_205 = scf.for %while3A_248 = %while3A_197 to %while3A_203 step %while3A_204 iter_args(%while3A_249 = %broadcast_in_dim3A_1) -> (vector<16xi32>)  : i32 {
        %mul3A_250 = arith.constant 32 : i32
        %mul3A_251 = arith.muli %while3A_248, %mul3A_250 : i32
        %get3A_252 = arith.index_cast %mul3A_251 : i32 to index
        %get3A_253 = tpu.vector_load %arg6[%get3A_252] {strides = array<i32>} : memref<8192xi32, #tpu.memory_space<vmem>>, vector<16xi32>,
        %le3A = vector.broadcast %sub3A_196 : i32 to vector<16xi32>
        %le3A_254 = arith.cmpi sle, %get3A_253, %le3A : vector<16xi32>
        %all_reduce_population_count3A = tpu.all_reduce %le3A_254 {dim = 0 : i64, kind = #tpu.reduction_kind<sum>} : vector<16xi1> -> vector<16xi32>
        %add3A_255 = arith.addi %while3A_249, %all_reduce_population_count3A : vector<16xi32>
        %mul3A_256 = arith.constant 32 : i32
        %mul3A_257 = arith.muli %while3A_248, %mul3A_256 : i32
        %add3A_258 = arith.constant 16 : i32
        %add3A_259 = arith.addi %mul3A_257, %add3A_258 : i32
        %get3A_260 = arith.index_cast %add3A_259 : i32 to index
        %get3A_261 = tpu.vector_load %arg6[%get3A_260] {strides = array<i32>} : memref<8192xi32, #tpu.memory_space<vmem>>, vector<16xi32>,
        %le3A_262 = vector.broadcast %sub3A_196 : i32 to vector<16xi32>
        %le3A_263 = arith.cmpi sle, %get3A_261, %le3A_262 : vector<16xi32>
        %all_reduce_population_count3A_264 = tpu.all_reduce %le3A_263 {dim = 0 : i64, kind = #tpu.reduction_kind<sum>} : vector<16xi1> -> vector<16xi32>
        %add3A_265 = arith.addi %add3A_255, %all_reduce_population_count3A_264 : vector<16xi32>
        scf.yield %add3A_265 : vector<16xi32>
      }
      %while3A_206 = arith.constant 1 : i32
      %while3A_207 = scf.for %while3A_248 = %while3A_203 to %while3A_199 step %while3A_206 iter_args(%while3A_249 = %while3A_205) -> (vector<16xi32>)  : i32 {
        %mul3A_250 = arith.constant 32 : i32
        %mul3A_251 = arith.muli %while3A_248, %mul3A_250 : i32
        %get3A_252 = arith.index_cast %mul3A_251 : i32 to index
        %get3A_253 = tpu.vector_load %arg6[%get3A_252] {strides = array<i32>} : memref<8192xi32, #tpu.memory_space<vmem>>, vector<16xi32>,
        %le3A = vector.broadcast %sub3A_196 : i32 to vector<16xi32>
        %le3A_254 = arith.cmpi sle, %get3A_253, %le3A : vector<16xi32>
        %all_reduce_population_count3A = tpu.all_reduce %le3A_254 {dim = 0 : i64, kind = #tpu.reduction_kind<sum>} : vector<16xi1> -> vector<16xi32>
        %add3A_255 = arith.addi %while3A_249, %all_reduce_population_count3A : vector<16xi32>
        %mul3A_256 = arith.constant 32 : i32
        %mul3A_257 = arith.muli %while3A_248, %mul3A_256 : i32
        %add3A_258 = arith.constant 16 : i32
        %add3A_259 = arith.addi %mul3A_257, %add3A_258 : i32
        %get3A_260 = arith.index_cast %add3A_259 : i32 to index
        %get3A_261 = tpu.vector_load %arg6[%get3A_260] {strides = array<i32>} : memref<8192xi32, #tpu.memory_space<vmem>>, vector<16xi32>,
        %le3A_262 = vector.broadcast %sub3A_196 : i32 to vector<16xi32>
        %le3A_263 = arith.cmpi sle, %get3A_261, %le3A_262 : vector<16xi32>
        %all_reduce_population_count3A_264 = tpu.all_reduce %le3A_263 {dim = 0 : i64, kind = #tpu.reduction_kind<sum>} : vector<16xi1> -> vector<16xi32>
        %add3A_265 = arith.addi %add3A_255, %all_reduce_population_count3A_264 : vector<16xi32>
        scf.yield %add3A_265 : vector<16xi32>
      }
      %slice3A_208 = vector.extract_strided_slice %while3A_207 {offsets = [0], sizes = [1], strides = [1]} : vector<16xi32> to vector<1xi32>
      %squeeze3A_209 = vector.extract %slice3A_208[0] : i32 from vector<1xi32>
      %jit3A = arith.constant 0 : i32
      %select_n3A = arith.select %eq3A, %jit3A, %squeeze3A_209 : i32
      %sub3A_210 = arith.constant 96 : i32
      %sub3A_211 = arith.subi %sub3A_210, %select_n3A : i32
      %while3A_212 = arith.constant 0 : i32
      %while3A_213 = arith.constant 50176 : i32
      %while3A_214:2 = scf.while (%while3A_248 = %while3A_212, %while3A_249 = %while3A_213) : (i32, i32) -> (i32, i32) {
        %lt3A_250 = arith.cmpi slt, %while3A_248, %while3A_249 : i32
        scf.condition(%lt3A_250) %while3A_248, %while3A_249 : i32, i32
      } do {
      ^bb0(%while3A_248: i32, %while3A_249: i32):
        %sub3A_250 = arith.subi %while3A_249, %while3A_248 : i32
        %shift_right_arithmetic3A_251 = arith.constant 1 : i32
        %shift_right_arithmetic3A_252 = arith.shrsi %sub3A_250, %shift_right_arithmetic3A_251 : i32
        %add3A_253 = arith.addi %while3A_248, %shift_right_arithmetic3A_252 : i32
        %while3A_254 = arith.constant 0 : i32
        %while3A_255 = arith.subi %shift_right_arithmetic3A_194, %while3A_254 : i32
        %while3A_256 = arith.addi %while3A_254, %while3A_255 : i32
        %while3A_257 = arith.constant 1 : i32
        %while3A_258 = arith.divsi %while3A_255, %while3A_257 : i32
        %while3A_259 = arith.muli %while3A_258, %while3A_257 : i32
        %while3A_260 = arith.addi %while3A_254, %while3A_259 : i32
        %while3A_261 = arith.constant 1 : i32
        %while3A_262 = scf.for %while3A_271 = %while3A_254 to %while3A_260 step %while3A_261 iter_args(%while3A_272 = %broadcast_in_dim3A_1) -> (vector<16xi32>)  : i32 {
          %mul3A_273 = arith.constant 32 : i32
          %mul3A_274 = arith.muli %while3A_271, %mul3A_273 : i32
          %get3A_275 = arith.index_cast %mul3A_274 : i32 to index
          %get3A_276 = tpu.vector_load %arg6[%get3A_275] {strides = array<i32>} : memref<8192xi32, #tpu.memory_space<vmem>>, vector<16xi32>,
          %mul3A_277 = arith.constant 32 : i32
          %mul3A_278 = arith.muli %while3A_271, %mul3A_277 : i32
          %add3A_279 = arith.constant 16 : i32
          %add3A_280 = arith.addi %mul3A_278, %add3A_279 : i32
          %get3A_281 = arith.index_cast %add3A_280 : i32 to index
          %get3A_282 = tpu.vector_load %arg6[%get3A_281] {strides = array<i32>} : memref<8192xi32, #tpu.memory_space<vmem>>, vector<16xi32>,
          %mul3A_283 = arith.constant 32 : i32
          %mul3A_284 = arith.muli %while3A_271, %mul3A_283 : i32
          %get3A_285 = arith.index_cast %mul3A_284 : i32 to index
          %get3A_286 = tpu.vector_load %arg7[%get3A_285] {strides = array<i32>} : memref<8192xi32, #tpu.memory_space<vmem>>, vector<16xi32>,
          %mul3A_287 = arith.constant 32 : i32
          %mul3A_288 = arith.muli %while3A_271, %mul3A_287 : i32
          %add3A_289 = arith.constant 16 : i32
          %add3A_290 = arith.addi %mul3A_288, %add3A_289 : i32
          %get3A_291 = arith.index_cast %add3A_290 : i32 to index
          %get3A_292 = tpu.vector_load %arg7[%get3A_291] {strides = array<i32>} : memref<8192xi32, #tpu.memory_space<vmem>>, vector<16xi32>,
          %eq3A_293 = vector.broadcast %while3A#1 : i32 to vector<16xi32>
          %eq3A_294 = arith.cmpi eq, %get3A_276, %eq3A_293 : vector<16xi32>
          %lt3A_295 = vector.broadcast %add3A_253 : i32 to vector<16xi32>
          %lt3A_296 = arith.cmpi slt, %get3A_286, %lt3A_295 : vector<16xi32>
          %and3A = arith.andi %eq3A_294, %lt3A_296 : vector<16xi1>
          %all_reduce_population_count3A = tpu.all_reduce %and3A {dim = 0 : i64, kind = #tpu.reduction_kind<sum>} : vector<16xi1> -> vector<16xi32>
          %add3A_297 = arith.addi %while3A_272, %all_reduce_population_count3A : vector<16xi32>
          %eq3A_298 = vector.broadcast %while3A#1 : i32 to vector<16xi32>
          %eq3A_299 = arith.cmpi eq, %get3A_282, %eq3A_298 : vector<16xi32>
          %lt3A_300 = vector.broadcast %add3A_253 : i32 to vector<16xi32>
          %lt3A_301 = arith.cmpi slt, %get3A_292, %lt3A_300 : vector<16xi32>
          %and3A_302 = arith.andi %eq3A_299, %lt3A_301 : vector<16xi1>
          %all_reduce_population_count3A_303 = tpu.all_reduce %and3A_302 {dim = 0 : i64, kind = #tpu.reduction_kind<sum>} : vector<16xi1> -> vector<16xi32>
          %add3A_304 = arith.addi %add3A_297, %all_reduce_population_count3A_303 : vector<16xi32>
          scf.yield %add3A_304 : vector<16xi32>
        }
        %while3A_263 = arith.constant 1 : i32
        %while3A_264 = scf.for %while3A_271 = %while3A_260 to %while3A_256 step %while3A_263 iter_args(%while3A_272 = %while3A_262) -> (vector<16xi32>)  : i32 {
          %mul3A_273 = arith.constant 32 : i32
          %mul3A_274 = arith.muli %while3A_271, %mul3A_273 : i32
          %get3A_275 = arith.index_cast %mul3A_274 : i32 to index
          %get3A_276 = tpu.vector_load %arg6[%get3A_275] {strides = array<i32>} : memref<8192xi32, #tpu.memory_space<vmem>>, vector<16xi32>,
          %mul3A_277 = arith.constant 32 : i32
          %mul3A_278 = arith.muli %while3A_271, %mul3A_277 : i32
          %add3A_279 = arith.constant 16 : i32
          %add3A_280 = arith.addi %mul3A_278, %add3A_279 : i32
          %get3A_281 = arith.index_cast %add3A_280 : i32 to index
          %get3A_282 = tpu.vector_load %arg6[%get3A_281] {strides = array<i32>} : memref<8192xi32, #tpu.memory_space<vmem>>, vector<16xi32>,
          %mul3A_283 = arith.constant 32 : i32
          %mul3A_284 = arith.muli %while3A_271, %mul3A_283 : i32
          %get3A_285 = arith.index_cast %mul3A_284 : i32 to index
          %get3A_286 = tpu.vector_load %arg7[%get3A_285] {strides = array<i32>} : memref<8192xi32, #tpu.memory_space<vmem>>, vector<16xi32>,
          %mul3A_287 = arith.constant 32 : i32
          %mul3A_288 = arith.muli %while3A_271, %mul3A_287 : i32
          %add3A_289 = arith.constant 16 : i32
          %add3A_290 = arith.addi %mul3A_288, %add3A_289 : i32
          %get3A_291 = arith.index_cast %add3A_290 : i32 to index
          %get3A_292 = tpu.vector_load %arg7[%get3A_291] {strides = array<i32>} : memref<8192xi32, #tpu.memory_space<vmem>>, vector<16xi32>,
          %eq3A_293 = vector.broadcast %while3A#1 : i32 to vector<16xi32>
          %eq3A_294 = arith.cmpi eq, %get3A_276, %eq3A_293 : vector<16xi32>
          %lt3A_295 = vector.broadcast %add3A_253 : i32 to vector<16xi32>
          %lt3A_296 = arith.cmpi slt, %get3A_286, %lt3A_295 : vector<16xi32>
          %and3A = arith.andi %eq3A_294, %lt3A_296 : vector<16xi1>
          %all_reduce_population_count3A = tpu.all_reduce %and3A {dim = 0 : i64, kind = #tpu.reduction_kind<sum>} : vector<16xi1> -> vector<16xi32>
          %add3A_297 = arith.addi %while3A_272, %all_reduce_population_count3A : vector<16xi32>
          %eq3A_298 = vector.broadcast %while3A#1 : i32 to vector<16xi32>
          %eq3A_299 = arith.cmpi eq, %get3A_282, %eq3A_298 : vector<16xi32>
          %lt3A_300 = vector.broadcast %add3A_253 : i32 to vector<16xi32>
          %lt3A_301 = arith.cmpi slt, %get3A_292, %lt3A_300 : vector<16xi32>
          %and3A_302 = arith.andi %eq3A_299, %lt3A_301 : vector<16xi1>
          %all_reduce_population_count3A_303 = tpu.all_reduce %and3A_302 {dim = 0 : i64, kind = #tpu.reduction_kind<sum>} : vector<16xi1> -> vector<16xi32>
          %add3A_304 = arith.addi %add3A_297, %all_reduce_population_count3A_303 : vector<16xi32>
          scf.yield %add3A_304 : vector<16xi32>
        }
        %slice3A_265 = vector.extract_strided_slice %while3A_264 {offsets = [0], sizes = [1], strides = [1]} : vector<16xi32> to vector<1xi32>
        %squeeze3A_266 = vector.extract %slice3A_265[0] : i32 from vector<1xi32>
        %ge3A = arith.cmpi sge, %squeeze3A_266, %sub3A_211 : i32
        %add3A_267 = arith.constant 1 : i32
        %add3A_268 = arith.addi %add3A_253, %add3A_267 : i32
        %select_n3A_269 = arith.select %ge3A, %while3A_248, %add3A_268 : i32
        %select_n3A_270 = arith.select %ge3A, %add3A_253, %while3A_249 : i32
        scf.yield %select_n3A_269, %select_n3A_270 : i32, i32
      }
      %add3A_215 = arith.constant 15 : i32
      %add3A_216 = arith.addi %min3A_167, %add3A_215 : i32
      %shift_right_arithmetic3A_217 = arith.constant 4 : i32
      %shift_right_arithmetic3A_218 = arith.shrsi %add3A_216, %shift_right_arithmetic3A_217 : i32
      %while3A_219 = arith.constant 0 : i32
      %while3A_220 = arith.subi %shift_right_arithmetic3A_218, %while3A_219 : i32
      %while3A_221 = arith.addi %while3A_219, %while3A_220 : i32
      %while3A_222 = arith.constant 1 : i32
      %while3A_223 = arith.divsi %while3A_220, %while3A_222 : i32
      %while3A_224 = arith.muli %while3A_223, %while3A_222 : i32
      %while3A_225 = arith.addi %while3A_219, %while3A_224 : i32
      %while3A_226 = arith.constant 1 : i32
      %while3A_227 = scf.for %while3A_248 = %while3A_219 to %while3A_225 step %while3A_226 iter_args(%while3A_249 = %broadcast_in_dim3A_1) -> (vector<16xi32>)  : i32 {
        %mul3A_250 = arith.constant 16 : i32
        %mul3A_251 = arith.muli %while3A_248, %mul3A_250 : i32
        %get3A_252 = arith.index_cast %mul3A_251 : i32 to index
        %get3A_253 = tpu.vector_load %arg6[%get3A_252] {strides = array<i32>} : memref<8192xi32, #tpu.memory_space<vmem>>, vector<16xi32>,
        %mul3A_254 = arith.constant 16 : i32
        %mul3A_255 = arith.muli %while3A_248, %mul3A_254 : i32
        %get3A_256 = arith.index_cast %mul3A_255 : i32 to index
        %get3A_257 = tpu.vector_load %arg7[%get3A_256] {strides = array<i32>} : memref<8192xi32, #tpu.memory_space<vmem>>, vector<16xi32>,
        %lt3A_258 = vector.broadcast %while3A#1 : i32 to vector<16xi32>
        %lt3A_259 = arith.cmpi slt, %get3A_253, %lt3A_258 : vector<16xi32>
        %eq3A_260 = vector.broadcast %while3A#1 : i32 to vector<16xi32>
        %eq3A_261 = arith.cmpi eq, %get3A_253, %eq3A_260 : vector<16xi32>
        %lt3A_262 = vector.broadcast %while3A_214#1 : i32 to vector<16xi32>
        %lt3A_263 = arith.cmpi slt, %get3A_257, %lt3A_262 : vector<16xi32>
        %and3A = arith.andi %eq3A_261, %lt3A_263 : vector<16xi1>
        %or3A = arith.ori %lt3A_259, %and3A : vector<16xi1>
        %convert_element_type3A_264 = arith.extui %or3A : vector<16xi1> to vector<16xi32>
        %broadcast_in_dim3A_265 = arith.constant true
        %broadcast_in_dim3A_266 = vector.broadcast %broadcast_in_dim3A_265 : i1 to vector<16xi1>
        %masked_cumsum3A = tpu.scan <sum>, %convert_element_type3A_264 masked %broadcast_in_dim3A_266 : vector<16xi32>, vector<16xi1> -> vector<16xi32>
        %sub3A_267 = arith.subi %masked_cumsum3A, %convert_element_type3A_264 : vector<16xi32>
        %add3A_268 = arith.addi %while3A_249, %sub3A_267 : vector<16xi32>
        %min3A_269 = arith.constant 95 : i32
        %min3A_270 = vector.broadcast %min3A_269 : i32 to vector<16xi32>
        %min3A_271 = arith.minsi %add3A_268, %min3A_270 : vector<16xi32>
        tpu.vector_store_idx %arg8[%min3A_271], %get3A_257 masked %or3A : memref<96xi32, #tpu.memory_space<vmem>>[vector<16xi32>], vector<16xi32>, vector<16xi1>
        %all_reduce_population_count3A = tpu.all_reduce %or3A {dim = 0 : i64, kind = #tpu.reduction_kind<sum>} : vector<16xi1> -> vector<16xi32>
        %add3A_272 = arith.addi %while3A_249, %all_reduce_population_count3A : vector<16xi32>
        scf.yield %add3A_272 : vector<16xi32>
      }
      %while3A_228 = arith.constant 1 : i32
      %while3A_229 = scf.for %while3A_248 = %while3A_225 to %while3A_221 step %while3A_228 iter_args(%while3A_249 = %while3A_227) -> (vector<16xi32>)  : i32 {
        %mul3A_250 = arith.constant 16 : i32
        %mul3A_251 = arith.muli %while3A_248, %mul3A_250 : i32
        %get3A_252 = arith.index_cast %mul3A_251 : i32 to index
        %get3A_253 = tpu.vector_load %arg6[%get3A_252] {strides = array<i32>} : memref<8192xi32, #tpu.memory_space<vmem>>, vector<16xi32>,
        %mul3A_254 = arith.constant 16 : i32
        %mul3A_255 = arith.muli %while3A_248, %mul3A_254 : i32
        %get3A_256 = arith.index_cast %mul3A_255 : i32 to index
        %get3A_257 = tpu.vector_load %arg7[%get3A_256] {strides = array<i32>} : memref<8192xi32, #tpu.memory_space<vmem>>, vector<16xi32>,
        %lt3A_258 = vector.broadcast %while3A#1 : i32 to vector<16xi32>
        %lt3A_259 = arith.cmpi slt, %get3A_253, %lt3A_258 : vector<16xi32>
        %eq3A_260 = vector.broadcast %while3A#1 : i32 to vector<16xi32>
        %eq3A_261 = arith.cmpi eq, %get3A_253, %eq3A_260 : vector<16xi32>
        %lt3A_262 = vector.broadcast %while3A_214#1 : i32 to vector<16xi32>
        %lt3A_263 = arith.cmpi slt, %get3A_257, %lt3A_262 : vector<16xi32>
        %and3A = arith.andi %eq3A_261, %lt3A_263 : vector<16xi1>
        %or3A = arith.ori %lt3A_259, %and3A : vector<16xi1>
        %convert_element_type3A_264 = arith.extui %or3A : vector<16xi1> to vector<16xi32>
        %broadcast_in_dim3A_265 = arith.constant true
        %broadcast_in_dim3A_266 = vector.broadcast %broadcast_in_dim3A_265 : i1 to vector<16xi1>
        %masked_cumsum3A = tpu.scan <sum>, %convert_element_type3A_264 masked %broadcast_in_dim3A_266 : vector<16xi32>, vector<16xi1> -> vector<16xi32>
        %sub3A_267 = arith.subi %masked_cumsum3A, %convert_element_type3A_264 : vector<16xi32>
        %add3A_268 = arith.addi %while3A_249, %sub3A_267 : vector<16xi32>
        %min3A_269 = arith.constant 95 : i32
        %min3A_270 = vector.broadcast %min3A_269 : i32 to vector<16xi32>
        %min3A_271 = arith.minsi %add3A_268, %min3A_270 : vector<16xi32>
        tpu.vector_store_idx %arg8[%min3A_271], %get3A_257 masked %or3A : memref<96xi32, #tpu.memory_space<vmem>>[vector<16xi32>], vector<16xi32>, vector<16xi1>
        %all_reduce_population_count3A = tpu.all_reduce %or3A {dim = 0 : i64, kind = #tpu.reduction_kind<sum>} : vector<16xi1> -> vector<16xi32>
        %add3A_272 = arith.addi %while3A_249, %all_reduce_population_count3A : vector<16xi32>
        scf.yield %add3A_272 : vector<16xi32>
      }
      %gt3A = arith.constant 0 : i32
      %gt3A_230 = arith.cmpi sgt, %scan3A_29, %gt3A : i32
      %convert_element_type3A_231 = arith.extui %gt3A_230 : i1 to i32
      %cond3A_232 = arith.constant 0 : i32
      %cond3A_233 = arith.cmpi ne, %convert_element_type3A_231, %cond3A_232 : i32
      scf.if %cond3A_233 {
        %sub3A_248 = arith.constant 1 : i32
        %sub3A_249 = arith.subi %add3A_32, %sub3A_248 : i32
        %dma_wait3A_250 = arith.constant 0 : i32
        %dma_wait3A_251 = arith.constant 0 : i32
        %dma_wait3A_252 = tpu.memref_slice %arg4[%sub3A_249, %dma_wait3A_250, %dma_wait3A_251] : memref<256x96x384xf32, #tpu.memory_space<hbm>> -> memref<1x96x384xf32, #tpu.memory_space<hbm>>
        %dma_wait3A_253 = tpu.memref_squeeze %dma_wait3A_252 : memref<1x96x384xf32, #tpu.memory_space<hbm>> -> memref<96x384xf32, #tpu.memory_space<hbm>>
        %dma_wait3A_254 = arith.constant 0 : i32
        %dma_wait3A_255 = arith.constant 0 : i32
        %dma_wait3A_256 = tpu.memref_slice %arg4[%sub3A_249, %dma_wait3A_254, %dma_wait3A_255] : memref<256x96x384xf32, #tpu.memory_space<hbm>> -> memref<1x96x384xf32, #tpu.memory_space<hbm>>
        %dma_wait3A_257 = tpu.memref_squeeze %dma_wait3A_256 : memref<1x96x384xf32, #tpu.memory_space<hbm>> -> memref<96x384xf32, #tpu.memory_space<hbm>>
        tpu.wait_dma2 semaphore(%arg11 : memref<!tpu.dma_semaphore, #tpu.memory_space<semaphore_mem>>) src(%arg9 : memref<96x384xf32, #tpu.memory_space<vmem>>) dst(%dma_wait3A_257 : memref<96x384xf32, #tpu.memory_space<hbm>>)
      } else {
      }
      %dma_start3A_234 = arith.constant 0 : i32
      %dma_start3A_235 = arith.constant 0 : i32
      %dma_start3A_236 = tpu.memref_slice %arg3[%dma_start3A_234, %dma_start3A_235] : memref<50176x384xf32, #tpu.memory_space<hbm>> -> memref<50176x384xf32, #tpu.memory_space<hbm>>
      tpu.enqueue_indirect_dma source(%dma_start3A_236 : memref<50176x384xf32, #tpu.memory_space<hbm>>) target(%arg9 : memref<96x384xf32, #tpu.memory_space<vmem>>) offsets(%arg8 : memref<96xi32, #tpu.memory_space<vmem>>) semaphore(%arg10 : memref<!tpu.dma_semaphore, #tpu.memory_space<semaphore_mem>>)
      %dma_wait3A_237 = arith.constant 0 : i32
      %dma_wait3A_238 = arith.constant 0 : i32
      %dma_wait3A_239 = tpu.memref_slice %arg3[%dma_wait3A_237, %dma_wait3A_238] : memref<50176x384xf32, #tpu.memory_space<hbm>> -> memref<50176x384xf32, #tpu.memory_space<hbm>>
      tpu.wait_indirect_dma semaphore(%arg10 : memref<!tpu.dma_semaphore, #tpu.memory_space<semaphore_mem>>) src(%dma_wait3A_239 : memref<50176x384xf32, #tpu.memory_space<hbm>>) dst(%arg9 : memref<96x384xf32, #tpu.memory_space<vmem>>)
      %dma_start3A_240 = arith.constant 0 : i32
      %dma_start3A_241 = arith.constant 0 : i32
      %dma_start3A_242 = tpu.memref_slice %arg4[%add3A_32, %dma_start3A_240, %dma_start3A_241] : memref<256x96x384xf32, #tpu.memory_space<hbm>> -> memref<1x96x384xf32, #tpu.memory_space<hbm>>
      %dma_start3A_243 = tpu.memref_squeeze %dma_start3A_242 : memref<1x96x384xf32, #tpu.memory_space<hbm>> -> memref<96x384xf32, #tpu.memory_space<hbm>>
      %dma_start3A_244 = arith.constant 0 : i32
      %dma_start3A_245 = arith.constant 0 : i32
      %dma_start3A_246 = tpu.memref_slice %arg4[%add3A_32, %dma_start3A_244, %dma_start3A_245] : memref<256x96x384xf32, #tpu.memory_space<hbm>> -> memref<1x96x384xf32, #tpu.memory_space<hbm>>
      %dma_start3A_247 = tpu.memref_squeeze %dma_start3A_246 : memref<1x96x384xf32, #tpu.memory_space<hbm>> -> memref<96x384xf32, #tpu.memory_space<hbm>>
      tpu.enqueue_dma source(%arg9 : memref<96x384xf32, #tpu.memory_space<vmem>>) target(%dma_start3A_247 : memref<96x384xf32, #tpu.memory_space<hbm>>) target_semaphore(%arg11 : memref<!tpu.dma_semaphore, #tpu.memory_space<semaphore_mem>>)
    }
    %scan3A_16 = arith.constant 8 : i32
    %mul3A_17 = arith.constant 8 : i32
    %mul3A_18 = arith.muli %add3A, %mul3A_17 : i32
    %add3A_19 = arith.constant 8 : i32
    %add3A_20 = arith.addi %mul3A_18, %add3A_19 : i32
    %sub3A = arith.constant 1 : i32
    %sub3A_21 = arith.subi %add3A_20, %sub3A : i32
    %dma_wait3A = arith.constant 0 : i32
    %dma_wait3A_22 = arith.constant 0 : i32
    %dma_wait3A_23 = tpu.memref_slice %arg4[%sub3A_21, %dma_wait3A, %dma_wait3A_22] : memref<256x96x384xf32, #tpu.memory_space<hbm>> -> memref<1x96x384xf32, #tpu.memory_space<hbm>>
    %dma_wait3A_24 = tpu.memref_squeeze %dma_wait3A_23 : memref<1x96x384xf32, #tpu.memory_space<hbm>> -> memref<96x384xf32, #tpu.memory_space<hbm>>
    %dma_wait3A_25 = arith.constant 0 : i32
    %dma_wait3A_26 = arith.constant 0 : i32
    %dma_wait3A_27 = tpu.memref_slice %arg4[%sub3A_21, %dma_wait3A_25, %dma_wait3A_26] : memref<256x96x384xf32, #tpu.memory_space<hbm>> -> memref<1x96x384xf32, #tpu.memory_space<hbm>>
    %dma_wait3A_28 = tpu.memref_squeeze %dma_wait3A_27 : memref<1x96x384xf32, #tpu.memory_space<hbm>> -> memref<96x384xf32, #tpu.memory_space<hbm>>
    tpu.wait_dma2 semaphore(%arg11 : memref<!tpu.dma_semaphore, #tpu.memory_space<semaphore_mem>>) src(%arg9 : memref<96x384xf32, #tpu.memory_space<vmem>>) dst(%dma_wait3A_28 : memref<96x384xf32, #tpu.memory_space<hbm>>)
    return
  }
}

#map = affine_map<(d0, d1) -> (0, 0)>
#map1 = affine_map<(d0, d1) -> (0, 0, 0)>
module attributes {stable_mosaic.version = 14 : i64} {
  func.func @_sc_body(%arg0: i32, %arg1: i32, %arg2: memref<256x50176xi32, #tpu.memory_space<hbm>>, %arg3: memref<50176x384xf32, #tpu.memory_space<hbm>>, %arg4: memref<256x96x384xf32, #tpu.memory_space<hbm>>, %arg5: memref<50176xi32, #tpu.memory_space<vmem>>, %arg6: memref<8192xi32, #tpu.memory_space<vmem>>, %arg7: memref<8192xi32, #tpu.memory_space<vmem>>, %arg8: memref<96xi32, #tpu.memory_space<vmem>>, %arg9: memref<96x384xf32, #tpu.memory_space<vmem>>, %arg10: memref<!tpu.dma_semaphore, #tpu.memory_space<semaphore_mem>>, %arg11: memref<!tpu.dma_semaphore, #tpu.memory_space<semaphore_mem>>, %arg12: memref<!tpu.dma_semaphore, #tpu.memory_space<semaphore_mem>>) attributes {dimension_semantics = [#tpu.dimension_semantics<core_parallel>, #tpu.dimension_semantics<subcore_parallel>], iteration_bounds = array<i64: 2, 16>, scalar_prefetch = 0 : i64, scratch_operands = 8 : i64, tpu.core_type = #tpu.core_type<sc_vector_subcore>, window_params = [{transform_indices = #map}, {transform_indices = #map}, {transform_indices = #map1}]} {
    %mul3A = arith.constant 2 : i32
    %mul3A_0 = arith.muli %arg1, %mul3A : i32
    %add3A = arith.addi %mul3A_0, %arg0 : i32
    %iota3A = tpu.iota {dimensions = array<i32: 0>} : vector<16xi32>
    %broadcast_in_dim3A = arith.constant 0 : i32
    %broadcast_in_dim3A_1 = vector.broadcast %broadcast_in_dim3A : i32 to vector<16xi32>
    %broadcast_in_dim3A_2 = arith.constant 2147483647 : i32
    %broadcast_in_dim3A_3 = vector.broadcast %broadcast_in_dim3A_2 : i32 to vector<16xi32>
    %mul3A_4 = arith.constant 8 : i32
    %mul3A_5 = arith.muli %add3A, %mul3A_4 : i32
    %dma_start3A = arith.constant 0 : i32
    %dma_start3A_6 = tpu.memref_slice %arg2[%mul3A_5, %dma_start3A] : memref<256x50176xi32, #tpu.memory_space<hbm>> -> memref<1x50176xi32, #tpu.memory_space<hbm>>
    %dma_start3A_7 = tpu.memref_squeeze %dma_start3A_6 : memref<1x50176xi32, #tpu.memory_space<hbm>> -> memref<50176xi32, #tpu.memory_space<hbm>>
    %dma_start3A_8 = arith.constant 0 : i32
    %dma_start3A_9 = tpu.memref_slice %arg2[%mul3A_5, %dma_start3A_8] : memref<256x50176xi32, #tpu.memory_space<hbm>> -> memref<1x50176xi32, #tpu.memory_space<hbm>>
    %dma_start3A_10 = tpu.memref_squeeze %dma_start3A_9 : memref<1x50176xi32, #tpu.memory_space<hbm>> -> memref<50176xi32, #tpu.memory_space<hbm>>
    tpu.enqueue_dma source(%dma_start3A_10 : memref<50176xi32, #tpu.memory_space<hbm>>) target(%arg5 : memref<50176xi32, #tpu.memory_space<vmem>>) target_semaphore(%arg12 : memref<!tpu.dma_semaphore, #tpu.memory_space<semaphore_mem>>)
    %scan3A = arith.constant 0 : i32
    %scan3A_11 = arith.constant -2147483648 : i32
    %scan3A_12 = arith.constant 0 : i32
    %scan3A_13 = arith.constant 8 : i32
    %scan3A_14 = arith.addi %scan3A_12, %scan3A_13 : i32
    %scan3A_15 = arith.constant 1 : i32
    scf.for %scan3A_29 = %scan3A_12 to %scan3A_14 step %scan3A_15  : i32 {
      %mul3A_30 = arith.constant 8 : i32
      %mul3A_31 = arith.muli %add3A, %mul3A_30 : i32
      %add3A_32 = arith.addi %mul3A_31, %scan3A_29 : i32
      %dma_wait3A_33 = arith.constant 0 : i32
      %dma_wait3A_34 = tpu.memref_slice %arg2[%add3A_32, %dma_wait3A_33] : memref<256x50176xi32, #tpu.memory_space<hbm>> -> memref<1x50176xi32, #tpu.memory_space<hbm>>
      %dma_wait3A_35 = tpu.memref_squeeze %dma_wait3A_34 : memref<1x50176xi32, #tpu.memory_space<hbm>> -> memref<50176xi32, #tpu.memory_space<hbm>>
      %dma_wait3A_36 = arith.constant 0 : i32
      %dma_wait3A_37 = tpu.memref_slice %arg2[%add3A_32, %dma_wait3A_36] : memref<256x50176xi32, #tpu.memory_space<hbm>> -> memref<1x50176xi32, #tpu.memory_space<hbm>>
      %dma_wait3A_38 = tpu.memref_squeeze %dma_wait3A_37 : memref<1x50176xi32, #tpu.memory_space<hbm>> -> memref<50176xi32, #tpu.memory_space<hbm>>
      tpu.wait_dma2 semaphore(%arg12 : memref<!tpu.dma_semaphore, #tpu.memory_space<semaphore_mem>>) src(%dma_wait3A_38 : memref<50176xi32, #tpu.memory_space<hbm>>) dst(%arg5 : memref<50176xi32, #tpu.memory_space<vmem>>)
      %scan3A_39 = arith.constant 0 : i32
      %scan3A_40 = arith.constant 522 : i32
      %scan3A_41 = arith.addi %scan3A_39, %scan3A_40 : i32
      %scan3A_42 = arith.constant 1 : i32
      %scan3A_43:6 = scf.for %scan3A_248 = %scan3A_39 to %scan3A_41 step %scan3A_42 iter_args(%scan3A_249 = %broadcast_in_dim3A_3, %scan3A_250 = %broadcast_in_dim3A_3, %scan3A_251 = %broadcast_in_dim3A_3, %scan3A_252 = %broadcast_in_dim3A_3, %scan3A_253 = %broadcast_in_dim3A_3, %scan3A_254 = %broadcast_in_dim3A_3) -> (vector<16xi32>, vector<16xi32>, vector<16xi32>, vector<16xi32>, vector<16xi32>, vector<16xi32>)  : i32 {
        %mul3A_255 = arith.constant 96 : i32
        %mul3A_256 = arith.muli %scan3A_248, %mul3A_255 : i32
        %add3A_257 = arith.constant 0 : i32
        %add3A_258 = arith.addi %mul3A_256, %add3A_257 : i32
        %get3A_259 = arith.index_cast %add3A_258 : i32 to index
        %get3A_260 = tpu.vector_load %arg5[%get3A_259] {strides = array<i32>} : memref<50176xi32, #tpu.memory_space<vmem>>, vector<16xi32>,
        %min3A_261 = arith.minsi %scan3A_249, %get3A_260 : vector<16xi32>
        %add3A_262 = arith.constant 16 : i32
        %add3A_263 = arith.addi %mul3A_256, %add3A_262 : i32
        %get3A_264 = arith.index_cast %add3A_263 : i32 to index
        %get3A_265 = tpu.vector_load %arg5[%get3A_264] {strides = array<i32>} : memref<50176xi32, #tpu.memory_space<vmem>>, vector<16xi32>,
        %min3A_266 = arith.minsi %scan3A_250, %get3A_265 : vector<16xi32>
        %add3A_267 = arith.constant 32 : i32
        %add3A_268 = arith.addi %mul3A_256, %add3A_267 : i32
        %get3A_269 = arith.index_cast %add3A_268 : i32 to index
        %get3A_270 = tpu.vector_load %arg5[%get3A_269] {strides = array<i32>} : memref<50176xi32, #tpu.memory_space<vmem>>, vector<16xi32>,
        %min3A_271 = arith.minsi %scan3A_251, %get3A_270 : vector<16xi32>
        %add3A_272 = arith.constant 48 : i32
        %add3A_273 = arith.addi %mul3A_256, %add3A_272 : i32
        %get3A_274 = arith.index_cast %add3A_273 : i32 to index
        %get3A_275 = tpu.vector_load %arg5[%get3A_274] {strides = array<i32>} : memref<50176xi32, #tpu.memory_space<vmem>>, vector<16xi32>,
        %min3A_276 = arith.minsi %scan3A_252, %get3A_275 : vector<16xi32>
        %add3A_277 = arith.constant 64 : i32
        %add3A_278 = arith.addi %mul3A_256, %add3A_277 : i32
        %get3A_279 = arith.index_cast %add3A_278 : i32 to index
        %get3A_280 = tpu.vector_load %arg5[%get3A_279] {strides = array<i32>} : memref<50176xi32, #tpu.memory_space<vmem>>, vector<16xi32>,
        %min3A_281 = arith.minsi %scan3A_253, %get3A_280 : vector<16xi32>
        %add3A_282 = arith.constant 80 : i32
        %add3A_283 = arith.addi %mul3A_256, %add3A_282 : i32
        %get3A_284 = arith.index_cast %add3A_283 : i32 to index
        %get3A_285 = tpu.vector_load %arg5[%get3A_284] {strides = array<i32>} : memref<50176xi32, #tpu.memory_space<vmem>>, vector<16xi32>,
        %min3A_286 = arith.minsi %scan3A_254, %get3A_285 : vector<16xi32>
        scf.yield %min3A_261, %min3A_266, %min3A_271, %min3A_276, %min3A_281, %min3A_286 : vector<16xi32>, vector<16xi32>, vector<16xi32>, vector<16xi32>, vector<16xi32>, vector<16xi32>
      }
      %scan3A_44 = arith.constant 522 : i32
      %get3A = arith.constant 50112 : index
      %get3A_45 = tpu.vector_load %arg5[%get3A] {strides = array<i32>} : memref<50176xi32, #tpu.memory_space<vmem>>, vector<16xi32>,
      %min3A = arith.minsi %scan3A_43#0, %get3A_45 : vector<16xi32>
      %get3A_46 = arith.constant 50128 : index
      %get3A_47 = tpu.vector_load %arg5[%get3A_46] {strides = array<i32>} : memref<50176xi32, #tpu.memory_space<vmem>>, vector<16xi32>,
      %min3A_48 = arith.minsi %scan3A_43#1, %get3A_47 : vector<16xi32>
      %get3A_49 = arith.constant 50144 : index
      %get3A_50 = tpu.vector_load %arg5[%get3A_49] {strides = array<i32>} : memref<50176xi32, #tpu.memory_space<vmem>>, vector<16xi32>,
      %min3A_51 = arith.minsi %scan3A_43#2, %get3A_50 : vector<16xi32>
      %get3A_52 = arith.constant 50160 : index
      %get3A_53 = tpu.vector_load %arg5[%get3A_52] {strides = array<i32>} : memref<50176xi32, #tpu.memory_space<vmem>>, vector<16xi32>,
      %min3A_54 = arith.minsi %scan3A_43#3, %get3A_53 : vector<16xi32>
      %max3A = arith.maxsi %min3A, %min3A_48 : vector<16xi32>
      %min3A_55 = arith.minsi %min3A, %min3A_48 : vector<16xi32>
      %max3A_56 = arith.maxsi %max3A, %min3A_51 : vector<16xi32>
      %min3A_57 = arith.minsi %min3A_55, %min3A_51 : vector<16xi32>
      %max3A_58 = arith.maxsi %max3A_56, %min3A_54 : vector<16xi32>
      %min3A_59 = arith.minsi %min3A_57, %min3A_54 : vector<16xi32>
      %max3A_60 = arith.maxsi %max3A_58, %scan3A_43#4 : vector<16xi32>
      %min3A_61 = arith.minsi %min3A_59, %scan3A_43#4 : vector<16xi32>
      %max3A_62 = arith.maxsi %max3A_60, %scan3A_43#5 : vector<16xi32>
      %min3A_63 = arith.minsi %min3A_61, %scan3A_43#5 : vector<16xi32>
      %slice3A = vector.extract_strided_slice %max3A_62 {offsets = [0], sizes = [1], strides = [1]} : vector<16xi32> to vector<1xi32>
      %squeeze3A = vector.extract %slice3A[0] : i32 from vector<1xi32>
      %slice3A_64 = vector.extract_strided_slice %min3A_63 {offsets = [0], sizes = [1], strides = [1]} : vector<16xi32> to vector<1xi32>
      %squeeze3A_65 = vector.extract %slice3A_64[0] : i32 from vector<1xi32>
      %slice3A_66 = vector.extract_strided_slice %max3A_62 {offsets = [1], sizes = [1], strides = [1]} : vector<16xi32> to vector<1xi32>
      %squeeze3A_67 = vector.extract %slice3A_66[0] : i32 from vector<1xi32>
      %max3A_68 = arith.maxsi %squeeze3A, %squeeze3A_67 : i32
      %slice3A_69 = vector.extract_strided_slice %min3A_63 {offsets = [1], sizes = [1], strides = [1]} : vector<16xi32> to vector<1xi32>
      %squeeze3A_70 = vector.extract %slice3A_69[0] : i32 from vector<1xi32>
      %min3A_71 = arith.minsi %squeeze3A_65, %squeeze3A_70 : i32
      %slice3A_72 = vector.extract_strided_slice %max3A_62 {offsets = [2], sizes = [1], strides = [1]} : vector<16xi32> to vector<1xi32>
      %squeeze3A_73 = vector.extract %slice3A_72[0] : i32 from vector<1xi32>
      %max3A_74 = arith.maxsi %max3A_68, %squeeze3A_73 : i32
      %slice3A_75 = vector.extract_strided_slice %min3A_63 {offsets = [2], sizes = [1], strides = [1]} : vector<16xi32> to vector<1xi32>
      %squeeze3A_76 = vector.extract %slice3A_75[0] : i32 from vector<1xi32>
      %min3A_77 = arith.minsi %min3A_71, %squeeze3A_76 : i32
      %slice3A_78 = vector.extract_strided_slice %max3A_62 {offsets = [3], sizes = [1], strides = [1]} : vector<16xi32> to vector<1xi32>
      %squeeze3A_79 = vector.extract %slice3A_78[0] : i32 from vector<1xi32>
      %max3A_80 = arith.maxsi %max3A_74, %squeeze3A_79 : i32
      %slice3A_81 = vector.extract_strided_slice %min3A_63 {offsets = [3], sizes = [1], strides = [1]} : vector<16xi32> to vector<1xi32>
      %squeeze3A_82 = vector.extract %slice3A_81[0] : i32 from vector<1xi32>
      %min3A_83 = arith.minsi %min3A_77, %squeeze3A_82 : i32
      %slice3A_84 = vector.extract_strided_slice %max3A_62 {offsets = [4], sizes = [1], strides = [1]} : vector<16xi32> to vector<1xi32>
      %squeeze3A_85 = vector.extract %slice3A_84[0] : i32 from vector<1xi32>
      %max3A_86 = arith.maxsi %max3A_80, %squeeze3A_85 : i32
      %slice3A_87 = vector.extract_strided_slice %min3A_63 {offsets = [4], sizes = [1], strides = [1]} : vector<16xi32> to vector<1xi32>
      %squeeze3A_88 = vector.extract %slice3A_87[0] : i32 from vector<1xi32>
      %min3A_89 = arith.minsi %min3A_83, %squeeze3A_88 : i32
      %slice3A_90 = vector.extract_strided_slice %max3A_62 {offsets = [5], sizes = [1], strides = [1]} : vector<16xi32> to vector<1xi32>
      %squeeze3A_91 = vector.extract %slice3A_90[0] : i32 from vector<1xi32>
      %max3A_92 = arith.maxsi %max3A_86, %squeeze3A_91 : i32
      %slice3A_93 = vector.extract_strided_slice %min3A_63 {offsets = [5], sizes = [1], strides = [1]} : vector<16xi32> to vector<1xi32>
      %squeeze3A_94 = vector.extract %slice3A_93[0] : i32 from vector<1xi32>
      %min3A_95 = arith.minsi %min3A_89, %squeeze3A_94 : i32
      %slice3A_96 = vector.extract_strided_slice %max3A_62 {offsets = [6], sizes = [1], strides = [1]} : vector<16xi32> to vector<1xi32>
      %squeeze3A_97 = vector.extract %slice3A_96[0] : i32 from vector<1xi32>
      %max3A_98 = arith.maxsi %max3A_92, %squeeze3A_97 : i32
      %slice3A_99 = vector.extract_strided_slice %min3A_63 {offsets = [6], sizes = [1], strides = [1]} : vector<16xi32> to vector<1xi32>
      %squeeze3A_100 = vector.extract %slice3A_99[0] : i32 from vector<1xi32>
      %min3A_101 = arith.minsi %min3A_95, %squeeze3A_100 : i32
      %slice3A_102 = vector.extract_strided_slice %max3A_62 {offsets = [7], sizes = [1], strides = [1]} : vector<16xi32> to vector<1xi32>
      %squeeze3A_103 = vector.extract %slice3A_102[0] : i32 from vector<1xi32>
      %max3A_104 = arith.maxsi %max3A_98, %squeeze3A_103 : i32
      %slice3A_105 = vector.extract_strided_slice %min3A_63 {offsets = [7], sizes = [1], strides = [1]} : vector<16xi32> to vector<1xi32>
      %squeeze3A_106 = vector.extract %slice3A_105[0] : i32 from vector<1xi32>
      %min3A_107 = arith.minsi %min3A_101, %squeeze3A_106 : i32
      %slice3A_108 = vector.extract_strided_slice %max3A_62 {offsets = [8], sizes = [1], strides = [1]} : vector<16xi32> to vector<1xi32>
      %squeeze3A_109 = vector.extract %slice3A_108[0] : i32 from vector<1xi32>
      %max3A_110 = arith.maxsi %max3A_104, %squeeze3A_109 : i32
      %slice3A_111 = vector.extract_strided_slice %min3A_63 {offsets = [8], sizes = [1], strides = [1]} : vector<16xi32> to vector<1xi32>
      %squeeze3A_112 = vector.extract %slice3A_111[0] : i32 from vector<1xi32>
      %min3A_113 = arith.minsi %min3A_107, %squeeze3A_112 : i32
      %slice3A_114 = vector.extract_strided_slice %max3A_62 {offsets = [9], sizes = [1], strides = [1]} : vector<16xi32> to vector<1xi32>
      %squeeze3A_115 = vector.extract %slice3A_114[0] : i32 from vector<1xi32>
      %max3A_116 = arith.maxsi %max3A_110, %squeeze3A_115 : i32
      %slice3A_117 = vector.extract_strided_slice %min3A_63 {offsets = [9], sizes = [1], strides = [1]} : vector<16xi32> to vector<1xi32>
      %squeeze3A_118 = vector.extract %slice3A_117[0] : i32 from vector<1xi32>
      %min3A_119 = arith.minsi %min3A_113, %squeeze3A_118 : i32
      %slice3A_120 = vector.extract_strided_slice %max3A_62 {offsets = [10], sizes = [1], strides = [1]} : vector<16xi32> to vector<1xi32>
      %squeeze3A_121 = vector.extract %slice3A_120[0] : i32 from vector<1xi32>
      %max3A_122 = arith.maxsi %max3A_116, %squeeze3A_121 : i32
      %slice3A_123 = vector.extract_strided_slice %min3A_63 {offsets = [10], sizes = [1], strides = [1]} : vector<16xi32> to vector<1xi32>
      %squeeze3A_124 = vector.extract %slice3A_123[0] : i32 from vector<1xi32>
      %min3A_125 = arith.minsi %min3A_119, %squeeze3A_124 : i32
      %slice3A_126 = vector.extract_strided_slice %max3A_62 {offsets = [11], sizes = [1], strides = [1]} : vector<16xi32> to vector<1xi32>
      %squeeze3A_127 = vector.extract %slice3A_126[0] : i32 from vector<1xi32>
      %max3A_128 = arith.maxsi %max3A_122, %squeeze3A_127 : i32
      %slice3A_129 = vector.extract_strided_slice %min3A_63 {offsets = [11], sizes = [1], strides = [1]} : vector<16xi32> to vector<1xi32>
      %squeeze3A_130 = vector.extract %slice3A_129[0] : i32 from vector<1xi32>
      %min3A_131 = arith.minsi %min3A_125, %squeeze3A_130 : i32
      %slice3A_132 = vector.extract_strided_slice %max3A_62 {offsets = [12], sizes = [1], strides = [1]} : vector<16xi32> to vector<1xi32>
      %squeeze3A_133 = vector.extract %slice3A_132[0] : i32 from vector<1xi32>
      %max3A_134 = arith.maxsi %max3A_128, %squeeze3A_133 : i32
      %slice3A_135 = vector.extract_strided_slice %min3A_63 {offsets = [12], sizes = [1], strides = [1]} : vector<16xi32> to vector<1xi32>
      %squeeze3A_136 = vector.extract %slice3A_135[0] : i32 from vector<1xi32>
      %min3A_137 = arith.minsi %min3A_131, %squeeze3A_136 : i32
      %slice3A_138 = vector.extract_strided_slice %max3A_62 {offsets = [13], sizes = [1], strides = [1]} : vector<16xi32> to vector<1xi32>
      %squeeze3A_139 = vector.extract %slice3A_138[0] : i32 from vector<1xi32>
      %max3A_140 = arith.maxsi %max3A_134, %squeeze3A_139 : i32
      %slice3A_141 = vector.extract_strided_slice %min3A_63 {offsets = [13], sizes = [1], strides = [1]} : vector<16xi32> to vector<1xi32>
      %squeeze3A_142 = vector.extract %slice3A_141[0] : i32 from vector<1xi32>
      %min3A_143 = arith.minsi %min3A_137, %squeeze3A_142 : i32
      %slice3A_144 = vector.extract_strided_slice %max3A_62 {offsets = [14], sizes = [1], strides = [1]} : vector<16xi32> to vector<1xi32>
      %squeeze3A_145 = vector.extract %slice3A_144[0] : i32 from vector<1xi32>
      %max3A_146 = arith.maxsi %max3A_140, %squeeze3A_145 : i32
      %slice3A_147 = vector.extract_strided_slice %min3A_63 {offsets = [14], sizes = [1], strides = [1]} : vector<16xi32> to vector<1xi32>
      %squeeze3A_148 = vector.extract %slice3A_147[0] : i32 from vector<1xi32>
      %min3A_149 = arith.minsi %min3A_143, %squeeze3A_148 : i32
      %slice3A_150 = vector.extract_strided_slice %max3A_62 {offsets = [15], sizes = [1], strides = [1]} : vector<16xi32> to vector<1xi32>
      %squeeze3A_151 = vector.extract %slice3A_150[0] : i32 from vector<1xi32>
      %max3A_152 = arith.maxsi %max3A_146, %squeeze3A_151 : i32
      %slice3A_153 = vector.extract_strided_slice %min3A_63 {offsets = [15], sizes = [1], strides = [1]} : vector<16xi32> to vector<1xi32>
      %squeeze3A_154 = vector.extract %slice3A_153[0] : i32 from vector<1xi32>
      %min3A_155 = arith.minsi %min3A_149, %squeeze3A_154 : i32
      %scan3A_156 = arith.constant 0 : i32
      %scan3A_157 = arith.constant 784 : i32
      %scan3A_158 = arith.addi %scan3A_156, %scan3A_157 : i32
      %scan3A_159 = arith.constant 1 : i32
      %scan3A_160 = scf.for %scan3A_248 = %scan3A_156 to %scan3A_158 step %scan3A_159 iter_args(%scan3A_249 = %broadcast_in_dim3A_1) -> (vector<16xi32>)  : i32 {
        %mul3A_250 = arith.constant 64 : i32
        %mul3A_251 = arith.muli %scan3A_248, %mul3A_250 : i32
        %add3A_252 = arith.constant 0 : i32
        %add3A_253 = arith.addi %mul3A_251, %add3A_252 : i32
        %get3A_254 = arith.index_cast %add3A_253 : i32 to index
        %get3A_255 = tpu.vector_load %arg5[%get3A_254] {strides = array<i32>} : memref<50176xi32, #tpu.memory_space<vmem>>, vector<16xi32>,
        %add3A_256 = arith.constant 16 : i32
        %add3A_257 = arith.addi %mul3A_251, %add3A_256 : i32
        %get3A_258 = arith.index_cast %add3A_257 : i32 to index
        %get3A_259 = tpu.vector_load %arg5[%get3A_258] {strides = array<i32>} : memref<50176xi32, #tpu.memory_space<vmem>>, vector<16xi32>,
        %add3A_260 = arith.constant 32 : i32
        %add3A_261 = arith.addi %mul3A_251, %add3A_260 : i32
        %get3A_262 = arith.index_cast %add3A_261 : i32 to index
        %get3A_263 = tpu.vector_load %arg5[%get3A_262] {strides = array<i32>} : memref<50176xi32, #tpu.memory_space<vmem>>, vector<16xi32>,
        %add3A_264 = arith.constant 48 : i32
        %add3A_265 = arith.addi %mul3A_251, %add3A_264 : i32
        %get3A_266 = arith.index_cast %add3A_265 : i32 to index
        %get3A_267 = tpu.vector_load %arg5[%get3A_266] {strides = array<i32>} : memref<50176xi32, #tpu.memory_space<vmem>>, vector<16xi32>,
        %le3A = vector.broadcast %max3A_152 : i32 to vector<16xi32>
        %le3A_268 = arith.cmpi sle, %get3A_255, %le3A : vector<16xi32>
        %le3A_269 = vector.broadcast %max3A_152 : i32 to vector<16xi32>
        %le3A_270 = arith.cmpi sle, %get3A_259, %le3A_269 : vector<16xi32>
        %le3A_271 = vector.broadcast %max3A_152 : i32 to vector<16xi32>
        %le3A_272 = arith.cmpi sle, %get3A_263, %le3A_271 : vector<16xi32>
        %le3A_273 = vector.broadcast %max3A_152 : i32 to vector<16xi32>
        %le3A_274 = arith.cmpi sle, %get3A_267, %le3A_273 : vector<16xi32>
        %jit3A_275 = arith.constant 1 : i32
        %jit3A_276 = arith.constant 0 : i32
        %broadcast_in_dim3A_277 = vector.broadcast %jit3A_275 : i32 to vector<16xi32>
        %broadcast_in_dim3A_278 = vector.broadcast %jit3A_276 : i32 to vector<16xi32>
        %select_n3A_279 = arith.select %le3A_268, %broadcast_in_dim3A_277, %broadcast_in_dim3A_278 : vector<16xi1>, vector<16xi32>
        %broadcast_in_dim3A_280 = arith.constant true
        %broadcast_in_dim3A_281 = vector.broadcast %broadcast_in_dim3A_280 : i1 to vector<16xi1>
        %masked_cumsum3A = tpu.scan <sum>, %select_n3A_279 masked %broadcast_in_dim3A_281 : vector<16xi32>, vector<16xi1> -> vector<16xi32>
        %jit3A_282 = arith.constant 1 : i32
        %jit3A_283 = arith.constant 0 : i32
        %broadcast_in_dim3A_284 = vector.broadcast %jit3A_282 : i32 to vector<16xi32>
        %broadcast_in_dim3A_285 = vector.broadcast %jit3A_283 : i32 to vector<16xi32>
        %select_n3A_286 = arith.select %le3A_270, %broadcast_in_dim3A_284, %broadcast_in_dim3A_285 : vector<16xi1>, vector<16xi32>
        %broadcast_in_dim3A_287 = arith.constant true
        %broadcast_in_dim3A_288 = vector.broadcast %broadcast_in_dim3A_287 : i1 to vector<16xi1>
        %masked_cumsum3A_289 = tpu.scan <sum>, %select_n3A_286 masked %broadcast_in_dim3A_288 : vector<16xi32>, vector<16xi1> -> vector<16xi32>
        %jit3A_290 = arith.constant 1 : i32
        %jit3A_291 = arith.constant 0 : i32
        %broadcast_in_dim3A_292 = vector.broadcast %jit3A_290 : i32 to vector<16xi32>
        %broadcast_in_dim3A_293 = vector.broadcast %jit3A_291 : i32 to vector<16xi32>
        %select_n3A_294 = arith.select %le3A_272, %broadcast_in_dim3A_292, %broadcast_in_dim3A_293 : vector<16xi1>, vector<16xi32>
        %broadcast_in_dim3A_295 = arith.constant true
        %broadcast_in_dim3A_296 = vector.broadcast %broadcast_in_dim3A_295 : i1 to vector<16xi1>
        %masked_cumsum3A_297 = tpu.scan <sum>, %select_n3A_294 masked %broadcast_in_dim3A_296 : vector<16xi32>, vector<16xi1> -> vector<16xi32>
        %jit3A_298 = arith.constant 1 : i32
        %jit3A_299 = arith.constant 0 : i32
        %broadcast_in_dim3A_300 = vector.broadcast %jit3A_298 : i32 to vector<16xi32>
        %broadcast_in_dim3A_301 = vector.broadcast %jit3A_299 : i32 to vector<16xi32>
        %select_n3A_302 = arith.select %le3A_274, %broadcast_in_dim3A_300, %broadcast_in_dim3A_301 : vector<16xi1>, vector<16xi32>
        %broadcast_in_dim3A_303 = arith.constant true
        %broadcast_in_dim3A_304 = vector.broadcast %broadcast_in_dim3A_303 : i1 to vector<16xi1>
        %masked_cumsum3A_305 = tpu.scan <sum>, %select_n3A_302 masked %broadcast_in_dim3A_304 : vector<16xi32>, vector<16xi1> -> vector<16xi32>
        %min3A_306 = arith.constant 8127 : i32
        %min3A_307 = vector.broadcast %min3A_306 : i32 to vector<16xi32>
        %min3A_308 = arith.minsi %scan3A_249, %min3A_307 : vector<16xi32>
        %sub3A_309 = arith.constant 1 : i32
        %sub3A_310 = vector.broadcast %sub3A_309 : i32 to vector<16xi32>
        %sub3A_311 = arith.subi %min3A_308, %sub3A_310 : vector<16xi32>
        %add3A_312 = arith.addi %sub3A_311, %masked_cumsum3A : vector<16xi32>
        tpu.vector_store_idx %arg6[%add3A_312], %get3A_255 masked %le3A_268 : memref<8192xi32, #tpu.memory_space<vmem>>[vector<16xi32>], vector<16xi32>, vector<16xi1>
        %add3A_313 = arith.constant 0 : i32
        %add3A_314 = arith.addi %mul3A_251, %add3A_313 : i32
        %add3A_315 = vector.broadcast %add3A_314 : i32 to vector<16xi32>
        %add3A_316 = arith.addi %add3A_315, %iota3A : vector<16xi32>
        tpu.vector_store_idx %arg7[%add3A_312], %add3A_316 masked %le3A_268 : memref<8192xi32, #tpu.memory_space<vmem>>[vector<16xi32>], vector<16xi32>, vector<16xi1>
        %all_reduce_population_count3A = tpu.all_reduce %le3A_268 {dim = 0 : i64, kind = #tpu.reduction_kind<sum>} : vector<16xi1> -> vector<16xi32>
        %add3A_317 = arith.addi %sub3A_311, %all_reduce_population_count3A : vector<16xi32>
        %add3A_318 = arith.addi %add3A_317, %masked_cumsum3A_289 : vector<16xi32>
        tpu.vector_store_idx %arg6[%add3A_318], %get3A_259 masked %le3A_270 : memref<8192xi32, #tpu.memory_space<vmem>>[vector<16xi32>], vector<16xi32>, vector<16xi1>
        %add3A_319 = arith.constant 16 : i32
        %add3A_320 = arith.addi %mul3A_251, %add3A_319 : i32
        %add3A_321 = vector.broadcast %add3A_320 : i32 to vector<16xi32>
        %add3A_322 = arith.addi %add3A_321, %iota3A : vector<16xi32>
        tpu.vector_store_idx %arg7[%add3A_318], %add3A_322 masked %le3A_270 : memref<8192xi32, #tpu.memory_space<vmem>>[vector<16xi32>], vector<16xi32>, vector<16xi1>
        %all_reduce_population_count3A_323 = tpu.all_reduce %le3A_270 {dim = 0 : i64, kind = #tpu.reduction_kind<sum>} : vector<16xi1> -> vector<16xi32>
        %add3A_324 = arith.addi %add3A_317, %all_reduce_population_count3A_323 : vector<16xi32>
        %add3A_325 = arith.addi %add3A_324, %masked_cumsum3A_297 : vector<16xi32>
        tpu.vector_store_idx %arg6[%add3A_325], %get3A_263 masked %le3A_272 : memref<8192xi32, #tpu.memory_space<vmem>>[vector<16xi32>], vector<16xi32>, vector<16xi1>
        %add3A_326 = arith.constant 32 : i32
        %add3A_327 = arith.addi %mul3A_251, %add3A_326 : i32
        %add3A_328 = vector.broadcast %add3A_327 : i32 to vector<16xi32>
        %add3A_329 = arith.addi %add3A_328, %iota3A : vector<16xi32>
        tpu.vector_store_idx %arg7[%add3A_325], %add3A_329 masked %le3A_272 : memref<8192xi32, #tpu.memory_space<vmem>>[vector<16xi32>], vector<16xi32>, vector<16xi1>
        %all_reduce_population_count3A_330 = tpu.all_reduce %le3A_272 {dim = 0 : i64, kind = #tpu.reduction_kind<sum>} : vector<16xi1> -> vector<16xi32>
        %add3A_331 = arith.addi %add3A_324, %all_reduce_population_count3A_330 : vector<16xi32>
        %add3A_332 = arith.addi %add3A_331, %masked_cumsum3A_305 : vector<16xi32>
        tpu.vector_store_idx %arg6[%add3A_332], %get3A_267 masked %le3A_274 : memref<8192xi32, #tpu.memory_space<vmem>>[vector<16xi32>], vector<16xi32>, vector<16xi1>
        %add3A_333 = arith.constant 48 : i32
        %add3A_334 = arith.addi %mul3A_251, %add3A_333 : i32
        %add3A_335 = vector.broadcast %add3A_334 : i32 to vector<16xi32>
        %add3A_336 = arith.addi %add3A_335, %iota3A : vector<16xi32>
        tpu.vector_store_idx %arg7[%add3A_332], %add3A_336 masked %le3A_274 : memref<8192xi32, #tpu.memory_space<vmem>>[vector<16xi32>], vector<16xi32>, vector<16xi1>
        %all_reduce_population_count3A_337 = tpu.all_reduce %le3A_274 {dim = 0 : i64, kind = #tpu.reduction_kind<sum>} : vector<16xi1> -> vector<16xi32>
        %add3A_338 = arith.addi %add3A_331, %all_reduce_population_count3A_337 : vector<16xi32>
        %add3A_339 = arith.constant 1 : i32
        %add3A_340 = vector.broadcast %add3A_339 : i32 to vector<16xi32>
        %add3A_341 = arith.addi %add3A_338, %add3A_340 : vector<16xi32>
        scf.yield %add3A_341 : vector<16xi32>
      }
      %scan3A_161 = arith.constant 784 : i32
      %lt3A = arith.constant 7 : i32
      %lt3A_162 = arith.cmpi slt, %scan3A_29, %lt3A : i32
      %convert_element_type3A = arith.extui %lt3A_162 : i1 to i32
      %cond3A = arith.constant 0 : i32
      %cond3A_163 = arith.cmpi ne, %convert_element_type3A, %cond3A : i32
      scf.if %cond3A_163 {
        %add3A_248 = arith.constant 1 : i32
        %add3A_249 = arith.addi %add3A_32, %add3A_248 : i32
        %dma_start3A_250 = arith.constant 0 : i32
        %dma_start3A_251 = tpu.memref_slice %arg2[%add3A_249, %dma_start3A_250] : memref<256x50176xi32, #tpu.memory_space<hbm>> -> memref<1x50176xi32, #tpu.memory_space<hbm>>
        %dma_start3A_252 = tpu.memref_squeeze %dma_start3A_251 : memref<1x50176xi32, #tpu.memory_space<hbm>> -> memref<50176xi32, #tpu.memory_space<hbm>>
        %dma_start3A_253 = arith.constant 0 : i32
        %dma_start3A_254 = tpu.memref_slice %arg2[%add3A_249, %dma_start3A_253] : memref<256x50176xi32, #tpu.memory_space<hbm>> -> memref<1x50176xi32, #tpu.memory_space<hbm>>
        %dma_start3A_255 = tpu.memref_squeeze %dma_start3A_254 : memref<1x50176xi32, #tpu.memory_space<hbm>> -> memref<50176xi32, #tpu.memory_space<hbm>>
        tpu.enqueue_dma source(%dma_start3A_255 : memref<50176xi32, #tpu.memory_space<hbm>>) target(%arg5 : memref<50176xi32, #tpu.memory_space<vmem>>) target_semaphore(%arg12 : memref<!tpu.dma_semaphore, #tpu.memory_space<semaphore_mem>>)
      } else {
      }
      %slice3A_164 = vector.extract_strided_slice %scan3A_160 {offsets = [0], sizes = [1], strides = [1]} : vector<16xi32> to vector<1xi32>
      %squeeze3A_165 = vector.extract %slice3A_164[0] : i32 from vector<1xi32>
      %min3A_166 = arith.constant 8192 : i32
      %min3A_167 = arith.minsi %squeeze3A_165, %min3A_166 : i32
      %add3A_168 = vector.broadcast %min3A_167 : i32 to vector<16xi32>
      %add3A_169 = arith.addi %add3A_168, %iota3A : vector<16xi32>
      %min3A_170 = arith.constant 8191 : i32
      %min3A_171 = vector.broadcast %min3A_170 : i32 to vector<16xi32>
      %min3A_172 = arith.minsi %add3A_169, %min3A_171 : vector<16xi32>
      %add3A_173 = vector.broadcast %min3A_167 : i32 to vector<16xi32>
      %add3A_174 = arith.addi %add3A_173, %iota3A : vector<16xi32>
      %lt3A_175 = arith.constant 8192 : i32
      %lt3A_176 = vector.broadcast %lt3A_175 : i32 to vector<16xi32>
      %lt3A_177 = arith.cmpi slt, %add3A_174, %lt3A_176 : vector<16xi32>
      tpu.vector_store_idx %arg6[%min3A_172], %broadcast_in_dim3A_3 masked %lt3A_177 : memref<8192xi32, #tpu.memory_space<vmem>>[vector<16xi32>], vector<16xi32>, vector<16xi1>
      %add3A_178 = arith.constant 16 : i32
      %add3A_179 = arith.addi %min3A_167, %add3A_178 : i32
      %add3A_180 = vector.broadcast %add3A_179 : i32 to vector<16xi32>
      %add3A_181 = arith.addi %add3A_180, %iota3A : vector<16xi32>
      %min3A_182 = arith.constant 8191 : i32
      %min3A_183 = vector.broadcast %min3A_182 : i32 to vector<16xi32>
      %min3A_184 = arith.minsi %add3A_181, %min3A_183 : vector<16xi32>
      %add3A_185 = arith.constant 16 : i32
      %add3A_186 = arith.addi %min3A_167, %add3A_185 : i32
      %add3A_187 = vector.broadcast %add3A_186 : i32 to vector<16xi32>
      %add3A_188 = arith.addi %add3A_187, %iota3A : vector<16xi32>
      %lt3A_189 = arith.constant 8192 : i32
      %lt3A_190 = vector.broadcast %lt3A_189 : i32 to vector<16xi32>
      %lt3A_191 = arith.cmpi slt, %add3A_188, %lt3A_190 : vector<16xi32>
      tpu.vector_store_idx %arg6[%min3A_184], %broadcast_in_dim3A_3 masked %lt3A_191 : memref<8192xi32, #tpu.memory_space<vmem>>[vector<16xi32>], vector<16xi32>, vector<16xi1>
      %add3A_192 = arith.constant 31 : i32
      %add3A_193 = arith.addi %min3A_167, %add3A_192 : i32
      %shift_right_arithmetic3A = arith.constant 5 : i32
      %shift_right_arithmetic3A_194 = arith.shrsi %add3A_193, %shift_right_arithmetic3A : i32
      %while3A:2 = scf.while (%while3A_248 = %min3A_155, %while3A_249 = %max3A_152) : (i32, i32) -> (i32, i32) {
        %lt3A_250 = arith.cmpi slt, %while3A_248, %while3A_249 : i32
        scf.condition(%lt3A_250) %while3A_248, %while3A_249 : i32, i32
      } do {
      ^bb0(%while3A_248: i32, %while3A_249: i32):
        %sub3A_250 = arith.subi %while3A_249, %while3A_248 : i32
        %shift_right_arithmetic3A_251 = arith.constant 1 : i32
        %shift_right_arithmetic3A_252 = arith.shrsi %sub3A_250, %shift_right_arithmetic3A_251 : i32
        %add3A_253 = arith.addi %while3A_248, %shift_right_arithmetic3A_252 : i32
        %while3A_254 = arith.constant 0 : i32
        %while3A_255 = arith.subi %shift_right_arithmetic3A_194, %while3A_254 : i32
        %while3A_256 = arith.addi %while3A_254, %while3A_255 : i32
        %while3A_257 = arith.constant 1 : i32
        %while3A_258 = arith.divsi %while3A_255, %while3A_257 : i32
        %while3A_259 = arith.muli %while3A_258, %while3A_257 : i32
        %while3A_260 = arith.addi %while3A_254, %while3A_259 : i32
        %while3A_261 = arith.constant 1 : i32
        %while3A_262 = scf.for %while3A_272 = %while3A_254 to %while3A_260 step %while3A_261 iter_args(%while3A_273 = %broadcast_in_dim3A_1) -> (vector<16xi32>)  : i32 {
          %mul3A_274 = arith.constant 32 : i32
          %mul3A_275 = arith.muli %while3A_272, %mul3A_274 : i32
          %get3A_276 = arith.index_cast %mul3A_275 : i32 to index
          %get3A_277 = tpu.vector_load %arg6[%get3A_276] {strides = array<i32>} : memref<8192xi32, #tpu.memory_space<vmem>>, vector<16xi32>,
          %le3A = vector.broadcast %add3A_253 : i32 to vector<16xi32>
          %le3A_278 = arith.cmpi sle, %get3A_277, %le3A : vector<16xi32>
          %all_reduce_population_count3A = tpu.all_reduce %le3A_278 {dim = 0 : i64, kind = #tpu.reduction_kind<sum>} : vector<16xi1> -> vector<16xi32>
          %add3A_279 = arith.addi %while3A_273, %all_reduce_population_count3A : vector<16xi32>
          %mul3A_280 = arith.constant 32 : i32
          %mul3A_281 = arith.muli %while3A_272, %mul3A_280 : i32
          %add3A_282 = arith.constant 16 : i32
          %add3A_283 = arith.addi %mul3A_281, %add3A_282 : i32
          %get3A_284 = arith.index_cast %add3A_283 : i32 to index
          %get3A_285 = tpu.vector_load %arg6[%get3A_284] {strides = array<i32>} : memref<8192xi32, #tpu.memory_space<vmem>>, vector<16xi32>,
          %le3A_286 = vector.broadcast %add3A_253 : i32 to vector<16xi32>
          %le3A_287 = arith.cmpi sle, %get3A_285, %le3A_286 : vector<16xi32>
          %all_reduce_population_count3A_288 = tpu.all_reduce %le3A_287 {dim = 0 : i64, kind = #tpu.reduction_kind<sum>} : vector<16xi1> -> vector<16xi32>
          %add3A_289 = arith.addi %add3A_279, %all_reduce_population_count3A_288 : vector<16xi32>
          scf.yield %add3A_289 : vector<16xi32>
        }
        %while3A_263 = arith.constant 1 : i32
        %while3A_264 = scf.for %while3A_272 = %while3A_260 to %while3A_256 step %while3A_263 iter_args(%while3A_273 = %while3A_262) -> (vector<16xi32>)  : i32 {
          %mul3A_274 = arith.constant 32 : i32
          %mul3A_275 = arith.muli %while3A_272, %mul3A_274 : i32
          %get3A_276 = arith.index_cast %mul3A_275 : i32 to index
          %get3A_277 = tpu.vector_load %arg6[%get3A_276] {strides = array<i32>} : memref<8192xi32, #tpu.memory_space<vmem>>, vector<16xi32>,
          %le3A = vector.broadcast %add3A_253 : i32 to vector<16xi32>
          %le3A_278 = arith.cmpi sle, %get3A_277, %le3A : vector<16xi32>
          %all_reduce_population_count3A = tpu.all_reduce %le3A_278 {dim = 0 : i64, kind = #tpu.reduction_kind<sum>} : vector<16xi1> -> vector<16xi32>
          %add3A_279 = arith.addi %while3A_273, %all_reduce_population_count3A : vector<16xi32>
          %mul3A_280 = arith.constant 32 : i32
          %mul3A_281 = arith.muli %while3A_272, %mul3A_280 : i32
          %add3A_282 = arith.constant 16 : i32
          %add3A_283 = arith.addi %mul3A_281, %add3A_282 : i32
          %get3A_284 = arith.index_cast %add3A_283 : i32 to index
          %get3A_285 = tpu.vector_load %arg6[%get3A_284] {strides = array<i32>} : memref<8192xi32, #tpu.memory_space<vmem>>, vector<16xi32>,
          %le3A_286 = vector.broadcast %add3A_253 : i32 to vector<16xi32>
          %le3A_287 = arith.cmpi sle, %get3A_285, %le3A_286 : vector<16xi32>
          %all_reduce_population_count3A_288 = tpu.all_reduce %le3A_287 {dim = 0 : i64, kind = #tpu.reduction_kind<sum>} : vector<16xi1> -> vector<16xi32>
          %add3A_289 = arith.addi %add3A_279, %all_reduce_population_count3A_288 : vector<16xi32>
          scf.yield %add3A_289 : vector<16xi32>
        }
        %slice3A_265 = vector.extract_strided_slice %while3A_264 {offsets = [0], sizes = [1], strides = [1]} : vector<16xi32> to vector<1xi32>
        %squeeze3A_266 = vector.extract %slice3A_265[0] : i32 from vector<1xi32>
        %ge3A = arith.constant 96 : i32
        %ge3A_267 = arith.cmpi sge, %squeeze3A_266, %ge3A : i32
        %add3A_268 = arith.constant 1 : i32
        %add3A_269 = arith.addi %add3A_253, %add3A_268 : i32
        %select_n3A_270 = arith.select %ge3A_267, %while3A_248, %add3A_269 : i32
        %select_n3A_271 = arith.select %ge3A_267, %add3A_253, %while3A_249 : i32
        scf.yield %select_n3A_270, %select_n3A_271 : i32, i32
      }
      %eq3A = arith.cmpi eq, %while3A#1, %scan3A_11 : i32
      %sub3A_195 = arith.constant 1 : i32
      %sub3A_196 = arith.subi %while3A#1, %sub3A_195 : i32
      %while3A_197 = arith.constant 0 : i32
      %while3A_198 = arith.subi %shift_right_arithmetic3A_194, %while3A_197 : i32
      %while3A_199 = arith.addi %while3A_197, %while3A_198 : i32
      %while3A_200 = arith.constant 1 : i32
      %while3A_201 = arith.divsi %while3A_198, %while3A_200 : i32
      %while3A_202 = arith.muli %while3A_201, %while3A_200 : i32
      %while3A_203 = arith.addi %while3A_197, %while3A_202 : i32
      %while3A_204 = arith.constant 1 : i32
      %while3A_205 = scf.for %while3A_248 = %while3A_197 to %while3A_203 step %while3A_204 iter_args(%while3A_249 = %broadcast_in_dim3A_1) -> (vector<16xi32>)  : i32 {
        %mul3A_250 = arith.constant 32 : i32
        %mul3A_251 = arith.muli %while3A_248, %mul3A_250 : i32
        %get3A_252 = arith.index_cast %mul3A_251 : i32 to index
        %get3A_253 = tpu.vector_load %arg6[%get3A_252] {strides = array<i32>} : memref<8192xi32, #tpu.memory_space<vmem>>, vector<16xi32>,
        %le3A = vector.broadcast %sub3A_196 : i32 to vector<16xi32>
        %le3A_254 = arith.cmpi sle, %get3A_253, %le3A : vector<16xi32>
        %all_reduce_population_count3A = tpu.all_reduce %le3A_254 {dim = 0 : i64, kind = #tpu.reduction_kind<sum>} : vector<16xi1> -> vector<16xi32>
        %add3A_255 = arith.addi %while3A_249, %all_reduce_population_count3A : vector<16xi32>
        %mul3A_256 = arith.constant 32 : i32
        %mul3A_257 = arith.muli %while3A_248, %mul3A_256 : i32
        %add3A_258 = arith.constant 16 : i32
        %add3A_259 = arith.addi %mul3A_257, %add3A_258 : i32
        %get3A_260 = arith.index_cast %add3A_259 : i32 to index
        %get3A_261 = tpu.vector_load %arg6[%get3A_260] {strides = array<i32>} : memref<8192xi32, #tpu.memory_space<vmem>>, vector<16xi32>,
        %le3A_262 = vector.broadcast %sub3A_196 : i32 to vector<16xi32>
        %le3A_263 = arith.cmpi sle, %get3A_261, %le3A_262 : vector<16xi32>
        %all_reduce_population_count3A_264 = tpu.all_reduce %le3A_263 {dim = 0 : i64, kind = #tpu.reduction_kind<sum>} : vector<16xi1> -> vector<16xi32>
        %add3A_265 = arith.addi %add3A_255, %all_reduce_population_count3A_264 : vector<16xi32>
        scf.yield %add3A_265 : vector<16xi32>
      }
      %while3A_206 = arith.constant 1 : i32
      %while3A_207 = scf.for %while3A_248 = %while3A_203 to %while3A_199 step %while3A_206 iter_args(%while3A_249 = %while3A_205) -> (vector<16xi32>)  : i32 {
        %mul3A_250 = arith.constant 32 : i32
        %mul3A_251 = arith.muli %while3A_248, %mul3A_250 : i32
        %get3A_252 = arith.index_cast %mul3A_251 : i32 to index
        %get3A_253 = tpu.vector_load %arg6[%get3A_252] {strides = array<i32>} : memref<8192xi32, #tpu.memory_space<vmem>>, vector<16xi32>,
        %le3A = vector.broadcast %sub3A_196 : i32 to vector<16xi32>
        %le3A_254 = arith.cmpi sle, %get3A_253, %le3A : vector<16xi32>
        %all_reduce_population_count3A = tpu.all_reduce %le3A_254 {dim = 0 : i64, kind = #tpu.reduction_kind<sum>} : vector<16xi1> -> vector<16xi32>
        %add3A_255 = arith.addi %while3A_249, %all_reduce_population_count3A : vector<16xi32>
        %mul3A_256 = arith.constant 32 : i32
        %mul3A_257 = arith.muli %while3A_248, %mul3A_256 : i32
        %add3A_258 = arith.constant 16 : i32
        %add3A_259 = arith.addi %mul3A_257, %add3A_258 : i32
        %get3A_260 = arith.index_cast %add3A_259 : i32 to index
        %get3A_261 = tpu.vector_load %arg6[%get3A_260] {strides = array<i32>} : memref<8192xi32, #tpu.memory_space<vmem>>, vector<16xi32>,
        %le3A_262 = vector.broadcast %sub3A_196 : i32 to vector<16xi32>
        %le3A_263 = arith.cmpi sle, %get3A_261, %le3A_262 : vector<16xi32>
        %all_reduce_population_count3A_264 = tpu.all_reduce %le3A_263 {dim = 0 : i64, kind = #tpu.reduction_kind<sum>} : vector<16xi1> -> vector<16xi32>
        %add3A_265 = arith.addi %add3A_255, %all_reduce_population_count3A_264 : vector<16xi32>
        scf.yield %add3A_265 : vector<16xi32>
      }
      %slice3A_208 = vector.extract_strided_slice %while3A_207 {offsets = [0], sizes = [1], strides = [1]} : vector<16xi32> to vector<1xi32>
      %squeeze3A_209 = vector.extract %slice3A_208[0] : i32 from vector<1xi32>
      %jit3A = arith.constant 0 : i32
      %select_n3A = arith.select %eq3A, %jit3A, %squeeze3A_209 : i32
      %sub3A_210 = arith.constant 96 : i32
      %sub3A_211 = arith.subi %sub3A_210, %select_n3A : i32
      %while3A_212 = arith.constant 0 : i32
      %while3A_213 = arith.constant 50176 : i32
      %while3A_214:2 = scf.while (%while3A_248 = %while3A_212, %while3A_249 = %while3A_213) : (i32, i32) -> (i32, i32) {
        %lt3A_250 = arith.cmpi slt, %while3A_248, %while3A_249 : i32
        scf.condition(%lt3A_250) %while3A_248, %while3A_249 : i32, i32
      } do {
      ^bb0(%while3A_248: i32, %while3A_249: i32):
        %sub3A_250 = arith.subi %while3A_249, %while3A_248 : i32
        %shift_right_arithmetic3A_251 = arith.constant 1 : i32
        %shift_right_arithmetic3A_252 = arith.shrsi %sub3A_250, %shift_right_arithmetic3A_251 : i32
        %add3A_253 = arith.addi %while3A_248, %shift_right_arithmetic3A_252 : i32
        %while3A_254 = arith.constant 0 : i32
        %while3A_255 = arith.subi %shift_right_arithmetic3A_194, %while3A_254 : i32
        %while3A_256 = arith.addi %while3A_254, %while3A_255 : i32
        %while3A_257 = arith.constant 1 : i32
        %while3A_258 = arith.divsi %while3A_255, %while3A_257 : i32
        %while3A_259 = arith.muli %while3A_258, %while3A_257 : i32
        %while3A_260 = arith.addi %while3A_254, %while3A_259 : i32
        %while3A_261 = arith.constant 1 : i32
        %while3A_262 = scf.for %while3A_271 = %while3A_254 to %while3A_260 step %while3A_261 iter_args(%while3A_272 = %broadcast_in_dim3A_1) -> (vector<16xi32>)  : i32 {
          %mul3A_273 = arith.constant 32 : i32
          %mul3A_274 = arith.muli %while3A_271, %mul3A_273 : i32
          %get3A_275 = arith.index_cast %mul3A_274 : i32 to index
          %get3A_276 = tpu.vector_load %arg6[%get3A_275] {strides = array<i32>} : memref<8192xi32, #tpu.memory_space<vmem>>, vector<16xi32>,
          %mul3A_277 = arith.constant 32 : i32
          %mul3A_278 = arith.muli %while3A_271, %mul3A_277 : i32
          %add3A_279 = arith.constant 16 : i32
          %add3A_280 = arith.addi %mul3A_278, %add3A_279 : i32
          %get3A_281 = arith.index_cast %add3A_280 : i32 to index
          %get3A_282 = tpu.vector_load %arg6[%get3A_281] {strides = array<i32>} : memref<8192xi32, #tpu.memory_space<vmem>>, vector<16xi32>,
          %mul3A_283 = arith.constant 32 : i32
          %mul3A_284 = arith.muli %while3A_271, %mul3A_283 : i32
          %get3A_285 = arith.index_cast %mul3A_284 : i32 to index
          %get3A_286 = tpu.vector_load %arg7[%get3A_285] {strides = array<i32>} : memref<8192xi32, #tpu.memory_space<vmem>>, vector<16xi32>,
          %mul3A_287 = arith.constant 32 : i32
          %mul3A_288 = arith.muli %while3A_271, %mul3A_287 : i32
          %add3A_289 = arith.constant 16 : i32
          %add3A_290 = arith.addi %mul3A_288, %add3A_289 : i32
          %get3A_291 = arith.index_cast %add3A_290 : i32 to index
          %get3A_292 = tpu.vector_load %arg7[%get3A_291] {strides = array<i32>} : memref<8192xi32, #tpu.memory_space<vmem>>, vector<16xi32>,
          %eq3A_293 = vector.broadcast %while3A#1 : i32 to vector<16xi32>
          %eq3A_294 = arith.cmpi eq, %get3A_276, %eq3A_293 : vector<16xi32>
          %lt3A_295 = vector.broadcast %add3A_253 : i32 to vector<16xi32>
          %lt3A_296 = arith.cmpi slt, %get3A_286, %lt3A_295 : vector<16xi32>
          %and3A = arith.andi %eq3A_294, %lt3A_296 : vector<16xi1>
          %all_reduce_population_count3A = tpu.all_reduce %and3A {dim = 0 : i64, kind = #tpu.reduction_kind<sum>} : vector<16xi1> -> vector<16xi32>
          %add3A_297 = arith.addi %while3A_272, %all_reduce_population_count3A : vector<16xi32>
          %eq3A_298 = vector.broadcast %while3A#1 : i32 to vector<16xi32>
          %eq3A_299 = arith.cmpi eq, %get3A_282, %eq3A_298 : vector<16xi32>
          %lt3A_300 = vector.broadcast %add3A_253 : i32 to vector<16xi32>
          %lt3A_301 = arith.cmpi slt, %get3A_292, %lt3A_300 : vector<16xi32>
          %and3A_302 = arith.andi %eq3A_299, %lt3A_301 : vector<16xi1>
          %all_reduce_population_count3A_303 = tpu.all_reduce %and3A_302 {dim = 0 : i64, kind = #tpu.reduction_kind<sum>} : vector<16xi1> -> vector<16xi32>
          %add3A_304 = arith.addi %add3A_297, %all_reduce_population_count3A_303 : vector<16xi32>
          scf.yield %add3A_304 : vector<16xi32>
        }
        %while3A_263 = arith.constant 1 : i32
        %while3A_264 = scf.for %while3A_271 = %while3A_260 to %while3A_256 step %while3A_263 iter_args(%while3A_272 = %while3A_262) -> (vector<16xi32>)  : i32 {
          %mul3A_273 = arith.constant 32 : i32
          %mul3A_274 = arith.muli %while3A_271, %mul3A_273 : i32
          %get3A_275 = arith.index_cast %mul3A_274 : i32 to index
          %get3A_276 = tpu.vector_load %arg6[%get3A_275] {strides = array<i32>} : memref<8192xi32, #tpu.memory_space<vmem>>, vector<16xi32>,
          %mul3A_277 = arith.constant 32 : i32
          %mul3A_278 = arith.muli %while3A_271, %mul3A_277 : i32
          %add3A_279 = arith.constant 16 : i32
          %add3A_280 = arith.addi %mul3A_278, %add3A_279 : i32
          %get3A_281 = arith.index_cast %add3A_280 : i32 to index
          %get3A_282 = tpu.vector_load %arg6[%get3A_281] {strides = array<i32>} : memref<8192xi32, #tpu.memory_space<vmem>>, vector<16xi32>,
          %mul3A_283 = arith.constant 32 : i32
          %mul3A_284 = arith.muli %while3A_271, %mul3A_283 : i32
          %get3A_285 = arith.index_cast %mul3A_284 : i32 to index
          %get3A_286 = tpu.vector_load %arg7[%get3A_285] {strides = array<i32>} : memref<8192xi32, #tpu.memory_space<vmem>>, vector<16xi32>,
          %mul3A_287 = arith.constant 32 : i32
          %mul3A_288 = arith.muli %while3A_271, %mul3A_287 : i32
          %add3A_289 = arith.constant 16 : i32
          %add3A_290 = arith.addi %mul3A_288, %add3A_289 : i32
          %get3A_291 = arith.index_cast %add3A_290 : i32 to index
          %get3A_292 = tpu.vector_load %arg7[%get3A_291] {strides = array<i32>} : memref<8192xi32, #tpu.memory_space<vmem>>, vector<16xi32>,
          %eq3A_293 = vector.broadcast %while3A#1 : i32 to vector<16xi32>
          %eq3A_294 = arith.cmpi eq, %get3A_276, %eq3A_293 : vector<16xi32>
          %lt3A_295 = vector.broadcast %add3A_253 : i32 to vector<16xi32>
          %lt3A_296 = arith.cmpi slt, %get3A_286, %lt3A_295 : vector<16xi32>
          %and3A = arith.andi %eq3A_294, %lt3A_296 : vector<16xi1>
          %all_reduce_population_count3A = tpu.all_reduce %and3A {dim = 0 : i64, kind = #tpu.reduction_kind<sum>} : vector<16xi1> -> vector<16xi32>
          %add3A_297 = arith.addi %while3A_272, %all_reduce_population_count3A : vector<16xi32>
          %eq3A_298 = vector.broadcast %while3A#1 : i32 to vector<16xi32>
          %eq3A_299 = arith.cmpi eq, %get3A_282, %eq3A_298 : vector<16xi32>
          %lt3A_300 = vector.broadcast %add3A_253 : i32 to vector<16xi32>
          %lt3A_301 = arith.cmpi slt, %get3A_292, %lt3A_300 : vector<16xi32>
          %and3A_302 = arith.andi %eq3A_299, %lt3A_301 : vector<16xi1>
          %all_reduce_population_count3A_303 = tpu.all_reduce %and3A_302 {dim = 0 : i64, kind = #tpu.reduction_kind<sum>} : vector<16xi1> -> vector<16xi32>
          %add3A_304 = arith.addi %add3A_297, %all_reduce_population_count3A_303 : vector<16xi32>
          scf.yield %add3A_304 : vector<16xi32>
        }
        %slice3A_265 = vector.extract_strided_slice %while3A_264 {offsets = [0], sizes = [1], strides = [1]} : vector<16xi32> to vector<1xi32>
        %squeeze3A_266 = vector.extract %slice3A_265[0] : i32 from vector<1xi32>
        %ge3A = arith.cmpi sge, %squeeze3A_266, %sub3A_211 : i32
        %add3A_267 = arith.constant 1 : i32
        %add3A_268 = arith.addi %add3A_253, %add3A_267 : i32
        %select_n3A_269 = arith.select %ge3A, %while3A_248, %add3A_268 : i32
        %select_n3A_270 = arith.select %ge3A, %add3A_253, %while3A_249 : i32
        scf.yield %select_n3A_269, %select_n3A_270 : i32, i32
      }
      %add3A_215 = arith.constant 15 : i32
      %add3A_216 = arith.addi %min3A_167, %add3A_215 : i32
      %shift_right_arithmetic3A_217 = arith.constant 4 : i32
      %shift_right_arithmetic3A_218 = arith.shrsi %add3A_216, %shift_right_arithmetic3A_217 : i32
      %while3A_219 = arith.constant 0 : i32
      %while3A_220 = arith.subi %shift_right_arithmetic3A_218, %while3A_219 : i32
      %while3A_221 = arith.addi %while3A_219, %while3A_220 : i32
      %while3A_222 = arith.constant 1 : i32
      %while3A_223 = arith.divsi %while3A_220, %while3A_222 : i32
      %while3A_224 = arith.muli %while3A_223, %while3A_222 : i32
      %while3A_225 = arith.addi %while3A_219, %while3A_224 : i32
      %while3A_226 = arith.constant 1 : i32
      %while3A_227 = scf.for %while3A_248 = %while3A_219 to %while3A_225 step %while3A_226 iter_args(%while3A_249 = %broadcast_in_dim3A_1) -> (vector<16xi32>)  : i32 {
        %mul3A_250 = arith.constant 16 : i32
        %mul3A_251 = arith.muli %while3A_248, %mul3A_250 : i32
        %get3A_252 = arith.index_cast %mul3A_251 : i32 to index
        %get3A_253 = tpu.vector_load %arg6[%get3A_252] {strides = array<i32>} : memref<8192xi32, #tpu.memory_space<vmem>>, vector<16xi32>,
        %mul3A_254 = arith.constant 16 : i32
        %mul3A_255 = arith.muli %while3A_248, %mul3A_254 : i32
        %get3A_256 = arith.index_cast %mul3A_255 : i32 to index
        %get3A_257 = tpu.vector_load %arg7[%get3A_256] {strides = array<i32>} : memref<8192xi32, #tpu.memory_space<vmem>>, vector<16xi32>,
        %lt3A_258 = vector.broadcast %while3A#1 : i32 to vector<16xi32>
        %lt3A_259 = arith.cmpi slt, %get3A_253, %lt3A_258 : vector<16xi32>
        %eq3A_260 = vector.broadcast %while3A#1 : i32 to vector<16xi32>
        %eq3A_261 = arith.cmpi eq, %get3A_253, %eq3A_260 : vector<16xi32>
        %lt3A_262 = vector.broadcast %while3A_214#1 : i32 to vector<16xi32>
        %lt3A_263 = arith.cmpi slt, %get3A_257, %lt3A_262 : vector<16xi32>
        %and3A = arith.andi %eq3A_261, %lt3A_263 : vector<16xi1>
        %or3A = arith.ori %lt3A_259, %and3A : vector<16xi1>
        %convert_element_type3A_264 = arith.extui %or3A : vector<16xi1> to vector<16xi32>
        %broadcast_in_dim3A_265 = arith.constant true
        %broadcast_in_dim3A_266 = vector.broadcast %broadcast_in_dim3A_265 : i1 to vector<16xi1>
        %masked_cumsum3A = tpu.scan <sum>, %convert_element_type3A_264 masked %broadcast_in_dim3A_266 : vector<16xi32>, vector<16xi1> -> vector<16xi32>
        %sub3A_267 = arith.subi %masked_cumsum3A, %convert_element_type3A_264 : vector<16xi32>
        %add3A_268 = arith.addi %while3A_249, %sub3A_267 : vector<16xi32>
        %min3A_269 = arith.constant 95 : i32
        %min3A_270 = vector.broadcast %min3A_269 : i32 to vector<16xi32>
        %min3A_271 = arith.minsi %add3A_268, %min3A_270 : vector<16xi32>
        tpu.vector_store_idx %arg8[%min3A_271], %get3A_257 masked %or3A : memref<96xi32, #tpu.memory_space<vmem>>[vector<16xi32>], vector<16xi32>, vector<16xi1>
        %all_reduce_population_count3A = tpu.all_reduce %or3A {dim = 0 : i64, kind = #tpu.reduction_kind<sum>} : vector<16xi1> -> vector<16xi32>
        %add3A_272 = arith.addi %while3A_249, %all_reduce_population_count3A : vector<16xi32>
        scf.yield %add3A_272 : vector<16xi32>
      }
      %while3A_228 = arith.constant 1 : i32
      %while3A_229 = scf.for %while3A_248 = %while3A_225 to %while3A_221 step %while3A_228 iter_args(%while3A_249 = %while3A_227) -> (vector<16xi32>)  : i32 {
        %mul3A_250 = arith.constant 16 : i32
        %mul3A_251 = arith.muli %while3A_248, %mul3A_250 : i32
        %get3A_252 = arith.index_cast %mul3A_251 : i32 to index
        %get3A_253 = tpu.vector_load %arg6[%get3A_252] {strides = array<i32>} : memref<8192xi32, #tpu.memory_space<vmem>>, vector<16xi32>,
        %mul3A_254 = arith.constant 16 : i32
        %mul3A_255 = arith.muli %while3A_248, %mul3A_254 : i32
        %get3A_256 = arith.index_cast %mul3A_255 : i32 to index
        %get3A_257 = tpu.vector_load %arg7[%get3A_256] {strides = array<i32>} : memref<8192xi32, #tpu.memory_space<vmem>>, vector<16xi32>,
        %lt3A_258 = vector.broadcast %while3A#1 : i32 to vector<16xi32>
        %lt3A_259 = arith.cmpi slt, %get3A_253, %lt3A_258 : vector<16xi32>
        %eq3A_260 = vector.broadcast %while3A#1 : i32 to vector<16xi32>
        %eq3A_261 = arith.cmpi eq, %get3A_253, %eq3A_260 : vector<16xi32>
        %lt3A_262 = vector.broadcast %while3A_214#1 : i32 to vector<16xi32>
        %lt3A_263 = arith.cmpi slt, %get3A_257, %lt3A_262 : vector<16xi32>
        %and3A = arith.andi %eq3A_261, %lt3A_263 : vector<16xi1>
        %or3A = arith.ori %lt3A_259, %and3A : vector<16xi1>
        %convert_element_type3A_264 = arith.extui %or3A : vector<16xi1> to vector<16xi32>
        %broadcast_in_dim3A_265 = arith.constant true
        %broadcast_in_dim3A_266 = vector.broadcast %broadcast_in_dim3A_265 : i1 to vector<16xi1>
        %masked_cumsum3A = tpu.scan <sum>, %convert_element_type3A_264 masked %broadcast_in_dim3A_266 : vector<16xi32>, vector<16xi1> -> vector<16xi32>
        %sub3A_267 = arith.subi %masked_cumsum3A, %convert_element_type3A_264 : vector<16xi32>
        %add3A_268 = arith.addi %while3A_249, %sub3A_267 : vector<16xi32>
        %min3A_269 = arith.constant 95 : i32
        %min3A_270 = vector.broadcast %min3A_269 : i32 to vector<16xi32>
        %min3A_271 = arith.minsi %add3A_268, %min3A_270 : vector<16xi32>
        tpu.vector_store_idx %arg8[%min3A_271], %get3A_257 masked %or3A : memref<96xi32, #tpu.memory_space<vmem>>[vector<16xi32>], vector<16xi32>, vector<16xi1>
        %all_reduce_population_count3A = tpu.all_reduce %or3A {dim = 0 : i64, kind = #tpu.reduction_kind<sum>} : vector<16xi1> -> vector<16xi32>
        %add3A_272 = arith.addi %while3A_249, %all_reduce_population_count3A : vector<16xi32>
        scf.yield %add3A_272 : vector<16xi32>
      }
      %gt3A = arith.constant 0 : i32
      %gt3A_230 = arith.cmpi sgt, %scan3A_29, %gt3A : i32
      %convert_element_type3A_231 = arith.extui %gt3A_230 : i1 to i32
      %cond3A_232 = arith.constant 0 : i32
      %cond3A_233 = arith.cmpi ne, %convert_element_type3A_231, %cond3A_232 : i32
      scf.if %cond3A_233 {
        %sub3A_248 = arith.constant 1 : i32
        %sub3A_249 = arith.subi %add3A_32, %sub3A_248 : i32
        %dma_wait3A_250 = arith.constant 0 : i32
        %dma_wait3A_251 = arith.constant 0 : i32
        %dma_wait3A_252 = tpu.memref_slice %arg4[%sub3A_249, %dma_wait3A_250, %dma_wait3A_251] : memref<256x96x384xf32, #tpu.memory_space<hbm>> -> memref<1x96x384xf32, #tpu.memory_space<hbm>>
        %dma_wait3A_253 = tpu.memref_squeeze %dma_wait3A_252 : memref<1x96x384xf32, #tpu.memory_space<hbm>> -> memref<96x384xf32, #tpu.memory_space<hbm>>
        %dma_wait3A_254 = arith.constant 0 : i32
        %dma_wait3A_255 = arith.constant 0 : i32
        %dma_wait3A_256 = tpu.memref_slice %arg4[%sub3A_249, %dma_wait3A_254, %dma_wait3A_255] : memref<256x96x384xf32, #tpu.memory_space<hbm>> -> memref<1x96x384xf32, #tpu.memory_space<hbm>>
        %dma_wait3A_257 = tpu.memref_squeeze %dma_wait3A_256 : memref<1x96x384xf32, #tpu.memory_space<hbm>> -> memref<96x384xf32, #tpu.memory_space<hbm>>
        tpu.wait_dma2 semaphore(%arg11 : memref<!tpu.dma_semaphore, #tpu.memory_space<semaphore_mem>>) src(%arg9 : memref<96x384xf32, #tpu.memory_space<vmem>>) dst(%dma_wait3A_257 : memref<96x384xf32, #tpu.memory_space<hbm>>)
      } else {
      }
      %dma_start3A_234 = arith.constant 0 : i32
      %dma_start3A_235 = arith.constant 0 : i32
      %dma_start3A_236 = tpu.memref_slice %arg3[%dma_start3A_234, %dma_start3A_235] : memref<50176x384xf32, #tpu.memory_space<hbm>> -> memref<50176x384xf32, #tpu.memory_space<hbm>>
      tpu.enqueue_indirect_dma source(%dma_start3A_236 : memref<50176x384xf32, #tpu.memory_space<hbm>>) target(%arg9 : memref<96x384xf32, #tpu.memory_space<vmem>>) offsets(%arg8 : memref<96xi32, #tpu.memory_space<vmem>>) semaphore(%arg10 : memref<!tpu.dma_semaphore, #tpu.memory_space<semaphore_mem>>)
      %dma_wait3A_237 = arith.constant 0 : i32
      %dma_wait3A_238 = arith.constant 0 : i32
      %dma_wait3A_239 = tpu.memref_slice %arg3[%dma_wait3A_237, %dma_wait3A_238] : memref<50176x384xf32, #tpu.memory_space<hbm>> -> memref<50176x384xf32, #tpu.memory_space<hbm>>
      tpu.wait_indirect_dma semaphore(%arg10 : memref<!tpu.dma_semaphore, #tpu.memory_space<semaphore_mem>>) src(%dma_wait3A_239 : memref<50176x384xf32, #tpu.memory_space<hbm>>) dst(%arg9 : memref<96x384xf32, #tpu.memory_space<vmem>>)
      %dma_start3A_240 = arith.constant 0 : i32
      %dma_start3A_241 = arith.constant 0 : i32
      %dma_start3A_242 = tpu.memref_slice %arg4[%add3A_32, %dma_start3A_240, %dma_start3A_241] : memref<256x96x384xf32, #tpu.memory_space<hbm>> -> memref<1x96x384xf32, #tpu.memory_space<hbm>>
      %dma_start3A_243 = tpu.memref_squeeze %dma_start3A_242 : memref<1x96x384xf32, #tpu.memory_space<hbm>> -> memref<96x384xf32, #tpu.memory_space<hbm>>
      %dma_start3A_244 = arith.constant 0 : i32
      %dma_start3A_245 = arith.constant 0 : i32
      %dma_start3A_246 = tpu.memref_slice %arg4[%add3A_32, %dma_start3A_244, %dma_start3A_245] : memref<256x96x384xf32, #tpu.memory_space<hbm>> -> memref<1x96x384xf32, #tpu.memory_space<hbm>>
      %dma_start3A_247 = tpu.memref_squeeze %dma_start3A_246 : memref<1x96x384xf32, #tpu.memory_space<hbm>> -> memref<96x384xf32, #tpu.memory_space<hbm>>
      tpu.enqueue_dma source(%arg9 : memref<96x384xf32, #tpu.memory_space<vmem>>) target(%dma_start3A_247 : memref<96x384xf32, #tpu.memory_space<hbm>>) target_semaphore(%arg11 : memref<!tpu.dma_semaphore, #tpu.memory_space<semaphore_mem>>)
    }
    %scan3A_16 = arith.constant 8 : i32
    %mul3A_17 = arith.constant 8 : i32
    %mul3A_18 = arith.muli %add3A, %mul3A_17 : i32
    %add3A_19 = arith.constant 8 : i32
    %add3A_20 = arith.addi %mul3A_18, %add3A_19 : i32
    %sub3A = arith.constant 1 : i32
    %sub3A_21 = arith.subi %add3A_20, %sub3A : i32
    %dma_wait3A = arith.constant 0 : i32
    %dma_wait3A_22 = arith.constant 0 : i32
    %dma_wait3A_23 = tpu.memref_slice %arg4[%sub3A_21, %dma_wait3A, %dma_wait3A_22] : memref<256x96x384xf32, #tpu.memory_space<hbm>> -> memref<1x96x384xf32, #tpu.memory_space<hbm>>
    %dma_wait3A_24 = tpu.memref_squeeze %dma_wait3A_23 : memref<1x96x384xf32, #tpu.memory_space<hbm>> -> memref<96x384xf32, #tpu.memory_space<hbm>>
    %dma_wait3A_25 = arith.constant 0 : i32
    %dma_wait3A_26 = arith.constant 0 : i32
    %dma_wait3A_27 = tpu.memref_slice %arg4[%sub3A_21, %dma_wait3A_25, %dma_wait3A_26] : memref<256x96x384xf32, #tpu.memory_space<hbm>> -> memref<1x96x384xf32, #tpu.memory_space<hbm>>
    %dma_wait3A_28 = tpu.memref_squeeze %dma_wait3A_27 : memref<1x96x384xf32, #tpu.memory_space<hbm>> -> memref<96x384xf32, #tpu.memory_space<hbm>>
    tpu.wait_dma2 semaphore(%arg11 : memref<!tpu.dma_semaphore, #tpu.memory_space<semaphore_mem>>) src(%arg9 : memref<96x384xf32, #tpu.memory_space<vmem>>) dst(%dma_wait3A_28 : memref<96x384xf32, #tpu.memory_space<hbm>>)
    return
  }
}

module attributes {stable_mosaic.version = 14 : i64} {
  func.func @_query_body(%arg0: memref<1024x128xf32, #tpu.memory_space<vmem>>, %arg1: memref<128x256xf32, #tpu.memory_space<vmem>>, %arg2: memref<1x256xf32, #tpu.memory_space<vmem>>, %arg3: memref<256x512xf32, #tpu.memory_space<vmem>>, %arg4: memref<1x512xf32, #tpu.memory_space<vmem>>, %arg5: memref<512x256xf32, #tpu.memory_space<vmem>>, %arg6: memref<1x256xf32, #tpu.memory_space<vmem>>, %arg7: memref<1x256xf32, #tpu.memory_space<vmem>>, %arg8: memref<1x256xf32, #tpu.memory_space<vmem>>, %arg9: memref<256x256xf32, #tpu.memory_space<vmem>>, %arg10: memref<1x256xf32, #tpu.memory_space<vmem>>, %arg11: memref<1024x256xf32, #tpu.memory_space<vmem>>, %arg12: memref<1024x256xf32, #tpu.memory_space<vmem>>) attributes {dimension_semantics = [], scalar_prefetch = 0 : i64, scratch_operands = 0 : i64, tpu.core_type = #tpu.core_type<tc>} {
    %get3A = arith.constant 0 : index
    %get3A_0 = arith.constant 0 : index
    %get3A_1 = vector.load %arg0[%get3A, %get3A_0] : memref<1024x128xf32, #tpu.memory_space<vmem>>, vector<1024x128xf32>
    %get3A_2 = arith.constant 0 : index
    %get3A_3 = arith.constant 0 : index
    %get3A_4 = vector.load %arg1[%get3A_2, %get3A_3] : memref<128x256xf32, #tpu.memory_space<vmem>>, vector<128x256xf32>
    %get3A_5 = arith.constant 0 : index
    %get3A_6 = arith.constant 0 : index
    %get3A_7 = vector.load %arg2[%get3A_5, %get3A_6] : memref<1x256xf32, #tpu.memory_space<vmem>>, vector<1x256xf32>
    %get3A_8 = arith.constant 0 : index
    %get3A_9 = arith.constant 0 : index
    %get3A_10 = vector.load %arg3[%get3A_8, %get3A_9] : memref<256x512xf32, #tpu.memory_space<vmem>>, vector<256x512xf32>
    %get3A_11 = arith.constant 0 : index
    %get3A_12 = arith.constant 0 : index
    %get3A_13 = vector.load %arg4[%get3A_11, %get3A_12] : memref<1x512xf32, #tpu.memory_space<vmem>>, vector<1x512xf32>
    %get3A_14 = arith.constant 0 : index
    %get3A_15 = arith.constant 0 : index
    %get3A_16 = vector.load %arg5[%get3A_14, %get3A_15] : memref<512x256xf32, #tpu.memory_space<vmem>>, vector<512x256xf32>
    %get3A_17 = arith.constant 0 : index
    %get3A_18 = arith.constant 0 : index
    %get3A_19 = vector.load %arg6[%get3A_17, %get3A_18] : memref<1x256xf32, #tpu.memory_space<vmem>>, vector<1x256xf32>
    %get3A_20 = arith.constant 0 : index
    %get3A_21 = arith.constant 0 : index
    %get3A_22 = vector.load %arg7[%get3A_20, %get3A_21] : memref<1x256xf32, #tpu.memory_space<vmem>>, vector<1x256xf32>
    %get3A_23 = arith.constant 0 : index
    %get3A_24 = arith.constant 0 : index
    %get3A_25 = vector.load %arg8[%get3A_23, %get3A_24] : memref<1x256xf32, #tpu.memory_space<vmem>>, vector<1x256xf32>
    %get3A_26 = arith.constant 0 : index
    %get3A_27 = arith.constant 0 : index
    %get3A_28 = vector.load %arg9[%get3A_26, %get3A_27] : memref<256x256xf32, #tpu.memory_space<vmem>>, vector<256x256xf32>
    %get3A_29 = arith.constant 0 : index
    %get3A_30 = arith.constant 0 : index
    %get3A_31 = vector.load %arg10[%get3A_29, %get3A_30] : memref<1x256xf32, #tpu.memory_space<vmem>>, vector<1x256xf32>
    %dot_general3A = arith.constant dense<0.000000e+00> : vector<1024x256xf32>
    %dot_general3A_32 = tpu.matmul %get3A_1, %get3A_4, %dot_general3A {dimension_numbers = #tpu.dot_dimension_numbers<[1], [0], [0], [1], [0, 0, 1, 1], [], []>, transpose_lhs_hint = false} : vector<1024x128xf32>, vector<128x256xf32>, vector<1024x256xf32> -> vector<1024x256xf32>
    %add3A = vector.broadcast %get3A_7 : vector<1x256xf32> to vector<1024x256xf32>
    %add3A_33 = arith.addf %dot_general3A_32, %add3A : vector<1024x256xf32>
    %dot_general3A_34 = arith.constant dense<0.000000e+00> : vector<1024x512xf32>
    %dot_general3A_35 = tpu.matmul %add3A_33, %get3A_10, %dot_general3A_34 {dimension_numbers = #tpu.dot_dimension_numbers<[1], [0], [0], [1], [0, 0, 1, 1], [], []>, transpose_lhs_hint = false} : vector<1024x256xf32>, vector<256x512xf32>, vector<1024x512xf32> -> vector<1024x512xf32>
    %add3A_36 = vector.broadcast %get3A_13 : vector<1x512xf32> to vector<1024x512xf32>
    %add3A_37 = arith.addf %dot_general3A_35, %add3A_36 : vector<1024x512xf32>
    %max3A = arith.constant 0.000000e+00 : f32
    %max3A_38 = vector.broadcast %max3A : f32 to vector<1024x512xf32>
    %max3A_39 = arith.maximumf %add3A_37, %max3A_38 : vector<1024x512xf32>
    %dot_general3A_40 = arith.constant dense<0.000000e+00> : vector<1024x256xf32>
    %dot_general3A_41 = tpu.matmul %max3A_39, %get3A_16, %dot_general3A_40 {dimension_numbers = #tpu.dot_dimension_numbers<[1], [0], [0], [1], [0, 0, 1, 1], [], []>, transpose_lhs_hint = false} : vector<1024x512xf32>, vector<512x256xf32>, vector<1024x256xf32> -> vector<1024x256xf32>
    %add3A_42 = vector.broadcast %get3A_19 : vector<1x256xf32> to vector<1024x256xf32>
    %add3A_43 = arith.addf %dot_general3A_41, %add3A_42 : vector<1024x256xf32>
    %add3A_44 = arith.addf %add3A_33, %add3A_43 : vector<1024x256xf32>
    %reduce_sum3A = arith.constant dense<0.000000e+00> : vector<1024xf32>
    %reduce_sum3A_45 = vector.multi_reduction <add>, %add3A_44, %reduce_sum3A [1] : vector<1024x256xf32> to vector<1024xf32>
    %broadcast_in_dim3A = vector.shape_cast %reduce_sum3A_45 : vector<1024xf32> to vector<1024x1xf32>
    %div3A = arith.constant 2.560000e+02 : f32
    %div3A_46 = vector.broadcast %div3A : f32 to vector<1024x1xf32>
    %div3A_47 = arith.divf %broadcast_in_dim3A, %div3A_46 : vector<1024x1xf32>
    %sub3A = vector.broadcast %div3A_47 : vector<1024x1xf32> to vector<1024x256xf32>
    %sub3A_48 = arith.subf %add3A_44, %sub3A : vector<1024x256xf32>
    %integer_pow3A = arith.mulf %sub3A_48, %sub3A_48 : vector<1024x256xf32>
    %reduce_sum3A_49 = arith.constant dense<0.000000e+00> : vector<1024xf32>
    %reduce_sum3A_50 = vector.multi_reduction <add>, %integer_pow3A, %reduce_sum3A_49 [1] : vector<1024x256xf32> to vector<1024xf32>
    %broadcast_in_dim3A_51 = vector.shape_cast %reduce_sum3A_50 : vector<1024xf32> to vector<1024x1xf32>
    %div3A_52 = arith.constant 2.560000e+02 : f32
    %div3A_53 = vector.broadcast %div3A_52 : f32 to vector<1024x1xf32>
    %div3A_54 = arith.divf %broadcast_in_dim3A_51, %div3A_53 : vector<1024x1xf32>
    %sub3A_55 = vector.broadcast %div3A_47 : vector<1024x1xf32> to vector<1024x256xf32>
    %sub3A_56 = arith.subf %add3A_44, %sub3A_55 : vector<1024x256xf32>
    %add3A_57 = arith.constant 9.99999974E-6 : f32
    %add3A_58 = vector.broadcast %add3A_57 : f32 to vector<1024x1xf32>
    %add3A_59 = arith.addf %div3A_54, %add3A_58 : vector<1024x1xf32>
    %sqrt3A = math.sqrt %add3A_59 : vector<1024x1xf32>
    %div3A_60 = vector.broadcast %sqrt3A : vector<1024x1xf32> to vector<1024x256xf32>
    %div3A_61 = arith.divf %sub3A_56, %div3A_60 : vector<1024x256xf32>
    %mul3A = vector.broadcast %get3A_22 : vector<1x256xf32> to vector<1024x256xf32>
    %mul3A_62 = arith.mulf %div3A_61, %mul3A : vector<1024x256xf32>
    %add3A_63 = vector.broadcast %get3A_25 : vector<1x256xf32> to vector<1024x256xf32>
    %add3A_64 = arith.addf %mul3A_62, %add3A_63 : vector<1024x256xf32>
    %dot_general3A_65 = arith.constant dense<0.000000e+00> : vector<1024x256xf32>
    %dot_general3A_66 = tpu.matmul %add3A_64, %get3A_28, %dot_general3A_65 {dimension_numbers = #tpu.dot_dimension_numbers<[1], [0], [0], [1], [0, 0, 1, 1], [], []>, transpose_lhs_hint = false} : vector<1024x256xf32>, vector<256x256xf32>, vector<1024x256xf32> -> vector<1024x256xf32>
    %add3A_67 = vector.broadcast %get3A_31 : vector<1x256xf32> to vector<1024x256xf32>
    %add3A_68 = arith.addf %dot_general3A_66, %add3A_67 : vector<1024x256xf32>
    %swap3A = arith.constant 0 : index
    %swap3A_69 = arith.constant 0 : index
    %swap3A_70 = vector.load %arg11[%swap3A, %swap3A_69] : memref<1024x256xf32, #tpu.memory_space<vmem>>, vector<1024x256xf32>
    tpu.vector_store %arg11[%swap3A, %swap3A_69], %add3A_44 {strides = array<i32>} : memref<1024x256xf32, #tpu.memory_space<vmem>>, vector<1024x256xf32>,
    %swap3A_71 = arith.constant 0 : index
    %swap3A_72 = arith.constant 0 : index
    %swap3A_73 = vector.load %arg12[%swap3A_71, %swap3A_72] : memref<1024x256xf32, #tpu.memory_space<vmem>>, vector<1024x256xf32>
    tpu.vector_store %arg12[%swap3A_71, %swap3A_72], %add3A_68 {strides = array<i32>} : memref<1024x256xf32, #tpu.memory_space<vmem>>, vector<1024x256xf32>,
    return
  }
}

module attributes {stable_mosaic.version = 14 : i64} {
  func.func @_bank_body(%arg0: i32, %arg1: memref<1024x128xf32, #tpu.memory_space<vmem>>, %arg2: memref<1024x128xf32, #tpu.memory_space<vmem>>, %arg3: memref<128x256xf32, #tpu.memory_space<vmem>>, %arg4: memref<1x256xf32, #tpu.memory_space<vmem>>, %arg5: memref<256x512xf32, #tpu.memory_space<vmem>>, %arg6: memref<1x512xf32, #tpu.memory_space<vmem>>, %arg7: memref<512x256xf32, #tpu.memory_space<vmem>>, %arg8: memref<1x256xf32, #tpu.memory_space<vmem>>, %arg9: memref<1x256xf32, #tpu.memory_space<vmem>>, %arg10: memref<1x256xf32, #tpu.memory_space<vmem>>, %arg11: memref<256x256xf32, #tpu.memory_space<vmem>>, %arg12: memref<1x256xf32, #tpu.memory_space<vmem>>, %arg13: memref<1024x384xf32, #tpu.memory_space<vmem>>) attributes {dimension_semantics = [#tpu.dimension_semantics<arbitrary>], iteration_bounds = array<i64: 49>, scalar_prefetch = 0 : i64, scratch_operands = 0 : i64, tpu.core_type = #tpu.core_type<tc>, window_params = [{transform_indices = @transform_0, window_bounds = array<i64: 1024, 128>}, {transform_indices = @transform_1, window_bounds = array<i64: 1024, 128>}, {pipeline_mode = #tpu.pipeline_mode<synchronous>, transform_indices = @transform_2, window_bounds = array<i64: 128, 256>}, {pipeline_mode = #tpu.pipeline_mode<synchronous>, transform_indices = @transform_3, window_bounds = array<i64: 1, 256>}, {pipeline_mode = #tpu.pipeline_mode<synchronous>, transform_indices = @transform_4, window_bounds = array<i64: 256, 512>}, {pipeline_mode = #tpu.pipeline_mode<synchronous>, transform_indices = @transform_5, window_bounds = array<i64: 1, 512>}, {pipeline_mode = #tpu.pipeline_mode<synchronous>, transform_indices = @transform_6, window_bounds = array<i64: 512, 256>}, {pipeline_mode = #tpu.pipeline_mode<synchronous>, transform_indices = @transform_7, window_bounds = array<i64: 1, 256>}, {pipeline_mode = #tpu.pipeline_mode<synchronous>, transform_indices = @transform_8, window_bounds = array<i64: 1, 256>}, {pipeline_mode = #tpu.pipeline_mode<synchronous>, transform_indices = @transform_9, window_bounds = array<i64: 1, 256>}, {pipeline_mode = #tpu.pipeline_mode<synchronous>, transform_indices = @transform_10, window_bounds = array<i64: 256, 256>}, {pipeline_mode = #tpu.pipeline_mode<synchronous>, transform_indices = @transform_11, window_bounds = array<i64: 1, 256>}, {transform_indices = @transform_12, window_bounds = array<i64: 1024, 384>}]} {
    %get3A = arith.constant 0 : index
    %get3A_0 = arith.constant 0 : index
    %get3A_1 = vector.load %arg1[%get3A, %get3A_0] : memref<1024x128xf32, #tpu.memory_space<vmem>>, vector<1024x128xf32>
    %get3A_2 = arith.constant 0 : index
    %get3A_3 = arith.constant 0 : index
    %get3A_4 = vector.load %arg3[%get3A_2, %get3A_3] : memref<128x256xf32, #tpu.memory_space<vmem>>, vector<128x256xf32>
    %get3A_5 = arith.constant 0 : index
    %get3A_6 = arith.constant 0 : index
    %get3A_7 = vector.load %arg4[%get3A_5, %get3A_6] : memref<1x256xf32, #tpu.memory_space<vmem>>, vector<1x256xf32>
    %get3A_8 = arith.constant 0 : index
    %get3A_9 = arith.constant 0 : index
    %get3A_10 = vector.load %arg5[%get3A_8, %get3A_9] : memref<256x512xf32, #tpu.memory_space<vmem>>, vector<256x512xf32>
    %get3A_11 = arith.constant 0 : index
    %get3A_12 = arith.constant 0 : index
    %get3A_13 = vector.load %arg6[%get3A_11, %get3A_12] : memref<1x512xf32, #tpu.memory_space<vmem>>, vector<1x512xf32>
    %get3A_14 = arith.constant 0 : index
    %get3A_15 = arith.constant 0 : index
    %get3A_16 = vector.load %arg7[%get3A_14, %get3A_15] : memref<512x256xf32, #tpu.memory_space<vmem>>, vector<512x256xf32>
    %get3A_17 = arith.constant 0 : index
    %get3A_18 = arith.constant 0 : index
    %get3A_19 = vector.load %arg8[%get3A_17, %get3A_18] : memref<1x256xf32, #tpu.memory_space<vmem>>, vector<1x256xf32>
    %get3A_20 = arith.constant 0 : index
    %get3A_21 = arith.constant 0 : index
    %get3A_22 = vector.load %arg9[%get3A_20, %get3A_21] : memref<1x256xf32, #tpu.memory_space<vmem>>, vector<1x256xf32>
    %get3A_23 = arith.constant 0 : index
    %get3A_24 = arith.constant 0 : index
    %get3A_25 = vector.load %arg10[%get3A_23, %get3A_24] : memref<1x256xf32, #tpu.memory_space<vmem>>, vector<1x256xf32>
    %get3A_26 = arith.constant 0 : index
    %get3A_27 = arith.constant 0 : index
    %get3A_28 = vector.load %arg11[%get3A_26, %get3A_27] : memref<256x256xf32, #tpu.memory_space<vmem>>, vector<256x256xf32>
    %get3A_29 = arith.constant 0 : index
    %get3A_30 = arith.constant 0 : index
    %get3A_31 = vector.load %arg12[%get3A_29, %get3A_30] : memref<1x256xf32, #tpu.memory_space<vmem>>, vector<1x256xf32>
    %dot_general3A = arith.constant dense<0.000000e+00> : vector<1024x256xf32>
    %dot_general3A_32 = tpu.matmul %get3A_1, %get3A_4, %dot_general3A {dimension_numbers = #tpu.dot_dimension_numbers<[1], [0], [0], [1], [0, 0, 1, 1], [], []>, transpose_lhs_hint = false} : vector<1024x128xf32>, vector<128x256xf32>, vector<1024x256xf32> -> vector<1024x256xf32>
    %add3A = vector.broadcast %get3A_7 : vector<1x256xf32> to vector<1024x256xf32>
    %add3A_33 = arith.addf %dot_general3A_32, %add3A : vector<1024x256xf32>
    %dot_general3A_34 = arith.constant dense<0.000000e+00> : vector<1024x512xf32>
    %dot_general3A_35 = tpu.matmul %add3A_33, %get3A_10, %dot_general3A_34 {dimension_numbers = #tpu.dot_dimension_numbers<[1], [0], [0], [1], [0, 0, 1, 1], [], []>, transpose_lhs_hint = false} : vector<1024x256xf32>, vector<256x512xf32>, vector<1024x512xf32> -> vector<1024x512xf32>
    %add3A_36 = vector.broadcast %get3A_13 : vector<1x512xf32> to vector<1024x512xf32>
    %add3A_37 = arith.addf %dot_general3A_35, %add3A_36 : vector<1024x512xf32>
    %max3A = arith.constant 0.000000e+00 : f32
    %max3A_38 = vector.broadcast %max3A : f32 to vector<1024x512xf32>
    %max3A_39 = arith.maximumf %add3A_37, %max3A_38 : vector<1024x512xf32>
    %dot_general3A_40 = arith.constant dense<0.000000e+00> : vector<1024x256xf32>
    %dot_general3A_41 = tpu.matmul %max3A_39, %get3A_16, %dot_general3A_40 {dimension_numbers = #tpu.dot_dimension_numbers<[1], [0], [0], [1], [0, 0, 1, 1], [], []>, transpose_lhs_hint = false} : vector<1024x512xf32>, vector<512x256xf32>, vector<1024x256xf32> -> vector<1024x256xf32>
    %add3A_42 = vector.broadcast %get3A_19 : vector<1x256xf32> to vector<1024x256xf32>
    %add3A_43 = arith.addf %dot_general3A_41, %add3A_42 : vector<1024x256xf32>
    %add3A_44 = arith.addf %add3A_33, %add3A_43 : vector<1024x256xf32>
    %reduce_sum3A = arith.constant dense<0.000000e+00> : vector<1024xf32>
    %reduce_sum3A_45 = vector.multi_reduction <add>, %add3A_44, %reduce_sum3A [1] : vector<1024x256xf32> to vector<1024xf32>
    %broadcast_in_dim3A = vector.shape_cast %reduce_sum3A_45 : vector<1024xf32> to vector<1024x1xf32>
    %div3A = arith.constant 2.560000e+02 : f32
    %div3A_46 = vector.broadcast %div3A : f32 to vector<1024x1xf32>
    %div3A_47 = arith.divf %broadcast_in_dim3A, %div3A_46 : vector<1024x1xf32>
    %sub3A = vector.broadcast %div3A_47 : vector<1024x1xf32> to vector<1024x256xf32>
    %sub3A_48 = arith.subf %add3A_44, %sub3A : vector<1024x256xf32>
    %integer_pow3A = arith.mulf %sub3A_48, %sub3A_48 : vector<1024x256xf32>
    %reduce_sum3A_49 = arith.constant dense<0.000000e+00> : vector<1024xf32>
    %reduce_sum3A_50 = vector.multi_reduction <add>, %integer_pow3A, %reduce_sum3A_49 [1] : vector<1024x256xf32> to vector<1024xf32>
    %broadcast_in_dim3A_51 = vector.shape_cast %reduce_sum3A_50 : vector<1024xf32> to vector<1024x1xf32>
    %div3A_52 = arith.constant 2.560000e+02 : f32
    %div3A_53 = vector.broadcast %div3A_52 : f32 to vector<1024x1xf32>
    %div3A_54 = arith.divf %broadcast_in_dim3A_51, %div3A_53 : vector<1024x1xf32>
    %sub3A_55 = vector.broadcast %div3A_47 : vector<1024x1xf32> to vector<1024x256xf32>
    %sub3A_56 = arith.subf %add3A_44, %sub3A_55 : vector<1024x256xf32>
    %add3A_57 = arith.constant 9.99999974E-6 : f32
    %add3A_58 = vector.broadcast %add3A_57 : f32 to vector<1024x1xf32>
    %add3A_59 = arith.addf %div3A_54, %add3A_58 : vector<1024x1xf32>
    %sqrt3A = math.sqrt %add3A_59 : vector<1024x1xf32>
    %div3A_60 = vector.broadcast %sqrt3A : vector<1024x1xf32> to vector<1024x256xf32>
    %div3A_61 = arith.divf %sub3A_56, %div3A_60 : vector<1024x256xf32>
    %mul3A = vector.broadcast %get3A_22 : vector<1x256xf32> to vector<1024x256xf32>
    %mul3A_62 = arith.mulf %div3A_61, %mul3A : vector<1024x256xf32>
    %add3A_63 = vector.broadcast %get3A_25 : vector<1x256xf32> to vector<1024x256xf32>
    %add3A_64 = arith.addf %mul3A_62, %add3A_63 : vector<1024x256xf32>
    %dot_general3A_65 = arith.constant dense<0.000000e+00> : vector<1024x256xf32>
    %dot_general3A_66 = tpu.matmul %add3A_64, %get3A_28, %dot_general3A_65 {dimension_numbers = #tpu.dot_dimension_numbers<[1], [0], [0], [1], [0, 0, 1, 1], [], []>, transpose_lhs_hint = false} : vector<1024x256xf32>, vector<256x256xf32>, vector<1024x256xf32> -> vector<1024x256xf32>
    %add3A_67 = vector.broadcast %get3A_31 : vector<1x256xf32> to vector<1024x256xf32>
    %add3A_68 = arith.addf %dot_general3A_66, %add3A_67 : vector<1024x256xf32>
    %swap3A = arith.constant 0 : index
    %swap3A_69 = arith.constant 0 : index
    %swap3A_70 = vector.load %arg13[%swap3A, %swap3A_69] : memref<1024x384xf32, #tpu.memory_space<vmem>>, vector<1024x256xf32>
    tpu.vector_store %arg13[%swap3A, %swap3A_69], %add3A_68 {strides = array<i32>} : memref<1024x384xf32, #tpu.memory_space<vmem>>, vector<1024x256xf32>,
    %get3A_71 = arith.constant 0 : index
    %get3A_72 = arith.constant 0 : index
    %get3A_73 = vector.load %arg2[%get3A_71, %get3A_72] : memref<1024x128xf32, #tpu.memory_space<vmem>>, vector<1024x128xf32>
    %swap3A_74 = arith.constant 0 : index
    %swap3A_75 = arith.constant 256 : index
    %swap3A_76 = vector.load %arg13[%swap3A_74, %swap3A_75] : memref<1024x384xf32, #tpu.memory_space<vmem>>, vector<1024x128xf32>
    tpu.vector_store %arg13[%swap3A_74, %swap3A_75], %get3A_73 {strides = array<i32>} : memref<1024x384xf32, #tpu.memory_space<vmem>>, vector<1024x128xf32>,
    return
  }
  func.func @transform_0(%arg0: i32) -> (i32, i32) {
    %c0_i32 = arith.constant 0 : i32
    %c0_i32_0 = arith.constant 0 : i32
    return %arg0, %c0_i32 : i32, i32
  }
  func.func @transform_1(%arg0: i32) -> (i32, i32) {
    %c0_i32 = arith.constant 0 : i32
    %c0_i32_0 = arith.constant 0 : i32
    return %arg0, %c0_i32 : i32, i32
  }
  func.func @transform_2(%arg0: i32) -> (i32, i32) {
    %c0_i32 = arith.constant 0 : i32
    %c0_i32_0 = arith.constant 0 : i32
    %c0_i32_1 = arith.constant 0 : i32
    return %c0_i32, %c0_i32_0 : i32, i32
  }
  func.func @transform_3(%arg0: i32) -> (i32, i32) {
    %c0_i32 = arith.constant 0 : i32
    %c0_i32_0 = arith.constant 0 : i32
    %c0_i32_1 = arith.constant 0 : i32
    return %c0_i32, %c0_i32_0 : i32, i32
  }
  func.func @transform_4(%arg0: i32) -> (i32, i32) {
    %c0_i32 = arith.constant 0 : i32
    %c0_i32_0 = arith.constant 0 : i32
    %c0_i32_1 = arith.constant 0 : i32
    return %c0_i32, %c0_i32_0 : i32, i32
  }
  func.func @transform_5(%arg0: i32) -> (i32, i32) {
    %c0_i32 = arith.constant 0 : i32
    %c0_i32_0 = arith.constant 0 : i32
    %c0_i32_1 = arith.constant 0 : i32
    return %c0_i32, %c0_i32_0 : i32, i32
  }
  func.func @transform_6(%arg0: i32) -> (i32, i32) {
    %c0_i32 = arith.constant 0 : i32
    %c0_i32_0 = arith.constant 0 : i32
    %c0_i32_1 = arith.constant 0 : i32
    return %c0_i32, %c0_i32_0 : i32, i32
  }
  func.func @transform_7(%arg0: i32) -> (i32, i32) {
    %c0_i32 = arith.constant 0 : i32
    %c0_i32_0 = arith.constant 0 : i32
    %c0_i32_1 = arith.constant 0 : i32
    return %c0_i32, %c0_i32_0 : i32, i32
  }
  func.func @transform_8(%arg0: i32) -> (i32, i32) {
    %c0_i32 = arith.constant 0 : i32
    %c0_i32_0 = arith.constant 0 : i32
    %c0_i32_1 = arith.constant 0 : i32
    return %c0_i32, %c0_i32_0 : i32, i32
  }
  func.func @transform_9(%arg0: i32) -> (i32, i32) {
    %c0_i32 = arith.constant 0 : i32
    %c0_i32_0 = arith.constant 0 : i32
    %c0_i32_1 = arith.constant 0 : i32
    return %c0_i32, %c0_i32_0 : i32, i32
  }
  func.func @transform_10(%arg0: i32) -> (i32, i32) {
    %c0_i32 = arith.constant 0 : i32
    %c0_i32_0 = arith.constant 0 : i32
    %c0_i32_1 = arith.constant 0 : i32
    return %c0_i32, %c0_i32_0 : i32, i32
  }
  func.func @transform_11(%arg0: i32) -> (i32, i32) {
    %c0_i32 = arith.constant 0 : i32
    %c0_i32_0 = arith.constant 0 : i32
    %c0_i32_1 = arith.constant 0 : i32
    return %c0_i32, %c0_i32_0 : i32, i32
  }
  func.func @transform_12(%arg0: i32) -> (i32, i32) {
    %c0_i32 = arith.constant 0 : i32
    %c0_i32_0 = arith.constant 0 : i32
    return %arg0, %c0_i32 : i32, i32
  }
}

module attributes {stable_mosaic.version = 14 : i64} {
  func.func @_dist_body(%arg0: i32, %arg1: memref<256x256xf32, #tpu.memory_space<vmem>>, %arg2: memref<1024x384xf32, #tpu.memory_space<vmem>>, %arg3: memref<256x1024xi32, #tpu.memory_space<vmem>>) attributes {dimension_semantics = [#tpu.dimension_semantics<arbitrary>], iteration_bounds = array<i64: 49>, scalar_prefetch = 0 : i64, scratch_operands = 0 : i64, tpu.core_type = #tpu.core_type<tc>, window_params = [{pipeline_mode = #tpu.pipeline_mode<synchronous>, transform_indices = @transform_0, window_bounds = array<i64: 256, 256>}, {transform_indices = @transform_1, window_bounds = array<i64: 1024, 384>}, {transform_indices = @transform_2, window_bounds = array<i64: 256, 1024>}]} {
    %get3A = arith.constant 0 : index
    %get3A_0 = arith.constant 0 : index
    %get3A_1 = vector.load %arg2[%get3A, %get3A_0] : memref<1024x384xf32, #tpu.memory_space<vmem>>, vector<1024x256xf32>
    %get3A_2 = arith.constant 0 : index
    %get3A_3 = arith.constant 0 : index
    %get3A_4 = vector.load %arg1[%get3A_2, %get3A_3] : memref<256x256xf32, #tpu.memory_space<vmem>>, vector<256x256xf32>
    %dot_general3A = arith.constant dense<0.000000e+00> : vector<256x1024xf32>
    %dot_general3A_5 = tpu.matmul %get3A_4, %get3A_1, %dot_general3A {dimension_numbers = #tpu.dot_dimension_numbers<[1], [1], [0], [0], [0, 0, 1, 0], [], []>, transpose_lhs_hint = false} : vector<256x256xf32>, vector<1024x256xf32>, vector<256x1024xf32> -> vector<256x1024xf32>
    %broadcast_in_dim3A = arith.constant 1.000000e+00 : f32
    %broadcast_in_dim3A_6 = vector.broadcast %broadcast_in_dim3A : f32 to vector<1x256xf32>
    %mul3A = arith.mulf %get3A_1, %get3A_1 : vector<1024x256xf32>
    %dot_general3A_7 = arith.constant dense<0.000000e+00> : vector<1x1024xf32>
    %dot_general3A_8 = tpu.matmul %broadcast_in_dim3A_6, %mul3A, %dot_general3A_7 {dimension_numbers = #tpu.dot_dimension_numbers<[1], [1], [0], [0], [0, 0, 1, 0], [], []>, precision = #tpu.contract_precision<fp32>, transpose_lhs_hint = false} : vector<1x256xf32>, vector<1024x256xf32>, vector<1x1024xf32> -> vector<1x1024xf32>
    %mul3A_9 = arith.mulf %get3A_4, %get3A_4 : vector<256x256xf32>
    %reduce_sum3A = arith.constant dense<0.000000e+00> : vector<256xf32>
    %reduce_sum3A_10 = vector.multi_reduction <add>, %mul3A_9, %reduce_sum3A [1] : vector<256x256xf32> to vector<256xf32>
    %broadcast_in_dim3A_11 = vector.shape_cast %reduce_sum3A_10 : vector<256xf32> to vector<256x1xf32>
    %mul3A_12 = arith.constant 2.000000e+00 : f32
    %mul3A_13 = vector.broadcast %mul3A_12 : f32 to vector<256x1024xf32>
    %mul3A_14 = arith.mulf %mul3A_13, %dot_general3A_5 : vector<256x1024xf32>
    %sub3A = vector.broadcast %broadcast_in_dim3A_11 : vector<256x1xf32> to vector<256x1024xf32>
    %sub3A_15 = arith.subf %sub3A, %mul3A_14 : vector<256x1024xf32>
    %add3A = vector.broadcast %dot_general3A_8 : vector<1x1024xf32> to vector<256x1024xf32>
    %add3A_16 = arith.addf %sub3A_15, %add3A : vector<256x1024xf32>
    %bitcast_convert_type3A = tpu.bitcast %add3A_16 : vector<256x1024xf32> -> vector<256x1024xi32>
    %lt3A = arith.constant 0 : i32
    %lt3A_17 = vector.broadcast %lt3A : i32 to vector<256x1024xi32>
    %lt3A_18 = arith.cmpi slt, %bitcast_convert_type3A, %lt3A_17 : vector<256x1024xi32>
    %xor3A = arith.constant 2147483647 : i32
    %xor3A_19 = vector.broadcast %xor3A : i32 to vector<256x1024xi32>
    %xor3A_20 = arith.xori %bitcast_convert_type3A, %xor3A_19 : vector<256x1024xi32>
    %select_n3A = arith.select %lt3A_18, %xor3A_20, %bitcast_convert_type3A : vector<256x1024xi1>, vector<256x1024xi32>
    %mul3A_21 = arith.constant 1024 : i32
    %mul3A_22 = arith.muli %arg0, %mul3A_21 : i32
    %iota3A = tpu.iota {dimensions = array<i32: 1>} : vector<1x1024xi32>
    %add3A_23 = vector.broadcast %mul3A_22 : i32 to vector<1x1024xi32>
    %add3A_24 = arith.addi %add3A_23, %iota3A : vector<1x1024xi32>
    %ge3A = arith.constant 50000 : i32
    %ge3A_25 = vector.broadcast %ge3A : i32 to vector<1x1024xi32>
    %ge3A_26 = arith.cmpi sge, %add3A_24, %ge3A_25 : vector<1x1024xi32>
    %jit3A = arith.constant 2130706432 : i32
    %broadcast_in_dim3A_27 = vector.shape_cast %ge3A_26 : vector<1x1024xi1> to vector<1x1024xi1>
    %broadcast_in_dim3A_28 = vector.broadcast %broadcast_in_dim3A_27 : vector<1x1024xi1> to vector<256x1024xi1>
    %broadcast_in_dim3A_29 = vector.broadcast %jit3A : i32 to vector<256x1024xi32>
    %select_n3A_30 = arith.select %broadcast_in_dim3A_28, %broadcast_in_dim3A_29, %select_n3A : vector<256x1024xi1>, vector<256x1024xi32>
    %swap3A = arith.constant 0 : index
    %swap3A_31 = arith.constant 0 : index
    %swap3A_32 = vector.load %arg3[%swap3A, %swap3A_31] : memref<256x1024xi32, #tpu.memory_space<vmem>>, vector<256x1024xi32>
    tpu.vector_store %arg3[%swap3A, %swap3A_31], %select_n3A_30 {strides = array<i32>} : memref<256x1024xi32, #tpu.memory_space<vmem>>, vector<256x1024xi32>,
    return
  }
  func.func @transform_0(%arg0: i32) -> (i32, i32) {
    %c0_i32 = arith.constant 0 : i32
    %c0_i32_0 = arith.constant 0 : i32
    %c0_i32_1 = arith.constant 0 : i32
    return %c0_i32, %c0_i32_0 : i32, i32
  }
  func.func @transform_1(%arg0: i32) -> (i32, i32) {
    %c0_i32 = arith.constant 0 : i32
    %c0_i32_0 = arith.constant 0 : i32
    return %arg0, %c0_i32 : i32, i32
  }
  func.func @transform_2(%arg0: i32) -> (i32, i32) {
    %c0_i32 = arith.constant 0 : i32
    %c0_i32_0 = arith.constant 0 : i32
    return %c0_i32, %arg0 : i32, i32
  }
}

module attributes {stable_mosaic.version = 14 : i64} {
  func.func @_ctx_body(%arg0: i32, %arg1: memref<16x256xf32, #tpu.memory_space<vmem>>, %arg2: memref<16x256xf32, #tpu.memory_space<vmem>>, %arg3: memref<16x96x384xf32, #tpu.memory_space<vmem>>, %arg4: memref<1x256xf32, #tpu.memory_space<vmem>>, %arg5: memref<1x256xf32, #tpu.memory_space<vmem>>, %arg6: memref<256x512xf32, #tpu.memory_space<vmem>>, %arg7: memref<1x512xf32, #tpu.memory_space<vmem>>, %arg8: memref<512x256xf32, #tpu.memory_space<vmem>>, %arg9: memref<4x256xf32, #tpu.memory_space<vmem>>, %arg10: memref<4x256xf32, #tpu.memory_space<vmem>>, %arg11: memref<256x512xf32, #tpu.memory_space<vmem>>, %arg12: memref<1x512xf32, #tpu.memory_space<vmem>>, %arg13: memref<512x256xf32, #tpu.memory_space<vmem>>, %arg14: memref<1x256xf32, #tpu.memory_space<vmem>>, %arg15: memref<1x256xf32, #tpu.memory_space<vmem>>, %arg16: memref<1x256xf32, #tpu.memory_space<vmem>>, %arg17: memref<256x1xf32, #tpu.memory_space<vmem>>, %arg18: memref<1x1xf32, #tpu.memory_space<vmem>>, %arg19: memref<64x1xf32, #tpu.memory_space<vmem>>) attributes {dimension_semantics = [#tpu.dimension_semantics<arbitrary>], iteration_bounds = array<i64: 16>, scalar_prefetch = 0 : i64, scratch_operands = 0 : i64, tpu.core_type = #tpu.core_type<tc>, window_params = [{transform_indices = @transform_0, window_bounds = array<i64: 16, 256>}, {transform_indices = @transform_1, window_bounds = array<i64: 16, 256>}, {transform_indices = @transform_2, window_bounds = array<i64: 16, 96, 384>}, {pipeline_mode = #tpu.pipeline_mode<synchronous>, transform_indices = @transform_3, window_bounds = array<i64: 1, 256>}, {pipeline_mode = #tpu.pipeline_mode<synchronous>, transform_indices = @transform_4, window_bounds = array<i64: 1, 256>}, {pipeline_mode = #tpu.pipeline_mode<synchronous>, transform_indices = @transform_5, window_bounds = array<i64: 256, 512>}, {pipeline_mode = #tpu.pipeline_mode<synchronous>, transform_indices = @transform_6, window_bounds = array<i64: 1, 512>}, {pipeline_mode = #tpu.pipeline_mode<synchronous>, transform_indices = @transform_7, window_bounds = array<i64: 512, 256>}, {pipeline_mode = #tpu.pipeline_mode<synchronous>, transform_indices = @transform_8, window_bounds = array<i64: 4, 256>}, {pipeline_mode = #tpu.pipeline_mode<synchronous>, transform_indices = @transform_9, window_bounds = array<i64: 4, 256>}, {pipeline_mode = #tpu.pipeline_mode<synchronous>, transform_indices = @transform_10, window_bounds = array<i64: 256, 512>}, {pipeline_mode = #tpu.pipeline_mode<synchronous>, transform_indices = @transform_11, window_bounds = array<i64: 1, 512>}, {pipeline_mode = #tpu.pipeline_mode<synchronous>, transform_indices = @transform_12, window_bounds = array<i64: 512, 256>}, {pipeline_mode = #tpu.pipeline_mode<synchronous>, transform_indices = @transform_13, window_bounds = array<i64: 1, 256>}, {pipeline_mode = #tpu.pipeline_mode<synchronous>, transform_indices = @transform_14, window_bounds = array<i64: 1, 256>}, {pipeline_mode = #tpu.pipeline_mode<synchronous>, transform_indices = @transform_15, window_bounds = array<i64: 1, 256>}, {pipeline_mode = #tpu.pipeline_mode<synchronous>, transform_indices = @transform_16, window_bounds = array<i64: 256, 1>}, {pipeline_mode = #tpu.pipeline_mode<synchronous>, transform_indices = @transform_17, window_bounds = array<i64: 1, 1>}, {transform_indices = @transform_18, window_bounds = array<i64: 64, 1>}]} {
    %get3A = arith.constant 0 : index
    %get3A_0 = arith.constant 0 : index
    %get3A_1 = arith.constant 0 : index
    %get3A_2 = vector.load %arg3[%get3A, %get3A_0, %get3A_1] : memref<16x96x384xf32, #tpu.memory_space<vmem>>, vector<16x96x256xf32>
    %get3A_3 = arith.constant 0 : index
    %get3A_4 = arith.constant 0 : index
    %get3A_5 = arith.constant 256 : index
    %get3A_6 = vector.load %arg3[%get3A_3, %get3A_4, %get3A_5] : memref<16x96x384xf32, #tpu.memory_space<vmem>>, vector<16x96x1xf32>
    %get3A_7 = arith.constant 0 : index
    %get3A_8 = arith.constant 0 : index
    %get3A_9 = vector.load %arg2[%get3A_7, %get3A_8] : memref<16x256xf32, #tpu.memory_space<vmem>>, vector<16x256xf32>
    %broadcast_in_dim3A = vector.shape_cast %get3A_9 : vector<16x256xf32> to vector<16x1x256xf32>
    %mul3A = vector.broadcast %broadcast_in_dim3A : vector<16x1x256xf32> to vector<16x96x256xf32>
    %mul3A_10 = arith.mulf %mul3A, %get3A_2 : vector<16x96x256xf32>
    %reduce_sum3A = arith.constant dense<0.000000e+00> : vector<16x96xf32>
    %reduce_sum3A_11 = vector.multi_reduction <add>, %mul3A_10, %reduce_sum3A [2] : vector<16x96x256xf32> to vector<16x96xf32>
    %mul3A_12 = arith.constant 2.000000e+00 : f32
    %mul3A_13 = vector.broadcast %mul3A_12 : f32 to vector<16x96xf32>
    %mul3A_14 = arith.mulf %mul3A_13, %reduce_sum3A_11 : vector<16x96xf32>
    %mul3A_15 = arith.mulf %get3A_2, %get3A_2 : vector<16x96x256xf32>
    %reduce_sum3A_16 = arith.constant dense<0.000000e+00> : vector<16x96xf32>
    %reduce_sum3A_17 = vector.multi_reduction <add>, %mul3A_15, %reduce_sum3A_16 [2] : vector<16x96x256xf32> to vector<16x96xf32>
    %sub3A = arith.subf %mul3A_14, %reduce_sum3A_17 : vector<16x96xf32>
    %reduce_max3A = arith.constant dense<0xFF800000> : vector<16xf32>
    %reduce_max3A_18 = vector.multi_reduction <maximumf>, %sub3A, %reduce_max3A [1] : vector<16x96xf32> to vector<16xf32>
    %broadcast_in_dim3A_19 = vector.shape_cast %reduce_max3A_18 : vector<16xf32> to vector<16x1xf32>
    %sub3A_20 = vector.broadcast %broadcast_in_dim3A_19 : vector<16x1xf32> to vector<16x96xf32>
    %sub3A_21 = arith.subf %sub3A, %sub3A_20 : vector<16x96xf32>
    %exp3A = math.exp %sub3A_21 : vector<16x96xf32>
    %reduce_sum3A_22 = arith.constant dense<0.000000e+00> : vector<16xf32>
    %reduce_sum3A_23 = vector.multi_reduction <add>, %exp3A, %reduce_sum3A_22 [1] : vector<16x96xf32> to vector<16xf32>
    %broadcast_in_dim3A_24 = vector.shape_cast %reduce_sum3A_23 : vector<16xf32> to vector<16x1xf32>
    %div3A = vector.broadcast %broadcast_in_dim3A_24 : vector<16x1xf32> to vector<16x96xf32>
    %div3A_25 = arith.divf %exp3A, %div3A : vector<16x96xf32>
    %broadcast_in_dim3A_26 = vector.shape_cast %get3A_9 : vector<16x256xf32> to vector<16x1x256xf32>
    %sub3A_27 = vector.broadcast %broadcast_in_dim3A_26 : vector<16x1x256xf32> to vector<16x96x256xf32>
    %sub3A_28 = arith.subf %sub3A_27, %get3A_2 : vector<16x96x256xf32>
    %reshape3A = vector.shape_cast %sub3A_28 : vector<16x96x256xf32> to vector<1536x256xf32>
    %get3A_29 = arith.constant 0 : index
    %get3A_30 = arith.constant 0 : index
    %get3A_31 = vector.load %arg6[%get3A_29, %get3A_30] : memref<256x512xf32, #tpu.memory_space<vmem>>, vector<256x512xf32>
    %dot_general3A = arith.constant dense<0.000000e+00> : vector<1536x512xf32>
    %dot_general3A_32 = tpu.matmul %reshape3A, %get3A_31, %dot_general3A {dimension_numbers = #tpu.dot_dimension_numbers<[1], [0], [0], [1], [0, 0, 1, 1], [], []>, transpose_lhs_hint = false} : vector<1536x256xf32>, vector<256x512xf32>, vector<1536x512xf32> -> vector<1536x512xf32>
    %get3A_33 = arith.constant 0 : index
    %get3A_34 = arith.constant 0 : index
    %get3A_35 = vector.load %arg7[%get3A_33, %get3A_34] : memref<1x512xf32, #tpu.memory_space<vmem>>, vector<1x512xf32>
    %add3A = vector.broadcast %get3A_35 : vector<1x512xf32> to vector<1536x512xf32>
    %add3A_36 = arith.addf %dot_general3A_32, %add3A : vector<1536x512xf32>
    %max3A = arith.constant 0.000000e+00 : f32
    %max3A_37 = vector.broadcast %max3A : f32 to vector<1536x512xf32>
    %max3A_38 = arith.maximumf %add3A_36, %max3A_37 : vector<1536x512xf32>
    %get3A_39 = arith.constant 0 : index
    %get3A_40 = arith.constant 0 : index
    %get3A_41 = vector.load %arg8[%get3A_39, %get3A_40] : memref<512x256xf32, #tpu.memory_space<vmem>>, vector<512x256xf32>
    %dot_general3A_42 = arith.constant dense<0.000000e+00> : vector<1536x256xf32>
    %dot_general3A_43 = tpu.matmul %max3A_38, %get3A_41, %dot_general3A_42 {dimension_numbers = #tpu.dot_dimension_numbers<[1], [0], [0], [1], [0, 0, 1, 1], [], []>, transpose_lhs_hint = false} : vector<1536x512xf32>, vector<512x256xf32>, vector<1536x256xf32> -> vector<1536x256xf32>
    %get3A_44 = arith.constant 0 : index
    %get3A_45 = arith.constant 0 : index
    %get3A_46 = vector.load %arg4[%get3A_44, %get3A_45] : memref<1x256xf32, #tpu.memory_space<vmem>>, vector<1x256xf32>
    %broadcast_in_dim3A_47 = vector.shape_cast %get3A_46 : vector<1x256xf32> to vector<1x1x256xf32>
    %mul3A_48 = vector.broadcast %get3A_6 : vector<16x96x1xf32> to vector<16x96x256xf32>
    %mul3A_49 = vector.broadcast %broadcast_in_dim3A_47 : vector<1x1x256xf32> to vector<16x96x256xf32>
    %mul3A_50 = arith.mulf %mul3A_48, %mul3A_49 : vector<16x96x256xf32>
    %get3A_51 = arith.constant 0 : index
    %get3A_52 = arith.constant 0 : index
    %get3A_53 = vector.load %arg5[%get3A_51, %get3A_52] : memref<1x256xf32, #tpu.memory_space<vmem>>, vector<1x256xf32>
    %broadcast_in_dim3A_54 = vector.shape_cast %get3A_53 : vector<1x256xf32> to vector<1x1x256xf32>
    %add3A_55 = vector.broadcast %broadcast_in_dim3A_54 : vector<1x1x256xf32> to vector<16x96x256xf32>
    %add3A_56 = arith.addf %mul3A_50, %add3A_55 : vector<16x96x256xf32>
    %reshape3A_57 = vector.shape_cast %dot_general3A_43 : vector<1536x256xf32> to vector<16x96x256xf32>
    %add3A_58 = arith.addf %add3A_56, %reshape3A_57 : vector<16x96x256xf32>
    %broadcast_in_dim3A_59 = vector.shape_cast %div3A_25 : vector<16x96xf32> to vector<16x96x1xf32>
    %mul3A_60 = vector.broadcast %broadcast_in_dim3A_59 : vector<16x96x1xf32> to vector<16x96x256xf32>
    %mul3A_61 = arith.mulf %mul3A_60, %add3A_58 : vector<16x96x256xf32>
    %reduce_sum3A_62 = arith.constant dense<0.000000e+00> : vector<16x256xf32>
    %reduce_sum3A_63 = vector.multi_reduction <add>, %mul3A_61, %reduce_sum3A_62 [1] : vector<16x96x256xf32> to vector<16x256xf32>
    %get3A_64 = arith.constant 0 : index
    %get3A_65 = arith.constant 0 : index
    %get3A_66 = vector.load %arg1[%get3A_64, %get3A_65] : memref<16x256xf32, #tpu.memory_space<vmem>>, vector<16x256xf32>
    %add3A_67 = arith.addf %get3A_66, %reduce_sum3A_63 : vector<16x256xf32>
    %broadcast_in_dim3A_68 = vector.shape_cast %add3A_67 : vector<16x256xf32> to vector<16x1x256xf32>
    %broadcast_in_dim3A_69 = vector.shape_cast %broadcast_in_dim3A_68 : vector<16x1x256xf32> to vector<16x1x256xf32>
    %broadcast_in_dim3A_70 = vector.broadcast %broadcast_in_dim3A_69 : vector<16x1x256xf32> to vector<16x4x256xf32>
    %reduce_sum3A_71 = arith.constant dense<0.000000e+00> : vector<16x4xf32>
    %reduce_sum3A_72 = vector.multi_reduction <add>, %broadcast_in_dim3A_70, %reduce_sum3A_71 [2] : vector<16x4x256xf32> to vector<16x4xf32>
    %broadcast_in_dim3A_73 = vector.shape_cast %reduce_sum3A_72 : vector<16x4xf32> to vector<16x4x1xf32>
    %div3A_74 = arith.constant 2.560000e+02 : f32
    %div3A_75 = vector.broadcast %div3A_74 : f32 to vector<16x4x1xf32>
    %div3A_76 = arith.divf %broadcast_in_dim3A_73, %div3A_75 : vector<16x4x1xf32>
    %sub3A_77 = vector.broadcast %div3A_76 : vector<16x4x1xf32> to vector<16x4x256xf32>
    %sub3A_78 = arith.subf %broadcast_in_dim3A_70, %sub3A_77 : vector<16x4x256xf32>
    %integer_pow3A = arith.mulf %sub3A_78, %sub3A_78 : vector<16x4x256xf32>
    %reduce_sum3A_79 = arith.constant dense<0.000000e+00> : vector<16x4xf32>
    %reduce_sum3A_80 = vector.multi_reduction <add>, %integer_pow3A, %reduce_sum3A_79 [2] : vector<16x4x256xf32> to vector<16x4xf32>
    %broadcast_in_dim3A_81 = vector.shape_cast %reduce_sum3A_80 : vector<16x4xf32> to vector<16x4x1xf32>
    %div3A_82 = arith.constant 2.560000e+02 : f32
    %div3A_83 = vector.broadcast %div3A_82 : f32 to vector<16x4x1xf32>
    %div3A_84 = arith.divf %broadcast_in_dim3A_81, %div3A_83 : vector<16x4x1xf32>
    %sub3A_85 = vector.broadcast %div3A_76 : vector<16x4x1xf32> to vector<16x4x256xf32>
    %sub3A_86 = arith.subf %broadcast_in_dim3A_70, %sub3A_85 : vector<16x4x256xf32>
    %add3A_87 = arith.constant 9.99999974E-6 : f32
    %add3A_88 = vector.broadcast %add3A_87 : f32 to vector<16x4x1xf32>
    %add3A_89 = arith.addf %div3A_84, %add3A_88 : vector<16x4x1xf32>
    %sqrt3A = math.sqrt %add3A_89 : vector<16x4x1xf32>
    %div3A_90 = vector.broadcast %sqrt3A : vector<16x4x1xf32> to vector<16x4x256xf32>
    %div3A_91 = arith.divf %sub3A_86, %div3A_90 : vector<16x4x256xf32>
    %get3A_92 = arith.constant 0 : index
    %get3A_93 = arith.constant 0 : index
    %get3A_94 = vector.load %arg9[%get3A_92, %get3A_93] : memref<4x256xf32, #tpu.memory_space<vmem>>, vector<4x256xf32>
    %broadcast_in_dim3A_95 = vector.shape_cast %get3A_94 : vector<4x256xf32> to vector<1x4x256xf32>
    %mul3A_96 = vector.broadcast %broadcast_in_dim3A_95 : vector<1x4x256xf32> to vector<16x4x256xf32>
    %mul3A_97 = arith.mulf %div3A_91, %mul3A_96 : vector<16x4x256xf32>
    %get3A_98 = arith.constant 0 : index
    %get3A_99 = arith.constant 0 : index
    %get3A_100 = vector.load %arg10[%get3A_98, %get3A_99] : memref<4x256xf32, #tpu.memory_space<vmem>>, vector<4x256xf32>
    %broadcast_in_dim3A_101 = vector.shape_cast %get3A_100 : vector<4x256xf32> to vector<1x4x256xf32>
    %add3A_102 = vector.broadcast %broadcast_in_dim3A_101 : vector<1x4x256xf32> to vector<16x4x256xf32>
    %add3A_103 = arith.addf %mul3A_97, %add3A_102 : vector<16x4x256xf32>
    %reshape3A_104 = vector.shape_cast %add3A_103 : vector<16x4x256xf32> to vector<64x256xf32>
    %get3A_105 = arith.constant 0 : index
    %get3A_106 = arith.constant 0 : index
    %get3A_107 = vector.load %arg11[%get3A_105, %get3A_106] : memref<256x512xf32, #tpu.memory_space<vmem>>, vector<256x512xf32>
    %dot_general3A_108 = arith.constant dense<0.000000e+00> : vector<64x512xf32>
    %dot_general3A_109 = tpu.matmul %reshape3A_104, %get3A_107, %dot_general3A_108 {dimension_numbers = #tpu.dot_dimension_numbers<[1], [0], [0], [1], [0, 0, 1, 1], [], []>, transpose_lhs_hint = false} : vector<64x256xf32>, vector<256x512xf32>, vector<64x512xf32> -> vector<64x512xf32>
    %get3A_110 = arith.constant 0 : index
    %get3A_111 = arith.constant 0 : index
    %get3A_112 = vector.load %arg12[%get3A_110, %get3A_111] : memref<1x512xf32, #tpu.memory_space<vmem>>, vector<1x512xf32>
    %add3A_113 = vector.broadcast %get3A_112 : vector<1x512xf32> to vector<64x512xf32>
    %add3A_114 = arith.addf %dot_general3A_109, %add3A_113 : vector<64x512xf32>
    %max3A_115 = arith.constant 0.000000e+00 : f32
    %max3A_116 = vector.broadcast %max3A_115 : f32 to vector<64x512xf32>
    %max3A_117 = arith.maximumf %add3A_114, %max3A_116 : vector<64x512xf32>
    %get3A_118 = arith.constant 0 : index
    %get3A_119 = arith.constant 0 : index
    %get3A_120 = vector.load %arg13[%get3A_118, %get3A_119] : memref<512x256xf32, #tpu.memory_space<vmem>>, vector<512x256xf32>
    %dot_general3A_121 = arith.constant dense<0.000000e+00> : vector<64x256xf32>
    %dot_general3A_122 = tpu.matmul %max3A_117, %get3A_120, %dot_general3A_121 {dimension_numbers = #tpu.dot_dimension_numbers<[1], [0], [0], [1], [0, 0, 1, 1], [], []>, transpose_lhs_hint = false} : vector<64x512xf32>, vector<512x256xf32>, vector<64x256xf32> -> vector<64x256xf32>
    %get3A_123 = arith.constant 0 : index
    %get3A_124 = arith.constant 0 : index
    %get3A_125 = vector.load %arg14[%get3A_123, %get3A_124] : memref<1x256xf32, #tpu.memory_space<vmem>>, vector<1x256xf32>
    %add3A_126 = vector.broadcast %get3A_125 : vector<1x256xf32> to vector<64x256xf32>
    %add3A_127 = arith.addf %dot_general3A_122, %add3A_126 : vector<64x256xf32>
    %reshape3A_128 = vector.shape_cast %add3A_127 : vector<64x256xf32> to vector<16x4x256xf32>
    %add3A_129 = arith.addf %broadcast_in_dim3A_70, %reshape3A_128 : vector<16x4x256xf32>
    %get3A_130 = arith.constant 0 : index
    %get3A_131 = arith.constant 0 : index
    %get3A_132 = vector.load %arg15[%get3A_130, %get3A_131] : memref<1x256xf32, #tpu.memory_space<vmem>>, vector<1x256xf32>
    %broadcast_in_dim3A_133 = vector.shape_cast %get3A_132 : vector<1x256xf32> to vector<1x1x256xf32>
    %get3A_134 = arith.constant 0 : index
    %get3A_135 = arith.constant 0 : index
    %get3A_136 = vector.load %arg16[%get3A_134, %get3A_135] : memref<1x256xf32, #tpu.memory_space<vmem>>, vector<1x256xf32>
    %broadcast_in_dim3A_137 = vector.shape_cast %get3A_136 : vector<1x256xf32> to vector<1x1x256xf32>
    %reduce_sum3A_138 = arith.constant dense<0.000000e+00> : vector<16x4xf32>
    %reduce_sum3A_139 = vector.multi_reduction <add>, %add3A_129, %reduce_sum3A_138 [2] : vector<16x4x256xf32> to vector<16x4xf32>
    %broadcast_in_dim3A_140 = vector.shape_cast %reduce_sum3A_139 : vector<16x4xf32> to vector<16x4x1xf32>
    %div3A_141 = arith.constant 2.560000e+02 : f32
    %div3A_142 = vector.broadcast %div3A_141 : f32 to vector<16x4x1xf32>
    %div3A_143 = arith.divf %broadcast_in_dim3A_140, %div3A_142 : vector<16x4x1xf32>
    %sub3A_144 = vector.broadcast %div3A_143 : vector<16x4x1xf32> to vector<16x4x256xf32>
    %sub3A_145 = arith.subf %add3A_129, %sub3A_144 : vector<16x4x256xf32>
    %integer_pow3A_146 = arith.mulf %sub3A_145, %sub3A_145 : vector<16x4x256xf32>
    %reduce_sum3A_147 = arith.constant dense<0.000000e+00> : vector<16x4xf32>
    %reduce_sum3A_148 = vector.multi_reduction <add>, %integer_pow3A_146, %reduce_sum3A_147 [2] : vector<16x4x256xf32> to vector<16x4xf32>
    %broadcast_in_dim3A_149 = vector.shape_cast %reduce_sum3A_148 : vector<16x4xf32> to vector<16x4x1xf32>
    %div3A_150 = arith.constant 2.560000e+02 : f32
    %div3A_151 = vector.broadcast %div3A_150 : f32 to vector<16x4x1xf32>
    %div3A_152 = arith.divf %broadcast_in_dim3A_149, %div3A_151 : vector<16x4x1xf32>
    %sub3A_153 = vector.broadcast %div3A_143 : vector<16x4x1xf32> to vector<16x4x256xf32>
    %sub3A_154 = arith.subf %add3A_129, %sub3A_153 : vector<16x4x256xf32>
    %add3A_155 = arith.constant 9.99999974E-6 : f32
    %add3A_156 = vector.broadcast %add3A_155 : f32 to vector<16x4x1xf32>
    %add3A_157 = arith.addf %div3A_152, %add3A_156 : vector<16x4x1xf32>
    %sqrt3A_158 = math.sqrt %add3A_157 : vector<16x4x1xf32>
    %div3A_159 = vector.broadcast %sqrt3A_158 : vector<16x4x1xf32> to vector<16x4x256xf32>
    %div3A_160 = arith.divf %sub3A_154, %div3A_159 : vector<16x4x256xf32>
    %mul3A_161 = vector.broadcast %broadcast_in_dim3A_133 : vector<1x1x256xf32> to vector<16x4x256xf32>
    %mul3A_162 = arith.mulf %div3A_160, %mul3A_161 : vector<16x4x256xf32>
    %add3A_163 = vector.broadcast %broadcast_in_dim3A_137 : vector<1x1x256xf32> to vector<16x4x256xf32>
    %add3A_164 = arith.addf %mul3A_162, %add3A_163 : vector<16x4x256xf32>
    %max3A_165 = arith.constant 0.000000e+00 : f32
    %max3A_166 = vector.broadcast %max3A_165 : f32 to vector<16x4x256xf32>
    %max3A_167 = arith.maximumf %add3A_164, %max3A_166 : vector<16x4x256xf32>
    %reshape3A_168 = vector.shape_cast %max3A_167 : vector<16x4x256xf32> to vector<64x256xf32>
    %get3A_169 = arith.constant 0 : index
    %get3A_170 = arith.constant 0 : index
    %get3A_171 = vector.load %arg17[%get3A_169, %get3A_170] : memref<256x1xf32, #tpu.memory_space<vmem>>, vector<256x1xf32>
    %dot_general3A_172 = arith.constant dense<0.000000e+00> : vector<64x1xf32>
    %dot_general3A_173 = tpu.matmul %reshape3A_168, %get3A_171, %dot_general3A_172 {dimension_numbers = #tpu.dot_dimension_numbers<[1], [0], [0], [1], [0, 0, 1, 1], [], []>, transpose_lhs_hint = false} : vector<64x256xf32>, vector<256x1xf32>, vector<64x1xf32> -> vector<64x1xf32>
    %get3A_174 = arith.constant 0 : index
    %get3A_175 = arith.constant 0 : index
    %get3A_176 = vector.load %arg18[%get3A_174, %get3A_175] : memref<1x1xf32, #tpu.memory_space<vmem>>, vector<1x1xf32>
    %add3A_177 = vector.broadcast %get3A_176 : vector<1x1xf32> to vector<64x1xf32>
    %add3A_178 = arith.addf %dot_general3A_173, %add3A_177 : vector<64x1xf32>
    %swap3A = arith.constant 0 : index
    %swap3A_179 = arith.constant 0 : index
    %swap3A_180 = vector.load %arg19[%swap3A, %swap3A_179] : memref<64x1xf32, #tpu.memory_space<vmem>>, vector<64x1xf32>
    tpu.vector_store %arg19[%swap3A, %swap3A_179], %add3A_178 {strides = array<i32>} : memref<64x1xf32, #tpu.memory_space<vmem>>, vector<64x1xf32>,
    return
  }
  func.func @transform_0(%arg0: i32) -> (i32, i32) {
    %c0_i32 = arith.constant 0 : i32
    %c0_i32_0 = arith.constant 0 : i32
    return %arg0, %c0_i32 : i32, i32
  }
  func.func @transform_1(%arg0: i32) -> (i32, i32) {
    %c0_i32 = arith.constant 0 : i32
    %c0_i32_0 = arith.constant 0 : i32
    return %arg0, %c0_i32 : i32, i32
  }
  func.func @transform_2(%arg0: i32) -> (i32, i32, i32) {
    %c0_i32 = arith.constant 0 : i32
    %c0_i32_0 = arith.constant 0 : i32
    %c0_i32_1 = arith.constant 0 : i32
    return %arg0, %c0_i32, %c0_i32_0 : i32, i32, i32
  }
  func.func @transform_3(%arg0: i32) -> (i32, i32) {
    %c0_i32 = arith.constant 0 : i32
    %c0_i32_0 = arith.constant 0 : i32
    %c0_i32_1 = arith.constant 0 : i32
    return %c0_i32, %c0_i32_0 : i32, i32
  }
  func.func @transform_4(%arg0: i32) -> (i32, i32) {
    %c0_i32 = arith.constant 0 : i32
    %c0_i32_0 = arith.constant 0 : i32
    %c0_i32_1 = arith.constant 0 : i32
    return %c0_i32, %c0_i32_0 : i32, i32
  }
  func.func @transform_5(%arg0: i32) -> (i32, i32) {
    %c0_i32 = arith.constant 0 : i32
    %c0_i32_0 = arith.constant 0 : i32
    %c0_i32_1 = arith.constant 0 : i32
    return %c0_i32, %c0_i32_0 : i32, i32
  }
  func.func @transform_6(%arg0: i32) -> (i32, i32) {
    %c0_i32 = arith.constant 0 : i32
    %c0_i32_0 = arith.constant 0 : i32
    %c0_i32_1 = arith.constant 0 : i32
    return %c0_i32, %c0_i32_0 : i32, i32
  }
  func.func @transform_7(%arg0: i32) -> (i32, i32) {
    %c0_i32 = arith.constant 0 : i32
    %c0_i32_0 = arith.constant 0 : i32
    %c0_i32_1 = arith.constant 0 : i32
    return %c0_i32, %c0_i32_0 : i32, i32
  }
  func.func @transform_8(%arg0: i32) -> (i32, i32) {
    %c0_i32 = arith.constant 0 : i32
    %c0_i32_0 = arith.constant 0 : i32
    %c0_i32_1 = arith.constant 0 : i32
    return %c0_i32, %c0_i32_0 : i32, i32
  }
  func.func @transform_9(%arg0: i32) -> (i32, i32) {
    %c0_i32 = arith.constant 0 : i32
    %c0_i32_0 = arith.constant 0 : i32
    %c0_i32_1 = arith.constant 0 : i32
    return %c0_i32, %c0_i32_0 : i32, i32
  }
  func.func @transform_10(%arg0: i32) -> (i32, i32) {
    %c0_i32 = arith.constant 0 : i32
    %c0_i32_0 = arith.constant 0 : i32
    %c0_i32_1 = arith.constant 0 : i32
    return %c0_i32, %c0_i32_0 : i32, i32
  }
  func.func @transform_11(%arg0: i32) -> (i32, i32) {
    %c0_i32 = arith.constant 0 : i32
    %c0_i32_0 = arith.constant 0 : i32
    %c0_i32_1 = arith.constant 0 : i32
    return %c0_i32, %c0_i32_0 : i32, i32
  }
  func.func @transform_12(%arg0: i32) -> (i32, i32) {
    %c0_i32 = arith.constant 0 : i32
    %c0_i32_0 = arith.constant 0 : i32
    %c0_i32_1 = arith.constant 0 : i32
    return %c0_i32, %c0_i32_0 : i32, i32
  }
  func.func @transform_13(%arg0: i32) -> (i32, i32) {
    %c0_i32 = arith.constant 0 : i32
    %c0_i32_0 = arith.constant 0 : i32
    %c0_i32_1 = arith.constant 0 : i32
    return %c0_i32, %c0_i32_0 : i32, i32
  }
  func.func @transform_14(%arg0: i32) -> (i32, i32) {
    %c0_i32 = arith.constant 0 : i32
    %c0_i32_0 = arith.constant 0 : i32
    %c0_i32_1 = arith.constant 0 : i32
    return %c0_i32, %c0_i32_0 : i32, i32
  }
  func.func @transform_15(%arg0: i32) -> (i32, i32) {
    %c0_i32 = arith.constant 0 : i32
    %c0_i32_0 = arith.constant 0 : i32
    %c0_i32_1 = arith.constant 0 : i32
    return %c0_i32, %c0_i32_0 : i32, i32
  }
  func.func @transform_16(%arg0: i32) -> (i32, i32) {
    %c0_i32 = arith.constant 0 : i32
    %c0_i32_0 = arith.constant 0 : i32
    %c0_i32_1 = arith.constant 0 : i32
    return %c0_i32, %c0_i32_0 : i32, i32
  }
  func.func @transform_17(%arg0: i32) -> (i32, i32) {
    %c0_i32 = arith.constant 0 : i32
    %c0_i32_0 = arith.constant 0 : i32
    %c0_i32_1 = arith.constant 0 : i32
    return %c0_i32, %c0_i32_0 : i32, i32
  }
  func.func @transform_18(%arg0: i32) -> (i32, i32) {
    %c0_i32 = arith.constant 0 : i32
    %c0_i32_0 = arith.constant 0 : i32
    return %arg0, %c0_i32 : i32, i32
  }
}

</mosaic_0001>

<sc_bundles>
// kernel: kernel.16.cloned.1.call-start
scs
__scs_entry_jumppad:
0x0: {  	(pc) =	sbr.rel $0x88, $3  }
0x1: {  	(tag) =	ssettag $0x0;
	lr =	simm.s32 $0x1  }
0x2: {  	[smem:$0x3F85] =	sst lr;
	_ =	strace $0xD0000000  }
0x3: {  	_ = 	snop  }
0x4: {  	_ = 	snop  }
0x5: {  	_ = 	snop  }
0x6: {  	_ = 	snop  }
0x7: {  	_ = 	snop  }
__scs_overlays_trampoline_lowered:
0x8: {  	[smem:$0x3F94] =	sst s0  }
0x9: {  	[smem:$0x3F95] =	sst s1  }
0xa: {  	[smem:$0x3F96] =	sst s2  }
0xb: {  	[smem:$0x3F97] =	sst s3  }
0xc: {  	[smem:$0x3F98] =	sst s4  }
0xd: {  	[smem:$0x3F99] =	sst s5  }
0xe: {  	[smem:$0x3F9A] =	sst s6  }
0xf: {  	[smem:$0x3F9B] =	sst s7  }
0x10: {  	[smem:$0x3F9C] =	sst s8  }
0x11: {  	[smem:$0x3F9D] =	sst s9;
	s0 =	simm.s32 @!p0 $0x0  }
0x12: {  	s1 =	sld [smem:$0x3F83];
	s0 =	simm.s32 @p0 $0x1  }
0x13: {  	[smem:$0x3F9E] =	sst s0;
	s0 =	simm.s32 @!p1 $0x0  }
0x14: {  	s2 =	sld [smem:$0x3F82];
	s0 =	simm.s32 @p1 $0x1  }
0x15: {  	[smem:$0x3F9F] =	sst s0;
	s0 =	simm.s32 @!p2 $0x0  }
0x16: {  	s3 =	sld [smem:$0x3FDB];
	s0 =	simm.s32 @p2 $0x1  }
0x17: {  	s4 =	simm.s32 $0x1BF5;
	[smem:$0x3FA1] =	sst s0  }
0x18: {  	s0 =	sld [smem:$0x3F84];
	_ =	swait.ge [sflag:s4], $0x0  }
0x19: {  	s7 =	sld [smem:$0x3F85]  }
0x1a: {  	s8 =	sadd.s32 $0xFFFFE003, lr  }
0x1b: {  	s9 =	sadd.s32 $0xFFFFFEF7, lr;
	s5 =	simm.s32 $0xFFFFFFFF;
	p2 =	slt.u32 s8, $0xFFFFF086  }
0x1c: {  	p1 =	slt.u32 s9, $0xF7A;
	s5 =	simm.s32 @!p2 $0x0  }
0x1d: {  	s5 =	simm.s32 @p1 $0x1;
	p0 =	seq.s32 s7, s2  }
0x1e: {  	s7 =	smul.u32 @!p0 $0xF7A, s2;
	p2 =	seq.s32 @!p0 s5, $0x0  }
0x1f: {  	s9 =	smul.u32 $0xF7A, s1;
	s8 =	simm.s32 @!p0 $0x1BF5;
	p2 =	por !p2, p0  }
0x20: {  	[sflag:s8] =	ssyncset.s32 @!p0 $0xFFFFF086;
	s6 =	sadd.s32 @!p0 s3, s7;
	s7 =	simm.s32 @!p0 $0x108  }
0x21: {  	s3 =	sadd.s32 s3, s9;
	s6 =	sadd.s32 @!p0 $0x88, s6;
	s7 =	simm.s32 @p2 $0x1082  }
0x22: {  	[simem:s7], [sflag:s8] =	dma.local @!p0 [hbm:s6], $0xF7A  }
0x23: {  	s9 =	sor.u32 $0xD0000000, s2;
	s6 =	simm.s32 $0x108;
	_ =	swait.ge @!p0 [sflag:s8], $0x0  }
0x24: {  	s3 =	sadd.s32 $0x88, s3;
	s6 =	simm.s32 @!p1 $0x1082;
	[sflag:s4] =	ssyncset.s32 $0xFFFFF086  }
0x25: {  	[simem:s6], [sflag:s4] =	dma.local [hbm:s3], $0xF7A  }
0x26: {  	[smem:$0x3F85] =	sst s1;
	(tag) =	ssettag s2;
	_ =	strace s9  }
0x27: {  	s1 =	sld [smem:$0x3F95]  }
0x28: {  	s2 =	sld [smem:$0x3F96]  }
0x29: {  	s4 =	sld [smem:$0x3F98]  }
0x2a: {  	p0 =	seq.s32 s5, $0x0;
	s5 =	sld [smem:$0x3F99]  }
0x2b: {  	s6 =	sld [smem:$0x3F9A]  }
0x2c: {  	s7 =	sld [smem:$0x3F9B]  }
0x2d: {  	s3 =	simm.s32 $0x108;
	s8 =	sld [smem:$0x3F9C]  }
0x2e: {  	s3 =	simm.s32 @!p0 $0x1082;
	s9 =	sld [smem:$0x3F9D]  }
0x2f: {  	lr =	sadd.s32 s0, s3;
	s0 =	sld [smem:$0x3F94]  }
0x30: {  	s3 =	sld [smem:$0x3F97]  }
0x31: {  	[smem:$0x3FA0] =	sst s10  }
0x32: {  	s10 =	sld [smem:$0x3F9E];
	_ =	sdelay $0x3  }
0x33: {  	p0 =	seq.s32 s10, $0x1;
	s10 =	sld [smem:$0x3FA0];
	_ =	sdelay $0x3  }
0x34: {  	[smem:$0x3FA0] =	sst s10  }
0x35: {  	s10 =	sld [smem:$0x3F9F];
	_ =	sdelay $0x3  }
0x36: {  	p1 =	seq.s32 s10, $0x1;
	s10 =	sld [smem:$0x3FA0];
	_ =	sdelay $0x3  }
0x37: {  	[smem:$0x3FA0] =	sst s10  }
0x38: {  	s10 =	sld [smem:$0x3FA1]  }
0x39: {  	_ = 	snop;
	(pc) =	sbr.ind lr, $3  }
0x3a: {  	_ = 	snop  }
0x3b: {  	_ = 	snop  }
0x3c: {  	p2 =	seq.s32 s10, $0x1;
	s10 =	sld [smem:$0x3FA0]  }
0x3d: {  	_ =	shalt  }
0x3e: {  	_ =	shalt  }
0x3f: {  	_ =	shalt  }
0x40: {  	_ =	shalt  }
0x41: {  	_ =	shalt  }
0x42: {  	_ =	shalt  }
0x43: {  	_ =	shalt  }
0x44: {  	_ =	shalt  }
0x45: {  	_ =	shalt  }
0x46: {  	_ =	shalt  }
0x47: {  	_ =	shalt  }
0x48: {  	_ =	shalt  }
0x49: {  	_ =	shalt  }
0x4a: {  	_ =	shalt  }
0x4b: {  	_ =	shalt  }
0x4c: {  	_ =	shalt  }
0x4d: {  	_ =	shalt  }
0x4e: {  	_ =	shalt  }
0x4f: {  	_ =	shalt  }
0x50: {  	_ =	shalt  }
0x51: {  	_ =	shalt  }
0x52: {  	_ =	shalt  }
0x53: {  	_ =	shalt  }
0x54: {  	_ =	shalt  }
0x55: {  	_ =	shalt  }
0x56: {  	_ =	shalt  }
0x57: {  	_ =	shalt  }
0x58: {  	_ =	shalt  }
0x59: {  	_ =	shalt  }
0x5a: {  	_ =	shalt  }
0x5b: {  	_ =	shalt  }
0x5c: {  	_ =	shalt  }
0x5d: {  	_ =	shalt  }
0x5e: {  	_ =	shalt  }
0x5f: {  	_ =	shalt  }
0x60: {  	_ =	shalt  }
0x61: {  	_ =	shalt  }
0x62: {  	_ =	shalt  }
0x63: {  	_ =	shalt  }
0x64: {  	_ =	shalt  }
0x65: {  	_ =	shalt  }
0x66: {  	_ =	shalt  }
0x67: {  	_ =	shalt  }
0x68: {  	_ =	shalt  }
0x69: {  	_ =	shalt  }
0x6a: {  	_ =	shalt  }
0x6b: {  	_ =	shalt  }
0x6c: {  	_ =	shalt  }
0x6d: {  	_ =	shalt  }
0x6e: {  	_ =	shalt  }
0x6f: {  	_ =	shalt  }
0x70: {  	_ =	shalt  }
0x71: {  	_ =	shalt  }
0x72: {  	_ =	shalt  }
0x73: {  	_ =	shalt  }
0x74: {  	_ =	shalt  }
0x75: {  	_ =	shalt  }
0x76: {  	_ =	shalt  }
0x77: {  	_ =	shalt  }
0x78: {  	_ =	shalt  }
0x79: {  	_ =	shalt  }
0x7a: {  	_ =	shalt  }
0x7b: {  	_ =	shalt  }
0x7c: {  	_ =	shalt  }
0x7d: {  	_ =	shalt  }
0x7e: {  	_ =	shalt  }
0x7f: {  	_ =	shalt  }
0x80: {  	_ =	shalt  }
0x81: {  	_ =	shalt  }
0x82: {  	_ =	shalt  }
0x83: {  	_ =	shalt  }
0x84: {  	_ =	shalt  }
0x85: {  	_ =	shalt  }
0x86: {  	_ =	shalt  }
0x87: {  	_ =	shalt  }
.Lfunc_end0:
.L_simem_size_0:
called_computation_lowered:
.L_overlay_start_0:
0x88: {  	s2 =	sld [smem:$0x3FD9]  }
0x89: {  	s3 =	sld [smem:$0x3FFE];
	_ =	sdelay $0x1  }
0x8a: {  	s1 =	srdreg.scid  }
0x8b: {  	s0 =	sand.u32 $0x1, s1  }
0x8c: {  	s16 =	sshll.u32 s0, $0xA;
	s2 =	sadd.s32 s3, s2  }
0x8d: {  	s2 =	sadd.s32 s2, s16  }
0x8e: {  	[smem:$0x3FAC] =	sst s2  }
0x8f: {  	_ = 	snop  }
0x90: {  	(tm) =	ssettm $0x1  }
0x91: {  	s17 =	sld [smem:$0x3FFB];
	_ =	sdelay $0x3  }
0x92: {  	_ =	strace s17  }
0x93: {  	s2 =	sld [smem:$0x3FFC];
	_ =	sdelay $0x3  }
0x94: {  	_ =	strace s2  }
0x95: {  	s2 =	sld [smem:$0x3FFD];
	_ =	sdelay $0x3  }
0x96: {  	_ =	strace s2  }
0x97: {  	_ =	strace $0x8FFFFFFF  }
0x98: {  	s18 =	sld [smem:$0x3FDB];
	_ =	sdelay $0x1  }
0x99: {  	s19 =	simm.s32 $_scs_section_size  }
0x9a: {  	s4 =	simm.s32 $_size__tile_overlayer_lowered;
	s5 =	simm.s32 $_tile_overlayer_lowered  }
0x9b: {  	s22 =	simm.s32 $0x1BFF;
	s21 =	sshll.u32 s5, $0x1;
	s2 =	sadd.s32 s19, s18  }
0x9c: {  	s6 =	simm.s32 $0x0;
	s20 =	sshll.u32 s4, $0x1;
	s4 =	sadd.s32 s21, s2  }
0x9d: {  	[timem:s6], [sflag:s22] =	dma.local [hbm:s4], s20  }
0x9e: {  	_ =	swait.ge [sflag:s22], s20  }
0x9f: {  	s3 =	ssub.s32 $0x0, s20;
	[sflag:s22] =	ssyncset.done $0x0  }
0xa0: {  	[sflag:s22] =	ssyncadd.s32 s3;
	_ =	sdelay $0x1  }
0xa1: {  	s23 =	simm.s32 $0x1B8B  }
0xa2: {  	_ =	swait.ge [sflag:s23], $0x1  }
0xa3: {  	[sflag:s23] =	ssyncset.done $0x0  }
0xa4: {  	s25 =	simm.s32 $0x1B8E;
	s24 =	sld [smem:$0x3FFE];
	[sflag:s23] =	ssyncadd.s32 $0xFFFFFFFF  }
0xa5: {  	s26 =	simm.s32 $execute0_lowered;
	[smem:$0x3FD2] =	sst s25  }
0xa6: {  	s4 =	sshll.u32 s26, $0x1;
	_ =	strace $0x80000046;
	[dreg:$0x1] =	wrdreg $0xFFFFFFFF  }
0xa7: {  	s28 =	simm.s32 $_size_execute0_lowered;
	s2 =	sadd.s32 s2, s4;
	[dreg:$0x0] =	wrdreg $0x0  }
0xa8: {  	s4 =	sshll.u32 s28, $0x1;
	[dreg:$0x2] =	wrdreg s2  }
0xa9: {  	[dreg:$0x3] =	wrdreg s4  }
0xaa: {  	[dreg:$0x4] =	wrdreg $0xC0  }
0xab: {  	_ =	task [dreg:s6], $0x5FFFF  }
0xac: {  	[dreg:$0x1] =	wrdreg $0xFFFFFFFF  }
0xad: {  	[dreg:$0x0] =	wrdreg $0x60  }
0xae: {  	[dreg:$0x2] =	wrdreg s24  }
0xaf: {  	[dreg:$0x3] =	wrdreg $0x9  }
0xb0: {  	_ =	task.clear_ibuf [dreg:s6], $0x4FFFF;
	_ =	strace $0x90000046  }
0xb1: {  	s29 =	simm.s32 $0x9;
	_ =	strace $0x80000048  }
0xb2: {  	_ =	swait.ge [sflag:s29], $0x1  }
0xb3: {  	[sflag:s29] =	ssyncadd.s32 $0xFFFFFFFF  }
0xb4: {  	_ =	strace $0x90000048  }
0xb5: {  	_ =	sfence  }
0xb6: {  	s30 =	sld [smem:$0x0];
	_ =	sdelay $0x2  }
0xb7: {  	s31 =	sshll.u32 s1, $0xD;
	s1 =	sshrl.u32 s1, $0x2  }
0xb8: {  	s3 =	sand.u32 $0x4000, s31;
	s1 =	sadd.s32 s1, s30  }
0xb9: {  	s0 =	sor.u32 s3, s0;
	s1 =	sshll.u32 s1, $0x11  }
0xba: {  	s0 =	sor.u32 s1, s0  }
0xbb: {  	s0 =	sadd.s32 $0x8F2B, s0  }
0xbc: {  	[sflag:s0] =	ssyncadd.remote.s32 $0x1  }
0xbd: {  	_ =	sfence.sel $0xFFFF  }
0xbe: {  	[dreg:$0x0] =	wrdreg $0xFFFFFFFF;
	(pc) =	sbr.abs _section_cstart, $3  }
0xbf: {  	[dreg:$0x1] =	wrdreg $0xFFFFFFFF  }
0xc0: {  	_ =	task.clear_ibuf [dreg:s6], $0x2FFFF;
	_ =	strace $0x9FFFFFFF  }
0xc1: {  	(tm) =	ssettm $0x7FFFFFFF  }
tec
execute0_lowered:
.L_overlay_start_1:
0x0: {  	(tag) =	ssettag $0x1  }
0x1: {  	s0 =	rddreg [dreg:$0x0]  }
0x2: {  	s1 =	srdreg.scid;
	s3 =	stileid.u32  }
0x3: {  	s2 =	simm.s32 $0x0;
	s12 =	simm.s32 $0x3;
	s13 =	simm.s32 $0xC400  }
0x4: {  	s14 =	simm.s32 $0xE400;
	s15 =	simm.s32 $0x10400;
	s16 =	simm.s32 $0x10480  }
0x5: {  	s10 =	simm.s32 $0x16C80;
	s11 =	simm.s32 $0x17080;
	s9 =	simm.s32 $0x17C80  }
0x6: {  	s17 =	simm.s32 $0x18480;
	s18 =	simm.s32 $0x18880;
	s19 =	simm.s32 $0x19080  }
0x7: {  	s20 =	simm.s32 $0x1;
	s22 =	simm.s32 $0x0;
	s1 =	sand.u32 $0x1, s1  }
0x8: {  	s3 =	sshll.u32 s3, $0x4;
	[smem:$0x7FF] =	sst s2;
	s4 =	sshll.u32 s1, $0x3  }
0x9: {  	s6 =	sadd.s32 $0x570800, s0;
	s1 =	ssub.s32 $0x2, s1;
	s3 =	sor.u32 s4, s3  }
.Ltmp0:
0xa: {  	s7 =	sshrl.u32 s1, $0x1;
	s5 =	sshrl.u32 s3, $0x3;
	(pc) =	sbr.rel .LBB2_1-.Ltmp0, $4  }
0xb: {  	_ =	strace $0x80000047;
	s1 =	ssub.s32 s1, s7;
	s8 =	smul.u32 $0xC400, s5  }
0xc: {  	s4 =	sadd.s32 $0x3E8800, s0;
	s7 =	simm.s32 $0x17880;
	s31 =	smax.u32 s1, $0x1  }
0xd: {  	v0 =	vimm.s32 $0x0;
	v1 =	vlaneseq.u32;
	s5 =	sadd.s32 $0x19C800, s0;
	[dreg:$0x3] =	wrdreg s31;
	s30 =	sadd.s32 s4, s8  }
0xe: {  	v2 =	vimm.s32 $0x7FFFFFFF;
	vm0 =	vmmov $0xffff;
	vm1 =	vmmov $0xff;
	s1 =	simm.s32 $0x16480;
	s8 =	sadd.s32 $0x19C900, s0;
	[dreg:$0x2] =	wrdreg s30  }
.LBB2_34:
0xf: {  	s21 =	simm.s32 $0x2  }
0x10: {  	_ =	swait.ge [sflag:s21], $0x9000  }
0x11: {  	s22 =	rddreg [dreg:$0x4]  }
0x12: {  	s0 =	rddreg [dreg:$0x3];
	s22 =	sadd.s32 $0x1, s22  }
0x13: {  	p0 =	sne.s32 s22, s0  }
.Ltmp1:
0x14: {  	_ = 	snop;
	(pc) =	sbr.rel @!p0 .LBB2_35-.Ltmp1, $3  }
0x15: {  	_ =	sdelay $0x1  }
0x16: {  	[sflag:s21] =	ssyncset.done $0x0  }
0x17: {  	[sflag:s21] =	ssyncadd.s32 $0xFFFF7000  }
.LBB2_1:
.Ltmp2:
0x18: {  	(pc) =	sbr.rel .LBB2_2-.Ltmp2, $4  }
0x19: {  	_ = 	snop  }
0x1a: {  	s0 =	rddreg [dreg:$0x2];
	s21 =	simm.s32 $0x80;
	s31 =	simm.s32 $0x400  }
0x1b: {  	[tilespmem:s2], [sflag:$0x3] =	stream.strided.gather [hbm4b:s0+s21], $0xC400, s31, s21, $0x38;
	[tilespmem:$0x19480] =	vst v63  }
0x1c: {  	[dreg:$0x4] =	wrdreg s22;
	s21 =	simm.s32 $0x0  }
.LBB2_32:
0x1d: {  	vm2 =	veq.s32 v8, v3;
	vm3 =	vlt.s32 v4, v6  }
0x1e: {  	vm4 =	vlt.s32 v8, v3;
	vm2 =	vmand vm2, vm3  }
0x1f: {  	vm2 =	vmor vm4, vm2  }
0x20: {  	v3 =	vsel vm2, $0x1, v0  }
0x21: {  	(xrf0) =	vadd.scan.msk.s32 $0xffff, v3;
	_ =	sdelay $0x4  }
0x22: {  	v3 =	vsel vm2, $0xFFFFFFFF, v0  }
0x23: {  	v3 =	vadd.s32 v3, v5;
	v63, _, _ =	vpop (xrf0)  }
0x24: {  	v3 =	vadd.s32 v63, v3  }
0x25: {  	vm3 =	vlt.s32 v3, $0x5F  }
0x26: {  	v3 =	vnsel vm3, $0x5F, v3;
	_ =	sdelay $0x4  }
0x27: {  	[tilespmem:v3+s15+$0x0] =	vst.idx.msk vm2, v4  }
.LBB2_33:
0x28: {  	p0 =	seq.s32 s21, $0x0  }
0x29: {  	s0 =	simm.s32 @!p0 $0x2  }
0x2a: {  	_ =	swait.ge @!p0 [sflag:s0], $0x9000  }
0x2b: {  	[sflag:s0] =	ssyncset.done @!p0 $0x0  }
0x2c: {  	[sflag:s0] =	ssyncadd.s32 @!p0 $0xFFFF7000  }
0x2d: {  	v3 =	vld [tilespmem:$0x10400];
	_ =	sdelay $0x4  }
0x2e: {  	v4 =	vshrl.u32 v3, $0x3  }
0x2f: {  	v4 =	vmul.u32 $0x18, v4  }
0x30: {  	v3 =	vand.u32 $0x7, v3  }
0x31: {  	v58 =	vand.u32 $0x7, v1;
	v5 =	vshrl.u32 v1, $0x3;
	v3 =	vor.u32 v3, v4  }
0x32: {  	v5 =	vmul.u32 $0x8, v5;
	v6 =	vperm.xlane v3, v58;
	_ =	sdelay $0x1  }
0x33: {  	v6 =	vadd.s32 v5, v6  }
0x34: {  	v7 =	vor.u32 $0x8, v1  }
0x35: {  	v3 =	vperm.xlane v3, v7;
	_ =	sdelay $0x1  }
0x36: {  	v3 =	vadd.s32 v5, v3  }
0x37: {  	[tilespmem:s16], [sflag:$0x1] =	stream.indirect_vreg.gather [hbm4b:s5+s2], $0x80, v6, vm0, $0xb8;
	[tilespmem:$0x19480] =	vst v63  }
0x38: {  	s23 =	simm.s32 $0x10C80  }
0x39: {  	[tilespmem:s23], [sflag:$0x1] =	stream.indirect_vreg.gather [hbm4b:s8+s2], $0x80, v6, vm1, $0xb8;
	[tilespmem:$0x19480] =	vst v63  }
0x3a: {  	s24 =	simm.s32 $0x11080  }
0x3b: {  	[tilespmem:s24], [sflag:$0x1] =	stream.indirect_vreg.gather [hbm4b:s5+s2], $0x80, v3, vm0, $0xb8;
	[tilespmem:$0x19480] =	vst v63  }
0x3c: {  	s25 =	simm.s32 $0x11880  }
0x3d: {  	[tilespmem:s25], [sflag:$0x1] =	stream.indirect_vreg.gather [hbm4b:s8+s2], $0x80, v3, vm1, $0xb8;
	[tilespmem:$0x19480] =	vst v63  }
0x3e: {  	v3 =	vld [tilespmem:$0x10410];
	_ =	sdelay $0x4  }
0x3f: {  	v59 =	vshrl.u32 v3, $0x3  }
0x40: {  	v6 =	vmul.u32 $0x18, v59  }
0x41: {  	v3 =	vand.u32 $0x7, v3  }
0x42: {  	v3 =	vor.u32 v3, v6  }
0x43: {  	v6 =	vperm.xlane v3, v58;
	_ =	sdelay $0x1  }
0x44: {  	v6 =	vadd.s32 v5, v6;
	_ =	sdelay $0x1  }
0x45: {  	v3 =	vperm.xlane v3, v7;
	_ =	sdelay $0x1  }
0x46: {  	s26 =	simm.s32 $0x11C80;
	v3 =	vadd.s32 v5, v3  }
0x47: {  	[tilespmem:s26], [sflag:$0x1] =	stream.indirect_vreg.gather [hbm4b:s5+s2], $0x80, v6, vm0, $0xb8;
	[tilespmem:$0x19480] =	vst v63  }
0x48: {  	s28 =	simm.s32 $0x12480  }
0x49: {  	[tilespmem:s28], [sflag:$0x1] =	stream.indirect_vreg.gather [hbm4b:s8+s2], $0x80, v6, vm1, $0xb8;
	[tilespmem:$0x19480] =	vst v63  }
0x4a: {  	s29 =	simm.s32 $0x12880  }
0x4b: {  	[tilespmem:s29], [sflag:$0x1] =	stream.indirect_vreg.gather [hbm4b:s5+s2], $0x80, v3, vm0, $0xb8;
	[tilespmem:$0x19480] =	vst v63  }
0x4c: {  	s30 =	simm.s32 $0x13080  }
0x4d: {  	[tilespmem:s30], [sflag:$0x1] =	stream.indirect_vreg.gather [hbm4b:s8+s2], $0x80, v3, vm1, $0xb8;
	[tilespmem:$0x19480] =	vst v63  }
0x4e: {  	v3 =	vld [tilespmem:$0x10420];
	_ =	sdelay $0x4  }
0x4f: {  	v60 =	vshrl.u32 v3, $0x3  }
0x50: {  	v6 =	vmul.u32 $0x18, v60  }
0x51: {  	v3 =	vand.u32 $0x7, v3  }
0x52: {  	v3 =	vor.u32 v3, v6  }
0x53: {  	v6 =	vperm.xlane v3, v58;
	_ =	sdelay $0x1  }
0x54: {  	v6 =	vadd.s32 v5, v6;
	_ =	sdelay $0x1  }
0x55: {  	v3 =	vperm.xlane v3, v7;
	_ =	sdelay $0x1  }
0x56: {  	s31 =	simm.s32 $0x13480;
	v3 =	vadd.s32 v5, v3  }
0x57: {  	[tilespmem:s31], [sflag:$0x1] =	stream.indirect_vreg.gather [hbm4b:s5+s2], $0x80, v6, vm0, $0xb8;
	[tilespmem:$0x19480] =	vst v63  }
0x58: {  	s23 =	simm.s32 $0x13C80  }
0x59: {  	[tilespmem:s23], [sflag:$0x1] =	stream.indirect_vreg.gather [hbm4b:s8+s2], $0x80, v6, vm1, $0xb8;
	[tilespmem:$0x19480] =	vst v63  }
0x5a: {  	s24 =	simm.s32 $0x14080  }
0x5b: {  	[tilespmem:s24], [sflag:$0x1] =	stream.indirect_vreg.gather [hbm4b:s5+s2], $0x80, v3, vm0, $0xb8;
	[tilespmem:$0x19480] =	vst v63  }
0x5c: {  	s25 =	simm.s32 $0x14880  }
0x5d: {  	[tilespmem:s25], [sflag:$0x1] =	stream.indirect_vreg.gather [hbm4b:s8+s2], $0x80, v3, vm1, $0xb8;
	[tilespmem:$0x19480] =	vst v63  }
0x5e: {  	v3 =	vld [tilespmem:$0x10430];
	_ =	sdelay $0x4  }
0x5f: {  	v61 =	vshrl.u32 v3, $0x3  }
0x60: {  	v6 =	vmul.u32 $0x18, v61  }
0x61: {  	v3 =	vand.u32 $0x7, v3  }
0x62: {  	v3 =	vor.u32 v3, v6  }
0x63: {  	v6 =	vperm.xlane v3, v58;
	_ =	sdelay $0x1  }
0x64: {  	v6 =	vadd.s32 v5, v6;
	_ =	sdelay $0x1  }
0x65: {  	v3 =	vperm.xlane v3, v7;
	_ =	sdelay $0x1  }
0x66: {  	s26 =	simm.s32 $0x14C80;
	v3 =	vadd.s32 v5, v3  }
0x67: {  	[tilespmem:s26], [sflag:$0x1] =	stream.indirect_vreg.gather [hbm4b:s5+s2], $0x80, v6, vm0, $0xb8;
	[tilespmem:$0x19480] =	vst v63  }
0x68: {  	s28 =	simm.s32 $0x15480  }
0x69: {  	[tilespmem:s28], [sflag:$0x1] =	stream.indirect_vreg.gather [hbm4b:s8+s2], $0x80, v6, vm1, $0xb8;
	[tilespmem:$0x19480] =	vst v63  }
0x6a: {  	s29 =	simm.s32 $0x15880  }
0x6b: {  	[tilespmem:s29], [sflag:$0x1] =	stream.indirect_vreg.gather [hbm4b:s5+s2], $0x80, v3, vm0, $0xb8;
	[tilespmem:$0x19480] =	vst v63  }
0x6c: {  	s30 =	simm.s32 $0x16080  }
0x6d: {  	[tilespmem:s30], [sflag:$0x1] =	stream.indirect_vreg.gather [hbm4b:s8+s2], $0x80, v3, vm1, $0xb8;
	[tilespmem:$0x19480] =	vst v63  }
0x6e: {  	v3 =	vld [tilespmem:$0x10440];
	_ =	sdelay $0x4  }
0x6f: {  	v62 =	vshrl.u32 v3, $0x3  }
0x70: {  	v6 =	vmul.u32 $0x18, v62  }
0x71: {  	v3 =	vand.u32 $0x7, v3  }
0x72: {  	v3 =	vor.u32 v3, v6  }
0x73: {  	v6 =	vperm.xlane v3, v58;
	_ =	sdelay $0x1  }
0x74: {  	v6 =	vadd.s32 v5, v6;
	_ =	sdelay $0x1  }
0x75: {  	v3 =	vperm.xlane v3, v7;
	_ =	sdelay $0x1  }
0x76: {  	v3 =	vadd.s32 v5, v3  }
0x77: {  	[tilespmem:s1], [sflag:$0x1] =	stream.indirect_vreg.gather [hbm4b:s5+s2], $0x80, v6, vm0, $0xb8;
	[tilespmem:$0x19480] =	vst v63  }
0x78: {  	_ = 	snop  }
0x79: {  	[tilespmem:s10], [sflag:$0x1] =	stream.indirect_vreg.gather [hbm4b:s8+s2], $0x80, v6, vm1, $0xb8;
	[tilespmem:$0x19480] =	vst v63  }
0x7a: {  	_ = 	snop  }
0x7b: {  	[tilespmem:s11], [sflag:$0x1] =	stream.indirect_vreg.gather [hbm4b:s5+s2], $0x80, v3, vm0, $0xb8;
	[tilespmem:$0x19480] =	vst v63  }
0x7c: {  	_ = 	snop  }
0x7d: {  	[tilespmem:s7], [sflag:$0x1] =	stream.indirect_vreg.gather [hbm4b:s8+s2], $0x80, v3, vm1, $0xb8;
	[tilespmem:$0x19480] =	vst v63  }
0x7e: {  	v3 =	vld [tilespmem:$0x10450];
	_ =	sdelay $0x4  }
0x7f: {  	v63 =	vshrl.u32 v3, $0x3  }
0x80: {  	v6 =	vmul.u32 $0x18, v63  }
0x81: {  	v3 =	vand.u32 $0x7, v3  }
0x82: {  	v3 =	vor.u32 v3, v6  }
0x83: {  	v4 =	vperm.xlane v3, v58;
	_ =	sdelay $0x1  }
0x84: {  	v4 =	vadd.s32 v5, v4;
	_ =	sdelay $0x1  }
0x85: {  	v3 =	vperm.xlane v3, v7;
	_ =	sdelay $0x1  }
0x86: {  	v3 =	vadd.s32 v5, v3  }
0x87: {  	[tilespmem:s9], [sflag:$0x1] =	stream.indirect_vreg.gather [hbm4b:s5+s2], $0x80, v4, vm0, $0xb8;
	[tilespmem:$0x19480] =	vst v63  }
0x88: {  	_ = 	snop  }
0x89: {  	[tilespmem:s17], [sflag:$0x1] =	stream.indirect_vreg.gather [hbm4b:s8+s2], $0x80, v4, vm1, $0xb8;
	[tilespmem:$0x19480] =	vst v63  }
0x8a: {  	s21 =	sadd.s32 $0x1, s21  }
0x8b: {  	[tilespmem:s18], [sflag:$0x1] =	stream.indirect_vreg.gather [hbm4b:s5+s2], $0x80, v3, vm0, $0xb8;
	[tilespmem:$0x19480] =	vst v63  }
0x8c: {  	p0 =	sne.s32 s21, $0x8  }
0x8d: {  	[tilespmem:s19], [sflag:$0x1] =	stream.indirect_vreg.gather [hbm4b:s8+s2], $0x80, v3, vm1, $0xb8;
	[tilespmem:$0x19480] =	vst v63  }
.Ltmp3:
0x8e: {  	_ = 	snop;
	(pc) =	sbr.rel @!p0 .LBB2_34-.Ltmp3, $4  }
0x8f: {  	s31 =	smul.u32 $0x1200, s22;
	_ =	swait.ge [sflag:s20], $0x9000  }
0x90: {  	[sflag:s20] =	ssyncset.done $0x0  }
0x91: {  	s0 =	sadd.s32 s6, s31;
	[sflag:s20] =	ssyncadd.s32 $0xFFFF7000  }
0x92: {  	[hbm4b:s0+s2] =	stream.linear.scatter [tilespmem:s16], [sflag:$0x2], $0x9000, $0x38;
	[tilespmem:$0x19480] =	vst v63  }
.LBB2_2:
0x93: {  	_ =	swait.ge [sflag:s12], $0xC400  }
0x94: {  	[sflag:s12] =	ssyncset.done $0x0  }
0x95: {  	s0 =	simm.s32 $0x0;
	[sflag:s12] =	ssyncadd.s32 $0xFFFF3C00  }
0x96: {  	v5 =	vld [tilespmem:s0+$0x0]  }
0x97: {  	v6 =	vld [tilespmem:s0+$0x10]  }
0x98: {  	v8 =	vld [tilespmem:s0+$0x20]  }
0x99: {  	v16 =	vld [tilespmem:s0+$0x30]  }
0x9a: {  	v10 =	vld [tilespmem:s0+$0x40]  }
0x9b: {  	s22 =	simm.s32 $0x60;
	v7 =	vld [tilespmem:s0+$0x50]  }
0x9c: {  	v3 =	vimm.s32 $0x7FFFFFFF;
	v11 =	vld [tilespmem:s22+$0x0]  }
0x9d: {  	v9 =	vimm.s32 $0x7FFFFFFF;
	v12 =	vld [tilespmem:s22+$0x10];
	vm2 =	vlt.s32 v3, v5  }
0x9e: {  	v4 =	vld [tilespmem:s22+$0x20];
	vm3 =	vlt.s32 v3, v6;
	vm4 =	vlt.s32 v3, v8;
	v14 =	vsel vm2, v3, v5  }
0x9f: {  	v15 =	vsel vm3, v3, v6;
	v5 =	vld [tilespmem:s22+$0x30];
	v13 =	vsel vm4, v3, v8;
	vm4 =	vlt.s32 v3, v16  }
0xa0: {  	s23 =	simm.s32 $0x300;
	vm3 =	vlt.s32 v3, v10;
	v8 =	vld [tilespmem:s22+$0x40];
	vm2 =	vlt.s32 v3, v7;
	v6 =	vimm.s32 $0x7FFFFFFF  }
.LBB2_3:
0xa1: {  	v3 =	vsel vm4, v3, v16;
	v6 =	vsel vm3, v6, v10;
	v9 =	vsel vm2, v9, v7;
	v7 =	vld [tilespmem:s22+$0x50];
	s22 =	sshra.s32 s23, $0x2;
	v10 =	vmovc v11;
	p0 =	sne.s32 s23, $0x30D80  }
.Ltmp4:
0xa2: {  	v11 =	vld [tilespmem:s22+$0x0];
	v17 =	vmov v12;
	(pc) =	sbr.rel @p0 .LBB2_3-.Ltmp4, $4  }
0xa3: {  	v12 =	vld [tilespmem:s22+$0x10];
	v18 =	vmov v4  }
0xa4: {  	vm2 =	vlt.s32 v14, v10;
	vm3 =	vlt.s32 v15, v17;
	v4 =	vld [tilespmem:s22+$0x20];
	vm4 =	vlt.s32 v13, v18;
	v16 =	vmovc v5  }
0xa5: {  	v14 =	vsel vm2, v14, v10;
	v15 =	vsel vm3, v15, v17;
	v5 =	vld [tilespmem:s22+$0x30];
	v13 =	vsel vm4, v13, v18;
	v10 =	vmovc v8  }
0xa6: {  	s23 =	sadd.s32 $0x180, s23;
	vm4 =	vlt.s32 v3, v16;
	v8 =	vld [tilespmem:s22+$0x40];
	vm3 =	vlt.s32 v6, v10;
	vm2 =	vlt.s32 v9, v7  }
0xa7: {  	v17 =	vld [tilespmem:$0xC3C0]  }
0xa8: {  	v18 =	vld [tilespmem:$0xC3D0];
	_ =	sdelay $0x1  }
0xa9: {  	v19 =	vld [tilespmem:$0xC3E0]  }
0xaa: {  	vm5 =	vlt.s32 v14, v11;
	vm6 =	vlt.s32 v15, v12  }
0xab: {  	v16 =	vsel vm4, v3, v16;
	v3 =	vsel vm5, v14, v11;
	v11 =	vsel vm6, v15, v12;
	v12 =	vld [tilespmem:$0xC3F0]  }
0xac: {  	vm10 =	vlt.s32 v13, v4;
	vm5 =	vlt.s32 v3, v17;
	vm6 =	vlt.s32 v11, v18  }
0xad: {  	v13 =	vsel vm10, v13, v4;
	v3 =	vsel vm5, v3, v17;
	v4 =	vsel vm6, v11, v18  }
0xae: {  	vm11 =	vlt.s32 v16, v5;
	vm12 =	vlt.s32 v13, v19;
	vm6 =	vgt.s32 v3, v4  }
0xaf: {  	v14 =	vsel vm11, v16, v5;
	v11 =	vld [tilespmem:s22+$0x50];
	v5 =	vsel vm12, v13, v19;
	v13 =	vsel vm6, v3, v4  }
0xb0: {  	vm4 =	vlt.s32 v14, v12;
	vm5 =	vgt.s32 v13, v5  }
0xb1: {  	v10 =	vsel vm3, v6, v10;
	v6 =	vsel vm4, v14, v12;
	v12 =	vsel vm5, v13, v5  }
0xb2: {  	vm3 =	vlt.s32 v10, v8;
	vm4 =	vgt.s32 v12, v6  }
0xb3: {  	v9 =	vsel vm2, v9, v7;
	v7 =	vsel vm3, v10, v8;
	v10 =	vsel vm4, v12, v6  }
0xb4: {  	vm2 =	vlt.s32 v9, v11;
	vm3 =	vgt.s32 v10, v7  }
0xb5: {  	v8 =	vsel vm2, v9, v11;
	v9 =	vsel vm3, v10, v7  }
0xb6: {  	vm2 =	vgt.s32 v9, v8  }
0xb7: {  	v9 =	vsel vm2, v9, v8  }
0xb8: {  	(v2sf) =	vpush v9, $0x0  }
0xb9: {  	(v2sf) =	vpush v9, $0x1;
	_ =	sdelay $0x1  }
0xba: {  	(v2sf) =	vpush v9, $0x2;
	_ =	sdelay $0x1  }
0xbb: {  	(v2sf) =	vpush v9, $0x3;
	_ =	sdelay $0x1  }
0xbc: {  	(v2sf) =	vpush v9, $0x4;
	_ =	sdelay $0x1  }
0xbd: {  	(v2sf) =	vpush v9, $0x5;
	_ =	sdelay $0x1  }
0xbe: {  	(v2sf) =	vpush v9, $0x6;
	_ =	sdelay $0x1  }
0xbf: {  	(v2sf) =	vpush v9, $0x7;
	_ =	sdelay $0x1  }
0xc0: {  	s0 =	spop (v2sf);
	(v2sf) =	vpush v9, $0x8  }
0xc1: {  	s22 =	spop (v2sf)  }
0xc2: {  	(v2sf) =	vpush v9, $0x9;
	p0 =	sgt.s32 s0, s22  }
0xc3: {  	s22 =	smov.u32 @p0 s0;
	s0 =	spop (v2sf)  }
0xc4: {  	(v2sf) =	vpush v9, $0xA;
	p0 =	sgt.s32 s22, s0  }
0xc5: {  	s0 =	smov.u32 @p0 s22;
	s22 =	spop (v2sf)  }
0xc6: {  	(v2sf) =	vpush v9, $0xB;
	p0 =	sgt.s32 s0, s22  }
0xc7: {  	s22 =	smov.u32 @p0 s0;
	s0 =	spop (v2sf)  }
0xc8: {  	(v2sf) =	vpush v9, $0xC;
	p0 =	sgt.s32 s22, s0  }
0xc9: {  	s0 =	smov.u32 @p0 s22;
	s22 =	spop (v2sf)  }
0xca: {  	(v2sf) =	vpush v9, $0xD;
	p0 =	sgt.s32 s0, s22  }
0xcb: {  	s22 =	smov.u32 @p0 s0;
	s0 =	spop (v2sf)  }
0xcc: {  	(v2sf) =	vpush v9, $0xE;
	p0 =	sgt.s32 s22, s0  }
0xcd: {  	s0 =	smov.u32 @p0 s22;
	s22 =	spop (v2sf)  }
0xce: {  	(v2sf) =	vpush v9, $0xF;
	p0 =	sgt.s32 s0, s22  }
0xcf: {  	s23 =	spop (v2sf);
	s22 =	smov.u32 @p0 s0  }
0xd0: {  	p0 =	sgt.s32 s22, s23  }
0xd1: {  	s0 =	spop (v2sf);
	s23 =	smov.u32 @p0 s22  }
0xd2: {  	p0 =	sgt.s32 s23, s0  }
0xd3: {  	s22 =	spop (v2sf);
	s0 =	smov.u32 @p0 s23  }
0xd4: {  	p0 =	sgt.s32 s0, s22  }
0xd5: {  	s23 =	spop (v2sf);
	s22 =	smov.u32 @p0 s0  }
0xd6: {  	p0 =	sgt.s32 s22, s23  }
0xd7: {  	s0 =	spop (v2sf);
	s23 =	smov.u32 @p0 s22  }
0xd8: {  	p0 =	sgt.s32 s23, s0  }
0xd9: {  	s24 =	spop (v2sf);
	s0 =	smov.u32 @p0 s23  }
0xda: {  	p0 =	sgt.s32 s0, s24  }
0xdb: {  	s22 =	simm.s32 $0x20;
	s25 =	spop (v2sf);
	s24 =	smov.u32 @p0 s0  }
0xdc: {  	v10 =	vld [tilespmem:s22+$0xFFFFFFE0];
	p0 =	sgt.s32 s24, s25  }
0xdd: {  	s23 =	spop (v2sf);
	s25 =	smov.u32 @p0 s24  }
0xde: {  	v12 =	vld [tilespmem:s22+$0xFFFFFFF0];
	p0 =	sgt.s32 s25, s23  }
0xdf: {  	s23 =	smov.u32 @p0 s25  }
0xe0: {  	v13 =	vld [tilespmem:s22+$0x0];
	v9 =	vmov s23  }
0xe1: {  	vm13 =	vle.s32 v10, v9  }
0xe2: {  	v14 =	vld [tilespmem:s22+$0x10];
	v11 =	vsel vm13, $0x1, v0  }
0xe3: {  	vm14 =	vle.s32 v12, v9;
	(xrf0) =	vadd.scan.msk.s32 $0xffff, v11  }
0xe4: {  	v11 =	vsel vm14, $0x1, v0  }
0xe5: {  	vm3 =	vle.s32 v13, v9;
	(xrf0) =	vadd.scan.msk.s32 $0xffff, v11  }
0xe6: {  	v15 =	vsel vm3, $0x1, v0;
	v11 =	vimm.s32 $0x0  }
0xe7: {  	vm2 =	vle.s32 v14, v9;
	vm15 =	vlt.s32 v11, $0x1FBF;
	(xrf0) =	vadd.scan.msk.s32 $0xffff, v15  }
0xe8: {  	v15 =	vsel vm2, $0x1, v0;
	v11 =	vnsel vm15, $0x1FBF, v11  }
0xe9: {  	v58 =	vmpcnt.ones.xlane vm13;
	v11 =	vadd.s32 $0xFFFFFFFF, v11;
	v59, _, _ =	vpop (xrf0);
	(xrf0) =	vadd.scan.msk.s32 $0xffff, v15  }
0xea: {  	v60 =	vmpcnt.ones.xlane vm14;
	v15 =	vadd.s32 v11, v59  }
0xeb: {  	v11 =	vadd.s32 v11, v58;
	v61, _, _ =	vpop (xrf0)  }
0xec: {  	v17 =	vadd.s32 v61, v11;
	v11 =	vadd.s32 v11, v60  }
0xed: {  	v62 =	vmpcnt.ones.xlane vm3;
	v63, _, _ =	vpop (xrf0)  }
0xee: {  	s28 =	simm.s32 $0x0;
	v16 =	vadd.s32 v63, v11  }
0xef: {  	v18 =	vadd.s32 v11, v62;
	[tilespmem:v15+s13+$0x0] =	vst.idx.msk vm13, v10;
	v10 =	vor.u32 s28, v1;
	v11, _, _ =	vpop (xrf0)  }
0xf0: {  	s29 =	simm.s32 $0x10;
	[tilespmem:v15+s14+$0x0] =	vst.idx.msk vm13, v10;
	v11 =	vadd.s32 v11, v18  }
0xf1: {  	v10 =	vor.u32 s29, v1;
	[tilespmem:v17+s13+$0x0] =	vst.idx.msk vm14, v12  }
0xf2: {  	s30 =	simm.s32 $0x20;
	v12 =	vmpcnt.ones.xlane vm2;
	[tilespmem:v17+s14+$0x0] =	vst.idx.msk vm14, v10  }
0xf3: {  	v10 =	vor.u32 s30, v1;
	[tilespmem:v16+s13+$0x0] =	vst.idx.msk vm3, v13  }
0xf4: {  	s31 =	simm.s32 $0x30;
	v12 =	vadd.s32 v12, v18;
	[tilespmem:v16+s14+$0x0] =	vst.idx.msk vm3, v10  }
0xf5: {  	s24 =	simm.s32 $0x70;
	v10 =	vadd.s32 $0x1, v12;
	v12 =	vor.u32 s31, v1;
	[tilespmem:v11+s13+$0x0] =	vst.idx.msk vm2, v14  }
.LBB2_5:
0xf6: {  	p0 =	sne.s32 s24, $0xC3F0  }
0xf7: {  	[tilespmem:v11+s14+$0x0] =	vst.idx.msk vm2, v12;
	s22 =	sadd.s32 $0x40, s22;
	s25 =	smov.u32 s24;
	s24 =	sadd.s32 $0x40, s24  }
0xf8: {  	v11 =	vld [tilespmem:s22+$0xFFFFFFE0];
	_ =	sdelay $0x1  }
0xf9: {  	v12 =	vld [tilespmem:s22+$0xFFFFFFF0];
	_ =	sdelay $0x1  }
0xfa: {  	v13 =	vld [tilespmem:s22+$0x0]  }
0xfb: {  	vm5 =	vle.s32 v11, v9  }
0xfc: {  	v14 =	vld [tilespmem:s22+$0x10];
	v15 =	vsel vm5, $0x1, v0;
	v16 =	vmpcnt.ones.xlane vm5  }
0xfd: {  	vm3 =	vle.s32 v12, v9;
	(xrf0) =	vadd.scan.msk.s32 $0xffff, v15  }
0xfe: {  	v15 =	vsel vm3, $0x1, v0  }
0xff: {  	vm4 =	vle.s32 v13, v9;
	(xrf0) =	vadd.scan.msk.s32 $0xffff, v15  }
0x100: {  	v15 =	vsel vm4, $0x1, v0  }
0x101: {  	vm6 =	vlt.s32 v10, $0x1FBF;
	vm2 =	vle.s32 v14, v9;
	(xrf0) =	vadd.scan.msk.s32 $0xffff, v15  }
0x102: {  	v10 =	vnsel vm6, $0x1FBF, v10;
	v15 =	vsel vm2, $0x1, v0  }
0x103: {  	v10 =	vadd.s32 $0xFFFFFFFF, v10;
	v17, _, _ =	vpop (xrf0);
	(xrf0) =	vadd.scan.msk.s32 $0xffff, v15  }
0x104: {  	v15 =	vadd.s32 v10, v17  }
0x105: {  	v10 =	vadd.s32 v10, v16;
	v16 =	vmpcnt.ones.xlane vm3;
	v17, _, _ =	vpop (xrf0)  }
0x106: {  	v20 =	vmpcnt.ones.xlane vm4;
	v17 =	vadd.s32 v17, v10  }
0x107: {  	v10 =	vadd.s32 v10, v16;
	v16 =	vmpcnt.ones.xlane vm2;
	v19, _, _ =	vpop (xrf0)  }
0x108: {  	s0 =	sadd.s32 $0xFFFFFFD0, s25;
	v19 =	vadd.s32 v19, v10;
	v10 =	vadd.s32 v10, v20  }
0x109: {  	[tilespmem:v15+s13+$0x0] =	vst.idx.msk vm5, v11;
	v11 =	vor.u32 s0, v1;
	v16 =	vadd.s32 v16, v10;
	v18, _, _ =	vpop (xrf0)  }
0x10a: {  	s0 =	sadd.s32 $0xFFFFFFE0, s25;
	[tilespmem:v15+s14+$0x0] =	vst.idx.msk vm5, v11;
	v11 =	vadd.s32 v18, v10;
	v10 =	vadd.s32 $0x1, v16  }
.Ltmp5:
0x10b: {  	[tilespmem:v17+s13+$0x0] =	vst.idx.msk vm3, v12;
	v12 =	vor.u32 s0, v1;
	(pc) =	sbr.rel @p0 .LBB2_5-.Ltmp5, $4  }
0x10c: {  	s0 =	sadd.s32 $0xFFFFFFF0, s25;
	[tilespmem:v17+s14+$0x0] =	vst.idx.msk vm3, v12  }
0x10d: {  	v12 =	vor.u32 s0, v1;
	[tilespmem:v19+s13+$0x0] =	vst.idx.msk vm4, v13  }
0x10e: {  	[tilespmem:v19+s14+$0x0] =	vst.idx.msk vm4, v12  }
0x10f: {  	v12 =	vor.u32 s25, v1;
	[tilespmem:v11+s13+$0x0] =	vst.idx.msk vm2, v14  }
0x110: {  	vm3 =	vlt.s32 v3, v4  }
0x111: {  	v3 =	vsel vm3, v3, v4  }
0x112: {  	vm3 =	vlt.s32 v3, v5  }
0x113: {  	v3 =	vsel vm3, v3, v5  }
0x114: {  	vm3 =	vlt.s32 v3, v6  }
0x115: {  	v3 =	vsel vm3, v3, v6  }
0x116: {  	vm3 =	vlt.s32 v3, v7  }
0x117: {  	v3 =	vsel vm3, v3, v7  }
0x118: {  	vm3 =	vlt.s32 v3, v8  }
0x119: {  	v3 =	vsel vm3, v3, v8  }
0x11a: {  	(v2sf) =	vpush v3, $0x0  }
0x11b: {  	(v2sf) =	vpush v3, $0x1;
	_ =	sdelay $0x1  }
0x11c: {  	(v2sf) =	vpush v3, $0x2;
	_ =	sdelay $0x1  }
0x11d: {  	(v2sf) =	vpush v3, $0x3;
	_ =	sdelay $0x1  }
0x11e: {  	(v2sf) =	vpush v3, $0x4;
	_ =	sdelay $0x1  }
0x11f: {  	(v2sf) =	vpush v3, $0x5;
	_ =	sdelay $0x1  }
0x120: {  	(v2sf) =	vpush v3, $0x6;
	_ =	sdelay $0x1  }
0x121: {  	(v2sf) =	vpush v3, $0x7;
	_ =	sdelay $0x1  }
0x122: {  	(v2sf) =	vpush v3, $0x8;
	s0 =	spop (v2sf)  }
0x123: {  	(v2sf) =	vpush v3, $0x9;
	s22 =	spop (v2sf)  }
0x124: {  	p0 =	slt.s32 s0, s22  }
0x125: {  	(v2sf) =	vpush v3, $0xA;
	s22 =	smov.u32 @p0 s0;
	s0 =	spop (v2sf)  }
0x126: {  	(v2sf) =	vpush v3, $0xB;
	p0 =	slt.s32 s22, s0  }
0x127: {  	s24 =	spop (v2sf);
	(v2sf) =	vpush v3, $0xC;
	s0 =	smov.u32 @p0 s22  }
0x128: {  	(v2sf) =	vpush v3, $0xD;
	p0 =	slt.s32 s0, s24  }
0x129: {  	s24 =	smov.u32 @p0 s0;
	s0 =	spop (v2sf);
	(v2sf) =	vpush v3, $0xE  }
0x12a: {  	s22 =	sor.u32 s3, s21;
	p1 =	slt.s32 s24, s0;
	(v2sf) =	vpush v3, $0xF  }
0x12b: {  	p0 =	seq.s32 s21, $0x7;
	s0 =	smov.u32 @p1 s24;
	s24 =	spop (v2sf);
	(v2sf) =	vpush v10, $0x0  }
0x12c: {  	s25 =	sadd.s32 @!p0 $0x1, s22;
	s29 =	simm.s32 @!p0 $0x400;
	p1 =	slt.s32 s0, s24  }
0x12d: {  	s28 =	sshrl.u32 @!p0 s25, $0x3;
	s26 =	spop (v2sf);
	s24 =	smov.u32 @p1 s0  }
0x12e: {  	s25 =	sshll.u32 @!p0 s25, $0x7;
	s0 =	smul.u32 @!p0 $0x62000, s28;
	p1 =	slt.s32 s24, s26  }
0x12f: {  	s25 =	sand.u32 @!p0 $0x380, s25;
	s28 =	spop (v2sf);
	s26 =	smov.u32 @p1 s24  }
0x130: {  	s30 =	simm.s32 @!p0 $0x0;
	s0 =	sor.u32 @!p0 s25, s0;
	p1 =	slt.s32 s26, s28  }
0x131: {  	s24 =	spop (v2sf);
	s0 =	sshrl.u32 @!p0 s0, $0x3;
	s28 =	smov.u32 @p1 s26  }
0x132: {  	[tilespmem:v11+s14+$0x0] =	vst.idx.msk vm2, v12;
	s25 =	spop (v2sf);
	s0 =	sadd.s32 @!p0 s4, s0;
	s26 =	simm.s32 @!p0 $0x80  }
0x133: {  	[tilespmem:s30], [sflag:$0x3] =	stream.strided.gather @!p0 [hbm4b:s0+s26], $0xC400, s29, s26, $0x38;
	[tilespmem:$0x19480] =	vst v63  }
0x134: {  	s0 =	spop (v2sf);
	p0 =	slt.s32 s28, s24  }
0x135: {  	s24 =	smov.u32 @p0 s28;
	s29 =	spop (v2sf)  }
0x136: {  	p0 =	slt.s32 s24, s25;
	s28 =	spop (v2sf)  }
0x137: {  	s25 =	smov.u32 @p0 s24;
	s30 =	spop (v2sf)  }
0x138: {  	p0 =	slt.s32 s25, s0;
	s31 =	spop (v2sf)  }
0x139: {  	s0 =	smov.u32 @p0 s25;
	s26 =	spop (v2sf)  }
0x13a: {  	p0 =	slt.s32 s0, s29;
	s24 =	spop (v2sf)  }
0x13b: {  	s29 =	smov.u32 @p0 s0;
	p0 =	slt.s32 s24, $0x2000  }
0x13c: {  	s24 =	simm.s32 @!p0 $0x2000;
	p0 =	slt.s32 s29, s28  }
0x13d: {  	s28 =	smov.u32 @p0 s29  }
0x13e: {  	p0 =	slt.s32 s28, s30  }
0x13f: {  	s30 =	smov.u32 @p0 s28  }
0x140: {  	p0 =	slt.s32 s30, s31  }
0x141: {  	v3 =	vadd.s32 s24, v1;
	s29 =	sadd.s32 $0x10, s24;
	s31 =	smov.u32 @p0 s30  }
0x142: {  	v63 =	vadd.s32 s29, v1;
	vm2 =	vlt.s32 v3, $0x1FFF;
	vm3 =	vlt.s32 v3, $0x2000;
	p0 =	slt.s32 s31, s26  }
0x143: {  	v3 =	vnsel vm2, $0x1FFF, v3;
	vm2 =	vlt.s32 v63, $0x1FFF;
	vm4 =	vlt.s32 v63, $0x2000;
	s26 =	smov.u32 @p0 s31  }
0x144: {  	v4 =	vnsel vm2, $0x1FFF, v63;
	p0 =	sge.s32 s26, s23  }
.Ltmp6:
0x145: {  	_ = 	snop;
	(pc) =	sbr.rel @!p0 .LBB2_7-.Ltmp6, $3  }
0x146: {  	_ =	sdelay $0x1  }
0x147: {  	s31 =	sadd.s32 $0x1F, s24;
	[tilespmem:v3+s13+$0x0] =	vst.idx.msk vm3, v2  }
0x148: {  	s25 =	sshra.s32 s31, $0x5;
	[tilespmem:v4+s13+$0x0] =	vst.idx.msk vm4, v2  }
.LBB2_13:
0x149: {  	p0 =	slt.s32 s25, $0x1  }
.Ltmp7:
0x14a: {  	_ = 	snop;
	(pc) =	sbr.rel @p0 .LBB2_14-.Ltmp7, $1  }
0x14b: {  	_ =	sdelay $0x3  }
0x14c: {  	s26 =	simm.s32 $0xC410  }
0x14d: {  	p1 =	sne.s32 s25, $0x1;
	v6 =	vld [tilespmem:s26+$0xFFFFFFF0]  }
.Ltmp8:
0x14e: {  	v5 =	vld [tilespmem:s26+$0x0];
	(pc) =	sbr.rel @!p1 .LBB2_17-.Ltmp8, $4  }
0x14f: {  	_ = 	snop  }
0x150: {  	s0 =	sadd.s32 $0xFFFFFFFF, s23  }
0x151: {  	v3 =	vmov s0  }
0x152: {  	v4 =	vimm.s32 $0x0;
	s0 =	sadd.s32 $0xFFFFFFFF, s25;
	s26 =	simm.s32 $0xC430;
	vm2 =	vle.s32 v6, v3  }
.LBB2_16:
0x153: {  	v6 =	vld [tilespmem:s26+$0xFFFFFFF0];
	p1 =	sne.s32 s0, $0x1;
	s0 =	sadd.s32 $0xFFFFFFFF, s0;
	v7 =	vmpcnt.ones.xlane vm2;
	vm2 =	vle.s32 v5, v3  }
.Ltmp9:
0x154: {  	v5 =	vld [tilespmem:s26+$0x0];
	v8 =	vmpcnt.ones.xlane vm2;
	(pc) =	sbr.rel @p1 .LBB2_16-.Ltmp9, $3  }
0x155: {  	v4 =	vadd.s32 v4, v7  }
0x156: {  	v4 =	vadd.s32 v8, v4;
	_ =	sdelay $0x1  }
0x157: {  	s26 =	sadd.s32 $0x20, s26;
	vm2 =	vle.s32 v6, v3  }
.LBB2_17:
.Ltmp10:
0x158: {  	(pc) =	sbr.rel .LBB2_18-.Ltmp10, $4  }
0x159: {  	v6 =	vmpcnt.ones.xlane vm2;
	vm2 =	vle.s32 v5, v3  }
0x15a: {  	v3 =	vmpcnt.ones.xlane vm2  }
0x15b: {  	v4 =	vadd.s32 v4, v6  }
0x15c: {  	v3 =	vadd.s32 v3, v4  }
.LBB2_8:
0x15d: {  	v3 =	vimm.s32 $0x0  }
.LBB2_12:
0x15e: {  	(v2sf) =	vpush v3, $0x0;
	_ =	sdelay $0xe  }
0x15f: {  	s0 =	spop (v2sf)  }
0x160: {  	p0 =	sgt.s32 s0, $0x5F;
	s0 =	sadd.s32 $0x1, s28  }
0x161: {  	s0 =	smov.u32 @p0 s26;
	s23 =	smov.u32 @p0 s28  }
0x162: {  	p0 =	slt.s32 s0, s23  }
.Ltmp11:
0x163: {  	_ = 	snop;
	(pc) =	sbr.rel @!p0 .LBB2_13-.Ltmp11, $2  }
0x164: {  	_ =	sdelay $0x2  }
0x165: {  	s26 =	smov.u32 s0  }
.LBB2_7:
0x166: {  	p0 =	slt.s32 s25, $0x1  }
.Ltmp12:
0x167: {  	_ = 	snop;
	(pc) =	sbr.rel @p0 .LBB2_8-.Ltmp12, $4  }
0x168: {  	_ = 	snop  }
0x169: {  	s0 =	ssub.s32 s23, s26  }
0x16a: {  	s0 =	sshra.s32 s0, $0x1  }
0x16b: {  	s28 =	sadd.s32 s26, s0  }
0x16c: {  	s29 =	simm.s32 $0xC410  }
0x16d: {  	p0 =	sne.s32 s25, $0x1;
	v6 =	vld [tilespmem:s29+$0xFFFFFFF0]  }
.Ltmp13:
0x16e: {  	v5 =	vld [tilespmem:s29+$0x0];
	(pc) =	sbr.rel @!p0 .LBB2_11-.Ltmp13, $3  }
0x16f: {  	_ =	sdelay $0x1  }
0x170: {  	v3 =	vmov s28  }
0x171: {  	v4 =	vimm.s32 $0x0;
	s0 =	sadd.s32 $0xFFFFFFFF, s25;
	s29 =	simm.s32 $0xC430;
	vm2 =	vle.s32 v6, v3  }
.LBB2_10:
0x172: {  	v6 =	vld [tilespmem:s29+$0xFFFFFFF0];
	p0 =	sne.s32 s0, $0x1;
	s0 =	sadd.s32 $0xFFFFFFFF, s0;
	v7 =	vmpcnt.ones.xlane vm2;
	vm2 =	vle.s32 v5, v3  }
.Ltmp14:
0x173: {  	v5 =	vld [tilespmem:s29+$0x0];
	v8 =	vmpcnt.ones.xlane vm2;
	(pc) =	sbr.rel @p0 .LBB2_10-.Ltmp14, $3  }
0x174: {  	v4 =	vadd.s32 v4, v7  }
0x175: {  	v4 =	vadd.s32 v8, v4;
	_ =	sdelay $0x1  }
0x176: {  	s29 =	sadd.s32 $0x20, s29;
	vm2 =	vle.s32 v6, v3  }
.LBB2_11:
.Ltmp15:
0x177: {  	(pc) =	sbr.rel .LBB2_12-.Ltmp15, $4  }
0x178: {  	v6 =	vmpcnt.ones.xlane vm2;
	vm2 =	vle.s32 v5, v3  }
0x179: {  	v3 =	vmpcnt.ones.xlane vm2  }
0x17a: {  	v4 =	vadd.s32 v4, v6  }
0x17b: {  	v3 =	vadd.s32 v3, v4  }
.LBB2_14:
0x17c: {  	v3 =	vimm.s32 $0x0  }
.LBB2_18:
0x17d: {  	(v2sf) =	vpush v3, $0x0;
	_ =	sdelay $0xc  }
.Ltmp16:
0x17e: {  	_ = 	snop;
	(pc) =	sbr.rel .LBB2_19-.Ltmp16, $4  }
0x17f: {  	_ = 	snop  }
0x180: {  	s0 =	spop (v2sf)  }
0x181: {  	p1 =	seq.s32 s23, $0x80000000;
	s26 =	ssub.s32 $0x60, s0  }
0x182: {  	v3 =	vmov s23;
	s28 =	simm.s32 $0x0;
	s29 =	simm.s32 $0xC400;
	s26 =	simm.s32 @p1 $0x60  }
.LBB2_20:
0x183: {  	v4 =	vimm.s32 $0x0  }
.LBB2_28:
0x184: {  	(v2sf) =	vpush v4, $0x0;
	_ =	sdelay $0xe  }
0x185: {  	s0 =	spop (v2sf)  }
0x186: {  	p1 =	slt.s32 s0, s26;
	s0 =	sadd.s32 $0x1, s23  }
0x187: {  	s28 =	smov.u32 @p1 s0;
	s23 =	smov.u32 @p1 s29  }
0x188: {  	p1 =	slt.s32 s28, s23  }
.Ltmp17:
0x189: {  	_ = 	snop;
	(pc) =	sbr.rel @!p1 .LBB2_29-.Ltmp17, $2  }
0x18a: {  	_ =	sdelay $0x2  }
0x18b: {  	s29 =	smov.u32 s23  }
.LBB2_19:
.Ltmp18:
0x18c: {  	(pc) =	sbr.rel @p0 .LBB2_20-.Ltmp18, $4  }
0x18d: {  	_ = 	snop  }
0x18e: {  	s0 =	ssub.s32 s29, s28  }
0x18f: {  	s0 =	sshra.s32 s0, $0x1  }
0x190: {  	s23 =	sadd.s32 s28, s0  }
0x191: {  	p2 =	sne.s32 s25, $0x1  }
.Ltmp19:
0x192: {  	s0 =	simm.s32 $0xC410;
	(pc) =	sbr.rel @!p2 .LBB2_22-.Ltmp19, $4  }
0x193: {  	v10 =	vld [tilespmem:s0+$0x0]  }
0x194: {  	s30 =	simm.s32 $0xE410;
	v8 =	vld [tilespmem:s0+$0xFFFFFFF0]  }
0x195: {  	v7 =	vld [tilespmem:s30+$0xFFFFFFF0]  }
0x196: {  	v5 =	vmov s23;
	v4 =	vimm.s32 $0x0;
	p1 =	por $0x0, $0x0;
	s0 =	sadd.s32 $0xFFFFFFFF, s25;
	v6 =	vld [tilespmem:s30+$0x0];
	s30 =	simm.s32 $0xC430  }
0x197: {  	_ =	sdelay $0x1  }
0x198: {  	v9 =	vld [tilespmem:s30+$0x0];
	p2 =	sne.s32 s0, $0x1  }
.Ltmp20:
0x199: {  	vm2 =	veq.s32 v8, v3;
	v8 =	vld [tilespmem:s30+$0xFFFFFFF0];
	s30 =	simm.s32 $0xE430;
	vm3 =	vlt.s32 v7, v5;
	(pc) =	sbr.rel @!p2 .LBB2_24-.Ltmp20, $4  }
0x19a: {  	v7 =	vld [tilespmem:s30+$0xFFFFFFF0];
	vm2 =	vmand vm2, vm3;
	vm3 =	veq.s32 v10, v3;
	vm4 =	vlt.s32 v6, v5  }
0x19b: {  	v6 =	vld [tilespmem:s30+$0x0];
	v10 =	vmpcnt.ones.xlane vm2;
	vm2 =	vmand vm3, vm4  }
0x19c: {  	v11 =	vmpcnt.ones.xlane vm2  }
0x19d: {  	s31 =	sadd.s32 $0xFFFFFFFF, s0;
	s0 =	simm.s32 $0xC450;
	p1 =	por $0x1, $0x1;
	v12 =	vadd.s32 v4, v10  }
.LBB2_25:
0x19e: {  	v10 =	vld [tilespmem:s0+$0x0];
	v12 =	vadd.s32 v11, v12;
	p2 =	sne.s32 s31, $0x1  }
.Ltmp21:
0x19f: {  	vm2 =	veq.s32 v8, v3;
	s30 =	sadd.s32 $0x20, s30;
	v8 =	vld [tilespmem:s0+$0xFFFFFFF0];
	vm3 =	vlt.s32 v7, v5;
	(pc) =	sbr.rel @p2 .LBB2_25-.Ltmp21, $4  }
0x1a0: {  	s31 =	sadd.s32 $0xFFFFFFFF, s31;
	v7 =	vld [tilespmem:s30+$0xFFFFFFF0];
	vm2 =	vmand vm2, vm3;
	vm3 =	veq.s32 v9, v3;
	vm4 =	vlt.s32 v6, v5  }
0x1a1: {  	v6 =	vld [tilespmem:s30+$0x0];
	v13 =	vmpcnt.ones.xlane vm2;
	vm2 =	vmand vm3, vm4  }
0x1a2: {  	v11 =	vmpcnt.ones.xlane vm2  }
0x1a3: {  	s0 =	sadd.s32 $0x20, s0;
	v12 =	vadd.s32 v12, v13;
	v9 =	vmov v10  }
0x1a4: {  	v10 =	vmov v9  }
.LBB2_27:
0x1a5: {  	vm2 =	veq.s32 v8, v3;
	vm3 =	vlt.s32 v7, v5  }
.Ltmp22:
0x1a6: {  	vm2 =	vmand vm2, vm3;
	vm3 =	veq.s32 v10, v3;
	vm4 =	vlt.s32 v6, v5;
	(pc) =	sbr.rel .LBB2_28-.Ltmp22, $4  }
0x1a7: {  	v5 =	vadd.s32 @p1 v11, v12;
	v6 =	vmpcnt.ones.xlane vm2;
	vm2 =	vmand vm3, vm4  }
0x1a8: {  	v4 =	vpsel p1, v5, v4;
	v7 =	vmpcnt.ones.xlane vm2  }
0x1a9: {  	v4 =	vadd.s32 v4, v6  }
0x1aa: {  	v4 =	vadd.s32 v7, v4  }
.LBB2_22:
.Ltmp23:
0x1ab: {  	(pc) =	sbr.rel .LBB2_27-.Ltmp23, $2  }
0x1ac: {  	_ =	sdelay $0x2  }
0x1ad: {  	_ = 	snop  }
.LBB2_24:
.Ltmp24:
0x1ae: {  	(pc) =	sbr.rel .LBB2_27-.Ltmp24, $2  }
0x1af: {  	_ =	sdelay $0x2  }
0x1b0: {  	v10 =	vmov v9  }
.LBB2_29:
0x1b1: {  	s0 =	sadd.s32 $0xF, s24  }
0x1b2: {  	s0 =	sshra.s32 s0, $0x4  }
0x1b3: {  	p0 =	slt.s32 s0, $0x1  }
.Ltmp25:
0x1b4: {  	_ = 	snop;
	(pc) =	sbr.rel @p0 .LBB2_33-.Ltmp25, $1  }
0x1b5: {  	_ =	sdelay $0x3  }
0x1b6: {  	s24 =	simm.s32 $0xE400  }
0x1b7: {  	s25 =	simm.s32 $0xC400;
	p0 =	sne.s32 s0, $0x1;
	v4 =	vld [tilespmem:s24+$0x0]  }
.Ltmp26:
0x1b8: {  	v8 =	vld [tilespmem:s25+$0x0];
	(pc) =	sbr.rel @!p0 .LBB2_32-.Ltmp26, $2  }
0x1b9: {  	_ =	sdelay $0x2  }
0x1ba: {  	v6 =	vmov s23;
	v5 =	vimm.s32 $0x0;
	s23 =	sadd.s32 $0xFFFFFFFF, s0;
	v7 =	vimm.s32 $0x0  }
.LBB2_31:
0x1bb: {  	p0 =	sne.s32 s23, $0x1;
	_ =	sdelay $0x3  }
0x1bc: {  	vm2 =	veq.s32 v8, v3;
	vm3 =	vlt.s32 v4, v6  }
0x1bd: {  	vm4 =	vlt.s32 v8, v3;
	vm2 =	vmand vm2, vm3  }
0x1be: {  	vm2 =	vmor vm4, vm2  }
0x1bf: {  	v8 =	vsel vm2, $0x1, v0;
	v9 =	vmpcnt.ones.xlane vm2  }
0x1c0: {  	(xrf0) =	vadd.scan.msk.s32 $0xffff, v8  }
0x1c1: {  	v7 =	vadd.s32 v7, v9;
	_ =	sdelay $0x3  }
0x1c2: {  	v8 =	vsel vm2, $0xFFFFFFFF, v0  }
0x1c3: {  	v8 =	vadd.s32 v8, v5;
	v5 =	vmov v7;
	v9, _, _ =	vpop (xrf0)  }
0x1c4: {  	v8 =	vadd.s32 v9, v8  }
0x1c5: {  	vm3 =	vlt.s32 v8, $0x5F  }
0x1c6: {  	v8 =	vnsel vm3, $0x5F, v8;
	_ =	sdelay $0x2  }
.Ltmp27:
0x1c7: {  	(pc) =	sbr.rel @p0 .LBB2_31-.Ltmp27, $4  }
0x1c8: {  	_ = 	snop  }
0x1c9: {  	s24 =	sadd.s32 $0x10, s24;
	[tilespmem:v8+s15+$0x0] =	vst.idx.msk vm2, v4  }
0x1ca: {  	s25 =	sadd.s32 $0x10, s25;
	v4 =	vld [tilespmem:s24+$0x0]  }
0x1cb: {  	s23 =	sadd.s32 $0xFFFFFFFF, s23;
	v8 =	vld [tilespmem:s25+$0x0]  }
.Ltmp28:
0x1cc: {  	_ = 	snop;
	(pc) =	sbr.rel .LBB2_32-.Ltmp28, $1  }
0x1cd: {  	_ =	sdelay $0x3  }
.LBB2_35:
0x1ce: {  	_ =	sfence.sel $0x180000  }
0x1cf: {  	[bflag:$0x0] =	sbarrier.arrive $0xFFFF  }
0x1d0: {  	_ =	strace $0x90000047  }
0x1d1: {  	s0 =	stileid.u32;
	[bflag:$0x2] =	sbarrier.arrive $0xFFFF  }
0x1d2: {  	p0 =	sne.s32 s0, $0x0;
	s0 =	rddreg [dreg:$0x1]  }
0x1d3: {  	s0 =	sadd.s32 @!p0 $0x100000, s0  }
0x1d4: {  	[sflag:s0] =	ssyncadd.tile.s32 @!p0 $0x1;
	_ =	shalt  }
.Lfunc_end2:
_tile_overlayer_lowered:
.L_overlay_start_2:
0x1d5: {  	(tag) =	ssettag $0x2  }
0x1d6: {  	s0 =	rddreg [dreg:$0x0];
	s2 =	stileid.u32  }
0x1d7: {  	s1 =	rddreg [dreg:$0x1];
	p0 =	sne.s32 s2, $0x0  }
0x1d8: {  	s3 =	rddreg [dreg:$0x2];
	[bflag:$0x3] =	sbarrier.arrive $0xFFFF;
	s2 =	simm.s32 @!p0 $0x1C04  }
0x1d9: {  	[timem:s3], [sflag:s2] =	dma.local @!p0 [hbm:s0], s1  }
0x1da: {  	s0 =	simm.s32 @!p0 $0x4  }
0x1db: {  	_ =	swait.ge @!p0 [sflag:s0], s1  }
0x1dc: {  	s1 =	ssub.s32 @!p0 $0x0, s1;
	[sflag:s0] =	ssyncset.done @!p0 $0x0  }
0x1dd: {  	[sflag:s0] =	ssyncadd.s32 @!p0 s1  }
0x1de: {  	[bflag:$0x3] =	sbarrier.arrive $0xFFFF  }
0x1df: {  	_ =	shalt  }

// kernel: kernel.19.cloned.1.call-start
scs
__scs_entry_jumppad:
0x0: {  	(pc) =	sbr.rel $0x88, $3  }
0x1: {  	(tag) =	ssettag $0x0;
	lr =	simm.s32 $0x1  }
0x2: {  	[smem:$0x3F85] =	sst lr;
	_ =	strace $0xD0000000  }
0x3: {  	_ = 	snop  }
0x4: {  	_ = 	snop  }
0x5: {  	_ = 	snop  }
0x6: {  	_ = 	snop  }
0x7: {  	_ = 	snop  }
__scs_overlays_trampoline_lowered:
0x8: {  	[smem:$0x3F94] =	sst s0  }
0x9: {  	[smem:$0x3F95] =	sst s1  }
0xa: {  	[smem:$0x3F96] =	sst s2  }
0xb: {  	[smem:$0x3F97] =	sst s3  }
0xc: {  	[smem:$0x3F98] =	sst s4  }
0xd: {  	[smem:$0x3F99] =	sst s5  }
0xe: {  	[smem:$0x3F9A] =	sst s6  }
0xf: {  	[smem:$0x3F9B] =	sst s7  }
0x10: {  	[smem:$0x3F9C] =	sst s8  }
0x11: {  	[smem:$0x3F9D] =	sst s9;
	s0 =	simm.s32 @!p0 $0x0  }
0x12: {  	s1 =	sld [smem:$0x3F83];
	s0 =	simm.s32 @p0 $0x1  }
0x13: {  	[smem:$0x3F9E] =	sst s0;
	s0 =	simm.s32 @!p1 $0x0  }
0x14: {  	s2 =	sld [smem:$0x3F82];
	s0 =	simm.s32 @p1 $0x1  }
0x15: {  	[smem:$0x3F9F] =	sst s0;
	s0 =	simm.s32 @!p2 $0x0  }
0x16: {  	s3 =	sld [smem:$0x3FDB];
	s0 =	simm.s32 @p2 $0x1  }
0x17: {  	s4 =	simm.s32 $0x1BF5;
	[smem:$0x3FA1] =	sst s0  }
0x18: {  	s0 =	sld [smem:$0x3F84];
	_ =	swait.ge [sflag:s4], $0x0  }
0x19: {  	s7 =	sld [smem:$0x3F85]  }
0x1a: {  	s8 =	sadd.s32 $0xFFFFE003, lr  }
0x1b: {  	s9 =	sadd.s32 $0xFFFFFEF7, lr;
	s5 =	simm.s32 $0xFFFFFFFF;
	p2 =	slt.u32 s8, $0xFFFFF086  }
0x1c: {  	p1 =	slt.u32 s9, $0xF7A;
	s5 =	simm.s32 @!p2 $0x0  }
0x1d: {  	s5 =	simm.s32 @p1 $0x1;
	p0 =	seq.s32 s7, s2  }
0x1e: {  	s7 =	smul.u32 @!p0 $0xF7A, s2;
	p2 =	seq.s32 @!p0 s5, $0x0  }
0x1f: {  	s9 =	smul.u32 $0xF7A, s1;
	s8 =	simm.s32 @!p0 $0x1BF5;
	p2 =	por !p2, p0  }
0x20: {  	[sflag:s8] =	ssyncset.s32 @!p0 $0xFFFFF086;
	s6 =	sadd.s32 @!p0 s3, s7;
	s7 =	simm.s32 @!p0 $0x108  }
0x21: {  	s3 =	sadd.s32 s3, s9;
	s6 =	sadd.s32 @!p0 $0x88, s6;
	s7 =	simm.s32 @p2 $0x1082  }
0x22: {  	[simem:s7], [sflag:s8] =	dma.local @!p0 [hbm:s6], $0xF7A  }
0x23: {  	s9 =	sor.u32 $0xD0000000, s2;
	s6 =	simm.s32 $0x108;
	_ =	swait.ge @!p0 [sflag:s8], $0x0  }
0x24: {  	s3 =	sadd.s32 $0x88, s3;
	s6 =	simm.s32 @!p1 $0x1082;
	[sflag:s4] =	ssyncset.s32 $0xFFFFF086  }
0x25: {  	[simem:s6], [sflag:s4] =	dma.local [hbm:s3], $0xF7A  }
0x26: {  	[smem:$0x3F85] =	sst s1;
	(tag) =	ssettag s2;
	_ =	strace s9  }
0x27: {  	s1 =	sld [smem:$0x3F95]  }
0x28: {  	s2 =	sld [smem:$0x3F96]  }
0x29: {  	s4 =	sld [smem:$0x3F98]  }
0x2a: {  	p0 =	seq.s32 s5, $0x0;
	s5 =	sld [smem:$0x3F99]  }
0x2b: {  	s6 =	sld [smem:$0x3F9A]  }
0x2c: {  	s7 =	sld [smem:$0x3F9B]  }
0x2d: {  	s3 =	simm.s32 $0x108;
	s8 =	sld [smem:$0x3F9C]  }
0x2e: {  	s3 =	simm.s32 @!p0 $0x1082;
	s9 =	sld [smem:$0x3F9D]  }
0x2f: {  	lr =	sadd.s32 s0, s3;
	s0 =	sld [smem:$0x3F94]  }
0x30: {  	s3 =	sld [smem:$0x3F97]  }
0x31: {  	[smem:$0x3FA0] =	sst s10  }
0x32: {  	s10 =	sld [smem:$0x3F9E];
	_ =	sdelay $0x3  }
0x33: {  	p0 =	seq.s32 s10, $0x1;
	s10 =	sld [smem:$0x3FA0];
	_ =	sdelay $0x3  }
0x34: {  	[smem:$0x3FA0] =	sst s10  }
0x35: {  	s10 =	sld [smem:$0x3F9F];
	_ =	sdelay $0x3  }
0x36: {  	p1 =	seq.s32 s10, $0x1;
	s10 =	sld [smem:$0x3FA0];
	_ =	sdelay $0x3  }
0x37: {  	[smem:$0x3FA0] =	sst s10  }
0x38: {  	s10 =	sld [smem:$0x3FA1]  }
0x39: {  	_ = 	snop;
	(pc) =	sbr.ind lr, $3  }
0x3a: {  	_ = 	snop  }
0x3b: {  	_ = 	snop  }
0x3c: {  	p2 =	seq.s32 s10, $0x1;
	s10 =	sld [smem:$0x3FA0]  }
0x3d: {  	_ =	shalt  }
0x3e: {  	_ =	shalt  }
0x3f: {  	_ =	shalt  }
0x40: {  	_ =	shalt  }
0x41: {  	_ =	shalt  }
0x42: {  	_ =	shalt  }
0x43: {  	_ =	shalt  }
0x44: {  	_ =	shalt  }
0x45: {  	_ =	shalt  }
0x46: {  	_ =	shalt  }
0x47: {  	_ =	shalt  }
0x48: {  	_ =	shalt  }
0x49: {  	_ =	shalt  }
0x4a: {  	_ =	shalt  }
0x4b: {  	_ =	shalt  }
0x4c: {  	_ =	shalt  }
0x4d: {  	_ =	shalt  }
0x4e: {  	_ =	shalt  }
0x4f: {  	_ =	shalt  }
0x50: {  	_ =	shalt  }
0x51: {  	_ =	shalt  }
0x52: {  	_ =	shalt  }
0x53: {  	_ =	shalt  }
0x54: {  	_ =	shalt  }
0x55: {  	_ =	shalt  }
0x56: {  	_ =	shalt  }
0x57: {  	_ =	shalt  }
0x58: {  	_ =	shalt  }
0x59: {  	_ =	shalt  }
0x5a: {  	_ =	shalt  }
0x5b: {  	_ =	shalt  }
0x5c: {  	_ =	shalt  }
0x5d: {  	_ =	shalt  }
0x5e: {  	_ =	shalt  }
0x5f: {  	_ =	shalt  }
0x60: {  	_ =	shalt  }
0x61: {  	_ =	shalt  }
0x62: {  	_ =	shalt  }
0x63: {  	_ =	shalt  }
0x64: {  	_ =	shalt  }
0x65: {  	_ =	shalt  }
0x66: {  	_ =	shalt  }
0x67: {  	_ =	shalt  }
0x68: {  	_ =	shalt  }
0x69: {  	_ =	shalt  }
0x6a: {  	_ =	shalt  }
0x6b: {  	_ =	shalt  }
0x6c: {  	_ =	shalt  }
0x6d: {  	_ =	shalt  }
0x6e: {  	_ =	shalt  }
0x6f: {  	_ =	shalt  }
0x70: {  	_ =	shalt  }
0x71: {  	_ =	shalt  }
0x72: {  	_ =	shalt  }
0x73: {  	_ =	shalt  }
0x74: {  	_ =	shalt  }
0x75: {  	_ =	shalt  }
0x76: {  	_ =	shalt  }
0x77: {  	_ =	shalt  }
0x78: {  	_ =	shalt  }
0x79: {  	_ =	shalt  }
0x7a: {  	_ =	shalt  }
0x7b: {  	_ =	shalt  }
0x7c: {  	_ =	shalt  }
0x7d: {  	_ =	shalt  }
0x7e: {  	_ =	shalt  }
0x7f: {  	_ =	shalt  }
0x80: {  	_ =	shalt  }
0x81: {  	_ =	shalt  }
0x82: {  	_ =	shalt  }
0x83: {  	_ =	shalt  }
0x84: {  	_ =	shalt  }
0x85: {  	_ =	shalt  }
0x86: {  	_ =	shalt  }
0x87: {  	_ =	shalt  }
.Lfunc_end0:
.L_simem_size_0:
called_computation.1_lowered:
.L_overlay_start_0:
0x88: {  	s2 =	sld [smem:$0x3FD9]  }
0x89: {  	s3 =	sld [smem:$0x3FFE];
	_ =	sdelay $0x1  }
0x8a: {  	s1 =	srdreg.scid  }
0x8b: {  	s0 =	sand.u32 $0x1, s1  }
0x8c: {  	s17 =	sshll.u32 s0, $0xA;
	s2 =	sadd.s32 s3, s2  }
0x8d: {  	s2 =	sadd.s32 s2, s17  }
0x8e: {  	[smem:$0x3FAC] =	sst s2  }
0x8f: {  	_ = 	snop  }
0x90: {  	(tm) =	ssettm $0x1  }
0x91: {  	s18 =	sld [smem:$0x3FFB];
	_ =	sdelay $0x3  }
0x92: {  	_ =	strace s18  }
0x93: {  	s2 =	sld [smem:$0x3FFC];
	_ =	sdelay $0x3  }
0x94: {  	_ =	strace s2  }
0x95: {  	s2 =	sld [smem:$0x3FFD];
	_ =	sdelay $0x3  }
0x96: {  	_ =	strace s2  }
0x97: {  	_ =	strace $0x8FFFFFFF  }
0x98: {  	s19 =	sld [smem:$0x3FDB];
	_ =	sdelay $0x1  }
0x99: {  	s20 =	simm.s32 $_scs_section_size  }
0x9a: {  	s4 =	simm.s32 $_size__tile_overlayer_lowered;
	s5 =	simm.s32 $_tile_overlayer_lowered  }
0x9b: {  	s6 =	simm.s32 $0x1BFF;
	s21 =	sshll.u32 s5, $0x1;
	s3 =	sadd.s32 s20, s19  }
0x9c: {  	s22 =	simm.s32 $0x0;
	s4 =	sshll.u32 s4, $0x1;
	s5 =	sadd.s32 s21, s3  }
0x9d: {  	[timem:s22], [sflag:s6] =	dma.local [hbm:s5], s4  }
0x9e: {  	_ =	swait.ge [sflag:s6], s4  }
0x9f: {  	s4 =	ssub.s32 $0x0, s4;
	[sflag:s6] =	ssyncset.done $0x0  }
0xa0: {  	[sflag:s6] =	ssyncadd.s32 s4;
	_ =	sdelay $0x1  }
0xa1: {  	s23 =	simm.s32 $0x1B8B  }
0xa2: {  	_ =	swait.ge [sflag:s23], $0x1  }
0xa3: {  	[sflag:s23] =	ssyncset.done $0x0  }
0xa4: {  	[sflag:s23] =	ssyncadd.s32 $0xFFFFFFFF  }
0xa5: {  	s4 =	sld [smem:$0x0]  }
0xa6: {  	s5 =	sand.u32 $0xFFFFFFFE, s1  }
0xa7: {  	p0 =	sne.s32 s1, s5  }
0xa8: {  	s5 =	sshll.u32 @p0 s5, $0xE  }
0xa9: {  	s5 =	sadd.s32 @p0 $0x11B8D, s5;
	s6 =	sshll.u32 @p0 s4, $0x11  }
0xaa: {  	s5 =	sor.u32 @p0 s6, s5  }
0xab: {  	[sflag:s5] =	ssyncadd.remote.s32 @p0 $0x1;
	_ =	sdelay $0x1  }
0xac: {  	s5 =	simm.s32 @p0 $0x1B8D  }
0xad: {  	_ =	swait.eq @p0 [sflag:s5], $0x1  }
0xae: {  	[sflag:s5] =	ssyncadd.s32 @p0 $0xFFFFFFFF  }
0xaf: {  	s6 =	sshll.u32 @!p0 s1, $0xE  }
0xb0: {  	s6 =	sor.u32 @!p0 $0x4000, s6;
	s5 =	simm.s32 @!p0 $0x1B8D  }
0xb1: {  	s4 =	sshll.u32 @!p0 s4, $0x11;
	s6 =	sadd.s32 @!p0 $0x11B8D, s6;
	_ =	swait.eq @!p0 [sflag:s5], $0x1  }
0xb2: {  	s4 =	sor.u32 @!p0 s4, s6;
	[sflag:s5] =	ssyncadd.s32 @!p0 $0xFFFFFFFF  }
0xb3: {  	s25 =	simm.s32 $0x1B8E;
	s24 =	sld [smem:$0x3FFE];
	[sflag:s4] =	ssyncadd.remote.s32 @!p0 $0x1  }
0xb4: {  	s26 =	simm.s32 $execute0_lowered;
	[smem:$0x3FD2] =	sst s25  }
0xb5: {  	s5 =	sshll.u32 s26, $0x1;
	_ =	strace $0x80000049;
	[dreg:$0x1] =	wrdreg $0xFFFFFFFF  }
0xb6: {  	s28 =	simm.s32 $_size_execute0_lowered;
	s3 =	sadd.s32 s3, s5;
	[dreg:$0x0] =	wrdreg $0x0  }
0xb7: {  	s5 =	sshll.u32 s28, $0x1;
	[dreg:$0x2] =	wrdreg s3  }
0xb8: {  	[dreg:$0x3] =	wrdreg s5  }
0xb9: {  	[dreg:$0x4] =	wrdreg $0xC0  }
0xba: {  	_ =	task [dreg:s22], $0x5FFFF  }
0xbb: {  	[dreg:$0x1] =	wrdreg $0xFFFFFFFF  }
0xbc: {  	[dreg:$0x0] =	wrdreg $0x60  }
0xbd: {  	[dreg:$0x2] =	wrdreg s24  }
0xbe: {  	[dreg:$0x3] =	wrdreg $0xA  }
0xbf: {  	_ =	task.clear_ibuf [dreg:s22], $0x4FFFF;
	_ =	strace $0x90000049  }
0xc0: {  	s29 =	simm.s32 $0xA;
	_ =	strace $0x8000004B  }
0xc1: {  	_ =	swait.ge [sflag:s29], $0x1  }
0xc2: {  	[sflag:s29] =	ssyncadd.s32 $0xFFFFFFFF  }
0xc3: {  	_ =	strace $0x9000004B  }
0xc4: {  	_ =	sfence  }
0xc5: {  	s30 =	sld [smem:$0x0];
	_ =	sdelay $0x2  }
0xc6: {  	s31 =	sshll.u32 s1, $0xD;
	s1 =	sshrl.u32 s1, $0x2  }
0xc7: {  	s4 =	sand.u32 $0x4000, s31;
	s1 =	sadd.s32 s1, s30  }
0xc8: {  	s0 =	sor.u32 s4, s0;
	s1 =	sshll.u32 s1, $0x11  }
0xc9: {  	s0 =	sor.u32 s1, s0  }
0xca: {  	s0 =	sadd.s32 $0x8F2B, s0  }
0xcb: {  	[sflag:s0] =	ssyncadd.remote.s32 $0x1  }
0xcc: {  	_ =	sfence.sel $0xFFFF  }
0xcd: {  	[dreg:$0x0] =	wrdreg $0xFFFFFFFF;
	(pc) =	sbr.abs _section_cstart, $3  }
0xce: {  	[dreg:$0x1] =	wrdreg $0xFFFFFFFF  }
0xcf: {  	_ =	task.clear_ibuf [dreg:s22], $0x2FFFF;
	_ =	strace $0x9FFFFFFF  }
0xd0: {  	(tm) =	ssettm $0x7FFFFFFF  }
0xd1: {  	_ =	shalt  }
tec
execute0_lowered:
.L_overlay_start_1:
0x0: {  	(tag) =	ssettag $0x1  }
0x1: {  	s0 =	rddreg [dreg:$0x0]  }
0x2: {  	s1 =	srdreg.scid;
	s3 =	stileid.u32  }
0x3: {  	s2 =	simm.s32 $0x0;
	s12 =	simm.s32 $0x3;
	s13 =	simm.s32 $0xC400  }
0x4: {  	s14 =	simm.s32 $0xE400;
	s15 =	simm.s32 $0x10400;
	s16 =	simm.s32 $0x10480  }
0x5: {  	s10 =	simm.s32 $0x16C80;
	s11 =	simm.s32 $0x17080;
	s9 =	simm.s32 $0x17C80  }
0x6: {  	s17 =	simm.s32 $0x18480;
	s18 =	simm.s32 $0x18880;
	s19 =	simm.s32 $0x19080  }
0x7: {  	s20 =	simm.s32 $0x1;
	s22 =	simm.s32 $0x0;
	s1 =	sand.u32 $0x1, s1  }
0x8: {  	s3 =	sshll.u32 s3, $0x4;
	[smem:$0x7FF] =	sst s2;
	s4 =	sshll.u32 s1, $0x3  }
0x9: {  	s6 =	sadd.s32 $0x818800, s0;
	s1 =	ssub.s32 $0x2, s1;
	s3 =	sor.u32 s4, s3  }
.Ltmp0:
0xa: {  	s7 =	sshrl.u32 s1, $0x1;
	s5 =	sshrl.u32 s3, $0x3;
	(pc) =	sbr.rel .LBB2_1-.Ltmp0, $4  }
0xb: {  	_ =	strace $0x8000004A;
	s1 =	ssub.s32 s1, s7;
	s8 =	smul.u32 $0xC400, s5  }
0xc: {  	s4 =	sadd.s32 $0x690800, s0;
	s7 =	simm.s32 $0x17880;
	s31 =	smax.u32 s1, $0x1  }
0xd: {  	v0 =	vimm.s32 $0x0;
	v1 =	vlaneseq.u32;
	s5 =	sadd.s32 $0x19C800, s0;
	[dreg:$0x3] =	wrdreg s31;
	s30 =	sadd.s32 s4, s8  }
0xe: {  	v2 =	vimm.s32 $0x7FFFFFFF;
	vm0 =	vmmov $0xffff;
	vm1 =	vmmov $0xff;
	s1 =	simm.s32 $0x16480;
	s8 =	sadd.s32 $0x19C900, s0;
	[dreg:$0x2] =	wrdreg s30  }
.LBB2_34:
0xf: {  	s21 =	simm.s32 $0x2  }
0x10: {  	_ =	swait.ge [sflag:s21], $0x9000  }
0x11: {  	s22 =	rddreg [dreg:$0x4]  }
0x12: {  	s0 =	rddreg [dreg:$0x3];
	s22 =	sadd.s32 $0x1, s22  }
0x13: {  	p0 =	sne.s32 s22, s0  }
.Ltmp1:
0x14: {  	_ = 	snop;
	(pc) =	sbr.rel @!p0 .LBB2_35-.Ltmp1, $3  }
0x15: {  	_ =	sdelay $0x1  }
0x16: {  	[sflag:s21] =	ssyncset.done $0x0  }
0x17: {  	[sflag:s21] =	ssyncadd.s32 $0xFFFF7000  }
.LBB2_1:
.Ltmp2:
0x18: {  	(pc) =	sbr.rel .LBB2_2-.Ltmp2, $4  }
0x19: {  	_ = 	snop  }
0x1a: {  	s0 =	rddreg [dreg:$0x2];
	s21 =	simm.s32 $0x80;
	s31 =	simm.s32 $0x400  }
0x1b: {  	[tilespmem:s2], [sflag:$0x3] =	stream.strided.gather [hbm4b:s0+s21], $0xC400, s31, s21, $0x38;
	[tilespmem:$0x19480] =	vst v63  }
0x1c: {  	[dreg:$0x4] =	wrdreg s22;
	s21 =	simm.s32 $0x0  }
.LBB2_32:
0x1d: {  	vm2 =	veq.s32 v8, v3;
	vm3 =	vlt.s32 v4, v6  }
0x1e: {  	vm4 =	vlt.s32 v8, v3;
	vm2 =	vmand vm2, vm3  }
0x1f: {  	vm2 =	vmor vm4, vm2  }
0x20: {  	v3 =	vsel vm2, $0x1, v0  }
0x21: {  	(xrf0) =	vadd.scan.msk.s32 $0xffff, v3;
	_ =	sdelay $0x4  }
0x22: {  	v3 =	vsel vm2, $0xFFFFFFFF, v0  }
0x23: {  	v3 =	vadd.s32 v3, v5;
	v63, _, _ =	vpop (xrf0)  }
0x24: {  	v3 =	vadd.s32 v63, v3  }
0x25: {  	vm3 =	vlt.s32 v3, $0x5F  }
0x26: {  	v3 =	vnsel vm3, $0x5F, v3;
	_ =	sdelay $0x4  }
0x27: {  	[tilespmem:v3+s15+$0x0] =	vst.idx.msk vm2, v4  }
.LBB2_33:
0x28: {  	p0 =	seq.s32 s21, $0x0  }
0x29: {  	s0 =	simm.s32 @!p0 $0x2  }
0x2a: {  	_ =	swait.ge @!p0 [sflag:s0], $0x9000  }
0x2b: {  	[sflag:s0] =	ssyncset.done @!p0 $0x0  }
0x2c: {  	[sflag:s0] =	ssyncadd.s32 @!p0 $0xFFFF7000  }
0x2d: {  	v3 =	vld [tilespmem:$0x10400];
	_ =	sdelay $0x4  }
0x2e: {  	v4 =	vshrl.u32 v3, $0x3  }
0x2f: {  	v4 =	vmul.u32 $0x18, v4  }
0x30: {  	v3 =	vand.u32 $0x7, v3  }
0x31: {  	v58 =	vand.u32 $0x7, v1;
	v5 =	vshrl.u32 v1, $0x3;
	v3 =	vor.u32 v3, v4  }
0x32: {  	v5 =	vmul.u32 $0x8, v5;
	v6 =	vperm.xlane v3, v58;
	_ =	sdelay $0x1  }
0x33: {  	v6 =	vadd.s32 v5, v6  }
0x34: {  	v7 =	vor.u32 $0x8, v1  }
0x35: {  	v3 =	vperm.xlane v3, v7;
	_ =	sdelay $0x1  }
0x36: {  	v3 =	vadd.s32 v5, v3  }
0x37: {  	[tilespmem:s16], [sflag:$0x1] =	stream.indirect_vreg.gather [hbm4b:s5+s2], $0x80, v6, vm0, $0xb8;
	[tilespmem:$0x19480] =	vst v63  }
0x38: {  	s23 =	simm.s32 $0x10C80  }
0x39: {  	[tilespmem:s23], [sflag:$0x1] =	stream.indirect_vreg.gather [hbm4b:s8+s2], $0x80, v6, vm1, $0xb8;
	[tilespmem:$0x19480] =	vst v63  }
0x3a: {  	s24 =	simm.s32 $0x11080  }
0x3b: {  	[tilespmem:s24], [sflag:$0x1] =	stream.indirect_vreg.gather [hbm4b:s5+s2], $0x80, v3, vm0, $0xb8;
	[tilespmem:$0x19480] =	vst v63  }
0x3c: {  	s25 =	simm.s32 $0x11880  }
0x3d: {  	[tilespmem:s25], [sflag:$0x1] =	stream.indirect_vreg.gather [hbm4b:s8+s2], $0x80, v3, vm1, $0xb8;
	[tilespmem:$0x19480] =	vst v63  }
0x3e: {  	v3 =	vld [tilespmem:$0x10410];
	_ =	sdelay $0x4  }
0x3f: {  	v59 =	vshrl.u32 v3, $0x3  }
0x40: {  	v6 =	vmul.u32 $0x18, v59  }
0x41: {  	v3 =	vand.u32 $0x7, v3  }
0x42: {  	v3 =	vor.u32 v3, v6  }
0x43: {  	v6 =	vperm.xlane v3, v58;
	_ =	sdelay $0x1  }
0x44: {  	v6 =	vadd.s32 v5, v6;
	_ =	sdelay $0x1  }
0x45: {  	v3 =	vperm.xlane v3, v7;
	_ =	sdelay $0x1  }
0x46: {  	s26 =	simm.s32 $0x11C80;
	v3 =	vadd.s32 v5, v3  }
0x47: {  	[tilespmem:s26], [sflag:$0x1] =	stream.indirect_vreg.gather [hbm4b:s5+s2], $0x80, v6, vm0, $0xb8;
	[tilespmem:$0x19480] =	vst v63  }
0x48: {  	s28 =	simm.s32 $0x12480  }
0x49: {  	[tilespmem:s28], [sflag:$0x1] =	stream.indirect_vreg.gather [hbm4b:s8+s2], $0x80, v6, vm1, $0xb8;
	[tilespmem:$0x19480] =	vst v63  }
0x4a: {  	s29 =	simm.s32 $0x12880  }
0x4b: {  	[tilespmem:s29], [sflag:$0x1] =	stream.indirect_vreg.gather [hbm4b:s5+s2], $0x80, v3, vm0, $0xb8;
	[tilespmem:$0x19480] =	vst v63  }
0x4c: {  	s30 =	simm.s32 $0x13080  }
0x4d: {  	[tilespmem:s30], [sflag:$0x1] =	stream.indirect_vreg.gather [hbm4b:s8+s2], $0x80, v3, vm1, $0xb8;
	[tilespmem:$0x19480] =	vst v63  }
0x4e: {  	v3 =	vld [tilespmem:$0x10420];
	_ =	sdelay $0x4  }
0x4f: {  	v60 =	vshrl.u32 v3, $0x3  }
0x50: {  	v6 =	vmul.u32 $0x18, v60  }
0x51: {  	v3 =	vand.u32 $0x7, v3  }
0x52: {  	v3 =	vor.u32 v3, v6  }
0x53: {  	v6 =	vperm.xlane v3, v58;
	_ =	sdelay $0x1  }
0x54: {  	v6 =	vadd.s32 v5, v6;
	_ =	sdelay $0x1  }
0x55: {  	v3 =	vperm.xlane v3, v7;
	_ =	sdelay $0x1  }
0x56: {  	s31 =	simm.s32 $0x13480;
	v3 =	vadd.s32 v5, v3  }
0x57: {  	[tilespmem:s31], [sflag:$0x1] =	stream.indirect_vreg.gather [hbm4b:s5+s2], $0x80, v6, vm0, $0xb8;
	[tilespmem:$0x19480] =	vst v63  }
0x58: {  	s23 =	simm.s32 $0x13C80  }
0x59: {  	[tilespmem:s23], [sflag:$0x1] =	stream.indirect_vreg.gather [hbm4b:s8+s2], $0x80, v6, vm1, $0xb8;
	[tilespmem:$0x19480] =	vst v63  }
0x5a: {  	s24 =	simm.s32 $0x14080  }
0x5b: {  	[tilespmem:s24], [sflag:$0x1] =	stream.indirect_vreg.gather [hbm4b:s5+s2], $0x80, v3, vm0, $0xb8;
	[tilespmem:$0x19480] =	vst v63  }
0x5c: {  	s25 =	simm.s32 $0x14880  }
0x5d: {  	[tilespmem:s25], [sflag:$0x1] =	stream.indirect_vreg.gather [hbm4b:s8+s2], $0x80, v3, vm1, $0xb8;
	[tilespmem:$0x19480] =	vst v63  }
0x5e: {  	v3 =	vld [tilespmem:$0x10430];
	_ =	sdelay $0x4  }
0x5f: {  	v61 =	vshrl.u32 v3, $0x3  }
0x60: {  	v6 =	vmul.u32 $0x18, v61  }
0x61: {  	v3 =	vand.u32 $0x7, v3  }
0x62: {  	v3 =	vor.u32 v3, v6  }
0x63: {  	v6 =	vperm.xlane v3, v58;
	_ =	sdelay $0x1  }
0x64: {  	v6 =	vadd.s32 v5, v6;
	_ =	sdelay $0x1  }
0x65: {  	v3 =	vperm.xlane v3, v7;
	_ =	sdelay $0x1  }
0x66: {  	s26 =	simm.s32 $0x14C80;
	v3 =	vadd.s32 v5, v3  }
0x67: {  	[tilespmem:s26], [sflag:$0x1] =	stream.indirect_vreg.gather [hbm4b:s5+s2], $0x80, v6, vm0, $0xb8;
	[tilespmem:$0x19480] =	vst v63  }
0x68: {  	s28 =	simm.s32 $0x15480  }
0x69: {  	[tilespmem:s28], [sflag:$0x1] =	stream.indirect_vreg.gather [hbm4b:s8+s2], $0x80, v6, vm1, $0xb8;
	[tilespmem:$0x19480] =	vst v63  }
0x6a: {  	s29 =	simm.s32 $0x15880  }
0x6b: {  	[tilespmem:s29], [sflag:$0x1] =	stream.indirect_vreg.gather [hbm4b:s5+s2], $0x80, v3, vm0, $0xb8;
	[tilespmem:$0x19480] =	vst v63  }
0x6c: {  	s30 =	simm.s32 $0x16080  }
0x6d: {  	[tilespmem:s30], [sflag:$0x1] =	stream.indirect_vreg.gather [hbm4b:s8+s2], $0x80, v3, vm1, $0xb8;
	[tilespmem:$0x19480] =	vst v63  }
0x6e: {  	v3 =	vld [tilespmem:$0x10440];
	_ =	sdelay $0x4  }
0x6f: {  	v62 =	vshrl.u32 v3, $0x3  }
0x70: {  	v6 =	vmul.u32 $0x18, v62  }
0x71: {  	v3 =	vand.u32 $0x7, v3  }
0x72: {  	v3 =	vor.u32 v3, v6  }
0x73: {  	v6 =	vperm.xlane v3, v58;
	_ =	sdelay $0x1  }
0x74: {  	v6 =	vadd.s32 v5, v6;
	_ =	sdelay $0x1  }
0x75: {  	v3 =	vperm.xlane v3, v7;
	_ =	sdelay $0x1  }
0x76: {  	v3 =	vadd.s32 v5, v3  }
0x77: {  	[tilespmem:s1], [sflag:$0x1] =	stream.indirect_vreg.gather [hbm4b:s5+s2], $0x80, v6, vm0, $0xb8;
	[tilespmem:$0x19480] =	vst v63  }
0x78: {  	_ = 	snop  }
0x79: {  	[tilespmem:s10], [sflag:$0x1] =	stream.indirect_vreg.gather [hbm4b:s8+s2], $0x80, v6, vm1, $0xb8;
	[tilespmem:$0x19480] =	vst v63  }
0x7a: {  	_ = 	snop  }
0x7b: {  	[tilespmem:s11], [sflag:$0x1] =	stream.indirect_vreg.gather [hbm4b:s5+s2], $0x80, v3, vm0, $0xb8;
	[tilespmem:$0x19480] =	vst v63  }
0x7c: {  	_ = 	snop  }
0x7d: {  	[tilespmem:s7], [sflag:$0x1] =	stream.indirect_vreg.gather [hbm4b:s8+s2], $0x80, v3, vm1, $0xb8;
	[tilespmem:$0x19480] =	vst v63  }
0x7e: {  	v3 =	vld [tilespmem:$0x10450];
	_ =	sdelay $0x4  }
0x7f: {  	v63 =	vshrl.u32 v3, $0x3  }
0x80: {  	v6 =	vmul.u32 $0x18, v63  }
0x81: {  	v3 =	vand.u32 $0x7, v3  }
0x82: {  	v3 =	vor.u32 v3, v6  }
0x83: {  	v4 =	vperm.xlane v3, v58;
	_ =	sdelay $0x1  }
0x84: {  	v4 =	vadd.s32 v5, v4;
	_ =	sdelay $0x1  }
0x85: {  	v3 =	vperm.xlane v3, v7;
	_ =	sdelay $0x1  }
0x86: {  	v3 =	vadd.s32 v5, v3  }
0x87: {  	[tilespmem:s9], [sflag:$0x1] =	stream.indirect_vreg.gather [hbm4b:s5+s2], $0x80, v4, vm0, $0xb8;
	[tilespmem:$0x19480] =	vst v63  }
0x88: {  	_ = 	snop  }
0x89: {  	[tilespmem:s17], [sflag:$0x1] =	stream.indirect_vreg.gather [hbm4b:s8+s2], $0x80, v4, vm1, $0xb8;
	[tilespmem:$0x19480] =	vst v63  }
0x8a: {  	s21 =	sadd.s32 $0x1, s21  }
0x8b: {  	[tilespmem:s18], [sflag:$0x1] =	stream.indirect_vreg.gather [hbm4b:s5+s2], $0x80, v3, vm0, $0xb8;
	[tilespmem:$0x19480] =	vst v63  }
0x8c: {  	p0 =	sne.s32 s21, $0x8  }
0x8d: {  	[tilespmem:s19], [sflag:$0x1] =	stream.indirect_vreg.gather [hbm4b:s8+s2], $0x80, v3, vm1, $0xb8;
	[tilespmem:$0x19480] =	vst v63  }
.Ltmp3:
0x8e: {  	_ = 	snop;
	(pc) =	sbr.rel @!p0 .LBB2_34-.Ltmp3, $4  }
0x8f: {  	s31 =	smul.u32 $0x1200, s22;
	_ =	swait.ge [sflag:s20], $0x9000  }
0x90: {  	[sflag:s20] =	ssyncset.done $0x0  }
0x91: {  	s0 =	sadd.s32 s6, s31;
	[sflag:s20] =	ssyncadd.s32 $0xFFFF7000  }
0x92: {  	[hbm4b:s0+s2] =	stream.linear.scatter [tilespmem:s16], [sflag:$0x2], $0x9000, $0x38;
	[tilespmem:$0x19480] =	vst v63  }
.LBB2_2:
0x93: {  	_ =	swait.ge [sflag:s12], $0xC400  }
0x94: {  	[sflag:s12] =	ssyncset.done $0x0  }
0x95: {  	s0 =	simm.s32 $0x0;
	[sflag:s12] =	ssyncadd.s32 $0xFFFF3C00  }
0x96: {  	v5 =	vld [tilespmem:s0+$0x0]  }
0x97: {  	v6 =	vld [tilespmem:s0+$0x10]  }
0x98: {  	v8 =	vld [tilespmem:s0+$0x20]  }
0x99: {  	v16 =	vld [tilespmem:s0+$0x30]  }
0x9a: {  	v10 =	vld [tilespmem:s0+$0x40]  }
0x9b: {  	s22 =	simm.s32 $0x60;
	v7 =	vld [tilespmem:s0+$0x50]  }
0x9c: {  	v3 =	vimm.s32 $0x7FFFFFFF;
	v11 =	vld [tilespmem:s22+$0x0]  }
0x9d: {  	v9 =	vimm.s32 $0x7FFFFFFF;
	v12 =	vld [tilespmem:s22+$0x10];
	vm2 =	vlt.s32 v3, v5  }
0x9e: {  	v4 =	vld [tilespmem:s22+$0x20];
	vm3 =	vlt.s32 v3, v6;
	vm4 =	vlt.s32 v3, v8;
	v14 =	vsel vm2, v3, v5  }
0x9f: {  	v15 =	vsel vm3, v3, v6;
	v5 =	vld [tilespmem:s22+$0x30];
	v13 =	vsel vm4, v3, v8;
	vm4 =	vlt.s32 v3, v16  }
0xa0: {  	s23 =	simm.s32 $0x300;
	vm3 =	vlt.s32 v3, v10;
	v8 =	vld [tilespmem:s22+$0x40];
	vm2 =	vlt.s32 v3, v7;
	v6 =	vimm.s32 $0x7FFFFFFF  }
.LBB2_3:
0xa1: {  	v3 =	vsel vm4, v3, v16;
	v6 =	vsel vm3, v6, v10;
	v9 =	vsel vm2, v9, v7;
	v7 =	vld [tilespmem:s22+$0x50];
	s22 =	sshra.s32 s23, $0x2;
	v10 =	vmovc v11;
	p0 =	sne.s32 s23, $0x30D80  }
.Ltmp4:
0xa2: {  	v11 =	vld [tilespmem:s22+$0x0];
	v17 =	vmov v12;
	(pc) =	sbr.rel @p0 .LBB2_3-.Ltmp4, $4  }
0xa3: {  	v12 =	vld [tilespmem:s22+$0x10];
	v18 =	vmov v4  }
0xa4: {  	vm2 =	vlt.s32 v14, v10;
	vm3 =	vlt.s32 v15, v17;
	v4 =	vld [tilespmem:s22+$0x20];
	vm4 =	vlt.s32 v13, v18;
	v16 =	vmovc v5  }
0xa5: {  	v14 =	vsel vm2, v14, v10;
	v15 =	vsel vm3, v15, v17;
	v5 =	vld [tilespmem:s22+$0x30];
	v13 =	vsel vm4, v13, v18;
	v10 =	vmovc v8  }
0xa6: {  	s23 =	sadd.s32 $0x180, s23;
	vm4 =	vlt.s32 v3, v16;
	v8 =	vld [tilespmem:s22+$0x40];
	vm3 =	vlt.s32 v6, v10;
	vm2 =	vlt.s32 v9, v7  }
0xa7: {  	v17 =	vld [tilespmem:$0xC3C0]  }
0xa8: {  	v18 =	vld [tilespmem:$0xC3D0];
	_ =	sdelay $0x1  }
0xa9: {  	v19 =	vld [tilespmem:$0xC3E0]  }
0xaa: {  	vm5 =	vlt.s32 v14, v11;
	vm6 =	vlt.s32 v15, v12  }
0xab: {  	v16 =	vsel vm4, v3, v16;
	v3 =	vsel vm5, v14, v11;
	v11 =	vsel vm6, v15, v12;
	v12 =	vld [tilespmem:$0xC3F0]  }
0xac: {  	vm10 =	vlt.s32 v13, v4;
	vm5 =	vlt.s32 v3, v17;
	vm6 =	vlt.s32 v11, v18  }
0xad: {  	v13 =	vsel vm10, v13, v4;
	v3 =	vsel vm5, v3, v17;
	v4 =	vsel vm6, v11, v18  }
0xae: {  	vm11 =	vlt.s32 v16, v5;
	vm12 =	vlt.s32 v13, v19;
	vm6 =	vgt.s32 v3, v4  }
0xaf: {  	v14 =	vsel vm11, v16, v5;
	v11 =	vld [tilespmem:s22+$0x50];
	v5 =	vsel vm12, v13, v19;
	v13 =	vsel vm6, v3, v4  }
0xb0: {  	vm4 =	vlt.s32 v14, v12;
	vm5 =	vgt.s32 v13, v5  }
0xb1: {  	v10 =	vsel vm3, v6, v10;
	v6 =	vsel vm4, v14, v12;
	v12 =	vsel vm5, v13, v5  }
0xb2: {  	vm3 =	vlt.s32 v10, v8;
	vm4 =	vgt.s32 v12, v6  }
0xb3: {  	v9 =	vsel vm2, v9, v7;
	v7 =	vsel vm3, v10, v8;
	v10 =	vsel vm4, v12, v6  }
0xb4: {  	vm2 =	vlt.s32 v9, v11;
	vm3 =	vgt.s32 v10, v7  }
0xb5: {  	v8 =	vsel vm2, v9, v11;
	v9 =	vsel vm3, v10, v7  }
0xb6: {  	vm2 =	vgt.s32 v9, v8  }
0xb7: {  	v9 =	vsel vm2, v9, v8  }
0xb8: {  	(v2sf) =	vpush v9, $0x0  }
0xb9: {  	(v2sf) =	vpush v9, $0x1;
	_ =	sdelay $0x1  }
0xba: {  	(v2sf) =	vpush v9, $0x2;
	_ =	sdelay $0x1  }
0xbb: {  	(v2sf) =	vpush v9, $0x3;
	_ =	sdelay $0x1  }
0xbc: {  	(v2sf) =	vpush v9, $0x4;
	_ =	sdelay $0x1  }
0xbd: {  	(v2sf) =	vpush v9, $0x5;
	_ =	sdelay $0x1  }
0xbe: {  	(v2sf) =	vpush v9, $0x6;
	_ =	sdelay $0x1  }
0xbf: {  	(v2sf) =	vpush v9, $0x7;
	_ =	sdelay $0x1  }
0xc0: {  	s0 =	spop (v2sf);
	(v2sf) =	vpush v9, $0x8  }
0xc1: {  	s22 =	spop (v2sf)  }
0xc2: {  	(v2sf) =	vpush v9, $0x9;
	p0 =	sgt.s32 s0, s22  }
0xc3: {  	s22 =	smov.u32 @p0 s0;
	s0 =	spop (v2sf)  }
0xc4: {  	(v2sf) =	vpush v9, $0xA;
	p0 =	sgt.s32 s22, s0  }
0xc5: {  	s0 =	smov.u32 @p0 s22;
	s22 =	spop (v2sf)  }
0xc6: {  	(v2sf) =	vpush v9, $0xB;
	p0 =	sgt.s32 s0, s22  }
0xc7: {  	s22 =	smov.u32 @p0 s0;
	s0 =	spop (v2sf)  }
0xc8: {  	(v2sf) =	vpush v9, $0xC;
	p0 =	sgt.s32 s22, s0  }
0xc9: {  	s0 =	smov.u32 @p0 s22;
	s22 =	spop (v2sf)  }
0xca: {  	(v2sf) =	vpush v9, $0xD;
	p0 =	sgt.s32 s0, s22  }
0xcb: {  	s22 =	smov.u32 @p0 s0;
	s0 =	spop (v2sf)  }
0xcc: {  	(v2sf) =	vpush v9, $0xE;
	p0 =	sgt.s32 s22, s0  }
0xcd: {  	s0 =	smov.u32 @p0 s22;
	s22 =	spop (v2sf)  }
0xce: {  	(v2sf) =	vpush v9, $0xF;
	p0 =	sgt.s32 s0, s22  }
0xcf: {  	s23 =	spop (v2sf);
	s22 =	smov.u32 @p0 s0  }
0xd0: {  	p0 =	sgt.s32 s22, s23  }
0xd1: {  	s0 =	spop (v2sf);
	s23 =	smov.u32 @p0 s22  }
0xd2: {  	p0 =	sgt.s32 s23, s0  }
0xd3: {  	s22 =	spop (v2sf);
	s0 =	smov.u32 @p0 s23  }
0xd4: {  	p0 =	sgt.s32 s0, s22  }
0xd5: {  	s23 =	spop (v2sf);
	s22 =	smov.u32 @p0 s0  }
0xd6: {  	p0 =	sgt.s32 s22, s23  }
0xd7: {  	s0 =	spop (v2sf);
	s23 =	smov.u32 @p0 s22  }
0xd8: {  	p0 =	sgt.s32 s23, s0  }
0xd9: {  	s24 =	spop (v2sf);
	s0 =	smov.u32 @p0 s23  }
0xda: {  	p0 =	sgt.s32 s0, s24  }
0xdb: {  	s22 =	simm.s32 $0x20;
	s25 =	spop (v2sf);
	s24 =	smov.u32 @p0 s0  }
0xdc: {  	v10 =	vld [tilespmem:s22+$0xFFFFFFE0];
	p0 =	sgt.s32 s24, s25  }
0xdd: {  	s23 =	spop (v2sf);
	s25 =	smov.u32 @p0 s24  }
0xde: {  	v12 =	vld [tilespmem:s22+$0xFFFFFFF0];
	p0 =	sgt.s32 s25, s23  }
0xdf: {  	s23 =	smov.u32 @p0 s25  }
0xe0: {  	v13 =	vld [tilespmem:s22+$0x0];
	v9 =	vmov s23  }
0xe1: {  	vm13 =	vle.s32 v10, v9  }
0xe2: {  	v14 =	vld [tilespmem:s22+$0x10];
	v11 =	vsel vm13, $0x1, v0  }
0xe3: {  	vm14 =	vle.s32 v12, v9;
	(xrf0) =	vadd.scan.msk.s32 $0xffff, v11  }
0xe4: {  	v11 =	vsel vm14, $0x1, v0  }
0xe5: {  	vm3 =	vle.s32 v13, v9;
	(xrf0) =	vadd.scan.msk.s32 $0xffff, v11  }
0xe6: {  	v15 =	vsel vm3, $0x1, v0;
	v11 =	vimm.s32 $0x0  }
0xe7: {  	vm2 =	vle.s32 v14, v9;
	vm15 =	vlt.s32 v11, $0x1FBF;
	(xrf0) =	vadd.scan.msk.s32 $0xffff, v15  }
0xe8: {  	v15 =	vsel vm2, $0x1, v0;
	v11 =	vnsel vm15, $0x1FBF, v11  }
0xe9: {  	v58 =	vmpcnt.ones.xlane vm13;
	v11 =	vadd.s32 $0xFFFFFFFF, v11;
	v59, _, _ =	vpop (xrf0);
	(xrf0) =	vadd.scan.msk.s32 $0xffff, v15  }
0xea: {  	v60 =	vmpcnt.ones.xlane vm14;
	v15 =	vadd.s32 v11, v59  }
0xeb: {  	v11 =	vadd.s32 v11, v58;
	v61, _, _ =	vpop (xrf0)  }
0xec: {  	v17 =	vadd.s32 v61, v11;
	v11 =	vadd.s32 v11, v60  }
0xed: {  	v62 =	vmpcnt.ones.xlane vm3;
	v63, _, _ =	vpop (xrf0)  }
0xee: {  	s28 =	simm.s32 $0x0;
	v16 =	vadd.s32 v63, v11  }
0xef: {  	v18 =	vadd.s32 v11, v62;
	[tilespmem:v15+s13+$0x0] =	vst.idx.msk vm13, v10;
	v10 =	vor.u32 s28, v1;
	v11, _, _ =	vpop (xrf0)  }
0xf0: {  	s29 =	simm.s32 $0x10;
	[tilespmem:v15+s14+$0x0] =	vst.idx.msk vm13, v10;
	v11 =	vadd.s32 v11, v18  }
0xf1: {  	v10 =	vor.u32 s29, v1;
	[tilespmem:v17+s13+$0x0] =	vst.idx.msk vm14, v12  }
0xf2: {  	s30 =	simm.s32 $0x20;
	v12 =	vmpcnt.ones.xlane vm2;
	[tilespmem:v17+s14+$0x0] =	vst.idx.msk vm14, v10  }
0xf3: {  	v10 =	vor.u32 s30, v1;
	[tilespmem:v16+s13+$0x0] =	vst.idx.msk vm3, v13  }
0xf4: {  	s31 =	simm.s32 $0x30;
	v12 =	vadd.s32 v12, v18;
	[tilespmem:v16+s14+$0x0] =	vst.idx.msk vm3, v10  }
0xf5: {  	s24 =	simm.s32 $0x70;
	v10 =	vadd.s32 $0x1, v12;
	v12 =	vor.u32 s31, v1;
	[tilespmem:v11+s13+$0x0] =	vst.idx.msk vm2, v14  }
.LBB2_5:
0xf6: {  	p0 =	sne.s32 s24, $0xC3F0  }
0xf7: {  	[tilespmem:v11+s14+$0x0] =	vst.idx.msk vm2, v12;
	s22 =	sadd.s32 $0x40, s22;
	s25 =	smov.u32 s24;
	s24 =	sadd.s32 $0x40, s24  }
0xf8: {  	v11 =	vld [tilespmem:s22+$0xFFFFFFE0];
	_ =	sdelay $0x1  }
0xf9: {  	v12 =	vld [tilespmem:s22+$0xFFFFFFF0];
	_ =	sdelay $0x1  }
0xfa: {  	v13 =	vld [tilespmem:s22+$0x0]  }
0xfb: {  	vm5 =	vle.s32 v11, v9  }
0xfc: {  	v14 =	vld [tilespmem:s22+$0x10];
	v15 =	vsel vm5, $0x1, v0;
	v16 =	vmpcnt.ones.xlane vm5  }
0xfd: {  	vm3 =	vle.s32 v12, v9;
	(xrf0) =	vadd.scan.msk.s32 $0xffff, v15  }
0xfe: {  	v15 =	vsel vm3, $0x1, v0  }
0xff: {  	vm4 =	vle.s32 v13, v9;
	(xrf0) =	vadd.scan.msk.s32 $0xffff, v15  }
0x100: {  	v15 =	vsel vm4, $0x1, v0  }
0x101: {  	vm6 =	vlt.s32 v10, $0x1FBF;
	vm2 =	vle.s32 v14, v9;
	(xrf0) =	vadd.scan.msk.s32 $0xffff, v15  }
0x102: {  	v10 =	vnsel vm6, $0x1FBF, v10;
	v15 =	vsel vm2, $0x1, v0  }
0x103: {  	v10 =	vadd.s32 $0xFFFFFFFF, v10;
	v17, _, _ =	vpop (xrf0);
	(xrf0) =	vadd.scan.msk.s32 $0xffff, v15  }
0x104: {  	v15 =	vadd.s32 v10, v17  }
0x105: {  	v10 =	vadd.s32 v10, v16;
	v16 =	vmpcnt.ones.xlane vm3;
	v17, _, _ =	vpop (xrf0)  }
0x106: {  	v20 =	vmpcnt.ones.xlane vm4;
	v17 =	vadd.s32 v17, v10  }
0x107: {  	v10 =	vadd.s32 v10, v16;
	v16 =	vmpcnt.ones.xlane vm2;
	v19, _, _ =	vpop (xrf0)  }
0x108: {  	s0 =	sadd.s32 $0xFFFFFFD0, s25;
	v19 =	vadd.s32 v19, v10;
	v10 =	vadd.s32 v10, v20  }
0x109: {  	[tilespmem:v15+s13+$0x0] =	vst.idx.msk vm5, v11;
	v11 =	vor.u32 s0, v1;
	v16 =	vadd.s32 v16, v10;
	v18, _, _ =	vpop (xrf0)  }
0x10a: {  	s0 =	sadd.s32 $0xFFFFFFE0, s25;
	[tilespmem:v15+s14+$0x0] =	vst.idx.msk vm5, v11;
	v11 =	vadd.s32 v18, v10;
	v10 =	vadd.s32 $0x1, v16  }
.Ltmp5:
0x10b: {  	[tilespmem:v17+s13+$0x0] =	vst.idx.msk vm3, v12;
	v12 =	vor.u32 s0, v1;
	(pc) =	sbr.rel @p0 .LBB2_5-.Ltmp5, $4  }
0x10c: {  	s0 =	sadd.s32 $0xFFFFFFF0, s25;
	[tilespmem:v17+s14+$0x0] =	vst.idx.msk vm3, v12  }
0x10d: {  	v12 =	vor.u32 s0, v1;
	[tilespmem:v19+s13+$0x0] =	vst.idx.msk vm4, v13  }
0x10e: {  	[tilespmem:v19+s14+$0x0] =	vst.idx.msk vm4, v12  }
0x10f: {  	v12 =	vor.u32 s25, v1;
	[tilespmem:v11+s13+$0x0] =	vst.idx.msk vm2, v14  }
0x110: {  	vm3 =	vlt.s32 v3, v4  }
0x111: {  	v3 =	vsel vm3, v3, v4  }
0x112: {  	vm3 =	vlt.s32 v3, v5  }
0x113: {  	v3 =	vsel vm3, v3, v5  }
0x114: {  	vm3 =	vlt.s32 v3, v6  }
0x115: {  	v3 =	vsel vm3, v3, v6  }
0x116: {  	vm3 =	vlt.s32 v3, v7  }
0x117: {  	v3 =	vsel vm3, v3, v7  }
0x118: {  	vm3 =	vlt.s32 v3, v8  }
0x119: {  	v3 =	vsel vm3, v3, v8  }
0x11a: {  	(v2sf) =	vpush v3, $0x0  }
0x11b: {  	(v2sf) =	vpush v3, $0x1;
	_ =	sdelay $0x1  }
0x11c: {  	(v2sf) =	vpush v3, $0x2;
	_ =	sdelay $0x1  }
0x11d: {  	(v2sf) =	vpush v3, $0x3;
	_ =	sdelay $0x1  }
0x11e: {  	(v2sf) =	vpush v3, $0x4;
	_ =	sdelay $0x1  }
0x11f: {  	(v2sf) =	vpush v3, $0x5;
	_ =	sdelay $0x1  }
0x120: {  	(v2sf) =	vpush v3, $0x6;
	_ =	sdelay $0x1  }
0x121: {  	(v2sf) =	vpush v3, $0x7;
	_ =	sdelay $0x1  }
0x122: {  	(v2sf) =	vpush v3, $0x8;
	s0 =	spop (v2sf)  }
0x123: {  	(v2sf) =	vpush v3, $0x9;
	s22 =	spop (v2sf)  }
0x124: {  	p0 =	slt.s32 s0, s22  }
0x125: {  	(v2sf) =	vpush v3, $0xA;
	s22 =	smov.u32 @p0 s0;
	s0 =	spop (v2sf)  }
0x126: {  	(v2sf) =	vpush v3, $0xB;
	p0 =	slt.s32 s22, s0  }
0x127: {  	s24 =	spop (v2sf);
	(v2sf) =	vpush v3, $0xC;
	s0 =	smov.u32 @p0 s22  }
0x128: {  	(v2sf) =	vpush v3, $0xD;
	p0 =	slt.s32 s0, s24  }
0x129: {  	s24 =	smov.u32 @p0 s0;
	s0 =	spop (v2sf);
	(v2sf) =	vpush v3, $0xE  }
0x12a: {  	s22 =	sor.u32 s3, s21;
	p1 =	slt.s32 s24, s0;
	(v2sf) =	vpush v3, $0xF  }
0x12b: {  	p0 =	seq.s32 s21, $0x7;
	s0 =	smov.u32 @p1 s24;
	s24 =	spop (v2sf);
	(v2sf) =	vpush v10, $0x0  }
0x12c: {  	s25 =	sadd.s32 @!p0 $0x1, s22;
	s29 =	simm.s32 @!p0 $0x400;
	p1 =	slt.s32 s0, s24  }
0x12d: {  	s28 =	sshrl.u32 @!p0 s25, $0x3;
	s26 =	spop (v2sf);
	s24 =	smov.u32 @p1 s0  }
0x12e: {  	s25 =	sshll.u32 @!p0 s25, $0x7;
	s0 =	smul.u32 @!p0 $0x62000, s28;
	p1 =	slt.s32 s24, s26  }
0x12f: {  	s25 =	sand.u32 @!p0 $0x380, s25;
	s28 =	spop (v2sf);
	s26 =	smov.u32 @p1 s24  }
0x130: {  	s30 =	simm.s32 @!p0 $0x0;
	s0 =	sor.u32 @!p0 s25, s0;
	p1 =	slt.s32 s26, s28  }
0x131: {  	s24 =	spop (v2sf);
	s0 =	sshrl.u32 @!p0 s0, $0x3;
	s28 =	smov.u32 @p1 s26  }
0x132: {  	[tilespmem:v11+s14+$0x0] =	vst.idx.msk vm2, v12;
	s25 =	spop (v2sf);
	s0 =	sadd.s32 @!p0 s4, s0;
	s26 =	simm.s32 @!p0 $0x80  }
0x133: {  	[tilespmem:s30], [sflag:$0x3] =	stream.strided.gather @!p0 [hbm4b:s0+s26], $0xC400, s29, s26, $0x38;
	[tilespmem:$0x19480] =	vst v63  }
0x134: {  	s0 =	spop (v2sf);
	p0 =	slt.s32 s28, s24  }
0x135: {  	s24 =	smov.u32 @p0 s28;
	s29 =	spop (v2sf)  }
0x136: {  	p0 =	slt.s32 s24, s25;
	s28 =	spop (v2sf)  }
0x137: {  	s25 =	smov.u32 @p0 s24;
	s30 =	spop (v2sf)  }
0x138: {  	p0 =	slt.s32 s25, s0;
	s31 =	spop (v2sf)  }
0x139: {  	s0 =	smov.u32 @p0 s25;
	s26 =	spop (v2sf)  }
0x13a: {  	p0 =	slt.s32 s0, s29;
	s24 =	spop (v2sf)  }
0x13b: {  	s29 =	smov.u32 @p0 s0;
	p0 =	slt.s32 s24, $0x2000  }
0x13c: {  	s24 =	simm.s32 @!p0 $0x2000;
	p0 =	slt.s32 s29, s28  }
0x13d: {  	s28 =	smov.u32 @p0 s29  }
0x13e: {  	p0 =	slt.s32 s28, s30  }
0x13f: {  	s30 =	smov.u32 @p0 s28  }
0x140: {  	p0 =	slt.s32 s30, s31  }
0x141: {  	v3 =	vadd.s32 s24, v1;
	s29 =	sadd.s32 $0x10, s24;
	s31 =	smov.u32 @p0 s30  }
0x142: {  	v63 =	vadd.s32 s29, v1;
	vm2 =	vlt.s32 v3, $0x1FFF;
	vm3 =	vlt.s32 v3, $0x2000;
	p0 =	slt.s32 s31, s26  }
0x143: {  	v3 =	vnsel vm2, $0x1FFF, v3;
	vm2 =	vlt.s32 v63, $0x1FFF;
	vm4 =	vlt.s32 v63, $0x2000;
	s26 =	smov.u32 @p0 s31  }
0x144: {  	v4 =	vnsel vm2, $0x1FFF, v63;
	p0 =	sge.s32 s26, s23  }
.Ltmp6:
0x145: {  	_ = 	snop;
	(pc) =	sbr.rel @!p0 .LBB2_7-.Ltmp6, $3  }
0x146: {  	_ =	sdelay $0x1  }
0x147: {  	s31 =	sadd.s32 $0x1F, s24;
	[tilespmem:v3+s13+$0x0] =	vst.idx.msk vm3, v2  }
0x148: {  	s25 =	sshra.s32 s31, $0x5;
	[tilespmem:v4+s13+$0x0] =	vst.idx.msk vm4, v2  }
.LBB2_13:
0x149: {  	p0 =	slt.s32 s25, $0x1  }
.Ltmp7:
0x14a: {  	_ = 	snop;
	(pc) =	sbr.rel @p0 .LBB2_14-.Ltmp7, $1  }
0x14b: {  	_ =	sdelay $0x3  }
0x14c: {  	s26 =	simm.s32 $0xC410  }
0x14d: {  	p1 =	sne.s32 s25, $0x1;
	v6 =	vld [tilespmem:s26+$0xFFFFFFF0]  }
.Ltmp8:
0x14e: {  	v5 =	vld [tilespmem:s26+$0x0];
	(pc) =	sbr.rel @!p1 .LBB2_17-.Ltmp8, $4  }
0x14f: {  	_ = 	snop  }
0x150: {  	s0 =	sadd.s32 $0xFFFFFFFF, s23  }
0x151: {  	v3 =	vmov s0  }
0x152: {  	v4 =	vimm.s32 $0x0;
	s0 =	sadd.s32 $0xFFFFFFFF, s25;
	s26 =	simm.s32 $0xC430;
	vm2 =	vle.s32 v6, v3  }
.LBB2_16:
0x153: {  	v6 =	vld [tilespmem:s26+$0xFFFFFFF0];
	p1 =	sne.s32 s0, $0x1;
	s0 =	sadd.s32 $0xFFFFFFFF, s0;
	v7 =	vmpcnt.ones.xlane vm2;
	vm2 =	vle.s32 v5, v3  }
.Ltmp9:
0x154: {  	v5 =	vld [tilespmem:s26+$0x0];
	v8 =	vmpcnt.ones.xlane vm2;
	(pc) =	sbr.rel @p1 .LBB2_16-.Ltmp9, $3  }
0x155: {  	v4 =	vadd.s32 v4, v7  }
0x156: {  	v4 =	vadd.s32 v8, v4;
	_ =	sdelay $0x1  }
0x157: {  	s26 =	sadd.s32 $0x20, s26;
	vm2 =	vle.s32 v6, v3  }
.LBB2_17:
.Ltmp10:
0x158: {  	(pc) =	sbr.rel .LBB2_18-.Ltmp10, $4  }
0x159: {  	v6 =	vmpcnt.ones.xlane vm2;
	vm2 =	vle.s32 v5, v3  }
0x15a: {  	v3 =	vmpcnt.ones.xlane vm2  }
0x15b: {  	v4 =	vadd.s32 v4, v6  }
0x15c: {  	v3 =	vadd.s32 v3, v4  }
.LBB2_8:
0x15d: {  	v3 =	vimm.s32 $0x0  }
.LBB2_12:
0x15e: {  	(v2sf) =	vpush v3, $0x0;
	_ =	sdelay $0xe  }
0x15f: {  	s0 =	spop (v2sf)  }
0x160: {  	p0 =	sgt.s32 s0, $0x5F;
	s0 =	sadd.s32 $0x1, s28  }
0x161: {  	s0 =	smov.u32 @p0 s26;
	s23 =	smov.u32 @p0 s28  }
0x162: {  	p0 =	slt.s32 s0, s23  }
.Ltmp11:
0x163: {  	_ = 	snop;
	(pc) =	sbr.rel @!p0 .LBB2_13-.Ltmp11, $2  }
0x164: {  	_ =	sdelay $0x2  }
0x165: {  	s26 =	smov.u32 s0  }
.LBB2_7:
0x166: {  	p0 =	slt.s32 s25, $0x1  }
.Ltmp12:
0x167: {  	_ = 	snop;
	(pc) =	sbr.rel @p0 .LBB2_8-.Ltmp12, $4  }
0x168: {  	_ = 	snop  }
0x169: {  	s0 =	ssub.s32 s23, s26  }
0x16a: {  	s0 =	sshra.s32 s0, $0x1  }
0x16b: {  	s28 =	sadd.s32 s26, s0  }
0x16c: {  	s29 =	simm.s32 $0xC410  }
0x16d: {  	p0 =	sne.s32 s25, $0x1;
	v6 =	vld [tilespmem:s29+$0xFFFFFFF0]  }
.Ltmp13:
0x16e: {  	v5 =	vld [tilespmem:s29+$0x0];
	(pc) =	sbr.rel @!p0 .LBB2_11-.Ltmp13, $3  }
0x16f: {  	_ =	sdelay $0x1  }
0x170: {  	v3 =	vmov s28  }
0x171: {  	v4 =	vimm.s32 $0x0;
	s0 =	sadd.s32 $0xFFFFFFFF, s25;
	s29 =	simm.s32 $0xC430;
	vm2 =	vle.s32 v6, v3  }
.LBB2_10:
0x172: {  	v6 =	vld [tilespmem:s29+$0xFFFFFFF0];
	p0 =	sne.s32 s0, $0x1;
	s0 =	sadd.s32 $0xFFFFFFFF, s0;
	v7 =	vmpcnt.ones.xlane vm2;
	vm2 =	vle.s32 v5, v3  }
.Ltmp14:
0x173: {  	v5 =	vld [tilespmem:s29+$0x0];
	v8 =	vmpcnt.ones.xlane vm2;
	(pc) =	sbr.rel @p0 .LBB2_10-.Ltmp14, $3  }
0x174: {  	v4 =	vadd.s32 v4, v7  }
0x175: {  	v4 =	vadd.s32 v8, v4;
	_ =	sdelay $0x1  }
0x176: {  	s29 =	sadd.s32 $0x20, s29;
	vm2 =	vle.s32 v6, v3  }
.LBB2_11:
.Ltmp15:
0x177: {  	(pc) =	sbr.rel .LBB2_12-.Ltmp15, $4  }
0x178: {  	v6 =	vmpcnt.ones.xlane vm2;
	vm2 =	vle.s32 v5, v3  }
0x179: {  	v3 =	vmpcnt.ones.xlane vm2  }
0x17a: {  	v4 =	vadd.s32 v4, v6  }
0x17b: {  	v3 =	vadd.s32 v3, v4  }
.LBB2_14:
0x17c: {  	v3 =	vimm.s32 $0x0  }
.LBB2_18:
0x17d: {  	(v2sf) =	vpush v3, $0x0;
	_ =	sdelay $0xc  }
.Ltmp16:
0x17e: {  	_ = 	snop;
	(pc) =	sbr.rel .LBB2_19-.Ltmp16, $4  }
0x17f: {  	_ = 	snop  }
0x180: {  	s0 =	spop (v2sf)  }
0x181: {  	p1 =	seq.s32 s23, $0x80000000;
	s26 =	ssub.s32 $0x60, s0  }
0x182: {  	v3 =	vmov s23;
	s28 =	simm.s32 $0x0;
	s29 =	simm.s32 $0xC400;
	s26 =	simm.s32 @p1 $0x60  }
.LBB2_20:
0x183: {  	v4 =	vimm.s32 $0x0  }
.LBB2_28:
0x184: {  	(v2sf) =	vpush v4, $0x0;
	_ =	sdelay $0xe  }
0x185: {  	s0 =	spop (v2sf)  }
0x186: {  	p1 =	slt.s32 s0, s26;
	s0 =	sadd.s32 $0x1, s23  }
0x187: {  	s28 =	smov.u32 @p1 s0;
	s23 =	smov.u32 @p1 s29  }
0x188: {  	p1 =	slt.s32 s28, s23  }
.Ltmp17:
0x189: {  	_ = 	snop;
	(pc) =	sbr.rel @!p1 .LBB2_29-.Ltmp17, $2  }
0x18a: {  	_ =	sdelay $0x2  }
0x18b: {  	s29 =	smov.u32 s23  }
.LBB2_19:
.Ltmp18:
0x18c: {  	(pc) =	sbr.rel @p0 .LBB2_20-.Ltmp18, $4  }
0x18d: {  	_ = 	snop  }
0x18e: {  	s0 =	ssub.s32 s29, s28  }
0x18f: {  	s0 =	sshra.s32 s0, $0x1  }
0x190: {  	s23 =	sadd.s32 s28, s0  }
0x191: {  	p2 =	sne.s32 s25, $0x1  }
.Ltmp19:
0x192: {  	s0 =	simm.s32 $0xC410;
	(pc) =	sbr.rel @!p2 .LBB2_22-.Ltmp19, $4  }
0x193: {  	v10 =	vld [tilespmem:s0+$0x0]  }
0x194: {  	s30 =	simm.s32 $0xE410;
	v8 =	vld [tilespmem:s0+$0xFFFFFFF0]  }
0x195: {  	v7 =	vld [tilespmem:s30+$0xFFFFFFF0]  }
0x196: {  	v5 =	vmov s23;
	v4 =	vimm.s32 $0x0;
	p1 =	por $0x0, $0x0;
	s0 =	sadd.s32 $0xFFFFFFFF, s25;
	v6 =	vld [tilespmem:s30+$0x0];
	s30 =	simm.s32 $0xC430  }
0x197: {  	_ =	sdelay $0x1  }
0x198: {  	v9 =	vld [tilespmem:s30+$0x0];
	p2 =	sne.s32 s0, $0x1  }
.Ltmp20:
0x199: {  	vm2 =	veq.s32 v8, v3;
	v8 =	vld [tilespmem:s30+$0xFFFFFFF0];
	s30 =	simm.s32 $0xE430;
	vm3 =	vlt.s32 v7, v5;
	(pc) =	sbr.rel @!p2 .LBB2_24-.Ltmp20, $4  }
0x19a: {  	v7 =	vld [tilespmem:s30+$0xFFFFFFF0];
	vm2 =	vmand vm2, vm3;
	vm3 =	veq.s32 v10, v3;
	vm4 =	vlt.s32 v6, v5  }
0x19b: {  	v6 =	vld [tilespmem:s30+$0x0];
	v10 =	vmpcnt.ones.xlane vm2;
	vm2 =	vmand vm3, vm4  }
0x19c: {  	v11 =	vmpcnt.ones.xlane vm2  }
0x19d: {  	s31 =	sadd.s32 $0xFFFFFFFF, s0;
	s0 =	simm.s32 $0xC450;
	p1 =	por $0x1, $0x1;
	v12 =	vadd.s32 v4, v10  }
.LBB2_25:
0x19e: {  	v10 =	vld [tilespmem:s0+$0x0];
	v12 =	vadd.s32 v11, v12;
	p2 =	sne.s32 s31, $0x1  }
.Ltmp21:
0x19f: {  	vm2 =	veq.s32 v8, v3;
	s30 =	sadd.s32 $0x20, s30;
	v8 =	vld [tilespmem:s0+$0xFFFFFFF0];
	vm3 =	vlt.s32 v7, v5;
	(pc) =	sbr.rel @p2 .LBB2_25-.Ltmp21, $4  }
0x1a0: {  	s31 =	sadd.s32 $0xFFFFFFFF, s31;
	v7 =	vld [tilespmem:s30+$0xFFFFFFF0];
	vm2 =	vmand vm2, vm3;
	vm3 =	veq.s32 v9, v3;
	vm4 =	vlt.s32 v6, v5  }
0x1a1: {  	v6 =	vld [tilespmem:s30+$0x0];
	v13 =	vmpcnt.ones.xlane vm2;
	vm2 =	vmand vm3, vm4  }
0x1a2: {  	v11 =	vmpcnt.ones.xlane vm2  }
0x1a3: {  	s0 =	sadd.s32 $0x20, s0;
	v12 =	vadd.s32 v12, v13;
	v9 =	vmov v10  }
0x1a4: {  	v10 =	vmov v9  }
.LBB2_27:
0x1a5: {  	vm2 =	veq.s32 v8, v3;
	vm3 =	vlt.s32 v7, v5  }
.Ltmp22:
0x1a6: {  	vm2 =	vmand vm2, vm3;
	vm3 =	veq.s32 v10, v3;
	vm4 =	vlt.s32 v6, v5;
	(pc) =	sbr.rel .LBB2_28-.Ltmp22, $4  }
0x1a7: {  	v5 =	vadd.s32 @p1 v11, v12;
	v6 =	vmpcnt.ones.xlane vm2;
	vm2 =	vmand vm3, vm4  }
0x1a8: {  	v4 =	vpsel p1, v5, v4;
	v7 =	vmpcnt.ones.xlane vm2  }
0x1a9: {  	v4 =	vadd.s32 v4, v6  }
0x1aa: {  	v4 =	vadd.s32 v7, v4  }
.LBB2_22:
.Ltmp23:
0x1ab: {  	(pc) =	sbr.rel .LBB2_27-.Ltmp23, $2  }
0x1ac: {  	_ =	sdelay $0x2  }
0x1ad: {  	_ = 	snop  }
.LBB2_24:
.Ltmp24:
0x1ae: {  	(pc) =	sbr.rel .LBB2_27-.Ltmp24, $2  }
0x1af: {  	_ =	sdelay $0x2  }
0x1b0: {  	v10 =	vmov v9  }
.LBB2_29:
0x1b1: {  	s0 =	sadd.s32 $0xF, s24  }
0x1b2: {  	s0 =	sshra.s32 s0, $0x4  }
0x1b3: {  	p0 =	slt.s32 s0, $0x1  }
.Ltmp25:
0x1b4: {  	_ = 	snop;
	(pc) =	sbr.rel @p0 .LBB2_33-.Ltmp25, $1  }
0x1b5: {  	_ =	sdelay $0x3  }
0x1b6: {  	s24 =	simm.s32 $0xE400  }
0x1b7: {  	s25 =	simm.s32 $0xC400;
	p0 =	sne.s32 s0, $0x1;
	v4 =	vld [tilespmem:s24+$0x0]  }
.Ltmp26:
0x1b8: {  	v8 =	vld [tilespmem:s25+$0x0];
	(pc) =	sbr.rel @!p0 .LBB2_32-.Ltmp26, $2  }
0x1b9: {  	_ =	sdelay $0x2  }
0x1ba: {  	v6 =	vmov s23;
	v5 =	vimm.s32 $0x0;
	s23 =	sadd.s32 $0xFFFFFFFF, s0;
	v7 =	vimm.s32 $0x0  }
.LBB2_31:
0x1bb: {  	p0 =	sne.s32 s23, $0x1;
	_ =	sdelay $0x3  }
0x1bc: {  	vm2 =	veq.s32 v8, v3;
	vm3 =	vlt.s32 v4, v6  }
0x1bd: {  	vm4 =	vlt.s32 v8, v3;
	vm2 =	vmand vm2, vm3  }
0x1be: {  	vm2 =	vmor vm4, vm2  }
0x1bf: {  	v8 =	vsel vm2, $0x1, v0;
	v9 =	vmpcnt.ones.xlane vm2  }
0x1c0: {  	(xrf0) =	vadd.scan.msk.s32 $0xffff, v8  }
0x1c1: {  	v7 =	vadd.s32 v7, v9;
	_ =	sdelay $0x3  }
0x1c2: {  	v8 =	vsel vm2, $0xFFFFFFFF, v0  }
0x1c3: {  	v8 =	vadd.s32 v8, v5;
	v5 =	vmov v7;
	v9, _, _ =	vpop (xrf0)  }
0x1c4: {  	v8 =	vadd.s32 v9, v8  }
0x1c5: {  	vm3 =	vlt.s32 v8, $0x5F  }
0x1c6: {  	v8 =	vnsel vm3, $0x5F, v8;
	_ =	sdelay $0x2  }
.Ltmp27:
0x1c7: {  	(pc) =	sbr.rel @p0 .LBB2_31-.Ltmp27, $4  }
0x1c8: {  	_ = 	snop  }
0x1c9: {  	s24 =	sadd.s32 $0x10, s24;
	[tilespmem:v8+s15+$0x0] =	vst.idx.msk vm2, v4  }
0x1ca: {  	s25 =	sadd.s32 $0x10, s25;
	v4 =	vld [tilespmem:s24+$0x0]  }
0x1cb: {  	s23 =	sadd.s32 $0xFFFFFFFF, s23;
	v8 =	vld [tilespmem:s25+$0x0]  }
.Ltmp28:
0x1cc: {  	_ = 	snop;
	(pc) =	sbr.rel .LBB2_32-.Ltmp28, $1  }
0x1cd: {  	_ =	sdelay $0x3  }
.LBB2_35:
0x1ce: {  	_ =	sfence.sel $0x180000  }
0x1cf: {  	[bflag:$0x0] =	sbarrier.arrive $0xFFFF  }
0x1d0: {  	_ =	strace $0x9000004A  }
0x1d1: {  	s0 =	stileid.u32;
	[bflag:$0x2] =	sbarrier.arrive $0xFFFF  }
0x1d2: {  	p0 =	sne.s32 s0, $0x0;
	s0 =	rddreg [dreg:$0x1]  }
0x1d3: {  	s0 =	sadd.s32 @!p0 $0x100000, s0  }
0x1d4: {  	[sflag:s0] =	ssyncadd.tile.s32 @!p0 $0x1;
	_ =	shalt  }
.Lfunc_end2:
_tile_overlayer_lowered:
.L_overlay_start_2:
0x1d5: {  	(tag) =	ssettag $0x2  }
0x1d6: {  	s0 =	rddreg [dreg:$0x0];
	s2 =	stileid.u32  }
0x1d7: {  	s1 =	rddreg [dreg:$0x1];
	p0 =	sne.s32 s2, $0x0  }
0x1d8: {  	s3 =	rddreg [dreg:$0x2];
	[bflag:$0x3] =	sbarrier.arrive $0xFFFF;
	s2 =	simm.s32 @!p0 $0x1C04  }
0x1d9: {  	[timem:s3], [sflag:s2] =	dma.local @!p0 [hbm:s0], s1  }
0x1da: {  	s0 =	simm.s32 @!p0 $0x4  }
0x1db: {  	_ =	swait.ge @!p0 [sflag:s0], s1  }
0x1dc: {  	s1 =	ssub.s32 @!p0 $0x0, s1;
	[sflag:s0] =	ssyncset.done @!p0 $0x0  }
0x1dd: {  	[sflag:s0] =	ssyncadd.s32 @!p0 s1  }
0x1de: {  	[bflag:$0x3] =	sbarrier.arrive $0xFFFF  }
0x1df: {  	_ =	shalt  }

// kernel: kernel.22.cloned.1.call-start
scs
__scs_entry_jumppad:
0x0: {  	(pc) =	sbr.rel $0x88, $3  }
0x1: {  	(tag) =	ssettag $0x0;
	lr =	simm.s32 $0x1  }
0x2: {  	[smem:$0x3F85] =	sst lr;
	_ =	strace $0xD0000000  }
0x3: {  	_ = 	snop  }
0x4: {  	_ = 	snop  }
0x5: {  	_ = 	snop  }
0x6: {  	_ = 	snop  }
0x7: {  	_ = 	snop  }
__scs_overlays_trampoline_lowered:
0x8: {  	[smem:$0x3F94] =	sst s0  }
0x9: {  	[smem:$0x3F95] =	sst s1  }
0xa: {  	[smem:$0x3F96] =	sst s2  }
0xb: {  	[smem:$0x3F97] =	sst s3  }
0xc: {  	[smem:$0x3F98] =	sst s4  }
0xd: {  	[smem:$0x3F99] =	sst s5  }
0xe: {  	[smem:$0x3F9A] =	sst s6  }
0xf: {  	[smem:$0x3F9B] =	sst s7  }
0x10: {  	[smem:$0x3F9C] =	sst s8  }
0x11: {  	[smem:$0x3F9D] =	sst s9;
	s0 =	simm.s32 @!p0 $0x0  }
0x12: {  	s1 =	sld [smem:$0x3F83];
	s0 =	simm.s32 @p0 $0x1  }
0x13: {  	[smem:$0x3F9E] =	sst s0;
	s0 =	simm.s32 @!p1 $0x0  }
0x14: {  	s2 =	sld [smem:$0x3F82];
	s0 =	simm.s32 @p1 $0x1  }
0x15: {  	[smem:$0x3F9F] =	sst s0;
	s0 =	simm.s32 @!p2 $0x0  }
0x16: {  	s3 =	sld [smem:$0x3FDB];
	s0 =	simm.s32 @p2 $0x1  }
0x17: {  	s4 =	simm.s32 $0x1BF5;
	[smem:$0x3FA1] =	sst s0  }
0x18: {  	s0 =	sld [smem:$0x3F84];
	_ =	swait.ge [sflag:s4], $0x0  }
0x19: {  	s7 =	sld [smem:$0x3F85]  }
0x1a: {  	s8 =	sadd.s32 $0xFFFFE003, lr  }
0x1b: {  	s9 =	sadd.s32 $0xFFFFFEF7, lr;
	s5 =	simm.s32 $0xFFFFFFFF;
	p2 =	slt.u32 s8, $0xFFFFF086  }
0x1c: {  	p1 =	slt.u32 s9, $0xF7A;
	s5 =	simm.s32 @!p2 $0x0  }
0x1d: {  	s5 =	simm.s32 @p1 $0x1;
	p0 =	seq.s32 s7, s2  }
0x1e: {  	s7 =	smul.u32 @!p0 $0xF7A, s2;
	p2 =	seq.s32 @!p0 s5, $0x0  }
0x1f: {  	s9 =	smul.u32 $0xF7A, s1;
	s8 =	simm.s32 @!p0 $0x1BF5;
	p2 =	por !p2, p0  }
0x20: {  	[sflag:s8] =	ssyncset.s32 @!p0 $0xFFFFF086;
	s6 =	sadd.s32 @!p0 s3, s7;
	s7 =	simm.s32 @!p0 $0x108  }
0x21: {  	s3 =	sadd.s32 s3, s9;
	s6 =	sadd.s32 @!p0 $0x88, s6;
	s7 =	simm.s32 @p2 $0x1082  }
0x22: {  	[simem:s7], [sflag:s8] =	dma.local @!p0 [hbm:s6], $0xF7A  }
0x23: {  	s9 =	sor.u32 $0xD0000000, s2;
	s6 =	simm.s32 $0x108;
	_ =	swait.ge @!p0 [sflag:s8], $0x0  }
0x24: {  	s3 =	sadd.s32 $0x88, s3;
	s6 =	simm.s32 @!p1 $0x1082;
	[sflag:s4] =	ssyncset.s32 $0xFFFFF086  }
0x25: {  	[simem:s6], [sflag:s4] =	dma.local [hbm:s3], $0xF7A  }
0x26: {  	[smem:$0x3F85] =	sst s1;
	(tag) =	ssettag s2;
	_ =	strace s9  }
0x27: {  	s1 =	sld [smem:$0x3F95]  }
0x28: {  	s2 =	sld [smem:$0x3F96]  }
0x29: {  	s4 =	sld [smem:$0x3F98]  }
0x2a: {  	p0 =	seq.s32 s5, $0x0;
	s5 =	sld [smem:$0x3F99]  }
0x2b: {  	s6 =	sld [smem:$0x3F9A]  }
0x2c: {  	s7 =	sld [smem:$0x3F9B]  }
0x2d: {  	s3 =	simm.s32 $0x108;
	s8 =	sld [smem:$0x3F9C]  }
0x2e: {  	s3 =	simm.s32 @!p0 $0x1082;
	s9 =	sld [smem:$0x3F9D]  }
0x2f: {  	lr =	sadd.s32 s0, s3;
	s0 =	sld [smem:$0x3F94]  }
0x30: {  	s3 =	sld [smem:$0x3F97]  }
0x31: {  	[smem:$0x3FA0] =	sst s10  }
0x32: {  	s10 =	sld [smem:$0x3F9E];
	_ =	sdelay $0x3  }
0x33: {  	p0 =	seq.s32 s10, $0x1;
	s10 =	sld [smem:$0x3FA0];
	_ =	sdelay $0x3  }
0x34: {  	[smem:$0x3FA0] =	sst s10  }
0x35: {  	s10 =	sld [smem:$0x3F9F];
	_ =	sdelay $0x3  }
0x36: {  	p1 =	seq.s32 s10, $0x1;
	s10 =	sld [smem:$0x3FA0];
	_ =	sdelay $0x3  }
0x37: {  	[smem:$0x3FA0] =	sst s10  }
0x38: {  	s10 =	sld [smem:$0x3FA1]  }
0x39: {  	_ = 	snop;
	(pc) =	sbr.ind lr, $3  }
0x3a: {  	_ = 	snop  }
0x3b: {  	_ = 	snop  }
0x3c: {  	p2 =	seq.s32 s10, $0x1;
	s10 =	sld [smem:$0x3FA0]  }
0x3d: {  	_ =	shalt  }
0x3e: {  	_ =	shalt  }
0x3f: {  	_ =	shalt  }
0x40: {  	_ =	shalt  }
0x41: {  	_ =	shalt  }
0x42: {  	_ =	shalt  }
0x43: {  	_ =	shalt  }
0x44: {  	_ =	shalt  }
0x45: {  	_ =	shalt  }
0x46: {  	_ =	shalt  }
0x47: {  	_ =	shalt  }
0x48: {  	_ =	shalt  }
0x49: {  	_ =	shalt  }
0x4a: {  	_ =	shalt  }
0x4b: {  	_ =	shalt  }
0x4c: {  	_ =	shalt  }
0x4d: {  	_ =	shalt  }
0x4e: {  	_ =	shalt  }
0x4f: {  	_ =	shalt  }
0x50: {  	_ =	shalt  }
0x51: {  	_ =	shalt  }
0x52: {  	_ =	shalt  }
0x53: {  	_ =	shalt  }
0x54: {  	_ =	shalt  }
0x55: {  	_ =	shalt  }
0x56: {  	_ =	shalt  }
0x57: {  	_ =	shalt  }
0x58: {  	_ =	shalt  }
0x59: {  	_ =	shalt  }
0x5a: {  	_ =	shalt  }
0x5b: {  	_ =	shalt  }
0x5c: {  	_ =	shalt  }
0x5d: {  	_ =	shalt  }
0x5e: {  	_ =	shalt  }
0x5f: {  	_ =	shalt  }
0x60: {  	_ =	shalt  }
0x61: {  	_ =	shalt  }
0x62: {  	_ =	shalt  }
0x63: {  	_ =	shalt  }
0x64: {  	_ =	shalt  }
0x65: {  	_ =	shalt  }
0x66: {  	_ =	shalt  }
0x67: {  	_ =	shalt  }
0x68: {  	_ =	shalt  }
0x69: {  	_ =	shalt  }
0x6a: {  	_ =	shalt  }
0x6b: {  	_ =	shalt  }
0x6c: {  	_ =	shalt  }
0x6d: {  	_ =	shalt  }
0x6e: {  	_ =	shalt  }
0x6f: {  	_ =	shalt  }
0x70: {  	_ =	shalt  }
0x71: {  	_ =	shalt  }
0x72: {  	_ =	shalt  }
0x73: {  	_ =	shalt  }
0x74: {  	_ =	shalt  }
0x75: {  	_ =	shalt  }
0x76: {  	_ =	shalt  }
0x77: {  	_ =	shalt  }
0x78: {  	_ =	shalt  }
0x79: {  	_ =	shalt  }
0x7a: {  	_ =	shalt  }
0x7b: {  	_ =	shalt  }
0x7c: {  	_ =	shalt  }
0x7d: {  	_ =	shalt  }
0x7e: {  	_ =	shalt  }
0x7f: {  	_ =	shalt  }
0x80: {  	_ =	shalt  }
0x81: {  	_ =	shalt  }
0x82: {  	_ =	shalt  }
0x83: {  	_ =	shalt  }
0x84: {  	_ =	shalt  }
0x85: {  	_ =	shalt  }
0x86: {  	_ =	shalt  }
0x87: {  	_ =	shalt  }
.Lfunc_end0:
.L_simem_size_0:
called_computation.2_lowered:
.L_overlay_start_0:
0x88: {  	s2 =	sld [smem:$0x3FD9]  }
0x89: {  	s3 =	sld [smem:$0x3FFE];
	_ =	sdelay $0x1  }
0x8a: {  	s1 =	srdreg.scid  }
0x8b: {  	s0 =	sand.u32 $0x1, s1  }
0x8c: {  	s17 =	sshll.u32 s0, $0xA;
	s2 =	sadd.s32 s3, s2  }
0x8d: {  	s2 =	sadd.s32 s2, s17  }
0x8e: {  	[smem:$0x3FAC] =	sst s2  }
0x8f: {  	_ = 	snop  }
0x90: {  	(tm) =	ssettm $0x1  }
0x91: {  	s18 =	sld [smem:$0x3FFB];
	_ =	sdelay $0x3  }
0x92: {  	_ =	strace s18  }
0x93: {  	s2 =	sld [smem:$0x3FFC];
	_ =	sdelay $0x3  }
0x94: {  	_ =	strace s2  }
0x95: {  	s2 =	sld [smem:$0x3FFD];
	_ =	sdelay $0x3  }
0x96: {  	_ =	strace s2  }
0x97: {  	_ =	strace $0x8FFFFFFF  }
0x98: {  	s19 =	sld [smem:$0x3FDB];
	_ =	sdelay $0x1  }
0x99: {  	s20 =	simm.s32 $_scs_section_size  }
0x9a: {  	s4 =	simm.s32 $_size__tile_overlayer_lowered;
	s5 =	simm.s32 $_tile_overlayer_lowered  }
0x9b: {  	s6 =	simm.s32 $0x1BFF;
	s21 =	sshll.u32 s5, $0x1;
	s3 =	sadd.s32 s20, s19  }
0x9c: {  	s22 =	simm.s32 $0x0;
	s4 =	sshll.u32 s4, $0x1;
	s5 =	sadd.s32 s21, s3  }
0x9d: {  	[timem:s22], [sflag:s6] =	dma.local [hbm:s5], s4  }
0x9e: {  	_ =	swait.ge [sflag:s6], s4  }
0x9f: {  	s4 =	ssub.s32 $0x0, s4;
	[sflag:s6] =	ssyncset.done $0x0  }
0xa0: {  	[sflag:s6] =	ssyncadd.s32 s4;
	_ =	sdelay $0x1  }
0xa1: {  	s23 =	simm.s32 $0x1B8B  }
0xa2: {  	_ =	swait.ge [sflag:s23], $0x1  }
0xa3: {  	[sflag:s23] =	ssyncset.done $0x0  }
0xa4: {  	[sflag:s23] =	ssyncadd.s32 $0xFFFFFFFF  }
0xa5: {  	s4 =	sld [smem:$0x0]  }
0xa6: {  	s5 =	sand.u32 $0xFFFFFFFE, s1  }
0xa7: {  	p0 =	sne.s32 s1, s5  }
0xa8: {  	s5 =	sshll.u32 @p0 s5, $0xE  }
0xa9: {  	s5 =	sadd.s32 @p0 $0x11B8D, s5;
	s6 =	sshll.u32 @p0 s4, $0x11  }
0xaa: {  	s5 =	sor.u32 @p0 s6, s5  }
0xab: {  	[sflag:s5] =	ssyncadd.remote.s32 @p0 $0x1;
	_ =	sdelay $0x1  }
0xac: {  	s5 =	simm.s32 @p0 $0x1B8D  }
0xad: {  	_ =	swait.eq @p0 [sflag:s5], $0x1  }
0xae: {  	[sflag:s5] =	ssyncadd.s32 @p0 $0xFFFFFFFF  }
0xaf: {  	s6 =	sshll.u32 @!p0 s1, $0xE  }
0xb0: {  	s6 =	sor.u32 @!p0 $0x4000, s6;
	s5 =	simm.s32 @!p0 $0x1B8D  }
0xb1: {  	s4 =	sshll.u32 @!p0 s4, $0x11;
	s6 =	sadd.s32 @!p0 $0x11B8D, s6;
	_ =	swait.eq @!p0 [sflag:s5], $0x1  }
0xb2: {  	s4 =	sor.u32 @!p0 s4, s6;
	[sflag:s5] =	ssyncadd.s32 @!p0 $0xFFFFFFFF  }
0xb3: {  	s25 =	simm.s32 $0x1B8E;
	s24 =	sld [smem:$0x3FFE];
	[sflag:s4] =	ssyncadd.remote.s32 @!p0 $0x1  }
0xb4: {  	s26 =	simm.s32 $execute0_lowered;
	[smem:$0x3FD2] =	sst s25  }
0xb5: {  	s5 =	sshll.u32 s26, $0x1;
	_ =	strace $0x8000004C;
	[dreg:$0x1] =	wrdreg $0xFFFFFFFF  }
0xb6: {  	s28 =	simm.s32 $_size_execute0_lowered;
	s3 =	sadd.s32 s3, s5;
	[dreg:$0x0] =	wrdreg $0x0  }
0xb7: {  	s5 =	sshll.u32 s28, $0x1;
	[dreg:$0x2] =	wrdreg s3  }
0xb8: {  	[dreg:$0x3] =	wrdreg s5  }
0xb9: {  	[dreg:$0x4] =	wrdreg $0xC0  }
0xba: {  	_ =	task [dreg:s22], $0x5FFFF  }
0xbb: {  	[dreg:$0x1] =	wrdreg $0xFFFFFFFF  }
0xbc: {  	[dreg:$0x0] =	wrdreg $0x60  }
0xbd: {  	[dreg:$0x2] =	wrdreg s24  }
0xbe: {  	[dreg:$0x3] =	wrdreg $0xB  }
0xbf: {  	_ =	task.clear_ibuf [dreg:s22], $0x4FFFF;
	_ =	strace $0x9000004C  }
0xc0: {  	s29 =	simm.s32 $0xB;
	_ =	strace $0x8000004E  }
0xc1: {  	_ =	swait.ge [sflag:s29], $0x1  }
0xc2: {  	[sflag:s29] =	ssyncadd.s32 $0xFFFFFFFF  }
0xc3: {  	_ =	strace $0x9000004E  }
0xc4: {  	_ =	sfence  }
0xc5: {  	s30 =	sld [smem:$0x0];
	_ =	sdelay $0x2  }
0xc6: {  	s31 =	sshll.u32 s1, $0xD;
	s1 =	sshrl.u32 s1, $0x2  }
0xc7: {  	s4 =	sand.u32 $0x4000, s31;
	s1 =	sadd.s32 s1, s30  }
0xc8: {  	s0 =	sor.u32 s4, s0;
	s1 =	sshll.u32 s1, $0x11  }
0xc9: {  	s0 =	sor.u32 s1, s0  }
0xca: {  	s0 =	sadd.s32 $0x8F2B, s0  }
0xcb: {  	[sflag:s0] =	ssyncadd.remote.s32 $0x1  }
0xcc: {  	_ =	sfence.sel $0xFFFF  }
0xcd: {  	[dreg:$0x0] =	wrdreg $0xFFFFFFFF;
	(pc) =	sbr.abs _section_cstart, $3  }
0xce: {  	[dreg:$0x1] =	wrdreg $0xFFFFFFFF  }
0xcf: {  	_ =	task.clear_ibuf [dreg:s22], $0x2FFFF;
	_ =	strace $0x9FFFFFFF  }
0xd0: {  	(tm) =	ssettm $0x7FFFFFFF  }
0xd1: {  	_ =	shalt  }
tec
execute0_lowered:
.L_overlay_start_1:
0x0: {  	(tag) =	ssettag $0x1  }
0x1: {  	s0 =	rddreg [dreg:$0x0]  }
0x2: {  	s1 =	srdreg.scid;
	s3 =	stileid.u32  }
0x3: {  	s2 =	simm.s32 $0x0;
	s12 =	simm.s32 $0x3;
	s13 =	simm.s32 $0xC400  }
0x4: {  	s14 =	simm.s32 $0xE400;
	s15 =	simm.s32 $0x10400;
	s16 =	simm.s32 $0x10480  }
0x5: {  	s10 =	simm.s32 $0x16C80;
	s11 =	simm.s32 $0x17080;
	s9 =	simm.s32 $0x17C80  }
0x6: {  	s17 =	simm.s32 $0x18480;
	s18 =	simm.s32 $0x18880;
	s19 =	simm.s32 $0x19080  }
0x7: {  	s20 =	simm.s32 $0x1;
	s22 =	simm.s32 $0x0;
	s1 =	sand.u32 $0x1, s1  }
0x8: {  	s3 =	sshll.u32 s3, $0x4;
	[smem:$0x7FF] =	sst s2;
	s4 =	sshll.u32 s1, $0x3  }
0x9: {  	s6 =	sadd.s32 $0xAC0800, s0;
	s1 =	ssub.s32 $0x2, s1;
	s3 =	sor.u32 s4, s3  }
.Ltmp0:
0xa: {  	s7 =	sshrl.u32 s1, $0x1;
	s5 =	sshrl.u32 s3, $0x3;
	(pc) =	sbr.rel .LBB2_1-.Ltmp0, $4  }
0xb: {  	_ =	strace $0x8000004D;
	s1 =	ssub.s32 s1, s7;
	s8 =	smul.u32 $0xC400, s5  }
0xc: {  	s4 =	sadd.s32 $0x938800, s0;
	s7 =	simm.s32 $0x17880;
	s31 =	smax.u32 s1, $0x1  }
0xd: {  	v0 =	vimm.s32 $0x0;
	v1 =	vlaneseq.u32;
	s5 =	sadd.s32 $0x19C800, s0;
	[dreg:$0x3] =	wrdreg s31;
	s30 =	sadd.s32 s4, s8  }
0xe: {  	v2 =	vimm.s32 $0x7FFFFFFF;
	vm0 =	vmmov $0xffff;
	vm1 =	vmmov $0xff;
	s1 =	simm.s32 $0x16480;
	s8 =	sadd.s32 $0x19C900, s0;
	[dreg:$0x2] =	wrdreg s30  }
.LBB2_34:
0xf: {  	s21 =	simm.s32 $0x2  }
0x10: {  	_ =	swait.ge [sflag:s21], $0x9000  }
0x11: {  	s22 =	rddreg [dreg:$0x4]  }
0x12: {  	s0 =	rddreg [dreg:$0x3];
	s22 =	sadd.s32 $0x1, s22  }
0x13: {  	p0 =	sne.s32 s22, s0  }
.Ltmp1:
0x14: {  	_ = 	snop;
	(pc) =	sbr.rel @!p0 .LBB2_35-.Ltmp1, $3  }
0x15: {  	_ =	sdelay $0x1  }
0x16: {  	[sflag:s21] =	ssyncset.done $0x0  }
0x17: {  	[sflag:s21] =	ssyncadd.s32 $0xFFFF7000  }
.LBB2_1:
.Ltmp2:
0x18: {  	(pc) =	sbr.rel .LBB2_2-.Ltmp2, $4  }
0x19: {  	_ = 	snop  }
0x1a: {  	s0 =	rddreg [dreg:$0x2];
	s21 =	simm.s32 $0x80;
	s31 =	simm.s32 $0x400  }
0x1b: {  	[tilespmem:s2], [sflag:$0x3] =	stream.strided.gather [hbm4b:s0+s21], $0xC400, s31, s21, $0x38;
	[tilespmem:$0x19480] =	vst v63  }
0x1c: {  	[dreg:$0x4] =	wrdreg s22;
	s21 =	simm.s32 $0x0  }
.LBB2_32:
0x1d: {  	vm2 =	veq.s32 v8, v3;
	vm3 =	vlt.s32 v4, v6  }
0x1e: {  	vm4 =	vlt.s32 v8, v3;
	vm2 =	vmand vm2, vm3  }
0x1f: {  	vm2 =	vmor vm4, vm2  }
0x20: {  	v3 =	vsel vm2, $0x1, v0  }
0x21: {  	(xrf0) =	vadd.scan.msk.s32 $0xffff, v3;
	_ =	sdelay $0x4  }
0x22: {  	v3 =	vsel vm2, $0xFFFFFFFF, v0  }
0x23: {  	v3 =	vadd.s32 v3, v5;
	v63, _, _ =	vpop (xrf0)  }
0x24: {  	v3 =	vadd.s32 v63, v3  }
0x25: {  	vm3 =	vlt.s32 v3, $0x5F  }
0x26: {  	v3 =	vnsel vm3, $0x5F, v3;
	_ =	sdelay $0x4  }
0x27: {  	[tilespmem:v3+s15+$0x0] =	vst.idx.msk vm2, v4  }
.LBB2_33:
0x28: {  	p0 =	seq.s32 s21, $0x0  }
0x29: {  	s0 =	simm.s32 @!p0 $0x2  }
0x2a: {  	_ =	swait.ge @!p0 [sflag:s0], $0x9000  }
0x2b: {  	[sflag:s0] =	ssyncset.done @!p0 $0x0  }
0x2c: {  	[sflag:s0] =	ssyncadd.s32 @!p0 $0xFFFF7000  }
0x2d: {  	v3 =	vld [tilespmem:$0x10400];
	_ =	sdelay $0x4  }
0x2e: {  	v4 =	vshrl.u32 v3, $0x3  }
0x2f: {  	v4 =	vmul.u32 $0x18, v4  }
0x30: {  	v3 =	vand.u32 $0x7, v3  }
0x31: {  	v58 =	vand.u32 $0x7, v1;
	v5 =	vshrl.u32 v1, $0x3;
	v3 =	vor.u32 v3, v4  }
0x32: {  	v5 =	vmul.u32 $0x8, v5;
	v6 =	vperm.xlane v3, v58;
	_ =	sdelay $0x1  }
0x33: {  	v6 =	vadd.s32 v5, v6  }
0x34: {  	v7 =	vor.u32 $0x8, v1  }
0x35: {  	v3 =	vperm.xlane v3, v7;
	_ =	sdelay $0x1  }
0x36: {  	v3 =	vadd.s32 v5, v3  }
0x37: {  	[tilespmem:s16], [sflag:$0x1] =	stream.indirect_vreg.gather [hbm4b:s5+s2], $0x80, v6, vm0, $0xb8;
	[tilespmem:$0x19480] =	vst v63  }
0x38: {  	s23 =	simm.s32 $0x10C80  }
0x39: {  	[tilespmem:s23], [sflag:$0x1] =	stream.indirect_vreg.gather [hbm4b:s8+s2], $0x80, v6, vm1, $0xb8;
	[tilespmem:$0x19480] =	vst v63  }
0x3a: {  	s24 =	simm.s32 $0x11080  }
0x3b: {  	[tilespmem:s24], [sflag:$0x1] =	stream.indirect_vreg.gather [hbm4b:s5+s2], $0x80, v3, vm0, $0xb8;
	[tilespmem:$0x19480] =	vst v63  }
0x3c: {  	s25 =	simm.s32 $0x11880  }
0x3d: {  	[tilespmem:s25], [sflag:$0x1] =	stream.indirect_vreg.gather [hbm4b:s8+s2], $0x80, v3, vm1, $0xb8;
	[tilespmem:$0x19480] =	vst v63  }
0x3e: {  	v3 =	vld [tilespmem:$0x10410];
	_ =	sdelay $0x4  }
0x3f: {  	v59 =	vshrl.u32 v3, $0x3  }
0x40: {  	v6 =	vmul.u32 $0x18, v59  }
0x41: {  	v3 =	vand.u32 $0x7, v3  }
0x42: {  	v3 =	vor.u32 v3, v6  }
0x43: {  	v6 =	vperm.xlane v3, v58;
	_ =	sdelay $0x1  }
0x44: {  	v6 =	vadd.s32 v5, v6;
	_ =	sdelay $0x1  }
0x45: {  	v3 =	vperm.xlane v3, v7;
	_ =	sdelay $0x1  }
0x46: {  	s26 =	simm.s32 $0x11C80;
	v3 =	vadd.s32 v5, v3  }
0x47: {  	[tilespmem:s26], [sflag:$0x1] =	stream.indirect_vreg.gather [hbm4b:s5+s2], $0x80, v6, vm0, $0xb8;
	[tilespmem:$0x19480] =	vst v63  }
0x48: {  	s28 =	simm.s32 $0x12480  }
0x49: {  	[tilespmem:s28], [sflag:$0x1] =	stream.indirect_vreg.gather [hbm4b:s8+s2], $0x80, v6, vm1, $0xb8;
	[tilespmem:$0x19480] =	vst v63  }
0x4a: {  	s29 =	simm.s32 $0x12880  }
0x4b: {  	[tilespmem:s29], [sflag:$0x1] =	stream.indirect_vreg.gather [hbm4b:s5+s2], $0x80, v3, vm0, $0xb8;
	[tilespmem:$0x19480] =	vst v63  }
0x4c: {  	s30 =	simm.s32 $0x13080  }
0x4d: {  	[tilespmem:s30], [sflag:$0x1] =	stream.indirect_vreg.gather [hbm4b:s8+s2], $0x80, v3, vm1, $0xb8;
	[tilespmem:$0x19480] =	vst v63  }
0x4e: {  	v3 =	vld [tilespmem:$0x10420];
	_ =	sdelay $0x4  }
0x4f: {  	v60 =	vshrl.u32 v3, $0x3  }
0x50: {  	v6 =	vmul.u32 $0x18, v60  }
0x51: {  	v3 =	vand.u32 $0x7, v3  }
0x52: {  	v3 =	vor.u32 v3, v6  }
0x53: {  	v6 =	vperm.xlane v3, v58;
	_ =	sdelay $0x1  }
0x54: {  	v6 =	vadd.s32 v5, v6;
	_ =	sdelay $0x1  }
0x55: {  	v3 =	vperm.xlane v3, v7;
	_ =	sdelay $0x1  }
0x56: {  	s31 =	simm.s32 $0x13480;
	v3 =	vadd.s32 v5, v3  }
0x57: {  	[tilespmem:s31], [sflag:$0x1] =	stream.indirect_vreg.gather [hbm4b:s5+s2], $0x80, v6, vm0, $0xb8;
	[tilespmem:$0x19480] =	vst v63  }
0x58: {  	s23 =	simm.s32 $0x13C80  }
0x59: {  	[tilespmem:s23], [sflag:$0x1] =	stream.indirect_vreg.gather [hbm4b:s8+s2], $0x80, v6, vm1, $0xb8;
	[tilespmem:$0x19480] =	vst v63  }
0x5a: {  	s24 =	simm.s32 $0x14080  }
0x5b: {  	[tilespmem:s24], [sflag:$0x1] =	stream.indirect_vreg.gather [hbm4b:s5+s2], $0x80, v3, vm0, $0xb8;
	[tilespmem:$0x19480] =	vst v63  }
0x5c: {  	s25 =	simm.s32 $0x14880  }
0x5d: {  	[tilespmem:s25], [sflag:$0x1] =	stream.indirect_vreg.gather [hbm4b:s8+s2], $0x80, v3, vm1, $0xb8;
	[tilespmem:$0x19480] =	vst v63  }
0x5e: {  	v3 =	vld [tilespmem:$0x10430];
	_ =	sdelay $0x4  }
0x5f: {  	v61 =	vshrl.u32 v3, $0x3  }
0x60: {  	v6 =	vmul.u32 $0x18, v61  }
0x61: {  	v3 =	vand.u32 $0x7, v3  }
0x62: {  	v3 =	vor.u32 v3, v6  }
0x63: {  	v6 =	vperm.xlane v3, v58;
	_ =	sdelay $0x1  }
0x64: {  	v6 =	vadd.s32 v5, v6;
	_ =	sdelay $0x1  }
0x65: {  	v3 =	vperm.xlane v3, v7;
	_ =	sdelay $0x1  }
0x66: {  	s26 =	simm.s32 $0x14C80;
	v3 =	vadd.s32 v5, v3  }
0x67: {  	[tilespmem:s26], [sflag:$0x1] =	stream.indirect_vreg.gather [hbm4b:s5+s2], $0x80, v6, vm0, $0xb8;
	[tilespmem:$0x19480] =	vst v63  }
0x68: {  	s28 =	simm.s32 $0x15480  }
0x69: {  	[tilespmem:s28], [sflag:$0x1] =	stream.indirect_vreg.gather [hbm4b:s8+s2], $0x80, v6, vm1, $0xb8;
	[tilespmem:$0x19480] =	vst v63  }
0x6a: {  	s29 =	simm.s32 $0x15880  }
0x6b: {  	[tilespmem:s29], [sflag:$0x1] =	stream.indirect_vreg.gather [hbm4b:s5+s2], $0x80, v3, vm0, $0xb8;
	[tilespmem:$0x19480] =	vst v63  }
0x6c: {  	s30 =	simm.s32 $0x16080  }
0x6d: {  	[tilespmem:s30], [sflag:$0x1] =	stream.indirect_vreg.gather [hbm4b:s8+s2], $0x80, v3, vm1, $0xb8;
	[tilespmem:$0x19480] =	vst v63  }
0x6e: {  	v3 =	vld [tilespmem:$0x10440];
	_ =	sdelay $0x4  }
0x6f: {  	v62 =	vshrl.u32 v3, $0x3  }
0x70: {  	v6 =	vmul.u32 $0x18, v62  }
0x71: {  	v3 =	vand.u32 $0x7, v3  }
0x72: {  	v3 =	vor.u32 v3, v6  }
0x73: {  	v6 =	vperm.xlane v3, v58;
	_ =	sdelay $0x1  }
0x74: {  	v6 =	vadd.s32 v5, v6;
	_ =	sdelay $0x1  }
0x75: {  	v3 =	vperm.xlane v3, v7;
	_ =	sdelay $0x1  }
0x76: {  	v3 =	vadd.s32 v5, v3  }
0x77: {  	[tilespmem:s1], [sflag:$0x1] =	stream.indirect_vreg.gather [hbm4b:s5+s2], $0x80, v6, vm0, $0xb8;
	[tilespmem:$0x19480] =	vst v63  }
0x78: {  	_ = 	snop  }
0x79: {  	[tilespmem:s10], [sflag:$0x1] =	stream.indirect_vreg.gather [hbm4b:s8+s2], $0x80, v6, vm1, $0xb8;
	[tilespmem:$0x19480] =	vst v63  }
0x7a: {  	_ = 	snop  }
0x7b: {  	[tilespmem:s11], [sflag:$0x1] =	stream.indirect_vreg.gather [hbm4b:s5+s2], $0x80, v3, vm0, $0xb8;
	[tilespmem:$0x19480] =	vst v63  }
0x7c: {  	_ = 	snop  }
0x7d: {  	[tilespmem:s7], [sflag:$0x1] =	stream.indirect_vreg.gather [hbm4b:s8+s2], $0x80, v3, vm1, $0xb8;
	[tilespmem:$0x19480] =	vst v63  }
0x7e: {  	v3 =	vld [tilespmem:$0x10450];
	_ =	sdelay $0x4  }
0x7f: {  	v63 =	vshrl.u32 v3, $0x3  }
0x80: {  	v6 =	vmul.u32 $0x18, v63  }
0x81: {  	v3 =	vand.u32 $0x7, v3  }
0x82: {  	v3 =	vor.u32 v3, v6  }
0x83: {  	v4 =	vperm.xlane v3, v58;
	_ =	sdelay $0x1  }
0x84: {  	v4 =	vadd.s32 v5, v4;
	_ =	sdelay $0x1  }
0x85: {  	v3 =	vperm.xlane v3, v7;
	_ =	sdelay $0x1  }
0x86: {  	v3 =	vadd.s32 v5, v3  }
0x87: {  	[tilespmem:s9], [sflag:$0x1] =	stream.indirect_vreg.gather [hbm4b:s5+s2], $0x80, v4, vm0, $0xb8;
	[tilespmem:$0x19480] =	vst v63  }
0x88: {  	_ = 	snop  }
0x89: {  	[tilespmem:s17], [sflag:$0x1] =	stream.indirect_vreg.gather [hbm4b:s8+s2], $0x80, v4, vm1, $0xb8;
	[tilespmem:$0x19480] =	vst v63  }
0x8a: {  	s21 =	sadd.s32 $0x1, s21  }
0x8b: {  	[tilespmem:s18], [sflag:$0x1] =	stream.indirect_vreg.gather [hbm4b:s5+s2], $0x80, v3, vm0, $0xb8;
	[tilespmem:$0x19480] =	vst v63  }
0x8c: {  	p0 =	sne.s32 s21, $0x8  }
0x8d: {  	[tilespmem:s19], [sflag:$0x1] =	stream.indirect_vreg.gather [hbm4b:s8+s2], $0x80, v3, vm1, $0xb8;
	[tilespmem:$0x19480] =	vst v63  }
.Ltmp3:
0x8e: {  	_ = 	snop;
	(pc) =	sbr.rel @!p0 .LBB2_34-.Ltmp3, $4  }
0x8f: {  	s31 =	smul.u32 $0x1200, s22;
	_ =	swait.ge [sflag:s20], $0x9000  }
0x90: {  	[sflag:s20] =	ssyncset.done $0x0  }
0x91: {  	s0 =	sadd.s32 s6, s31;
	[sflag:s20] =	ssyncadd.s32 $0xFFFF7000  }
0x92: {  	[hbm4b:s0+s2] =	stream.linear.scatter [tilespmem:s16], [sflag:$0x2], $0x9000, $0x38;
	[tilespmem:$0x19480] =	vst v63  }
.LBB2_2:
0x93: {  	_ =	swait.ge [sflag:s12], $0xC400  }
0x94: {  	[sflag:s12] =	ssyncset.done $0x0  }
0x95: {  	s0 =	simm.s32 $0x0;
	[sflag:s12] =	ssyncadd.s32 $0xFFFF3C00  }
0x96: {  	v5 =	vld [tilespmem:s0+$0x0]  }
0x97: {  	v6 =	vld [tilespmem:s0+$0x10]  }
0x98: {  	v8 =	vld [tilespmem:s0+$0x20]  }
0x99: {  	v16 =	vld [tilespmem:s0+$0x30]  }
0x9a: {  	v10 =	vld [tilespmem:s0+$0x40]  }
0x9b: {  	s22 =	simm.s32 $0x60;
	v7 =	vld [tilespmem:s0+$0x50]  }
0x9c: {  	v3 =	vimm.s32 $0x7FFFFFFF;
	v11 =	vld [tilespmem:s22+$0x0]  }
0x9d: {  	v9 =	vimm.s32 $0x7FFFFFFF;
	v12 =	vld [tilespmem:s22+$0x10];
	vm2 =	vlt.s32 v3, v5  }
0x9e: {  	v4 =	vld [tilespmem:s22+$0x20];
	vm3 =	vlt.s32 v3, v6;
	vm4 =	vlt.s32 v3, v8;
	v14 =	vsel vm2, v3, v5  }
0x9f: {  	v15 =	vsel vm3, v3, v6;
	v5 =	vld [tilespmem:s22+$0x30];
	v13 =	vsel vm4, v3, v8;
	vm4 =	vlt.s32 v3, v16  }
0xa0: {  	s23 =	simm.s32 $0x300;
	vm3 =	vlt.s32 v3, v10;
	v8 =	vld [tilespmem:s22+$0x40];
	vm2 =	vlt.s32 v3, v7;
	v6 =	vimm.s32 $0x7FFFFFFF  }
.LBB2_3:
0xa1: {  	v3 =	vsel vm4, v3, v16;
	v6 =	vsel vm3, v6, v10;
	v9 =	vsel vm2, v9, v7;
	v7 =	vld [tilespmem:s22+$0x50];
	s22 =	sshra.s32 s23, $0x2;
	v10 =	vmovc v11;
	p0 =	sne.s32 s23, $0x30D80  }
.Ltmp4:
0xa2: {  	v11 =	vld [tilespmem:s22+$0x0];
	v17 =	vmov v12;
	(pc) =	sbr.rel @p0 .LBB2_3-.Ltmp4, $4  }
0xa3: {  	v12 =	vld [tilespmem:s22+$0x10];
	v18 =	vmov v4  }
0xa4: {  	vm2 =	vlt.s32 v14, v10;
	vm3 =	vlt.s32 v15, v17;
	v4 =	vld [tilespmem:s22+$0x20];
	vm4 =	vlt.s32 v13, v18;
	v16 =	vmovc v5  }
0xa5: {  	v14 =	vsel vm2, v14, v10;
	v15 =	vsel vm3, v15, v17;
	v5 =	vld [tilespmem:s22+$0x30];
	v13 =	vsel vm4, v13, v18;
	v10 =	vmovc v8  }
0xa6: {  	s23 =	sadd.s32 $0x180, s23;
	vm4 =	vlt.s32 v3, v16;
	v8 =	vld [tilespmem:s22+$0x40];
	vm3 =	vlt.s32 v6, v10;
	vm2 =	vlt.s32 v9, v7  }
0xa7: {  	v17 =	vld [tilespmem:$0xC3C0]  }
0xa8: {  	v18 =	vld [tilespmem:$0xC3D0];
	_ =	sdelay $0x1  }
0xa9: {  	v19 =	vld [tilespmem:$0xC3E0]  }
0xaa: {  	vm5 =	vlt.s32 v14, v11;
	vm6 =	vlt.s32 v15, v12  }
0xab: {  	v16 =	vsel vm4, v3, v16;
	v3 =	vsel vm5, v14, v11;
	v11 =	vsel vm6, v15, v12;
	v12 =	vld [tilespmem:$0xC3F0]  }
0xac: {  	vm10 =	vlt.s32 v13, v4;
	vm5 =	vlt.s32 v3, v17;
	vm6 =	vlt.s32 v11, v18  }
0xad: {  	v13 =	vsel vm10, v13, v4;
	v3 =	vsel vm5, v3, v17;
	v4 =	vsel vm6, v11, v18  }
0xae: {  	vm11 =	vlt.s32 v16, v5;
	vm12 =	vlt.s32 v13, v19;
	vm6 =	vgt.s32 v3, v4  }
0xaf: {  	v14 =	vsel vm11, v16, v5;
	v11 =	vld [tilespmem:s22+$0x50];
	v5 =	vsel vm12, v13, v19;
	v13 =	vsel vm6, v3, v4  }
0xb0: {  	vm4 =	vlt.s32 v14, v12;
	vm5 =	vgt.s32 v13, v5  }
0xb1: {  	v10 =	vsel vm3, v6, v10;
	v6 =	vsel vm4, v14, v12;
	v12 =	vsel vm5, v13, v5  }
0xb2: {  	vm3 =	vlt.s32 v10, v8;
	vm4 =	vgt.s32 v12, v6  }
0xb3: {  	v9 =	vsel vm2, v9, v7;
	v7 =	vsel vm3, v10, v8;
	v10 =	vsel vm4, v12, v6  }
0xb4: {  	vm2 =	vlt.s32 v9, v11;
	vm3 =	vgt.s32 v10, v7  }
0xb5: {  	v8 =	vsel vm2, v9, v11;
	v9 =	vsel vm3, v10, v7  }
0xb6: {  	vm2 =	vgt.s32 v9, v8  }
0xb7: {  	v9 =	vsel vm2, v9, v8  }
0xb8: {  	(v2sf) =	vpush v9, $0x0  }
0xb9: {  	(v2sf) =	vpush v9, $0x1;
	_ =	sdelay $0x1  }
0xba: {  	(v2sf) =	vpush v9, $0x2;
	_ =	sdelay $0x1  }
0xbb: {  	(v2sf) =	vpush v9, $0x3;
	_ =	sdelay $0x1  }
0xbc: {  	(v2sf) =	vpush v9, $0x4;
	_ =	sdelay $0x1  }
0xbd: {  	(v2sf) =	vpush v9, $0x5;
	_ =	sdelay $0x1  }
0xbe: {  	(v2sf) =	vpush v9, $0x6;
	_ =	sdelay $0x1  }
0xbf: {  	(v2sf) =	vpush v9, $0x7;
	_ =	sdelay $0x1  }
0xc0: {  	s0 =	spop (v2sf);
	(v2sf) =	vpush v9, $0x8  }
0xc1: {  	s22 =	spop (v2sf)  }
0xc2: {  	(v2sf) =	vpush v9, $0x9;
	p0 =	sgt.s32 s0, s22  }
0xc3: {  	s22 =	smov.u32 @p0 s0;
	s0 =	spop (v2sf)  }
0xc4: {  	(v2sf) =	vpush v9, $0xA;
	p0 =	sgt.s32 s22, s0  }
0xc5: {  	s0 =	smov.u32 @p0 s22;
	s22 =	spop (v2sf)  }
0xc6: {  	(v2sf) =	vpush v9, $0xB;
	p0 =	sgt.s32 s0, s22  }
0xc7: {  	s22 =	smov.u32 @p0 s0;
	s0 =	spop (v2sf)  }
0xc8: {  	(v2sf) =	vpush v9, $0xC;
	p0 =	sgt.s32 s22, s0  }
0xc9: {  	s0 =	smov.u32 @p0 s22;
	s22 =	spop (v2sf)  }
0xca: {  	(v2sf) =	vpush v9, $0xD;
	p0 =	sgt.s32 s0, s22  }
0xcb: {  	s22 =	smov.u32 @p0 s0;
	s0 =	spop (v2sf)  }
0xcc: {  	(v2sf) =	vpush v9, $0xE;
	p0 =	sgt.s32 s22, s0  }
0xcd: {  	s0 =	smov.u32 @p0 s22;
	s22 =	spop (v2sf)  }
0xce: {  	(v2sf) =	vpush v9, $0xF;
	p0 =	sgt.s32 s0, s22  }
0xcf: {  	s23 =	spop (v2sf);
	s22 =	smov.u32 @p0 s0  }
0xd0: {  	p0 =	sgt.s32 s22, s23  }
0xd1: {  	s0 =	spop (v2sf);
	s23 =	smov.u32 @p0 s22  }
0xd2: {  	p0 =	sgt.s32 s23, s0  }
0xd3: {  	s22 =	spop (v2sf);
	s0 =	smov.u32 @p0 s23  }
0xd4: {  	p0 =	sgt.s32 s0, s22  }
0xd5: {  	s23 =	spop (v2sf);
	s22 =	smov.u32 @p0 s0  }
0xd6: {  	p0 =	sgt.s32 s22, s23  }
0xd7: {  	s0 =	spop (v2sf);
	s23 =	smov.u32 @p0 s22  }
0xd8: {  	p0 =	sgt.s32 s23, s0  }
0xd9: {  	s24 =	spop (v2sf);
	s0 =	smov.u32 @p0 s23  }
0xda: {  	p0 =	sgt.s32 s0, s24  }
0xdb: {  	s22 =	simm.s32 $0x20;
	s25 =	spop (v2sf);
	s24 =	smov.u32 @p0 s0  }
0xdc: {  	v10 =	vld [tilespmem:s22+$0xFFFFFFE0];
	p0 =	sgt.s32 s24, s25  }
0xdd: {  	s23 =	spop (v2sf);
	s25 =	smov.u32 @p0 s24  }
0xde: {  	v12 =	vld [tilespmem:s22+$0xFFFFFFF0];
	p0 =	sgt.s32 s25, s23  }
0xdf: {  	s23 =	smov.u32 @p0 s25  }
0xe0: {  	v13 =	vld [tilespmem:s22+$0x0];
	v9 =	vmov s23  }
0xe1: {  	vm13 =	vle.s32 v10, v9  }
0xe2: {  	v14 =	vld [tilespmem:s22+$0x10];
	v11 =	vsel vm13, $0x1, v0  }
0xe3: {  	vm14 =	vle.s32 v12, v9;
	(xrf0) =	vadd.scan.msk.s32 $0xffff, v11  }
0xe4: {  	v11 =	vsel vm14, $0x1, v0  }
0xe5: {  	vm3 =	vle.s32 v13, v9;
	(xrf0) =	vadd.scan.msk.s32 $0xffff, v11  }
0xe6: {  	v15 =	vsel vm3, $0x1, v0;
	v11 =	vimm.s32 $0x0  }
0xe7: {  	vm2 =	vle.s32 v14, v9;
	vm15 =	vlt.s32 v11, $0x1FBF;
	(xrf0) =	vadd.scan.msk.s32 $0xffff, v15  }
0xe8: {  	v15 =	vsel vm2, $0x1, v0;
	v11 =	vnsel vm15, $0x1FBF, v11  }
0xe9: {  	v58 =	vmpcnt.ones.xlane vm13;
	v11 =	vadd.s32 $0xFFFFFFFF, v11;
	v59, _, _ =	vpop (xrf0);
	(xrf0) =	vadd.scan.msk.s32 $0xffff, v15  }
0xea: {  	v60 =	vmpcnt.ones.xlane vm14;
	v15 =	vadd.s32 v11, v59  }
0xeb: {  	v11 =	vadd.s32 v11, v58;
	v61, _, _ =	vpop (xrf0)  }
0xec: {  	v17 =	vadd.s32 v61, v11;
	v11 =	vadd.s32 v11, v60  }
0xed: {  	v62 =	vmpcnt.ones.xlane vm3;
	v63, _, _ =	vpop (xrf0)  }
0xee: {  	s28 =	simm.s32 $0x0;
	v16 =	vadd.s32 v63, v11  }
0xef: {  	v18 =	vadd.s32 v11, v62;
	[tilespmem:v15+s13+$0x0] =	vst.idx.msk vm13, v10;
	v10 =	vor.u32 s28, v1;
	v11, _, _ =	vpop (xrf0)  }
0xf0: {  	s29 =	simm.s32 $0x10;
	[tilespmem:v15+s14+$0x0] =	vst.idx.msk vm13, v10;
	v11 =	vadd.s32 v11, v18  }
0xf1: {  	v10 =	vor.u32 s29, v1;
	[tilespmem:v17+s13+$0x0] =	vst.idx.msk vm14, v12  }
0xf2: {  	s30 =	simm.s32 $0x20;
	v12 =	vmpcnt.ones.xlane vm2;
	[tilespmem:v17+s14+$0x0] =	vst.idx.msk vm14, v10  }
0xf3: {  	v10 =	vor.u32 s30, v1;
	[tilespmem:v16+s13+$0x0] =	vst.idx.msk vm3, v13  }
0xf4: {  	s31 =	simm.s32 $0x30;
	v12 =	vadd.s32 v12, v18;
	[tilespmem:v16+s14+$0x0] =	vst.idx.msk vm3, v10  }
0xf5: {  	s24 =	simm.s32 $0x70;
	v10 =	vadd.s32 $0x1, v12;
	v12 =	vor.u32 s31, v1;
	[tilespmem:v11+s13+$0x0] =	vst.idx.msk vm2, v14  }
.LBB2_5:
0xf6: {  	p0 =	sne.s32 s24, $0xC3F0  }
0xf7: {  	[tilespmem:v11+s14+$0x0] =	vst.idx.msk vm2, v12;
	s22 =	sadd.s32 $0x40, s22;
	s25 =	smov.u32 s24;
	s24 =	sadd.s32 $0x40, s24  }
0xf8: {  	v11 =	vld [tilespmem:s22+$0xFFFFFFE0];
	_ =	sdelay $0x1  }
0xf9: {  	v12 =	vld [tilespmem:s22+$0xFFFFFFF0];
	_ =	sdelay $0x1  }
0xfa: {  	v13 =	vld [tilespmem:s22+$0x0]  }
0xfb: {  	vm5 =	vle.s32 v11, v9  }
0xfc: {  	v14 =	vld [tilespmem:s22+$0x10];
	v15 =	vsel vm5, $0x1, v0;
	v16 =	vmpcnt.ones.xlane vm5  }
0xfd: {  	vm3 =	vle.s32 v12, v9;
	(xrf0) =	vadd.scan.msk.s32 $0xffff, v15  }
0xfe: {  	v15 =	vsel vm3, $0x1, v0  }
0xff: {  	vm4 =	vle.s32 v13, v9;
	(xrf0) =	vadd.scan.msk.s32 $0xffff, v15  }
0x100: {  	v15 =	vsel vm4, $0x1, v0  }
0x101: {  	vm6 =	vlt.s32 v10, $0x1FBF;
	vm2 =	vle.s32 v14, v9;
	(xrf0) =	vadd.scan.msk.s32 $0xffff, v15  }
0x102: {  	v10 =	vnsel vm6, $0x1FBF, v10;
	v15 =	vsel vm2, $0x1, v0  }
0x103: {  	v10 =	vadd.s32 $0xFFFFFFFF, v10;
	v17, _, _ =	vpop (xrf0);
	(xrf0) =	vadd.scan.msk.s32 $0xffff, v15  }
0x104: {  	v15 =	vadd.s32 v10, v17  }
0x105: {  	v10 =	vadd.s32 v10, v16;
	v16 =	vmpcnt.ones.xlane vm3;
	v17, _, _ =	vpop (xrf0)  }
0x106: {  	v20 =	vmpcnt.ones.xlane vm4;
	v17 =	vadd.s32 v17, v10  }
0x107: {  	v10 =	vadd.s32 v10, v16;
	v16 =	vmpcnt.ones.xlane vm2;
	v19, _, _ =	vpop (xrf0)  }
0x108: {  	s0 =	sadd.s32 $0xFFFFFFD0, s25;
	v19 =	vadd.s32 v19, v10;
	v10 =	vadd.s32 v10, v20  }
0x109: {  	[tilespmem:v15+s13+$0x0] =	vst.idx.msk vm5, v11;
	v11 =	vor.u32 s0, v1;
	v16 =	vadd.s32 v16, v10;
	v18, _, _ =	vpop (xrf0)  }
0x10a: {  	s0 =	sadd.s32 $0xFFFFFFE0, s25;
	[tilespmem:v15+s14+$0x0] =	vst.idx.msk vm5, v11;
	v11 =	vadd.s32 v18, v10;
	v10 =	vadd.s32 $0x1, v16  }
.Ltmp5:
0x10b: {  	[tilespmem:v17+s13+$0x0] =	vst.idx.msk vm3, v12;
	v12 =	vor.u32 s0, v1;
	(pc) =	sbr.rel @p0 .LBB2_5-.Ltmp5, $4  }
0x10c: {  	s0 =	sadd.s32 $0xFFFFFFF0, s25;
	[tilespmem:v17+s14+$0x0] =	vst.idx.msk vm3, v12  }
0x10d: {  	v12 =	vor.u32 s0, v1;
	[tilespmem:v19+s13+$0x0] =	vst.idx.msk vm4, v13  }
0x10e: {  	[tilespmem:v19+s14+$0x0] =	vst.idx.msk vm4, v12  }
0x10f: {  	v12 =	vor.u32 s25, v1;
	[tilespmem:v11+s13+$0x0] =	vst.idx.msk vm2, v14  }
0x110: {  	vm3 =	vlt.s32 v3, v4  }
0x111: {  	v3 =	vsel vm3, v3, v4  }
0x112: {  	vm3 =	vlt.s32 v3, v5  }
0x113: {  	v3 =	vsel vm3, v3, v5  }
0x114: {  	vm3 =	vlt.s32 v3, v6  }
0x115: {  	v3 =	vsel vm3, v3, v6  }
0x116: {  	vm3 =	vlt.s32 v3, v7  }
0x117: {  	v3 =	vsel vm3, v3, v7  }
0x118: {  	vm3 =	vlt.s32 v3, v8  }
0x119: {  	v3 =	vsel vm3, v3, v8  }
0x11a: {  	(v2sf) =	vpush v3, $0x0  }
0x11b: {  	(v2sf) =	vpush v3, $0x1;
	_ =	sdelay $0x1  }
0x11c: {  	(v2sf) =	vpush v3, $0x2;
	_ =	sdelay $0x1  }
0x11d: {  	(v2sf) =	vpush v3, $0x3;
	_ =	sdelay $0x1  }
0x11e: {  	(v2sf) =	vpush v3, $0x4;
	_ =	sdelay $0x1  }
0x11f: {  	(v2sf) =	vpush v3, $0x5;
	_ =	sdelay $0x1  }
0x120: {  	(v2sf) =	vpush v3, $0x6;
	_ =	sdelay $0x1  }
0x121: {  	(v2sf) =	vpush v3, $0x7;
	_ =	sdelay $0x1  }
0x122: {  	(v2sf) =	vpush v3, $0x8;
	s0 =	spop (v2sf)  }
0x123: {  	(v2sf) =	vpush v3, $0x9;
	s22 =	spop (v2sf)  }
0x124: {  	p0 =	slt.s32 s0, s22  }
0x125: {  	(v2sf) =	vpush v3, $0xA;
	s22 =	smov.u32 @p0 s0;
	s0 =	spop (v2sf)  }
0x126: {  	(v2sf) =	vpush v3, $0xB;
	p0 =	slt.s32 s22, s0  }
0x127: {  	s24 =	spop (v2sf);
	(v2sf) =	vpush v3, $0xC;
	s0 =	smov.u32 @p0 s22  }
0x128: {  	(v2sf) =	vpush v3, $0xD;
	p0 =	slt.s32 s0, s24  }
0x129: {  	s24 =	smov.u32 @p0 s0;
	s0 =	spop (v2sf);
	(v2sf) =	vpush v3, $0xE  }
0x12a: {  	s22 =	sor.u32 s3, s21;
	p1 =	slt.s32 s24, s0;
	(v2sf) =	vpush v3, $0xF  }
0x12b: {  	p0 =	seq.s32 s21, $0x7;
	s0 =	smov.u32 @p1 s24;
	s24 =	spop (v2sf);
	(v2sf) =	vpush v10, $0x0  }
0x12c: {  	s25 =	sadd.s32 @!p0 $0x1, s22;
	s29 =	simm.s32 @!p0 $0x400;
	p1 =	slt.s32 s0, s24  }
0x12d: {  	s28 =	sshrl.u32 @!p0 s25, $0x3;
	s26 =	spop (v2sf);
	s24 =	smov.u32 @p1 s0  }
0x12e: {  	s25 =	sshll.u32 @!p0 s25, $0x7;
	s0 =	smul.u32 @!p0 $0x62000, s28;
	p1 =	slt.s32 s24, s26  }
0x12f: {  	s25 =	sand.u32 @!p0 $0x380, s25;
	s28 =	spop (v2sf);
	s26 =	smov.u32 @p1 s24  }
0x130: {  	s30 =	simm.s32 @!p0 $0x0;
	s0 =	sor.u32 @!p0 s25, s0;
	p1 =	slt.s32 s26, s28  }
0x131: {  	s24 =	spop (v2sf);
	s0 =	sshrl.u32 @!p0 s0, $0x3;
	s28 =	smov.u32 @p1 s26  }
0x132: {  	[tilespmem:v11+s14+$0x0] =	vst.idx.msk vm2, v12;
	s25 =	spop (v2sf);
	s0 =	sadd.s32 @!p0 s4, s0;
	s26 =	simm.s32 @!p0 $0x80  }
0x133: {  	[tilespmem:s30], [sflag:$0x3] =	stream.strided.gather @!p0 [hbm4b:s0+s26], $0xC400, s29, s26, $0x38;
	[tilespmem:$0x19480] =	vst v63  }
0x134: {  	s0 =	spop (v2sf);
	p0 =	slt.s32 s28, s24  }
0x135: {  	s24 =	smov.u32 @p0 s28;
	s29 =	spop (v2sf)  }
0x136: {  	p0 =	slt.s32 s24, s25;
	s28 =	spop (v2sf)  }
0x137: {  	s25 =	smov.u32 @p0 s24;
	s30 =	spop (v2sf)  }
0x138: {  	p0 =	slt.s32 s25, s0;
	s31 =	spop (v2sf)  }
0x139: {  	s0 =	smov.u32 @p0 s25;
	s26 =	spop (v2sf)  }
0x13a: {  	p0 =	slt.s32 s0, s29;
	s24 =	spop (v2sf)  }
0x13b: {  	s29 =	smov.u32 @p0 s0;
	p0 =	slt.s32 s24, $0x2000  }
0x13c: {  	s24 =	simm.s32 @!p0 $0x2000;
	p0 =	slt.s32 s29, s28  }
0x13d: {  	s28 =	smov.u32 @p0 s29  }
0x13e: {  	p0 =	slt.s32 s28, s30  }
0x13f: {  	s30 =	smov.u32 @p0 s28  }
0x140: {  	p0 =	slt.s32 s30, s31  }
0x141: {  	v3 =	vadd.s32 s24, v1;
	s29 =	sadd.s32 $0x10, s24;
	s31 =	smov.u32 @p0 s30  }
0x142: {  	v63 =	vadd.s32 s29, v1;
	vm2 =	vlt.s32 v3, $0x1FFF;
	vm3 =	vlt.s32 v3, $0x2000;
	p0 =	slt.s32 s31, s26  }
0x143: {  	v3 =	vnsel vm2, $0x1FFF, v3;
	vm2 =	vlt.s32 v63, $0x1FFF;
	vm4 =	vlt.s32 v63, $0x2000;
	s26 =	smov.u32 @p0 s31  }
0x144: {  	v4 =	vnsel vm2, $0x1FFF, v63;
	p0 =	sge.s32 s26, s23  }
.Ltmp6:
0x145: {  	_ = 	snop;
	(pc) =	sbr.rel @!p0 .LBB2_7-.Ltmp6, $3  }
0x146: {  	_ =	sdelay $0x1  }
0x147: {  	s31 =	sadd.s32 $0x1F, s24;
	[tilespmem:v3+s13+$0x0] =	vst.idx.msk vm3, v2  }
0x148: {  	s25 =	sshra.s32 s31, $0x5;
	[tilespmem:v4+s13+$0x0] =	vst.idx.msk vm4, v2  }
.LBB2_13:
0x149: {  	p0 =	slt.s32 s25, $0x1  }
.Ltmp7:
0x14a: {  	_ = 	snop;
	(pc) =	sbr.rel @p0 .LBB2_14-.Ltmp7, $1  }
0x14b: {  	_ =	sdelay $0x3  }
0x14c: {  	s26 =	simm.s32 $0xC410  }
0x14d: {  	p1 =	sne.s32 s25, $0x1;
	v6 =	vld [tilespmem:s26+$0xFFFFFFF0]  }
.Ltmp8:
0x14e: {  	v5 =	vld [tilespmem:s26+$0x0];
	(pc) =	sbr.rel @!p1 .LBB2_17-.Ltmp8, $4  }
0x14f: {  	_ = 	snop  }
0x150: {  	s0 =	sadd.s32 $0xFFFFFFFF, s23  }
0x151: {  	v3 =	vmov s0  }
0x152: {  	v4 =	vimm.s32 $0x0;
	s0 =	sadd.s32 $0xFFFFFFFF, s25;
	s26 =	simm.s32 $0xC430;
	vm2 =	vle.s32 v6, v3  }
.LBB2_16:
0x153: {  	v6 =	vld [tilespmem:s26+$0xFFFFFFF0];
	p1 =	sne.s32 s0, $0x1;
	s0 =	sadd.s32 $0xFFFFFFFF, s0;
	v7 =	vmpcnt.ones.xlane vm2;
	vm2 =	vle.s32 v5, v3  }
.Ltmp9:
0x154: {  	v5 =	vld [tilespmem:s26+$0x0];
	v8 =	vmpcnt.ones.xlane vm2;
	(pc) =	sbr.rel @p1 .LBB2_16-.Ltmp9, $3  }
0x155: {  	v4 =	vadd.s32 v4, v7  }
0x156: {  	v4 =	vadd.s32 v8, v4;
	_ =	sdelay $0x1  }
0x157: {  	s26 =	sadd.s32 $0x20, s26;
	vm2 =	vle.s32 v6, v3  }
.LBB2_17:
.Ltmp10:
0x158: {  	(pc) =	sbr.rel .LBB2_18-.Ltmp10, $4  }
0x159: {  	v6 =	vmpcnt.ones.xlane vm2;
	vm2 =	vle.s32 v5, v3  }
0x15a: {  	v3 =	vmpcnt.ones.xlane vm2  }
0x15b: {  	v4 =	vadd.s32 v4, v6  }
0x15c: {  	v3 =	vadd.s32 v3, v4  }
.LBB2_8:
0x15d: {  	v3 =	vimm.s32 $0x0  }
.LBB2_12:
0x15e: {  	(v2sf) =	vpush v3, $0x0;
	_ =	sdelay $0xe  }
0x15f: {  	s0 =	spop (v2sf)  }
0x160: {  	p0 =	sgt.s32 s0, $0x5F;
	s0 =	sadd.s32 $0x1, s28  }
0x161: {  	s0 =	smov.u32 @p0 s26;
	s23 =	smov.u32 @p0 s28  }
0x162: {  	p0 =	slt.s32 s0, s23  }
.Ltmp11:
0x163: {  	_ = 	snop;
	(pc) =	sbr.rel @!p0 .LBB2_13-.Ltmp11, $2  }
0x164: {  	_ =	sdelay $0x2  }
0x165: {  	s26 =	smov.u32 s0  }
.LBB2_7:
0x166: {  	p0 =	slt.s32 s25, $0x1  }
.Ltmp12:
0x167: {  	_ = 	snop;
	(pc) =	sbr.rel @p0 .LBB2_8-.Ltmp12, $4  }
0x168: {  	_ = 	snop  }
0x169: {  	s0 =	ssub.s32 s23, s26  }
0x16a: {  	s0 =	sshra.s32 s0, $0x1  }
0x16b: {  	s28 =	sadd.s32 s26, s0  }
0x16c: {  	s29 =	simm.s32 $0xC410  }
0x16d: {  	p0 =	sne.s32 s25, $0x1;
	v6 =	vld [tilespmem:s29+$0xFFFFFFF0]  }
.Ltmp13:
0x16e: {  	v5 =	vld [tilespmem:s29+$0x0];
	(pc) =	sbr.rel @!p0 .LBB2_11-.Ltmp13, $3  }
0x16f: {  	_ =	sdelay $0x1  }
0x170: {  	v3 =	vmov s28  }
0x171: {  	v4 =	vimm.s32 $0x0;
	s0 =	sadd.s32 $0xFFFFFFFF, s25;
	s29 =	simm.s32 $0xC430;
	vm2 =	vle.s32 v6, v3  }
.LBB2_10:
0x172: {  	v6 =	vld [tilespmem:s29+$0xFFFFFFF0];
	p0 =	sne.s32 s0, $0x1;
	s0 =	sadd.s32 $0xFFFFFFFF, s0;
	v7 =	vmpcnt.ones.xlane vm2;
	vm2 =	vle.s32 v5, v3  }
.Ltmp14:
0x173: {  	v5 =	vld [tilespmem:s29+$0x0];
	v8 =	vmpcnt.ones.xlane vm2;
	(pc) =	sbr.rel @p0 .LBB2_10-.Ltmp14, $3  }
0x174: {  	v4 =	vadd.s32 v4, v7  }
0x175: {  	v4 =	vadd.s32 v8, v4;
	_ =	sdelay $0x1  }
0x176: {  	s29 =	sadd.s32 $0x20, s29;
	vm2 =	vle.s32 v6, v3  }
.LBB2_11:
.Ltmp15:
0x177: {  	(pc) =	sbr.rel .LBB2_12-.Ltmp15, $4  }
0x178: {  	v6 =	vmpcnt.ones.xlane vm2;
	vm2 =	vle.s32 v5, v3  }
0x179: {  	v3 =	vmpcnt.ones.xlane vm2  }
0x17a: {  	v4 =	vadd.s32 v4, v6  }
0x17b: {  	v3 =	vadd.s32 v3, v4  }
.LBB2_14:
0x17c: {  	v3 =	vimm.s32 $0x0  }
.LBB2_18:
0x17d: {  	(v2sf) =	vpush v3, $0x0;
	_ =	sdelay $0xc  }
.Ltmp16:
0x17e: {  	_ = 	snop;
	(pc) =	sbr.rel .LBB2_19-.Ltmp16, $4  }
0x17f: {  	_ = 	snop  }
0x180: {  	s0 =	spop (v2sf)  }
0x181: {  	p1 =	seq.s32 s23, $0x80000000;
	s26 =	ssub.s32 $0x60, s0  }
0x182: {  	v3 =	vmov s23;
	s28 =	simm.s32 $0x0;
	s29 =	simm.s32 $0xC400;
	s26 =	simm.s32 @p1 $0x60  }
.LBB2_20:
0x183: {  	v4 =	vimm.s32 $0x0  }
.LBB2_28:
0x184: {  	(v2sf) =	vpush v4, $0x0;
	_ =	sdelay $0xe  }
0x185: {  	s0 =	spop (v2sf)  }
0x186: {  	p1 =	slt.s32 s0, s26;
	s0 =	sadd.s32 $0x1, s23  }
0x187: {  	s28 =	smov.u32 @p1 s0;
	s23 =	smov.u32 @p1 s29  }
0x188: {  	p1 =	slt.s32 s28, s23  }
.Ltmp17:
0x189: {  	_ = 	snop;
	(pc) =	sbr.rel @!p1 .LBB2_29-.Ltmp17, $2  }
0x18a: {  	_ =	sdelay $0x2  }
0x18b: {  	s29 =	smov.u32 s23  }
.LBB2_19:
.Ltmp18:
0x18c: {  	(pc) =	sbr.rel @p0 .LBB2_20-.Ltmp18, $4  }
0x18d: {  	_ = 	snop  }
0x18e: {  	s0 =	ssub.s32 s29, s28  }
0x18f: {  	s0 =	sshra.s32 s0, $0x1  }
0x190: {  	s23 =	sadd.s32 s28, s0  }
0x191: {  	p2 =	sne.s32 s25, $0x1  }
.Ltmp19:
0x192: {  	s0 =	simm.s32 $0xC410;
	(pc) =	sbr.rel @!p2 .LBB2_22-.Ltmp19, $4  }
0x193: {  	v10 =	vld [tilespmem:s0+$0x0]  }
0x194: {  	s30 =	simm.s32 $0xE410;
	v8 =	vld [tilespmem:s0+$0xFFFFFFF0]  }
0x195: {  	v7 =	vld [tilespmem:s30+$0xFFFFFFF0]  }
0x196: {  	v5 =	vmov s23;
	v4 =	vimm.s32 $0x0;
	p1 =	por $0x0, $0x0;
	s0 =	sadd.s32 $0xFFFFFFFF, s25;
	v6 =	vld [tilespmem:s30+$0x0];
	s30 =	simm.s32 $0xC430  }
0x197: {  	_ =	sdelay $0x1  }
0x198: {  	v9 =	vld [tilespmem:s30+$0x0];
	p2 =	sne.s32 s0, $0x1  }
.Ltmp20:
0x199: {  	vm2 =	veq.s32 v8, v3;
	v8 =	vld [tilespmem:s30+$0xFFFFFFF0];
	s30 =	simm.s32 $0xE430;
	vm3 =	vlt.s32 v7, v5;
	(pc) =	sbr.rel @!p2 .LBB2_24-.Ltmp20, $4  }
0x19a: {  	v7 =	vld [tilespmem:s30+$0xFFFFFFF0];
	vm2 =	vmand vm2, vm3;
	vm3 =	veq.s32 v10, v3;
	vm4 =	vlt.s32 v6, v5  }
0x19b: {  	v6 =	vld [tilespmem:s30+$0x0];
	v10 =	vmpcnt.ones.xlane vm2;
	vm2 =	vmand vm3, vm4  }
0x19c: {  	v11 =	vmpcnt.ones.xlane vm2  }
0x19d: {  	s31 =	sadd.s32 $0xFFFFFFFF, s0;
	s0 =	simm.s32 $0xC450;
	p1 =	por $0x1, $0x1;
	v12 =	vadd.s32 v4, v10  }
.LBB2_25:
0x19e: {  	v10 =	vld [tilespmem:s0+$0x0];
	v12 =	vadd.s32 v11, v12;
	p2 =	sne.s32 s31, $0x1  }
.Ltmp21:
0x19f: {  	vm2 =	veq.s32 v8, v3;
	s30 =	sadd.s32 $0x20, s30;
	v8 =	vld [tilespmem:s0+$0xFFFFFFF0];
	vm3 =	vlt.s32 v7, v5;
	(pc) =	sbr.rel @p2 .LBB2_25-.Ltmp21, $4  }
0x1a0: {  	s31 =	sadd.s32 $0xFFFFFFFF, s31;
	v7 =	vld [tilespmem:s30+$0xFFFFFFF0];
	vm2 =	vmand vm2, vm3;
	vm3 =	veq.s32 v9, v3;
	vm4 =	vlt.s32 v6, v5  }
0x1a1: {  	v6 =	vld [tilespmem:s30+$0x0];
	v13 =	vmpcnt.ones.xlane vm2;
	vm2 =	vmand vm3, vm4  }
0x1a2: {  	v11 =	vmpcnt.ones.xlane vm2  }
0x1a3: {  	s0 =	sadd.s32 $0x20, s0;
	v12 =	vadd.s32 v12, v13;
	v9 =	vmov v10  }
0x1a4: {  	v10 =	vmov v9  }
.LBB2_27:
0x1a5: {  	vm2 =	veq.s32 v8, v3;
	vm3 =	vlt.s32 v7, v5  }
.Ltmp22:
0x1a6: {  	vm2 =	vmand vm2, vm3;
	vm3 =	veq.s32 v10, v3;
	vm4 =	vlt.s32 v6, v5;
	(pc) =	sbr.rel .LBB2_28-.Ltmp22, $4  }
0x1a7: {  	v5 =	vadd.s32 @p1 v11, v12;
	v6 =	vmpcnt.ones.xlane vm2;
	vm2 =	vmand vm3, vm4  }
0x1a8: {  	v4 =	vpsel p1, v5, v4;
	v7 =	vmpcnt.ones.xlane vm2  }
0x1a9: {  	v4 =	vadd.s32 v4, v6  }
0x1aa: {  	v4 =	vadd.s32 v7, v4  }
.LBB2_22:
.Ltmp23:
0x1ab: {  	(pc) =	sbr.rel .LBB2_27-.Ltmp23, $2  }
0x1ac: {  	_ =	sdelay $0x2  }
0x1ad: {  	_ = 	snop  }
.LBB2_24:
.Ltmp24:
0x1ae: {  	(pc) =	sbr.rel .LBB2_27-.Ltmp24, $2  }
0x1af: {  	_ =	sdelay $0x2  }
0x1b0: {  	v10 =	vmov v9  }
.LBB2_29:
0x1b1: {  	s0 =	sadd.s32 $0xF, s24  }
0x1b2: {  	s0 =	sshra.s32 s0, $0x4  }
0x1b3: {  	p0 =	slt.s32 s0, $0x1  }
.Ltmp25:
0x1b4: {  	_ = 	snop;
	(pc) =	sbr.rel @p0 .LBB2_33-.Ltmp25, $1  }
0x1b5: {  	_ =	sdelay $0x3  }
0x1b6: {  	s24 =	simm.s32 $0xE400  }
0x1b7: {  	s25 =	simm.s32 $0xC400;
	p0 =	sne.s32 s0, $0x1;
	v4 =	vld [tilespmem:s24+$0x0]  }
.Ltmp26:
0x1b8: {  	v8 =	vld [tilespmem:s25+$0x0];
	(pc) =	sbr.rel @!p0 .LBB2_32-.Ltmp26, $2  }
0x1b9: {  	_ =	sdelay $0x2  }
0x1ba: {  	v6 =	vmov s23;
	v5 =	vimm.s32 $0x0;
	s23 =	sadd.s32 $0xFFFFFFFF, s0;
	v7 =	vimm.s32 $0x0  }
.LBB2_31:
0x1bb: {  	p0 =	sne.s32 s23, $0x1;
	_ =	sdelay $0x3  }
0x1bc: {  	vm2 =	veq.s32 v8, v3;
	vm3 =	vlt.s32 v4, v6  }
0x1bd: {  	vm4 =	vlt.s32 v8, v3;
	vm2 =	vmand vm2, vm3  }
0x1be: {  	vm2 =	vmor vm4, vm2  }
0x1bf: {  	v8 =	vsel vm2, $0x1, v0;
	v9 =	vmpcnt.ones.xlane vm2  }
0x1c0: {  	(xrf0) =	vadd.scan.msk.s32 $0xffff, v8  }
0x1c1: {  	v7 =	vadd.s32 v7, v9;
	_ =	sdelay $0x3  }
0x1c2: {  	v8 =	vsel vm2, $0xFFFFFFFF, v0  }
0x1c3: {  	v8 =	vadd.s32 v8, v5;
	v5 =	vmov v7;
	v9, _, _ =	vpop (xrf0)  }
0x1c4: {  	v8 =	vadd.s32 v9, v8  }
0x1c5: {  	vm3 =	vlt.s32 v8, $0x5F  }
0x1c6: {  	v8 =	vnsel vm3, $0x5F, v8;
	_ =	sdelay $0x2  }
.Ltmp27:
0x1c7: {  	(pc) =	sbr.rel @p0 .LBB2_31-.Ltmp27, $4  }
0x1c8: {  	_ = 	snop  }
0x1c9: {  	s24 =	sadd.s32 $0x10, s24;
	[tilespmem:v8+s15+$0x0] =	vst.idx.msk vm2, v4  }
0x1ca: {  	s25 =	sadd.s32 $0x10, s25;
	v4 =	vld [tilespmem:s24+$0x0]  }
0x1cb: {  	s23 =	sadd.s32 $0xFFFFFFFF, s23;
	v8 =	vld [tilespmem:s25+$0x0]  }
.Ltmp28:
0x1cc: {  	_ = 	snop;
	(pc) =	sbr.rel .LBB2_32-.Ltmp28, $1  }
0x1cd: {  	_ =	sdelay $0x3  }
.LBB2_35:
0x1ce: {  	_ =	sfence.sel $0x180000  }
0x1cf: {  	[bflag:$0x0] =	sbarrier.arrive $0xFFFF  }
0x1d0: {  	_ =	strace $0x9000004D  }
0x1d1: {  	s0 =	stileid.u32;
	[bflag:$0x2] =	sbarrier.arrive $0xFFFF  }
0x1d2: {  	p0 =	sne.s32 s0, $0x0;
	s0 =	rddreg [dreg:$0x1]  }
0x1d3: {  	s0 =	sadd.s32 @!p0 $0x100000, s0  }
0x1d4: {  	[sflag:s0] =	ssyncadd.tile.s32 @!p0 $0x1;
	_ =	shalt  }
.Lfunc_end2:
_tile_overlayer_lowered:
.L_overlay_start_2:
0x1d5: {  	(tag) =	ssettag $0x2  }
0x1d6: {  	s0 =	rddreg [dreg:$0x0];
	s2 =	stileid.u32  }
0x1d7: {  	s1 =	rddreg [dreg:$0x1];
	p0 =	sne.s32 s2, $0x0  }
0x1d8: {  	s3 =	rddreg [dreg:$0x2];
	[bflag:$0x3] =	sbarrier.arrive $0xFFFF;
	s2 =	simm.s32 @!p0 $0x1C04  }
0x1d9: {  	[timem:s3], [sflag:s2] =	dma.local @!p0 [hbm:s0], s1  }
0x1da: {  	s0 =	simm.s32 @!p0 $0x4  }
0x1db: {  	_ =	swait.ge @!p0 [sflag:s0], s1  }
0x1dc: {  	s1 =	ssub.s32 @!p0 $0x0, s1;
	[sflag:s0] =	ssyncset.done @!p0 $0x0  }
0x1dd: {  	[sflag:s0] =	ssyncadd.s32 @!p0 s1  }
0x1de: {  	[bflag:$0x3] =	sbarrier.arrive $0xFFFF  }
0x1df: {  	_ =	shalt  }

// kernel: kernel.25.cloned.1.call-start
scs
__scs_entry_jumppad:
0x0: {  	(pc) =	sbr.rel $0x88, $3  }
0x1: {  	(tag) =	ssettag $0x0;
	lr =	simm.s32 $0x1  }
0x2: {  	[smem:$0x3F85] =	sst lr;
	_ =	strace $0xD0000000  }
0x3: {  	_ = 	snop  }
0x4: {  	_ = 	snop  }
0x5: {  	_ = 	snop  }
0x6: {  	_ = 	snop  }
0x7: {  	_ = 	snop  }
__scs_overlays_trampoline_lowered:
0x8: {  	[smem:$0x3F94] =	sst s0  }
0x9: {  	[smem:$0x3F95] =	sst s1  }
0xa: {  	[smem:$0x3F96] =	sst s2  }
0xb: {  	[smem:$0x3F97] =	sst s3  }
0xc: {  	[smem:$0x3F98] =	sst s4  }
0xd: {  	[smem:$0x3F99] =	sst s5  }
0xe: {  	[smem:$0x3F9A] =	sst s6  }
0xf: {  	[smem:$0x3F9B] =	sst s7  }
0x10: {  	[smem:$0x3F9C] =	sst s8  }
0x11: {  	[smem:$0x3F9D] =	sst s9;
	s0 =	simm.s32 @!p0 $0x0  }
0x12: {  	s1 =	sld [smem:$0x3F83];
	s0 =	simm.s32 @p0 $0x1  }
0x13: {  	[smem:$0x3F9E] =	sst s0;
	s0 =	simm.s32 @!p1 $0x0  }
0x14: {  	s2 =	sld [smem:$0x3F82];
	s0 =	simm.s32 @p1 $0x1  }
0x15: {  	[smem:$0x3F9F] =	sst s0;
	s0 =	simm.s32 @!p2 $0x0  }
0x16: {  	s3 =	sld [smem:$0x3FDB];
	s0 =	simm.s32 @p2 $0x1  }
0x17: {  	s4 =	simm.s32 $0x1BF5;
	[smem:$0x3FA1] =	sst s0  }
0x18: {  	s0 =	sld [smem:$0x3F84];
	_ =	swait.ge [sflag:s4], $0x0  }
0x19: {  	s7 =	sld [smem:$0x3F85]  }
0x1a: {  	s8 =	sadd.s32 $0xFFFFE003, lr  }
0x1b: {  	s9 =	sadd.s32 $0xFFFFFEF7, lr;
	s5 =	simm.s32 $0xFFFFFFFF;
	p2 =	slt.u32 s8, $0xFFFFF086  }
0x1c: {  	p1 =	slt.u32 s9, $0xF7A;
	s5 =	simm.s32 @!p2 $0x0  }
0x1d: {  	s5 =	simm.s32 @p1 $0x1;
	p0 =	seq.s32 s7, s2  }
0x1e: {  	s7 =	smul.u32 @!p0 $0xF7A, s2;
	p2 =	seq.s32 @!p0 s5, $0x0  }
0x1f: {  	s9 =	smul.u32 $0xF7A, s1;
	s8 =	simm.s32 @!p0 $0x1BF5;
	p2 =	por !p2, p0  }
0x20: {  	[sflag:s8] =	ssyncset.s32 @!p0 $0xFFFFF086;
	s6 =	sadd.s32 @!p0 s3, s7;
	s7 =	simm.s32 @!p0 $0x108  }
0x21: {  	s3 =	sadd.s32 s3, s9;
	s6 =	sadd.s32 @!p0 $0x88, s6;
	s7 =	simm.s32 @p2 $0x1082  }
0x22: {  	[simem:s7], [sflag:s8] =	dma.local @!p0 [hbm:s6], $0xF7A  }
0x23: {  	s9 =	sor.u32 $0xD0000000, s2;
	s6 =	simm.s32 $0x108;
	_ =	swait.ge @!p0 [sflag:s8], $0x0  }
0x24: {  	s3 =	sadd.s32 $0x88, s3;
	s6 =	simm.s32 @!p1 $0x1082;
	[sflag:s4] =	ssyncset.s32 $0xFFFFF086  }
0x25: {  	[simem:s6], [sflag:s4] =	dma.local [hbm:s3], $0xF7A  }
0x26: {  	[smem:$0x3F85] =	sst s1;
	(tag) =	ssettag s2;
	_ =	strace s9  }
0x27: {  	s1 =	sld [smem:$0x3F95]  }
0x28: {  	s2 =	sld [smem:$0x3F96]  }
0x29: {  	s4 =	sld [smem:$0x3F98]  }
0x2a: {  	p0 =	seq.s32 s5, $0x0;
	s5 =	sld [smem:$0x3F99]  }
0x2b: {  	s6 =	sld [smem:$0x3F9A]  }
0x2c: {  	s7 =	sld [smem:$0x3F9B]  }
0x2d: {  	s3 =	simm.s32 $0x108;
	s8 =	sld [smem:$0x3F9C]  }
0x2e: {  	s3 =	simm.s32 @!p0 $0x1082;
	s9 =	sld [smem:$0x3F9D]  }
0x2f: {  	lr =	sadd.s32 s0, s3;
	s0 =	sld [smem:$0x3F94]  }
0x30: {  	s3 =	sld [smem:$0x3F97]  }
0x31: {  	[smem:$0x3FA0] =	sst s10  }
0x32: {  	s10 =	sld [smem:$0x3F9E];
	_ =	sdelay $0x3  }
0x33: {  	p0 =	seq.s32 s10, $0x1;
	s10 =	sld [smem:$0x3FA0];
	_ =	sdelay $0x3  }
0x34: {  	[smem:$0x3FA0] =	sst s10  }
0x35: {  	s10 =	sld [smem:$0x3F9F];
	_ =	sdelay $0x3  }
0x36: {  	p1 =	seq.s32 s10, $0x1;
	s10 =	sld [smem:$0x3FA0];
	_ =	sdelay $0x3  }
0x37: {  	[smem:$0x3FA0] =	sst s10  }
0x38: {  	s10 =	sld [smem:$0x3FA1]  }
0x39: {  	_ = 	snop;
	(pc) =	sbr.ind lr, $3  }
0x3a: {  	_ = 	snop  }
0x3b: {  	_ = 	snop  }
0x3c: {  	p2 =	seq.s32 s10, $0x1;
	s10 =	sld [smem:$0x3FA0]  }
0x3d: {  	_ =	shalt  }
0x3e: {  	_ =	shalt  }
0x3f: {  	_ =	shalt  }
0x40: {  	_ =	shalt  }
0x41: {  	_ =	shalt  }
0x42: {  	_ =	shalt  }
0x43: {  	_ =	shalt  }
0x44: {  	_ =	shalt  }
0x45: {  	_ =	shalt  }
0x46: {  	_ =	shalt  }
0x47: {  	_ =	shalt  }
0x48: {  	_ =	shalt  }
0x49: {  	_ =	shalt  }
0x4a: {  	_ =	shalt  }
0x4b: {  	_ =	shalt  }
0x4c: {  	_ =	shalt  }
0x4d: {  	_ =	shalt  }
0x4e: {  	_ =	shalt  }
0x4f: {  	_ =	shalt  }
0x50: {  	_ =	shalt  }
0x51: {  	_ =	shalt  }
0x52: {  	_ =	shalt  }
0x53: {  	_ =	shalt  }
0x54: {  	_ =	shalt  }
0x55: {  	_ =	shalt  }
0x56: {  	_ =	shalt  }
0x57: {  	_ =	shalt  }
0x58: {  	_ =	shalt  }
0x59: {  	_ =	shalt  }
0x5a: {  	_ =	shalt  }
0x5b: {  	_ =	shalt  }
0x5c: {  	_ =	shalt  }
0x5d: {  	_ =	shalt  }
0x5e: {  	_ =	shalt  }
0x5f: {  	_ =	shalt  }
0x60: {  	_ =	shalt  }
0x61: {  	_ =	shalt  }
0x62: {  	_ =	shalt  }
0x63: {  	_ =	shalt  }
0x64: {  	_ =	shalt  }
0x65: {  	_ =	shalt  }
0x66: {  	_ =	shalt  }
0x67: {  	_ =	shalt  }
0x68: {  	_ =	shalt  }
0x69: {  	_ =	shalt  }
0x6a: {  	_ =	shalt  }
0x6b: {  	_ =	shalt  }
0x6c: {  	_ =	shalt  }
0x6d: {  	_ =	shalt  }
0x6e: {  	_ =	shalt  }
0x6f: {  	_ =	shalt  }
0x70: {  	_ =	shalt  }
0x71: {  	_ =	shalt  }
0x72: {  	_ =	shalt  }
0x73: {  	_ =	shalt  }
0x74: {  	_ =	shalt  }
0x75: {  	_ =	shalt  }
0x76: {  	_ =	shalt  }
0x77: {  	_ =	shalt  }
0x78: {  	_ =	shalt  }
0x79: {  	_ =	shalt  }
0x7a: {  	_ =	shalt  }
0x7b: {  	_ =	shalt  }
0x7c: {  	_ =	shalt  }
0x7d: {  	_ =	shalt  }
0x7e: {  	_ =	shalt  }
0x7f: {  	_ =	shalt  }
0x80: {  	_ =	shalt  }
0x81: {  	_ =	shalt  }
0x82: {  	_ =	shalt  }
0x83: {  	_ =	shalt  }
0x84: {  	_ =	shalt  }
0x85: {  	_ =	shalt  }
0x86: {  	_ =	shalt  }
0x87: {  	_ =	shalt  }
.Lfunc_end0:
.L_simem_size_0:
called_computation.3_lowered:
.L_overlay_start_0:
0x88: {  	s2 =	sld [smem:$0x3FD9]  }
0x89: {  	s3 =	sld [smem:$0x3FFE];
	_ =	sdelay $0x1  }
0x8a: {  	s1 =	srdreg.scid  }
0x8b: {  	s0 =	sand.u32 $0x1, s1  }
0x8c: {  	s17 =	sshll.u32 s0, $0xA;
	s2 =	sadd.s32 s3, s2  }
0x8d: {  	s2 =	sadd.s32 s2, s17  }
0x8e: {  	[smem:$0x3FAC] =	sst s2  }
0x8f: {  	_ = 	snop  }
0x90: {  	(tm) =	ssettm $0x1  }
0x91: {  	s18 =	sld [smem:$0x3FFB];
	_ =	sdelay $0x3  }
0x92: {  	_ =	strace s18  }
0x93: {  	s2 =	sld [smem:$0x3FFC];
	_ =	sdelay $0x3  }
0x94: {  	_ =	strace s2  }
0x95: {  	s2 =	sld [smem:$0x3FFD];
	_ =	sdelay $0x3  }
0x96: {  	_ =	strace s2  }
0x97: {  	_ =	strace $0x8FFFFFFF  }
0x98: {  	s19 =	sld [smem:$0x3FDB];
	_ =	sdelay $0x1  }
0x99: {  	s20 =	simm.s32 $_scs_section_size  }
0x9a: {  	s4 =	simm.s32 $_size__tile_overlayer_lowered;
	s5 =	simm.s32 $_tile_overlayer_lowered  }
0x9b: {  	s6 =	simm.s32 $0x1BFF;
	s21 =	sshll.u32 s5, $0x1;
	s3 =	sadd.s32 s20, s19  }
0x9c: {  	s22 =	simm.s32 $0x0;
	s4 =	sshll.u32 s4, $0x1;
	s5 =	sadd.s32 s21, s3  }
0x9d: {  	[timem:s22], [sflag:s6] =	dma.local [hbm:s5], s4  }
0x9e: {  	_ =	swait.ge [sflag:s6], s4  }
0x9f: {  	s4 =	ssub.s32 $0x0, s4;
	[sflag:s6] =	ssyncset.done $0x0  }
0xa0: {  	[sflag:s6] =	ssyncadd.s32 s4;
	_ =	sdelay $0x1  }
0xa1: {  	s23 =	simm.s32 $0x1B8B  }
0xa2: {  	_ =	swait.ge [sflag:s23], $0x1  }
0xa3: {  	[sflag:s23] =	ssyncset.done $0x0  }
0xa4: {  	[sflag:s23] =	ssyncadd.s32 $0xFFFFFFFF  }
0xa5: {  	s4 =	sld [smem:$0x0]  }
0xa6: {  	s5 =	sand.u32 $0xFFFFFFFE, s1  }
0xa7: {  	p0 =	sne.s32 s1, s5  }
0xa8: {  	s5 =	sshll.u32 @p0 s5, $0xE  }
0xa9: {  	s5 =	sadd.s32 @p0 $0x11B8D, s5;
	s6 =	sshll.u32 @p0 s4, $0x11  }
0xaa: {  	s5 =	sor.u32 @p0 s6, s5  }
0xab: {  	[sflag:s5] =	ssyncadd.remote.s32 @p0 $0x1;
	_ =	sdelay $0x1  }
0xac: {  	s5 =	simm.s32 @p0 $0x1B8D  }
0xad: {  	_ =	swait.eq @p0 [sflag:s5], $0x1  }
0xae: {  	[sflag:s5] =	ssyncadd.s32 @p0 $0xFFFFFFFF  }
0xaf: {  	s6 =	sshll.u32 @!p0 s1, $0xE  }
0xb0: {  	s6 =	sor.u32 @!p0 $0x4000, s6;
	s5 =	simm.s32 @!p0 $0x1B8D  }
0xb1: {  	s4 =	sshll.u32 @!p0 s4, $0x11;
	s6 =	sadd.s32 @!p0 $0x11B8D, s6;
	_ =	swait.eq @!p0 [sflag:s5], $0x1  }
0xb2: {  	s4 =	sor.u32 @!p0 s4, s6;
	[sflag:s5] =	ssyncadd.s32 @!p0 $0xFFFFFFFF  }
0xb3: {  	s25 =	simm.s32 $0x1B8E;
	s24 =	sld [smem:$0x3FFE];
	[sflag:s4] =	ssyncadd.remote.s32 @!p0 $0x1  }
0xb4: {  	s26 =	simm.s32 $execute0_lowered;
	[smem:$0x3FD2] =	sst s25  }
0xb5: {  	s5 =	sshll.u32 s26, $0x1;
	_ =	strace $0x8000004F;
	[dreg:$0x1] =	wrdreg $0xFFFFFFFF  }
0xb6: {  	s28 =	simm.s32 $_size_execute0_lowered;
	s3 =	sadd.s32 s3, s5;
	[dreg:$0x0] =	wrdreg $0x0  }
0xb7: {  	s5 =	sshll.u32 s28, $0x1;
	[dreg:$0x2] =	wrdreg s3  }
0xb8: {  	[dreg:$0x3] =	wrdreg s5  }
0xb9: {  	[dreg:$0x4] =	wrdreg $0xC0  }
0xba: {  	_ =	task [dreg:s22], $0x5FFFF  }
0xbb: {  	[dreg:$0x1] =	wrdreg $0xFFFFFFFF  }
0xbc: {  	[dreg:$0x0] =	wrdreg $0x60  }
0xbd: {  	[dreg:$0x2] =	wrdreg s24  }
0xbe: {  	[dreg:$0x3] =	wrdreg $0xC  }
0xbf: {  	_ =	task.clear_ibuf [dreg:s22], $0x4FFFF;
	_ =	strace $0x9000004F  }
0xc0: {  	s29 =	simm.s32 $0xC;
	_ =	strace $0x80000051  }
0xc1: {  	_ =	swait.ge [sflag:s29], $0x1  }
0xc2: {  	[sflag:s29] =	ssyncadd.s32 $0xFFFFFFFF  }
0xc3: {  	_ =	strace $0x90000051  }
0xc4: {  	_ =	sfence  }
0xc5: {  	s30 =	sld [smem:$0x0];
	_ =	sdelay $0x2  }
0xc6: {  	s31 =	sshll.u32 s1, $0xD;
	s1 =	sshrl.u32 s1, $0x2  }
0xc7: {  	s4 =	sand.u32 $0x4000, s31;
	s1 =	sadd.s32 s1, s30  }
0xc8: {  	s0 =	sor.u32 s4, s0;
	s1 =	sshll.u32 s1, $0x11  }
0xc9: {  	s0 =	sor.u32 s1, s0  }
0xca: {  	s0 =	sadd.s32 $0x8F2B, s0  }
0xcb: {  	[sflag:s0] =	ssyncadd.remote.s32 $0x1  }
0xcc: {  	_ =	sfence.sel $0xFFFF  }
0xcd: {  	[dreg:$0x0] =	wrdreg $0xFFFFFFFF;
	(pc) =	sbr.abs _section_cstart, $3  }
0xce: {  	[dreg:$0x1] =	wrdreg $0xFFFFFFFF  }
0xcf: {  	_ =	task.clear_ibuf [dreg:s22], $0x2FFFF;
	_ =	strace $0x9FFFFFFF  }
0xd0: {  	(tm) =	ssettm $0x7FFFFFFF  }
0xd1: {  	_ =	shalt  }
tec
execute0_lowered:
.L_overlay_start_1:
0x0: {  	(tag) =	ssettag $0x1  }
0x1: {  	s0 =	rddreg [dreg:$0x0]  }
0x2: {  	s1 =	srdreg.scid;
	s3 =	stileid.u32  }
0x3: {  	s2 =	simm.s32 $0x0;
	s12 =	simm.s32 $0x3;
	s13 =	simm.s32 $0xC400  }
0x4: {  	s14 =	simm.s32 $0xE400;
	s15 =	simm.s32 $0x10400;
	s16 =	simm.s32 $0x10480  }
0x5: {  	s10 =	simm.s32 $0x16C80;
	s11 =	simm.s32 $0x17080;
	s9 =	simm.s32 $0x17C80  }
0x6: {  	s17 =	simm.s32 $0x18480;
	s18 =	simm.s32 $0x18880;
	s19 =	simm.s32 $0x19080  }
0x7: {  	s20 =	simm.s32 $0x1;
	s22 =	simm.s32 $0x0;
	s1 =	sand.u32 $0x1, s1  }
0x8: {  	s3 =	sshll.u32 s3, $0x4;
	[smem:$0x7FF] =	sst s2;
	s4 =	sshll.u32 s1, $0x3  }
0x9: {  	s6 =	sadd.s32 $0xD68800, s0;
	s1 =	ssub.s32 $0x2, s1;
	s3 =	sor.u32 s4, s3  }
.Ltmp0:
0xa: {  	s7 =	sshrl.u32 s1, $0x1;
	s5 =	sshrl.u32 s3, $0x3;
	(pc) =	sbr.rel .LBB2_1-.Ltmp0, $4  }
0xb: {  	_ =	strace $0x80000050;
	s1 =	ssub.s32 s1, s7;
	s8 =	smul.u32 $0xC400, s5  }
0xc: {  	s4 =	sadd.s32 $0xBE0800, s0;
	s7 =	simm.s32 $0x17880;
	s31 =	smax.u32 s1, $0x1  }
0xd: {  	v0 =	vimm.s32 $0x0;
	v1 =	vlaneseq.u32;
	s5 =	sadd.s32 $0x19C800, s0;
	[dreg:$0x3] =	wrdreg s31;
	s30 =	sadd.s32 s4, s8  }
0xe: {  	v2 =	vimm.s32 $0x7FFFFFFF;
	vm0 =	vmmov $0xffff;
	vm1 =	vmmov $0xff;
	s1 =	simm.s32 $0x16480;
	s8 =	sadd.s32 $0x19C900, s0;
	[dreg:$0x2] =	wrdreg s30  }
.LBB2_34:
0xf: {  	s21 =	simm.s32 $0x2  }
0x10: {  	_ =	swait.ge [sflag:s21], $0x9000  }
0x11: {  	s22 =	rddreg [dreg:$0x4]  }
0x12: {  	s0 =	rddreg [dreg:$0x3];
	s22 =	sadd.s32 $0x1, s22  }
0x13: {  	p0 =	sne.s32 s22, s0  }
.Ltmp1:
0x14: {  	_ = 	snop;
	(pc) =	sbr.rel @!p0 .LBB2_35-.Ltmp1, $3  }
0x15: {  	_ =	sdelay $0x1  }
0x16: {  	[sflag:s21] =	ssyncset.done $0x0  }
0x17: {  	[sflag:s21] =	ssyncadd.s32 $0xFFFF7000  }
.LBB2_1:
.Ltmp2:
0x18: {  	(pc) =	sbr.rel .LBB2_2-.Ltmp2, $4  }
0x19: {  	_ = 	snop  }
0x1a: {  	s0 =	rddreg [dreg:$0x2];
	s21 =	simm.s32 $0x80;
	s31 =	simm.s32 $0x400  }
0x1b: {  	[tilespmem:s2], [sflag:$0x3] =	stream.strided.gather [hbm4b:s0+s21], $0xC400, s31, s21, $0x38;
	[tilespmem:$0x19480] =	vst v63  }
0x1c: {  	[dreg:$0x4] =	wrdreg s22;
	s21 =	simm.s32 $0x0  }
.LBB2_32:
0x1d: {  	vm2 =	veq.s32 v8, v3;
	vm3 =	vlt.s32 v4, v6  }
0x1e: {  	vm4 =	vlt.s32 v8, v3;
	vm2 =	vmand vm2, vm3  }
0x1f: {  	vm2 =	vmor vm4, vm2  }
0x20: {  	v3 =	vsel vm2, $0x1, v0  }
0x21: {  	(xrf0) =	vadd.scan.msk.s32 $0xffff, v3;
	_ =	sdelay $0x4  }
0x22: {  	v3 =	vsel vm2, $0xFFFFFFFF, v0  }
0x23: {  	v3 =	vadd.s32 v3, v5;
	v63, _, _ =	vpop (xrf0)  }
0x24: {  	v3 =	vadd.s32 v63, v3  }
0x25: {  	vm3 =	vlt.s32 v3, $0x5F  }
0x26: {  	v3 =	vnsel vm3, $0x5F, v3;
	_ =	sdelay $0x4  }
0x27: {  	[tilespmem:v3+s15+$0x0] =	vst.idx.msk vm2, v4  }
.LBB2_33:
0x28: {  	p0 =	seq.s32 s21, $0x0  }
0x29: {  	s0 =	simm.s32 @!p0 $0x2  }
0x2a: {  	_ =	swait.ge @!p0 [sflag:s0], $0x9000  }
0x2b: {  	[sflag:s0] =	ssyncset.done @!p0 $0x0  }
0x2c: {  	[sflag:s0] =	ssyncadd.s32 @!p0 $0xFFFF7000  }
0x2d: {  	v3 =	vld [tilespmem:$0x10400];
	_ =	sdelay $0x4  }
0x2e: {  	v4 =	vshrl.u32 v3, $0x3  }
0x2f: {  	v4 =	vmul.u32 $0x18, v4  }
0x30: {  	v3 =	vand.u32 $0x7, v3  }
0x31: {  	v58 =	vand.u32 $0x7, v1;
	v5 =	vshrl.u32 v1, $0x3;
	v3 =	vor.u32 v3, v4  }
0x32: {  	v5 =	vmul.u32 $0x8, v5;
	v6 =	vperm.xlane v3, v58;
	_ =	sdelay $0x1  }
0x33: {  	v6 =	vadd.s32 v5, v6  }
0x34: {  	v7 =	vor.u32 $0x8, v1  }
0x35: {  	v3 =	vperm.xlane v3, v7;
	_ =	sdelay $0x1  }
0x36: {  	v3 =	vadd.s32 v5, v3  }
0x37: {  	[tilespmem:s16], [sflag:$0x1] =	stream.indirect_vreg.gather [hbm4b:s5+s2], $0x80, v6, vm0, $0xb8;
	[tilespmem:$0x19480] =	vst v63  }
0x38: {  	s23 =	simm.s32 $0x10C80  }
0x39: {  	[tilespmem:s23], [sflag:$0x1] =	stream.indirect_vreg.gather [hbm4b:s8+s2], $0x80, v6, vm1, $0xb8;
	[tilespmem:$0x19480] =	vst v63  }
0x3a: {  	s24 =	simm.s32 $0x11080  }
0x3b: {  	[tilespmem:s24], [sflag:$0x1] =	stream.indirect_vreg.gather [hbm4b:s5+s2], $0x80, v3, vm0, $0xb8;
	[tilespmem:$0x19480] =	vst v63  }
0x3c: {  	s25 =	simm.s32 $0x11880  }
0x3d: {  	[tilespmem:s25], [sflag:$0x1] =	stream.indirect_vreg.gather [hbm4b:s8+s2], $0x80, v3, vm1, $0xb8;
	[tilespmem:$0x19480] =	vst v63  }
0x3e: {  	v3 =	vld [tilespmem:$0x10410];
	_ =	sdelay $0x4  }
0x3f: {  	v59 =	vshrl.u32 v3, $0x3  }
0x40: {  	v6 =	vmul.u32 $0x18, v59  }
0x41: {  	v3 =	vand.u32 $0x7, v3  }
0x42: {  	v3 =	vor.u32 v3, v6  }
0x43: {  	v6 =	vperm.xlane v3, v58;
	_ =	sdelay $0x1  }
0x44: {  	v6 =	vadd.s32 v5, v6;
	_ =	sdelay $0x1  }
0x45: {  	v3 =	vperm.xlane v3, v7;
	_ =	sdelay $0x1  }
0x46: {  	s26 =	simm.s32 $0x11C80;
	v3 =	vadd.s32 v5, v3  }
0x47: {  	[tilespmem:s26], [sflag:$0x1] =	stream.indirect_vreg.gather [hbm4b:s5+s2], $0x80, v6, vm0, $0xb8;
	[tilespmem:$0x19480] =	vst v63  }
0x48: {  	s28 =	simm.s32 $0x12480  }
0x49: {  	[tilespmem:s28], [sflag:$0x1] =	stream.indirect_vreg.gather [hbm4b:s8+s2], $0x80, v6, vm1, $0xb8;
	[tilespmem:$0x19480] =	vst v63  }
0x4a: {  	s29 =	simm.s32 $0x12880  }
0x4b: {  	[tilespmem:s29], [sflag:$0x1] =	stream.indirect_vreg.gather [hbm4b:s5+s2], $0x80, v3, vm0, $0xb8;
	[tilespmem:$0x19480] =	vst v63  }
0x4c: {  	s30 =	simm.s32 $0x13080  }
0x4d: {  	[tilespmem:s30], [sflag:$0x1] =	stream.indirect_vreg.gather [hbm4b:s8+s2], $0x80, v3, vm1, $0xb8;
	[tilespmem:$0x19480] =	vst v63  }
0x4e: {  	v3 =	vld [tilespmem:$0x10420];
	_ =	sdelay $0x4  }
0x4f: {  	v60 =	vshrl.u32 v3, $0x3  }
0x50: {  	v6 =	vmul.u32 $0x18, v60  }
0x51: {  	v3 =	vand.u32 $0x7, v3  }
0x52: {  	v3 =	vor.u32 v3, v6  }
0x53: {  	v6 =	vperm.xlane v3, v58;
	_ =	sdelay $0x1  }
0x54: {  	v6 =	vadd.s32 v5, v6;
	_ =	sdelay $0x1  }
0x55: {  	v3 =	vperm.xlane v3, v7;
	_ =	sdelay $0x1  }
0x56: {  	s31 =	simm.s32 $0x13480;
	v3 =	vadd.s32 v5, v3  }
0x57: {  	[tilespmem:s31], [sflag:$0x1] =	stream.indirect_vreg.gather [hbm4b:s5+s2], $0x80, v6, vm0, $0xb8;
	[tilespmem:$0x19480] =	vst v63  }
0x58: {  	s23 =	simm.s32 $0x13C80  }
0x59: {  	[tilespmem:s23], [sflag:$0x1] =	stream.indirect_vreg.gather [hbm4b:s8+s2], $0x80, v6, vm1, $0xb8;
	[tilespmem:$0x19480] =	vst v63  }
0x5a: {  	s24 =	simm.s32 $0x14080  }
0x5b: {  	[tilespmem:s24], [sflag:$0x1] =	stream.indirect_vreg.gather [hbm4b:s5+s2], $0x80, v3, vm0, $0xb8;
	[tilespmem:$0x19480] =	vst v63  }
0x5c: {  	s25 =	simm.s32 $0x14880  }
0x5d: {  	[tilespmem:s25], [sflag:$0x1] =	stream.indirect_vreg.gather [hbm4b:s8+s2], $0x80, v3, vm1, $0xb8;
	[tilespmem:$0x19480] =	vst v63  }
0x5e: {  	v3 =	vld [tilespmem:$0x10430];
	_ =	sdelay $0x4  }
0x5f: {  	v61 =	vshrl.u32 v3, $0x3  }
0x60: {  	v6 =	vmul.u32 $0x18, v61  }
0x61: {  	v3 =	vand.u32 $0x7, v3  }
0x62: {  	v3 =	vor.u32 v3, v6  }
0x63: {  	v6 =	vperm.xlane v3, v58;
	_ =	sdelay $0x1  }
0x64: {  	v6 =	vadd.s32 v5, v6;
	_ =	sdelay $0x1  }
0x65: {  	v3 =	vperm.xlane v3, v7;
	_ =	sdelay $0x1  }
0x66: {  	s26 =	simm.s32 $0x14C80;
	v3 =	vadd.s32 v5, v3  }
0x67: {  	[tilespmem:s26], [sflag:$0x1] =	stream.indirect_vreg.gather [hbm4b:s5+s2], $0x80, v6, vm0, $0xb8;
	[tilespmem:$0x19480] =	vst v63  }
0x68: {  	s28 =	simm.s32 $0x15480  }
0x69: {  	[tilespmem:s28], [sflag:$0x1] =	stream.indirect_vreg.gather [hbm4b:s8+s2], $0x80, v6, vm1, $0xb8;
	[tilespmem:$0x19480] =	vst v63  }
0x6a: {  	s29 =	simm.s32 $0x15880  }
0x6b: {  	[tilespmem:s29], [sflag:$0x1] =	stream.indirect_vreg.gather [hbm4b:s5+s2], $0x80, v3, vm0, $0xb8;
	[tilespmem:$0x19480] =	vst v63  }
0x6c: {  	s30 =	simm.s32 $0x16080  }
0x6d: {  	[tilespmem:s30], [sflag:$0x1] =	stream.indirect_vreg.gather [hbm4b:s8+s2], $0x80, v3, vm1, $0xb8;
	[tilespmem:$0x19480] =	vst v63  }
0x6e: {  	v3 =	vld [tilespmem:$0x10440];
	_ =	sdelay $0x4  }
0x6f: {  	v62 =	vshrl.u32 v3, $0x3  }
0x70: {  	v6 =	vmul.u32 $0x18, v62  }
0x71: {  	v3 =	vand.u32 $0x7, v3  }
0x72: {  	v3 =	vor.u32 v3, v6  }
0x73: {  	v6 =	vperm.xlane v3, v58;
	_ =	sdelay $0x1  }
0x74: {  	v6 =	vadd.s32 v5, v6;
	_ =	sdelay $0x1  }
0x75: {  	v3 =	vperm.xlane v3, v7;
	_ =	sdelay $0x1  }
0x76: {  	v3 =	vadd.s32 v5, v3  }
0x77: {  	[tilespmem:s1], [sflag:$0x1] =	stream.indirect_vreg.gather [hbm4b:s5+s2], $0x80, v6, vm0, $0xb8;
	[tilespmem:$0x19480] =	vst v63  }
0x78: {  	_ = 	snop  }
0x79: {  	[tilespmem:s10], [sflag:$0x1] =	stream.indirect_vreg.gather [hbm4b:s8+s2], $0x80, v6, vm1, $0xb8;
	[tilespmem:$0x19480] =	vst v63  }
0x7a: {  	_ = 	snop  }
0x7b: {  	[tilespmem:s11], [sflag:$0x1] =	stream.indirect_vreg.gather [hbm4b:s5+s2], $0x80, v3, vm0, $0xb8;
	[tilespmem:$0x19480] =	vst v63  }
0x7c: {  	_ = 	snop  }
0x7d: {  	[tilespmem:s7], [sflag:$0x1] =	stream.indirect_vreg.gather [hbm4b:s8+s2], $0x80, v3, vm1, $0xb8;
	[tilespmem:$0x19480] =	vst v63  }
0x7e: {  	v3 =	vld [tilespmem:$0x10450];
	_ =	sdelay $0x4  }
0x7f: {  	v63 =	vshrl.u32 v3, $0x3  }
0x80: {  	v6 =	vmul.u32 $0x18, v63  }
0x81: {  	v3 =	vand.u32 $0x7, v3  }
0x82: {  	v3 =	vor.u32 v3, v6  }
0x83: {  	v4 =	vperm.xlane v3, v58;
	_ =	sdelay $0x1  }
0x84: {  	v4 =	vadd.s32 v5, v4;
	_ =	sdelay $0x1  }
0x85: {  	v3 =	vperm.xlane v3, v7;
	_ =	sdelay $0x1  }
0x86: {  	v3 =	vadd.s32 v5, v3  }
0x87: {  	[tilespmem:s9], [sflag:$0x1] =	stream.indirect_vreg.gather [hbm4b:s5+s2], $0x80, v4, vm0, $0xb8;
	[tilespmem:$0x19480] =	vst v63  }
0x88: {  	_ = 	snop  }
0x89: {  	[tilespmem:s17], [sflag:$0x1] =	stream.indirect_vreg.gather [hbm4b:s8+s2], $0x80, v4, vm1, $0xb8;
	[tilespmem:$0x19480] =	vst v63  }
0x8a: {  	s21 =	sadd.s32 $0x1, s21  }
0x8b: {  	[tilespmem:s18], [sflag:$0x1] =	stream.indirect_vreg.gather [hbm4b:s5+s2], $0x80, v3, vm0, $0xb8;
	[tilespmem:$0x19480] =	vst v63  }
0x8c: {  	p0 =	sne.s32 s21, $0x8  }
0x8d: {  	[tilespmem:s19], [sflag:$0x1] =	stream.indirect_vreg.gather [hbm4b:s8+s2], $0x80, v3, vm1, $0xb8;
	[tilespmem:$0x19480] =	vst v63  }
.Ltmp3:
0x8e: {  	_ = 	snop;
	(pc) =	sbr.rel @!p0 .LBB2_34-.Ltmp3, $4  }
0x8f: {  	s31 =	smul.u32 $0x1200, s22;
	_ =	swait.ge [sflag:s20], $0x9000  }
0x90: {  	[sflag:s20] =	ssyncset.done $0x0  }
0x91: {  	s0 =	sadd.s32 s6, s31;
	[sflag:s20] =	ssyncadd.s32 $0xFFFF7000  }
0x92: {  	[hbm4b:s0+s2] =	stream.linear.scatter [tilespmem:s16], [sflag:$0x2], $0x9000, $0x38;
	[tilespmem:$0x19480] =	vst v63  }
.LBB2_2:
0x93: {  	_ =	swait.ge [sflag:s12], $0xC400  }
0x94: {  	[sflag:s12] =	ssyncset.done $0x0  }
0x95: {  	s0 =	simm.s32 $0x0;
	[sflag:s12] =	ssyncadd.s32 $0xFFFF3C00  }
0x96: {  	v5 =	vld [tilespmem:s0+$0x0]  }
0x97: {  	v6 =	vld [tilespmem:s0+$0x10]  }
0x98: {  	v8 =	vld [tilespmem:s0+$0x20]  }
0x99: {  	v16 =	vld [tilespmem:s0+$0x30]  }
0x9a: {  	v10 =	vld [tilespmem:s0+$0x40]  }
0x9b: {  	s22 =	simm.s32 $0x60;
	v7 =	vld [tilespmem:s0+$0x50]  }
0x9c: {  	v3 =	vimm.s32 $0x7FFFFFFF;
	v11 =	vld [tilespmem:s22+$0x0]  }
0x9d: {  	v9 =	vimm.s32 $0x7FFFFFFF;
	v12 =	vld [tilespmem:s22+$0x10];
	vm2 =	vlt.s32 v3, v5  }
0x9e: {  	v4 =	vld [tilespmem:s22+$0x20];
	vm3 =	vlt.s32 v3, v6;
	vm4 =	vlt.s32 v3, v8;
	v14 =	vsel vm2, v3, v5  }
0x9f: {  	v15 =	vsel vm3, v3, v6;
	v5 =	vld [tilespmem:s22+$0x30];
	v13 =	vsel vm4, v3, v8;
	vm4 =	vlt.s32 v3, v16  }
0xa0: {  	s23 =	simm.s32 $0x300;
	vm3 =	vlt.s32 v3, v10;
	v8 =	vld [tilespmem:s22+$0x40];
	vm2 =	vlt.s32 v3, v7;
	v6 =	vimm.s32 $0x7FFFFFFF  }
.LBB2_3:
0xa1: {  	v3 =	vsel vm4, v3, v16;
	v6 =	vsel vm3, v6, v10;
	v9 =	vsel vm2, v9, v7;
	v7 =	vld [tilespmem:s22+$0x50];
	s22 =	sshra.s32 s23, $0x2;
	v10 =	vmovc v11;
	p0 =	sne.s32 s23, $0x30D80  }
.Ltmp4:
0xa2: {  	v11 =	vld [tilespmem:s22+$0x0];
	v17 =	vmov v12;
	(pc) =	sbr.rel @p0 .LBB2_3-.Ltmp4, $4  }
0xa3: {  	v12 =	vld [tilespmem:s22+$0x10];
	v18 =	vmov v4  }
0xa4: {  	vm2 =	vlt.s32 v14, v10;
	vm3 =	vlt.s32 v15, v17;
	v4 =	vld [tilespmem:s22+$0x20];
	vm4 =	vlt.s32 v13, v18;
	v16 =	vmovc v5  }
0xa5: {  	v14 =	vsel vm2, v14, v10;
	v15 =	vsel vm3, v15, v17;
	v5 =	vld [tilespmem:s22+$0x30];
	v13 =	vsel vm4, v13, v18;
	v10 =	vmovc v8  }
0xa6: {  	s23 =	sadd.s32 $0x180, s23;
	vm4 =	vlt.s32 v3, v16;
	v8 =	vld [tilespmem:s22+$0x40];
	vm3 =	vlt.s32 v6, v10;
	vm2 =	vlt.s32 v9, v7  }
0xa7: {  	v17 =	vld [tilespmem:$0xC3C0]  }
0xa8: {  	v18 =	vld [tilespmem:$0xC3D0];
	_ =	sdelay $0x1  }
0xa9: {  	v19 =	vld [tilespmem:$0xC3E0]  }
0xaa: {  	vm5 =	vlt.s32 v14, v11;
	vm6 =	vlt.s32 v15, v12  }
0xab: {  	v16 =	vsel vm4, v3, v16;
	v3 =	vsel vm5, v14, v11;
	v11 =	vsel vm6, v15, v12;
	v12 =	vld [tilespmem:$0xC3F0]  }
0xac: {  	vm10 =	vlt.s32 v13, v4;
	vm5 =	vlt.s32 v3, v17;
	vm6 =	vlt.s32 v11, v18  }
0xad: {  	v13 =	vsel vm10, v13, v4;
	v3 =	vsel vm5, v3, v17;
	v4 =	vsel vm6, v11, v18  }
0xae: {  	vm11 =	vlt.s32 v16, v5;
	vm12 =	vlt.s32 v13, v19;
	vm6 =	vgt.s32 v3, v4  }
0xaf: {  	v14 =	vsel vm11, v16, v5;
	v11 =	vld [tilespmem:s22+$0x50];
	v5 =	vsel vm12, v13, v19;
	v13 =	vsel vm6, v3, v4  }
0xb0: {  	vm4 =	vlt.s32 v14, v12;
	vm5 =	vgt.s32 v13, v5  }
0xb1: {  	v10 =	vsel vm3, v6, v10;
	v6 =	vsel vm4, v14, v12;
	v12 =	vsel vm5, v13, v5  }
0xb2: {  	vm3 =	vlt.s32 v10, v8;
	vm4 =	vgt.s32 v12, v6  }
0xb3: {  	v9 =	vsel vm2, v9, v7;
	v7 =	vsel vm3, v10, v8;
	v10 =	vsel vm4, v12, v6  }
0xb4: {  	vm2 =	vlt.s32 v9, v11;
	vm3 =	vgt.s32 v10, v7  }
0xb5: {  	v8 =	vsel vm2, v9, v11;
	v9 =	vsel vm3, v10, v7  }
0xb6: {  	vm2 =	vgt.s32 v9, v8  }
0xb7: {  	v9 =	vsel vm2, v9, v8  }
0xb8: {  	(v2sf) =	vpush v9, $0x0  }
0xb9: {  	(v2sf) =	vpush v9, $0x1;
	_ =	sdelay $0x1  }
0xba: {  	(v2sf) =	vpush v9, $0x2;
	_ =	sdelay $0x1  }
0xbb: {  	(v2sf) =	vpush v9, $0x3;
	_ =	sdelay $0x1  }
0xbc: {  	(v2sf) =	vpush v9, $0x4;
	_ =	sdelay $0x1  }
0xbd: {  	(v2sf) =	vpush v9, $0x5;
	_ =	sdelay $0x1  }
0xbe: {  	(v2sf) =	vpush v9, $0x6;
	_ =	sdelay $0x1  }
0xbf: {  	(v2sf) =	vpush v9, $0x7;
	_ =	sdelay $0x1  }
0xc0: {  	s0 =	spop (v2sf);
	(v2sf) =	vpush v9, $0x8  }
0xc1: {  	s22 =	spop (v2sf)  }
0xc2: {  	(v2sf) =	vpush v9, $0x9;
	p0 =	sgt.s32 s0, s22  }
0xc3: {  	s22 =	smov.u32 @p0 s0;
	s0 =	spop (v2sf)  }
0xc4: {  	(v2sf) =	vpush v9, $0xA;
	p0 =	sgt.s32 s22, s0  }
0xc5: {  	s0 =	smov.u32 @p0 s22;
	s22 =	spop (v2sf)  }
0xc6: {  	(v2sf) =	vpush v9, $0xB;
	p0 =	sgt.s32 s0, s22  }
0xc7: {  	s22 =	smov.u32 @p0 s0;
	s0 =	spop (v2sf)  }
0xc8: {  	(v2sf) =	vpush v9, $0xC;
	p0 =	sgt.s32 s22, s0  }
0xc9: {  	s0 =	smov.u32 @p0 s22;
	s22 =	spop (v2sf)  }
0xca: {  	(v2sf) =	vpush v9, $0xD;
	p0 =	sgt.s32 s0, s22  }
0xcb: {  	s22 =	smov.u32 @p0 s0;
	s0 =	spop (v2sf)  }
0xcc: {  	(v2sf) =	vpush v9, $0xE;
	p0 =	sgt.s32 s22, s0  }
0xcd: {  	s0 =	smov.u32 @p0 s22;
	s22 =	spop (v2sf)  }
0xce: {  	(v2sf) =	vpush v9, $0xF;
	p0 =	sgt.s32 s0, s22  }
0xcf: {  	s23 =	spop (v2sf);
	s22 =	smov.u32 @p0 s0  }
0xd0: {  	p0 =	sgt.s32 s22, s23  }
0xd1: {  	s0 =	spop (v2sf);
	s23 =	smov.u32 @p0 s22  }
0xd2: {  	p0 =	sgt.s32 s23, s0  }
0xd3: {  	s22 =	spop (v2sf);
	s0 =	smov.u32 @p0 s23  }
0xd4: {  	p0 =	sgt.s32 s0, s22  }
0xd5: {  	s23 =	spop (v2sf);
	s22 =	smov.u32 @p0 s0  }
0xd6: {  	p0 =	sgt.s32 s22, s23  }
0xd7: {  	s0 =	spop (v2sf);
	s23 =	smov.u32 @p0 s22  }
0xd8: {  	p0 =	sgt.s32 s23, s0  }
0xd9: {  	s24 =	spop (v2sf);
	s0 =	smov.u32 @p0 s23  }
0xda: {  	p0 =	sgt.s32 s0, s24  }
0xdb: {  	s22 =	simm.s32 $0x20;
	s25 =	spop (v2sf);
	s24 =	smov.u32 @p0 s0  }
0xdc: {  	v10 =	vld [tilespmem:s22+$0xFFFFFFE0];
	p0 =	sgt.s32 s24, s25  }
0xdd: {  	s23 =	spop (v2sf);
	s25 =	smov.u32 @p0 s24  }
0xde: {  	v12 =	vld [tilespmem:s22+$0xFFFFFFF0];
	p0 =	sgt.s32 s25, s23  }
0xdf: {  	s23 =	smov.u32 @p0 s25  }
0xe0: {  	v13 =	vld [tilespmem:s22+$0x0];
	v9 =	vmov s23  }
0xe1: {  	vm13 =	vle.s32 v10, v9  }
0xe2: {  	v14 =	vld [tilespmem:s22+$0x10];
	v11 =	vsel vm13, $0x1, v0  }
0xe3: {  	vm14 =	vle.s32 v12, v9;
	(xrf0) =	vadd.scan.msk.s32 $0xffff, v11  }
0xe4: {  	v11 =	vsel vm14, $0x1, v0  }
0xe5: {  	vm3 =	vle.s32 v13, v9;
	(xrf0) =	vadd.scan.msk.s32 $0xffff, v11  }
0xe6: {  	v15 =	vsel vm3, $0x1, v0;
	v11 =	vimm.s32 $0x0  }
0xe7: {  	vm2 =	vle.s32 v14, v9;
	vm15 =	vlt.s32 v11, $0x1FBF;
	(xrf0) =	vadd.scan.msk.s32 $0xffff, v15  }
0xe8: {  	v15 =	vsel vm2, $0x1, v0;
	v11 =	vnsel vm15, $0x1FBF, v11  }
0xe9: {  	v58 =	vmpcnt.ones.xlane vm13;
	v11 =	vadd.s32 $0xFFFFFFFF, v11;
	v59, _, _ =	vpop (xrf0);
	(xrf0) =	vadd.scan.msk.s32 $0xffff, v15  }
0xea: {  	v60 =	vmpcnt.ones.xlane vm14;
	v15 =	vadd.s32 v11, v59  }
0xeb: {  	v11 =	vadd.s32 v11, v58;
	v61, _, _ =	vpop (xrf0)  }
0xec: {  	v17 =	vadd.s32 v61, v11;
	v11 =	vadd.s32 v11, v60  }
0xed: {  	v62 =	vmpcnt.ones.xlane vm3;
	v63, _, _ =	vpop (xrf0)  }
0xee: {  	s28 =	simm.s32 $0x0;
	v16 =	vadd.s32 v63, v11  }
0xef: {  	v18 =	vadd.s32 v11, v62;
	[tilespmem:v15+s13+$0x0] =	vst.idx.msk vm13, v10;
	v10 =	vor.u32 s28, v1;
	v11, _, _ =	vpop (xrf0)  }
0xf0: {  	s29 =	simm.s32 $0x10;
	[tilespmem:v15+s14+$0x0] =	vst.idx.msk vm13, v10;
	v11 =	vadd.s32 v11, v18  }
0xf1: {  	v10 =	vor.u32 s29, v1;
	[tilespmem:v17+s13+$0x0] =	vst.idx.msk vm14, v12  }
0xf2: {  	s30 =	simm.s32 $0x20;
	v12 =	vmpcnt.ones.xlane vm2;
	[tilespmem:v17+s14+$0x0] =	vst.idx.msk vm14, v10  }
0xf3: {  	v10 =	vor.u32 s30, v1;
	[tilespmem:v16+s13+$0x0] =	vst.idx.msk vm3, v13  }
0xf4: {  	s31 =	simm.s32 $0x30;
	v12 =	vadd.s32 v12, v18;
	[tilespmem:v16+s14+$0x0] =	vst.idx.msk vm3, v10  }
0xf5: {  	s24 =	simm.s32 $0x70;
	v10 =	vadd.s32 $0x1, v12;
	v12 =	vor.u32 s31, v1;
	[tilespmem:v11+s13+$0x0] =	vst.idx.msk vm2, v14  }
.LBB2_5:
0xf6: {  	p0 =	sne.s32 s24, $0xC3F0  }
0xf7: {  	[tilespmem:v11+s14+$0x0] =	vst.idx.msk vm2, v12;
	s22 =	sadd.s32 $0x40, s22;
	s25 =	smov.u32 s24;
	s24 =	sadd.s32 $0x40, s24  }
0xf8: {  	v11 =	vld [tilespmem:s22+$0xFFFFFFE0];
	_ =	sdelay $0x1  }
0xf9: {  	v12 =	vld [tilespmem:s22+$0xFFFFFFF0];
	_ =	sdelay $0x1  }
0xfa: {  	v13 =	vld [tilespmem:s22+$0x0]  }
0xfb: {  	vm5 =	vle.s32 v11, v9  }
0xfc: {  	v14 =	vld [tilespmem:s22+$0x10];
	v15 =	vsel vm5, $0x1, v0;
	v16 =	vmpcnt.ones.xlane vm5  }
0xfd: {  	vm3 =	vle.s32 v12, v9;
	(xrf0) =	vadd.scan.msk.s32 $0xffff, v15  }
0xfe: {  	v15 =	vsel vm3, $0x1, v0  }
0xff: {  	vm4 =	vle.s32 v13, v9;
	(xrf0) =	vadd.scan.msk.s32 $0xffff, v15  }
0x100: {  	v15 =	vsel vm4, $0x1, v0  }
0x101: {  	vm6 =	vlt.s32 v10, $0x1FBF;
	vm2 =	vle.s32 v14, v9;
	(xrf0) =	vadd.scan.msk.s32 $0xffff, v15  }
0x102: {  	v10 =	vnsel vm6, $0x1FBF, v10;
	v15 =	vsel vm2, $0x1, v0  }
0x103: {  	v10 =	vadd.s32 $0xFFFFFFFF, v10;
	v17, _, _ =	vpop (xrf0);
	(xrf0) =	vadd.scan.msk.s32 $0xffff, v15  }
0x104: {  	v15 =	vadd.s32 v10, v17  }
0x105: {  	v10 =	vadd.s32 v10, v16;
	v16 =	vmpcnt.ones.xlane vm3;
	v17, _, _ =	vpop (xrf0)  }
0x106: {  	v20 =	vmpcnt.ones.xlane vm4;
	v17 =	vadd.s32 v17, v10  }
0x107: {  	v10 =	vadd.s32 v10, v16;
	v16 =	vmpcnt.ones.xlane vm2;
	v19, _, _ =	vpop (xrf0)  }
0x108: {  	s0 =	sadd.s32 $0xFFFFFFD0, s25;
	v19 =	vadd.s32 v19, v10;
	v10 =	vadd.s32 v10, v20  }
0x109: {  	[tilespmem:v15+s13+$0x0] =	vst.idx.msk vm5, v11;
	v11 =	vor.u32 s0, v1;
	v16 =	vadd.s32 v16, v10;
	v18, _, _ =	vpop (xrf0)  }
0x10a: {  	s0 =	sadd.s32 $0xFFFFFFE0, s25;
	[tilespmem:v15+s14+$0x0] =	vst.idx.msk vm5, v11;
	v11 =	vadd.s32 v18, v10;
	v10 =	vadd.s32 $0x1, v16  }
.Ltmp5:
0x10b: {  	[tilespmem:v17+s13+$0x0] =	vst.idx.msk vm3, v12;
	v12 =	vor.u32 s0, v1;
	(pc) =	sbr.rel @p0 .LBB2_5-.Ltmp5, $4  }
0x10c: {  	s0 =	sadd.s32 $0xFFFFFFF0, s25;
	[tilespmem:v17+s14+$0x0] =	vst.idx.msk vm3, v12  }
0x10d: {  	v12 =	vor.u32 s0, v1;
	[tilespmem:v19+s13+$0x0] =	vst.idx.msk vm4, v13  }
0x10e: {  	[tilespmem:v19+s14+$0x0] =	vst.idx.msk vm4, v12  }
0x10f: {  	v12 =	vor.u32 s25, v1;
	[tilespmem:v11+s13+$0x0] =	vst.idx.msk vm2, v14  }
0x110: {  	vm3 =	vlt.s32 v3, v4  }
0x111: {  	v3 =	vsel vm3, v3, v4  }
0x112: {  	vm3 =	vlt.s32 v3, v5  }
0x113: {  	v3 =	vsel vm3, v3, v5  }
0x114: {  	vm3 =	vlt.s32 v3, v6  }
0x115: {  	v3 =	vsel vm3, v3, v6  }
0x116: {  	vm3 =	vlt.s32 v3, v7  }
0x117: {  	v3 =	vsel vm3, v3, v7  }
0x118: {  	vm3 =	vlt.s32 v3, v8  }
0x119: {  	v3 =	vsel vm3, v3, v8  }
0x11a: {  	(v2sf) =	vpush v3, $0x0  }
0x11b: {  	(v2sf) =	vpush v3, $0x1;
	_ =	sdelay $0x1  }
0x11c: {  	(v2sf) =	vpush v3, $0x2;
	_ =	sdelay $0x1  }
0x11d: {  	(v2sf) =	vpush v3, $0x3;
	_ =	sdelay $0x1  }
0x11e: {  	(v2sf) =	vpush v3, $0x4;
	_ =	sdelay $0x1  }
0x11f: {  	(v2sf) =	vpush v3, $0x5;
	_ =	sdelay $0x1  }
0x120: {  	(v2sf) =	vpush v3, $0x6;
	_ =	sdelay $0x1  }
0x121: {  	(v2sf) =	vpush v3, $0x7;
	_ =	sdelay $0x1  }
0x122: {  	(v2sf) =	vpush v3, $0x8;
	s0 =	spop (v2sf)  }
0x123: {  	(v2sf) =	vpush v3, $0x9;
	s22 =	spop (v2sf)  }
0x124: {  	p0 =	slt.s32 s0, s22  }
0x125: {  	(v2sf) =	vpush v3, $0xA;
	s22 =	smov.u32 @p0 s0;
	s0 =	spop (v2sf)  }
0x126: {  	(v2sf) =	vpush v3, $0xB;
	p0 =	slt.s32 s22, s0  }
0x127: {  	s24 =	spop (v2sf);
	(v2sf) =	vpush v3, $0xC;
	s0 =	smov.u32 @p0 s22  }
0x128: {  	(v2sf) =	vpush v3, $0xD;
	p0 =	slt.s32 s0, s24  }
0x129: {  	s24 =	smov.u32 @p0 s0;
	s0 =	spop (v2sf);
	(v2sf) =	vpush v3, $0xE  }
0x12a: {  	s22 =	sor.u32 s3, s21;
	p1 =	slt.s32 s24, s0;
	(v2sf) =	vpush v3, $0xF  }
0x12b: {  	p0 =	seq.s32 s21, $0x7;
	s0 =	smov.u32 @p1 s24;
	s24 =	spop (v2sf);
	(v2sf) =	vpush v10, $0x0  }
0x12c: {  	s25 =	sadd.s32 @!p0 $0x1, s22;
	s29 =	simm.s32 @!p0 $0x400;
	p1 =	slt.s32 s0, s24  }
0x12d: {  	s28 =	sshrl.u32 @!p0 s25, $0x3;
	s26 =	spop (v2sf);
	s24 =	smov.u32 @p1 s0  }
0x12e: {  	s25 =	sshll.u32 @!p0 s25, $0x7;
	s0 =	smul.u32 @!p0 $0x62000, s28;
	p1 =	slt.s32 s24, s26  }
0x12f: {  	s25 =	sand.u32 @!p0 $0x380, s25;
	s28 =	spop (v2sf);
	s26 =	smov.u32 @p1 s24  }
0x130: {  	s30 =	simm.s32 @!p0 $0x0;
	s0 =	sor.u32 @!p0 s25, s0;
	p1 =	slt.s32 s26, s28  }
0x131: {  	s24 =	spop (v2sf);
	s0 =	sshrl.u32 @!p0 s0, $0x3;
	s28 =	smov.u32 @p1 s26  }
0x132: {  	[tilespmem:v11+s14+$0x0] =	vst.idx.msk vm2, v12;
	s25 =	spop (v2sf);
	s0 =	sadd.s32 @!p0 s4, s0;
	s26 =	simm.s32 @!p0 $0x80  }
0x133: {  	[tilespmem:s30], [sflag:$0x3] =	stream.strided.gather @!p0 [hbm4b:s0+s26], $0xC400, s29, s26, $0x38;
	[tilespmem:$0x19480] =	vst v63  }
0x134: {  	s0 =	spop (v2sf);
	p0 =	slt.s32 s28, s24  }
0x135: {  	s24 =	smov.u32 @p0 s28;
	s29 =	spop (v2sf)  }
0x136: {  	p0 =	slt.s32 s24, s25;
	s28 =	spop (v2sf)  }
0x137: {  	s25 =	smov.u32 @p0 s24;
	s30 =	spop (v2sf)  }
0x138: {  	p0 =	slt.s32 s25, s0;
	s31 =	spop (v2sf)  }
0x139: {  	s0 =	smov.u32 @p0 s25;
	s26 =	spop (v2sf)  }
0x13a: {  	p0 =	slt.s32 s0, s29;
	s24 =	spop (v2sf)  }
0x13b: {  	s29 =	smov.u32 @p0 s0;
	p0 =	slt.s32 s24, $0x2000  }
0x13c: {  	s24 =	simm.s32 @!p0 $0x2000;
	p0 =	slt.s32 s29, s28  }
0x13d: {  	s28 =	smov.u32 @p0 s29  }
0x13e: {  	p0 =	slt.s32 s28, s30  }
0x13f: {  	s30 =	smov.u32 @p0 s28  }
0x140: {  	p0 =	slt.s32 s30, s31  }
0x141: {  	v3 =	vadd.s32 s24, v1;
	s29 =	sadd.s32 $0x10, s24;
	s31 =	smov.u32 @p0 s30  }
0x142: {  	v63 =	vadd.s32 s29, v1;
	vm2 =	vlt.s32 v3, $0x1FFF;
	vm3 =	vlt.s32 v3, $0x2000;
	p0 =	slt.s32 s31, s26  }
0x143: {  	v3 =	vnsel vm2, $0x1FFF, v3;
	vm2 =	vlt.s32 v63, $0x1FFF;
	vm4 =	vlt.s32 v63, $0x2000;
	s26 =	smov.u32 @p0 s31  }
0x144: {  	v4 =	vnsel vm2, $0x1FFF, v63;
	p0 =	sge.s32 s26, s23  }
.Ltmp6:
0x145: {  	_ = 	snop;
	(pc) =	sbr.rel @!p0 .LBB2_7-.Ltmp6, $3  }
0x146: {  	_ =	sdelay $0x1  }
0x147: {  	s31 =	sadd.s32 $0x1F, s24;
	[tilespmem:v3+s13+$0x0] =	vst.idx.msk vm3, v2  }
0x148: {  	s25 =	sshra.s32 s31, $0x5;
	[tilespmem:v4+s13+$0x0] =	vst.idx.msk vm4, v2  }
.LBB2_13:
0x149: {  	p0 =	slt.s32 s25, $0x1  }
.Ltmp7:
0x14a: {  	_ = 	snop;
	(pc) =	sbr.rel @p0 .LBB2_14-.Ltmp7, $1  }
0x14b: {  	_ =	sdelay $0x3  }
0x14c: {  	s26 =	simm.s32 $0xC410  }
0x14d: {  	p1 =	sne.s32 s25, $0x1;
	v6 =	vld [tilespmem:s26+$0xFFFFFFF0]  }
.Ltmp8:
0x14e: {  	v5 =	vld [tilespmem:s26+$0x0];
	(pc) =	sbr.rel @!p1 .LBB2_17-.Ltmp8, $4  }
0x14f: {  	_ = 	snop  }
0x150: {  	s0 =	sadd.s32 $0xFFFFFFFF, s23  }
0x151: {  	v3 =	vmov s0  }
0x152: {  	v4 =	vimm.s32 $0x0;
	s0 =	sadd.s32 $0xFFFFFFFF, s25;
	s26 =	simm.s32 $0xC430;
	vm2 =	vle.s32 v6, v3  }
.LBB2_16:
0x153: {  	v6 =	vld [tilespmem:s26+$0xFFFFFFF0];
	p1 =	sne.s32 s0, $0x1;
	s0 =	sadd.s32 $0xFFFFFFFF, s0;
	v7 =	vmpcnt.ones.xlane vm2;
	vm2 =	vle.s32 v5, v3  }
.Ltmp9:
0x154: {  	v5 =	vld [tilespmem:s26+$0x0];
	v8 =	vmpcnt.ones.xlane vm2;
	(pc) =	sbr.rel @p1 .LBB2_16-.Ltmp9, $3  }
0x155: {  	v4 =	vadd.s32 v4, v7  }
0x156: {  	v4 =	vadd.s32 v8, v4;
	_ =	sdelay $0x1  }
0x157: {  	s26 =	sadd.s32 $0x20, s26;
	vm2 =	vle.s32 v6, v3  }
.LBB2_17:
.Ltmp10:
0x158: {  	(pc) =	sbr.rel .LBB2_18-.Ltmp10, $4  }
0x159: {  	v6 =	vmpcnt.ones.xlane vm2;
	vm2 =	vle.s32 v5, v3  }
0x15a: {  	v3 =	vmpcnt.ones.xlane vm2  }
0x15b: {  	v4 =	vadd.s32 v4, v6  }
0x15c: {  	v3 =	vadd.s32 v3, v4  }
.LBB2_8:
0x15d: {  	v3 =	vimm.s32 $0x0  }
.LBB2_12:
0x15e: {  	(v2sf) =	vpush v3, $0x0;
	_ =	sdelay $0xe  }
0x15f: {  	s0 =	spop (v2sf)  }
0x160: {  	p0 =	sgt.s32 s0, $0x5F;
	s0 =	sadd.s32 $0x1, s28  }
0x161: {  	s0 =	smov.u32 @p0 s26;
	s23 =	smov.u32 @p0 s28  }
0x162: {  	p0 =	slt.s32 s0, s23  }
.Ltmp11:
0x163: {  	_ = 	snop;
	(pc) =	sbr.rel @!p0 .LBB2_13-.Ltmp11, $2  }
0x164: {  	_ =	sdelay $0x2  }
0x165: {  	s26 =	smov.u32 s0  }
.LBB2_7:
0x166: {  	p0 =	slt.s32 s25, $0x1  }
.Ltmp12:
0x167: {  	_ = 	snop;
	(pc) =	sbr.rel @p0 .LBB2_8-.Ltmp12, $4  }
0x168: {  	_ = 	snop  }
0x169: {  	s0 =	ssub.s32 s23, s26  }
0x16a: {  	s0 =	sshra.s32 s0, $0x1  }
0x16b: {  	s28 =	sadd.s32 s26, s0  }
0x16c: {  	s29 =	simm.s32 $0xC410  }
0x16d: {  	p0 =	sne.s32 s25, $0x1;
	v6 =	vld [tilespmem:s29+$0xFFFFFFF0]  }
.Ltmp13:
0x16e: {  	v5 =	vld [tilespmem:s29+$0x0];
	(pc) =	sbr.rel @!p0 .LBB2_11-.Ltmp13, $3  }
0x16f: {  	_ =	sdelay $0x1  }
0x170: {  	v3 =	vmov s28  }
0x171: {  	v4 =	vimm.s32 $0x0;
	s0 =	sadd.s32 $0xFFFFFFFF, s25;
	s29 =	simm.s32 $0xC430;
	vm2 =	vle.s32 v6, v3  }
.LBB2_10:
0x172: {  	v6 =	vld [tilespmem:s29+$0xFFFFFFF0];
	p0 =	sne.s32 s0, $0x1;
	s0 =	sadd.s32 $0xFFFFFFFF, s0;
	v7 =	vmpcnt.ones.xlane vm2;
	vm2 =	vle.s32 v5, v3  }
.Ltmp14:
0x173: {  	v5 =	vld [tilespmem:s29+$0x0];
	v8 =	vmpcnt.ones.xlane vm2;
	(pc) =	sbr.rel @p0 .LBB2_10-.Ltmp14, $3  }
0x174: {  	v4 =	vadd.s32 v4, v7  }
0x175: {  	v4 =	vadd.s32 v8, v4;
	_ =	sdelay $0x1  }
0x176: {  	s29 =	sadd.s32 $0x20, s29;
	vm2 =	vle.s32 v6, v3  }
.LBB2_11:
.Ltmp15:
0x177: {  	(pc) =	sbr.rel .LBB2_12-.Ltmp15, $4  }
0x178: {  	v6 =	vmpcnt.ones.xlane vm2;
	vm2 =	vle.s32 v5, v3  }
0x179: {  	v3 =	vmpcnt.ones.xlane vm2  }
0x17a: {  	v4 =	vadd.s32 v4, v6  }
0x17b: {  	v3 =	vadd.s32 v3, v4  }
.LBB2_14:
0x17c: {  	v3 =	vimm.s32 $0x0  }
.LBB2_18:
0x17d: {  	(v2sf) =	vpush v3, $0x0;
	_ =	sdelay $0xc  }
.Ltmp16:
0x17e: {  	_ = 	snop;
	(pc) =	sbr.rel .LBB2_19-.Ltmp16, $4  }
0x17f: {  	_ = 	snop  }
0x180: {  	s0 =	spop (v2sf)  }
0x181: {  	p1 =	seq.s32 s23, $0x80000000;
	s26 =	ssub.s32 $0x60, s0  }
0x182: {  	v3 =	vmov s23;
	s28 =	simm.s32 $0x0;
	s29 =	simm.s32 $0xC400;
	s26 =	simm.s32 @p1 $0x60  }
.LBB2_20:
0x183: {  	v4 =	vimm.s32 $0x0  }
.LBB2_28:
0x184: {  	(v2sf) =	vpush v4, $0x0;
	_ =	sdelay $0xe  }
0x185: {  	s0 =	spop (v2sf)  }
0x186: {  	p1 =	slt.s32 s0, s26;
	s0 =	sadd.s32 $0x1, s23  }
0x187: {  	s28 =	smov.u32 @p1 s0;
	s23 =	smov.u32 @p1 s29  }
0x188: {  	p1 =	slt.s32 s28, s23  }
.Ltmp17:
0x189: {  	_ = 	snop;
	(pc) =	sbr.rel @!p1 .LBB2_29-.Ltmp17, $2  }
0x18a: {  	_ =	sdelay $0x2  }
0x18b: {  	s29 =	smov.u32 s23  }
.LBB2_19:
.Ltmp18:
0x18c: {  	(pc) =	sbr.rel @p0 .LBB2_20-.Ltmp18, $4  }
0x18d: {  	_ = 	snop  }
0x18e: {  	s0 =	ssub.s32 s29, s28  }
0x18f: {  	s0 =	sshra.s32 s0, $0x1  }
0x190: {  	s23 =	sadd.s32 s28, s0  }
0x191: {  	p2 =	sne.s32 s25, $0x1  }
.Ltmp19:
0x192: {  	s0 =	simm.s32 $0xC410;
	(pc) =	sbr.rel @!p2 .LBB2_22-.Ltmp19, $4  }
0x193: {  	v10 =	vld [tilespmem:s0+$0x0]  }
0x194: {  	s30 =	simm.s32 $0xE410;
	v8 =	vld [tilespmem:s0+$0xFFFFFFF0]  }
0x195: {  	v7 =	vld [tilespmem:s30+$0xFFFFFFF0]  }
0x196: {  	v5 =	vmov s23;
	v4 =	vimm.s32 $0x0;
	p1 =	por $0x0, $0x0;
	s0 =	sadd.s32 $0xFFFFFFFF, s25;
	v6 =	vld [tilespmem:s30+$0x0];
	s30 =	simm.s32 $0xC430  }
0x197: {  	_ =	sdelay $0x1  }
0x198: {  	v9 =	vld [tilespmem:s30+$0x0];
	p2 =	sne.s32 s0, $0x1  }
.Ltmp20:
0x199: {  	vm2 =	veq.s32 v8, v3;
	v8 =	vld [tilespmem:s30+$0xFFFFFFF0];
	s30 =	simm.s32 $0xE430;
	vm3 =	vlt.s32 v7, v5;
	(pc) =	sbr.rel @!p2 .LBB2_24-.Ltmp20, $4  }
0x19a: {  	v7 =	vld [tilespmem:s30+$0xFFFFFFF0];
	vm2 =	vmand vm2, vm3;
	vm3 =	veq.s32 v10, v3;
	vm4 =	vlt.s32 v6, v5  }
0x19b: {  	v6 =	vld [tilespmem:s30+$0x0];
	v10 =	vmpcnt.ones.xlane vm2;
	vm2 =	vmand vm3, vm4  }
0x19c: {  	v11 =	vmpcnt.ones.xlane vm2  }
0x19d: {  	s31 =	sadd.s32 $0xFFFFFFFF, s0;
	s0 =	simm.s32 $0xC450;
	p1 =	por $0x1, $0x1;
	v12 =	vadd.s32 v4, v10  }
.LBB2_25:
0x19e: {  	v10 =	vld [tilespmem:s0+$0x0];
	v12 =	vadd.s32 v11, v12;
	p2 =	sne.s32 s31, $0x1  }
.Ltmp21:
0x19f: {  	vm2 =	veq.s32 v8, v3;
	s30 =	sadd.s32 $0x20, s30;
	v8 =	vld [tilespmem:s0+$0xFFFFFFF0];
	vm3 =	vlt.s32 v7, v5;
	(pc) =	sbr.rel @p2 .LBB2_25-.Ltmp21, $4  }
0x1a0: {  	s31 =	sadd.s32 $0xFFFFFFFF, s31;
	v7 =	vld [tilespmem:s30+$0xFFFFFFF0];
	vm2 =	vmand vm2, vm3;
	vm3 =	veq.s32 v9, v3;
	vm4 =	vlt.s32 v6, v5  }
0x1a1: {  	v6 =	vld [tilespmem:s30+$0x0];
	v13 =	vmpcnt.ones.xlane vm2;
	vm2 =	vmand vm3, vm4  }
0x1a2: {  	v11 =	vmpcnt.ones.xlane vm2  }
0x1a3: {  	s0 =	sadd.s32 $0x20, s0;
	v12 =	vadd.s32 v12, v13;
	v9 =	vmov v10  }
0x1a4: {  	v10 =	vmov v9  }
.LBB2_27:
0x1a5: {  	vm2 =	veq.s32 v8, v3;
	vm3 =	vlt.s32 v7, v5  }
.Ltmp22:
0x1a6: {  	vm2 =	vmand vm2, vm3;
	vm3 =	veq.s32 v10, v3;
	vm4 =	vlt.s32 v6, v5;
	(pc) =	sbr.rel .LBB2_28-.Ltmp22, $4  }
0x1a7: {  	v5 =	vadd.s32 @p1 v11, v12;
	v6 =	vmpcnt.ones.xlane vm2;
	vm2 =	vmand vm3, vm4  }
0x1a8: {  	v4 =	vpsel p1, v5, v4;
	v7 =	vmpcnt.ones.xlane vm2  }
0x1a9: {  	v4 =	vadd.s32 v4, v6  }
0x1aa: {  	v4 =	vadd.s32 v7, v4  }
.LBB2_22:
.Ltmp23:
0x1ab: {  	(pc) =	sbr.rel .LBB2_27-.Ltmp23, $2  }
0x1ac: {  	_ =	sdelay $0x2  }
0x1ad: {  	_ = 	snop  }
.LBB2_24:
.Ltmp24:
0x1ae: {  	(pc) =	sbr.rel .LBB2_27-.Ltmp24, $2  }
0x1af: {  	_ =	sdelay $0x2  }
0x1b0: {  	v10 =	vmov v9  }
.LBB2_29:
0x1b1: {  	s0 =	sadd.s32 $0xF, s24  }
0x1b2: {  	s0 =	sshra.s32 s0, $0x4  }
0x1b3: {  	p0 =	slt.s32 s0, $0x1  }
.Ltmp25:
0x1b4: {  	_ = 	snop;
	(pc) =	sbr.rel @p0 .LBB2_33-.Ltmp25, $1  }
0x1b5: {  	_ =	sdelay $0x3  }
0x1b6: {  	s24 =	simm.s32 $0xE400  }
0x1b7: {  	s25 =	simm.s32 $0xC400;
	p0 =	sne.s32 s0, $0x1;
	v4 =	vld [tilespmem:s24+$0x0]  }
.Ltmp26:
0x1b8: {  	v8 =	vld [tilespmem:s25+$0x0];
	(pc) =	sbr.rel @!p0 .LBB2_32-.Ltmp26, $2  }
0x1b9: {  	_ =	sdelay $0x2  }
0x1ba: {  	v6 =	vmov s23;
	v5 =	vimm.s32 $0x0;
	s23 =	sadd.s32 $0xFFFFFFFF, s0;
	v7 =	vimm.s32 $0x0  }
.LBB2_31:
0x1bb: {  	p0 =	sne.s32 s23, $0x1;
	_ =	sdelay $0x3  }
0x1bc: {  	vm2 =	veq.s32 v8, v3;
	vm3 =	vlt.s32 v4, v6  }
0x1bd: {  	vm4 =	vlt.s32 v8, v3;
	vm2 =	vmand vm2, vm3  }
0x1be: {  	vm2 =	vmor vm4, vm2  }
0x1bf: {  	v8 =	vsel vm2, $0x1, v0;
	v9 =	vmpcnt.ones.xlane vm2  }
0x1c0: {  	(xrf0) =	vadd.scan.msk.s32 $0xffff, v8  }
0x1c1: {  	v7 =	vadd.s32 v7, v9;
	_ =	sdelay $0x3  }
0x1c2: {  	v8 =	vsel vm2, $0xFFFFFFFF, v0  }
0x1c3: {  	v8 =	vadd.s32 v8, v5;
	v5 =	vmov v7;
	v9, _, _ =	vpop (xrf0)  }
0x1c4: {  	v8 =	vadd.s32 v9, v8  }
0x1c5: {  	vm3 =	vlt.s32 v8, $0x5F  }
0x1c6: {  	v8 =	vnsel vm3, $0x5F, v8;
	_ =	sdelay $0x2  }
.Ltmp27:
0x1c7: {  	(pc) =	sbr.rel @p0 .LBB2_31-.Ltmp27, $4  }
0x1c8: {  	_ = 	snop  }
0x1c9: {  	s24 =	sadd.s32 $0x10, s24;
	[tilespmem:v8+s15+$0x0] =	vst.idx.msk vm2, v4  }
0x1ca: {  	s25 =	sadd.s32 $0x10, s25;
	v4 =	vld [tilespmem:s24+$0x0]  }
0x1cb: {  	s23 =	sadd.s32 $0xFFFFFFFF, s23;
	v8 =	vld [tilespmem:s25+$0x0]  }
.Ltmp28:
0x1cc: {  	_ = 	snop;
	(pc) =	sbr.rel .LBB2_32-.Ltmp28, $1  }
0x1cd: {  	_ =	sdelay $0x3  }
.LBB2_35:
0x1ce: {  	_ =	sfence.sel $0x180000  }
0x1cf: {  	[bflag:$0x0] =	sbarrier.arrive $0xFFFF  }
0x1d0: {  	_ =	strace $0x90000050  }
0x1d1: {  	s0 =	stileid.u32;
	[bflag:$0x2] =	sbarrier.arrive $0xFFFF  }
0x1d2: {  	p0 =	sne.s32 s0, $0x0;
	s0 =	rddreg [dreg:$0x1]  }
0x1d3: {  	s0 =	sadd.s32 @!p0 $0x100000, s0  }
0x1d4: {  	[sflag:s0] =	ssyncadd.tile.s32 @!p0 $0x1;
	_ =	shalt  }
.Lfunc_end2:
_tile_overlayer_lowered:
.L_overlay_start_2:
0x1d5: {  	(tag) =	ssettag $0x2  }
0x1d6: {  	s0 =	rddreg [dreg:$0x0];
	s2 =	stileid.u32  }
0x1d7: {  	s1 =	rddreg [dreg:$0x1];
	p0 =	sne.s32 s2, $0x0  }
0x1d8: {  	s3 =	rddreg [dreg:$0x2];
	[bflag:$0x3] =	sbarrier.arrive $0xFFFF;
	s2 =	simm.s32 @!p0 $0x1C04  }
0x1d9: {  	[timem:s3], [sflag:s2] =	dma.local @!p0 [hbm:s0], s1  }
0x1da: {  	s0 =	simm.s32 @!p0 $0x4  }
0x1db: {  	_ =	swait.ge @!p0 [sflag:s0], s1  }
0x1dc: {  	s1 =	ssub.s32 @!p0 $0x0, s1;
	[sflag:s0] =	ssyncset.done @!p0 $0x0  }
0x1dd: {  	[sflag:s0] =	ssyncadd.s32 @!p0 s1  }
0x1de: {  	[bflag:$0x3] =	sbarrier.arrive $0xFFFF  }
0x1df: {  	_ =	shalt  }

</sc_bundles>
